<compile_context>
chip_gen: v7x
topology: tpu7x:2x2x1
jax: 0.10.2.dev20260603
libtpu: 0.0.44.dev20260713+nightly
codegen_flags: <defaults>
</compile_context>

<pallas_src>
import functools

import jax
import jax.numpy as jnp
from jax import lax
from jax.experimental import pallas as pl
from jax.experimental.pallas import tpu as pltpu
from jax.experimental.pallas import tpu_sc as plsc

VOCAB = 1_000_000
EMBED = 32
OUT = 32
PACK = 4
WIDE = PACK * EMBED
NPACKED = VOCAB // PACK
TBLK = 10000
NW = 32
CH = 128
L = 16


def _transform_body(t_ref, w_ref, b_ref, o_ref):
    o_ref[0] = (
        jnp.dot(t_ref[...], w_ref[0], preferred_element_type=jnp.float32)
        + b_ref[...]
    )


def _transform(table, W, b):
    packed = table.reshape(NPACKED, WIDE)
    bd = jnp.kron(jnp.eye(PACK, dtype=jnp.float32), W.T)
    bd4 = jnp.stack([jnp.roll(bd, -EMBED * m, axis=1) for m in range(PACK)])
    bt = jnp.tile(b, PACK).reshape(1, WIDE)
    nblk = NPACKED // TBLK
    out = pl.pallas_call(
        _transform_body,
        grid=(nblk, PACK),
        in_specs=[
            pl.BlockSpec((TBLK, WIDE), lambda r, m: (r, 0)),
            pl.BlockSpec((1, WIDE, WIDE), lambda r, m: (m, 0, 0)),
            pl.BlockSpec((1, WIDE), lambda r, m: (0, 0)),
        ],
        out_specs=pl.BlockSpec((1, TBLK, WIDE), lambda r, m: (m, r, 0)),
        out_shape=jax.ShapeDtypeStruct((PACK, NPACKED, WIDE), jnp.float32),
    )(packed, bd4, bt)
    return out.reshape(VOCAB, WIDE)


def _gather(tblr, idx):
    B = idx.shape[0]
    b_per_w = B // NW
    n_stages = b_per_w // CH
    n_pairs = n_stages // 2
    mesh = plsc.VectorSubcoreMesh(core_axis_name="c", subcore_axis_name="s")

    @functools.partial(
        pl.kernel,
        mesh=mesh,
        out_type=jax.ShapeDtypeStruct((B * EMBED,), jnp.float32),
        compiler_params=pltpu.CompilerParams(needs_layout_passes=False),
        scratch_types=[
            pltpu.VMEM((b_per_w,), jnp.int32),
            [pltpu.VMEM((CH,), jnp.int32)] * 2,
            [pltpu.VMEM((CH, WIDE), jnp.float32)] * 2,
            [pltpu.VMEM((CH * EMBED,), jnp.float32)] * 2,
            [pltpu.SemaphoreType.DMA] * 2,
            [pltpu.SemaphoreType.DMA] * 2,
        ],
    )
    def k(tbl_hbm, idx_hbm, out_hbm, idx_all, q_v, wide_v, out_v, sg, sw):
        wid = lax.axis_index("s") * 2 + lax.axis_index("c")
        base = wid * b_per_w
        pltpu.sync_copy(idx_hbm.at[pl.ds(base, b_per_w)], idx_all)

        def compute_q(s, buf):
            for g in range(CH // L):
                v = idx_all[pl.ds(s * CH + g * L, L)]
                q_v[buf][pl.ds(g * L, L)] = (
                    lax.bitwise_and(v, 3) * NPACKED
                    + lax.shift_right_logical(v, 2)
                )

        def fire_gather(buf):
            pltpu.async_copy(tbl_hbm.at[q_v[buf]], wide_v[buf], sg[buf])

        def wait_gather(buf):
            pltpu.make_async_copy(tbl_hbm.at[q_v[buf]], wide_v[buf], sg[buf]).wait()

        def compact(buf):
            for r in range(CH):
                out_v[buf][pl.ds(r * EMBED, L)] = wide_v[buf][r, pl.ds(0, L)]
                out_v[buf][pl.ds(r * EMBED + L, L)] = wide_v[buf][r, pl.ds(L, L)]

        def fire_writeback(s, buf):
            off = (base + s * CH) * EMBED
            pltpu.async_copy(out_v[buf], out_hbm.at[pl.ds(off, CH * EMBED)], sw[buf])

        def drain_writeback(buf):
            pltpu.make_async_copy(
                out_hbm.at[pl.ds(base * EMBED, CH * EMBED)], out_v[buf], sw[buf]
            ).wait()

        compute_q(0, 0)
        fire_gather(0)

        def body(p, carry):
            s0 = 2 * p
            s1 = s0 + 1
            compute_q(s1, 1)
            fire_gather(1)
            wait_gather(0)

            @pl.when(p != 0)
            def _():
                drain_writeback(0)

            compact(0)
            fire_writeback(s0, 0)

            @pl.when(p != n_pairs - 1)
            def _():
                compute_q(s0 + 2, 0)
                fire_gather(0)

            wait_gather(1)

            @pl.when(p != 0)
            def _():
                drain_writeback(1)

            compact(1)
            fire_writeback(s1, 1)
            return carry

        lax.fori_loop(0, n_pairs, body, 0)
        drain_writeback(0)
        drain_writeback(1)

    return k(tblr, idx)


def kernel(x, table, W, b):
    Tr = _transform(table, W, b)
    flat = x.reshape(-1).astype(jnp.int32)
    out = _gather(Tr, flat)
    return out.reshape(x.shape + (OUT,))

# --- scband reference (transcript-rebuilt; emitter-appended) ---
"""Pipeline reference for scband-embeding-transformer-47270410060250 (READ-ONLY COPY).

The authoritative reference and input builder live on the scoring server;
editing this copy changes nothing except your own understanding.
"""

import jax, jax.numpy as jnp
import numpy as np

VOCAB = 1000000
EMBED = 32
OUT = 32
BATCH = 16384
HIST = 50

def setup_inputs(seed: int = 0) -> dict:
    key = jax.random.key(seed)
    k1, k2, k3, k4 = jax.random.split(key, 4)
    x = jax.random.randint(k1, (BATCH, HIST), 0, VOCAB, dtype=jnp.int64 if jax.config.jax_enable_x64 else jnp.int32)
    table = jax.random.normal(k2, (VOCAB, EMBED), dtype=jnp.float32)
    W = jax.random.normal(k3, (OUT, EMBED), dtype=jnp.float32) * (1.0 / np.sqrt(EMBED))
    b = jax.random.normal(k4, (OUT,), dtype=jnp.float32) * 0.01
    return {"x": x, "table": table, "W": W, "b": b}

def reference(x, table, W, b):
    emb = jnp.take(table, x, axis=0)  # [B, L, EMBED]
    out = jnp.einsum('ble,oe->blo', emb, W) + b
    return out

if __name__ == "__main__":
    import jax
    _d = setup_inputs()
    print(jax.jit(kernel)(*tuple(_d.values())))

</pallas_src>

<mosaic_0001>
#map = affine_map<(d0, d1) -> (0, 0)>
#map1 = affine_map<(d0, d1) -> (0)>
module attributes {stable_mosaic.version = 14 : i64} {
  func.func @k(%arg0: i32, %arg1: i32, %arg2: memref<1000000x128xf32, #tpu.memory_space<hbm>>, %arg3: memref<819200xi32, #tpu.memory_space<hbm>>, %arg4: memref<26214400xf32, #tpu.memory_space<hbm>>, %arg5: memref<25600xi32, #tpu.memory_space<vmem>>, %arg6: memref<128xi32, #tpu.memory_space<vmem>>, %arg7: memref<128xi32, #tpu.memory_space<vmem>>, %arg8: memref<128x128xf32, #tpu.memory_space<vmem>>, %arg9: memref<128x128xf32, #tpu.memory_space<vmem>>, %arg10: memref<4096xf32, #tpu.memory_space<vmem>>, %arg11: memref<4096xf32, #tpu.memory_space<vmem>>, %arg12: memref<!tpu.dma_semaphore, #tpu.memory_space<semaphore_mem>>, %arg13: memref<!tpu.dma_semaphore, #tpu.memory_space<semaphore_mem>>, %arg14: memref<!tpu.dma_semaphore, #tpu.memory_space<semaphore_mem>>, %arg15: memref<!tpu.dma_semaphore, #tpu.memory_space<semaphore_mem>>) attributes {dimension_semantics = [#tpu.dimension_semantics<core_parallel>, #tpu.dimension_semantics<subcore_parallel>], iteration_bounds = array<i64: 2, 16>, scalar_prefetch = 0 : i64, scratch_operands = 11 : i64, tpu.core_type = #tpu.core_type<sc_vector_subcore>, window_params = [{transform_indices = #map}, {transform_indices = #map1}, {transform_indices = #map1}]} {
    %mul3A = arith.constant 2 : i32
    %mul3A_0 = arith.muli %arg1, %mul3A : i32
    %add3A = arith.addi %mul3A_0, %arg0 : i32
    %mul3A_1 = arith.constant 25600 : i32
    %mul3A_2 = arith.muli %add3A, %mul3A_1 : i32
    "tpu.region"() ({
      %run_scoped3A = tpu.sem_alloc : memref<!tpu.dma_semaphore, #tpu.memory_space<semaphore_mem>>
      %dma_start3A_125 = tpu.memref_slice %arg3[%mul3A_2] : memref<819200xi32, #tpu.memory_space<hbm>> -> memref<25600xi32, #tpu.memory_space<hbm>>
      %dma_start3A_126 = tpu.memref_slice %arg3[%mul3A_2] : memref<819200xi32, #tpu.memory_space<hbm>> -> memref<25600xi32, #tpu.memory_space<hbm>>
      tpu.enqueue_dma source(%dma_start3A_126 : memref<25600xi32, #tpu.memory_space<hbm>>) target(%arg5 : memref<25600xi32, #tpu.memory_space<vmem>>) target_semaphore(%run_scoped3A : memref<!tpu.dma_semaphore, #tpu.memory_space<semaphore_mem>>)
      %dma_wait3A_127 = tpu.memref_slice %arg3[%mul3A_2] : memref<819200xi32, #tpu.memory_space<hbm>> -> memref<25600xi32, #tpu.memory_space<hbm>>
      %dma_wait3A_128 = tpu.memref_slice %arg3[%mul3A_2] : memref<819200xi32, #tpu.memory_space<hbm>> -> memref<25600xi32, #tpu.memory_space<hbm>>
      tpu.wait_dma2 semaphore(%run_scoped3A : memref<!tpu.dma_semaphore, #tpu.memory_space<semaphore_mem>>) src(%dma_wait3A_128 : memref<25600xi32, #tpu.memory_space<hbm>>) dst(%arg5 : memref<25600xi32, #tpu.memory_space<vmem>>)
      tpu.yield
    }) : () -> ()
    %get3A = arith.constant 0 : index
    %get3A_3 = tpu.vector_load %arg5[%get3A] {strides = array<i32>} : memref<25600xi32, #tpu.memory_space<vmem>>, vector<16xi32>,
    %and3A = arith.constant 3 : i32
    %and3A_4 = vector.broadcast %and3A : i32 to vector<16xi32>
    %and3A_5 = arith.andi %get3A_3, %and3A_4 : vector<16xi32>
    %mul3A_6 = arith.constant 250000 : i32
    %mul3A_7 = vector.broadcast %mul3A_6 : i32 to vector<16xi32>
    %mul3A_8 = arith.muli %and3A_5, %mul3A_7 : vector<16xi32>
    %shift_right_logical3A = arith.constant 2 : i32
    %shift_right_logical3A_9 = vector.broadcast %shift_right_logical3A : i32 to vector<16xi32>
    %shift_right_logical3A_10 = arith.shrui %get3A_3, %shift_right_logical3A_9 : vector<16xi32>
    %add3A_11 = arith.addi %mul3A_8, %shift_right_logical3A_10 : vector<16xi32>
    %swap3A = arith.constant 0 : index
    %swap3A_12 = tpu.vector_load %arg6[%swap3A] {strides = array<i32>} : memref<128xi32, #tpu.memory_space<vmem>>, vector<16xi32>,
    tpu.vector_store %arg6[%swap3A], %add3A_11 {strides = array<i32>} : memref<128xi32, #tpu.memory_space<vmem>>, vector<16xi32>,
    %get3A_13 = arith.constant 16 : index
    %get3A_14 = tpu.vector_load %arg5[%get3A_13] {strides = array<i32>} : memref<25600xi32, #tpu.memory_space<vmem>>, vector<16xi32>,
    %and3A_15 = arith.constant 3 : i32
    %and3A_16 = vector.broadcast %and3A_15 : i32 to vector<16xi32>
    %and3A_17 = arith.andi %get3A_14, %and3A_16 : vector<16xi32>
    %mul3A_18 = arith.constant 250000 : i32
    %mul3A_19 = vector.broadcast %mul3A_18 : i32 to vector<16xi32>
    %mul3A_20 = arith.muli %and3A_17, %mul3A_19 : vector<16xi32>
    %shift_right_logical3A_21 = arith.constant 2 : i32
    %shift_right_logical3A_22 = vector.broadcast %shift_right_logical3A_21 : i32 to vector<16xi32>
    %shift_right_logical3A_23 = arith.shrui %get3A_14, %shift_right_logical3A_22 : vector<16xi32>
    %add3A_24 = arith.addi %mul3A_20, %shift_right_logical3A_23 : vector<16xi32>
    %swap3A_25 = arith.constant 16 : index
    %swap3A_26 = tpu.vector_load %arg6[%swap3A_25] {strides = array<i32>} : memref<128xi32, #tpu.memory_space<vmem>>, vector<16xi32>,
    tpu.vector_store %arg6[%swap3A_25], %add3A_24 {strides = array<i32>} : memref<128xi32, #tpu.memory_space<vmem>>, vector<16xi32>,
    %get3A_27 = arith.constant 32 : index
    %get3A_28 = tpu.vector_load %arg5[%get3A_27] {strides = array<i32>} : memref<25600xi32, #tpu.memory_space<vmem>>, vector<16xi32>,
    %and3A_29 = arith.constant 3 : i32
    %and3A_30 = vector.broadcast %and3A_29 : i32 to vector<16xi32>
    %and3A_31 = arith.andi %get3A_28, %and3A_30 : vector<16xi32>
    %mul3A_32 = arith.constant 250000 : i32
    %mul3A_33 = vector.broadcast %mul3A_32 : i32 to vector<16xi32>
    %mul3A_34 = arith.muli %and3A_31, %mul3A_33 : vector<16xi32>
    %shift_right_logical3A_35 = arith.constant 2 : i32
    %shift_right_logical3A_36 = vector.broadcast %shift_right_logical3A_35 : i32 to vector<16xi32>
    %shift_right_logical3A_37 = arith.shrui %get3A_28, %shift_right_logical3A_36 : vector<16xi32>
    %add3A_38 = arith.addi %mul3A_34, %shift_right_logical3A_37 : vector<16xi32>
    %swap3A_39 = arith.constant 32 : index
    %swap3A_40 = tpu.vector_load %arg6[%swap3A_39] {strides = array<i32>} : memref<128xi32, #tpu.memory_space<vmem>>, vector<16xi32>,
    tpu.vector_store %arg6[%swap3A_39], %add3A_38 {strides = array<i32>} : memref<128xi32, #tpu.memory_space<vmem>>, vector<16xi32>,
    %get3A_41 = arith.constant 48 : index
    %get3A_42 = tpu.vector_load %arg5[%get3A_41] {strides = array<i32>} : memref<25600xi32, #tpu.memory_space<vmem>>, vector<16xi32>,
    %and3A_43 = arith.constant 3 : i32
    %and3A_44 = vector.broadcast %and3A_43 : i32 to vector<16xi32>
    %and3A_45 = arith.andi %get3A_42, %and3A_44 : vector<16xi32>
    %mul3A_46 = arith.constant 250000 : i32
    %mul3A_47 = vector.broadcast %mul3A_46 : i32 to vector<16xi32>
    %mul3A_48 = arith.muli %and3A_45, %mul3A_47 : vector<16xi32>
    %shift_right_logical3A_49 = arith.constant 2 : i32
    %shift_right_logical3A_50 = vector.broadcast %shift_right_logical3A_49 : i32 to vector<16xi32>
    %shift_right_logical3A_51 = arith.shrui %get3A_42, %shift_right_logical3A_50 : vector<16xi32>
    %add3A_52 = arith.addi %mul3A_48, %shift_right_logical3A_51 : vector<16xi32>
    %swap3A_53 = arith.constant 48 : index
    %swap3A_54 = tpu.vector_load %arg6[%swap3A_53] {strides = array<i32>} : memref<128xi32, #tpu.memory_space<vmem>>, vector<16xi32>,
    tpu.vector_store %arg6[%swap3A_53], %add3A_52 {strides = array<i32>} : memref<128xi32, #tpu.memory_space<vmem>>, vector<16xi32>,
    %get3A_55 = arith.constant 64 : index
    %get3A_56 = tpu.vector_load %arg5[%get3A_55] {strides = array<i32>} : memref<25600xi32, #tpu.memory_space<vmem>>, vector<16xi32>,
    %and3A_57 = arith.constant 3 : i32
    %and3A_58 = vector.broadcast %and3A_57 : i32 to vector<16xi32>
    %and3A_59 = arith.andi %get3A_56, %and3A_58 : vector<16xi32>
    %mul3A_60 = arith.constant 250000 : i32
    %mul3A_61 = vector.broadcast %mul3A_60 : i32 to vector<16xi32>
    %mul3A_62 = arith.muli %and3A_59, %mul3A_61 : vector<16xi32>
    %shift_right_logical3A_63 = arith.constant 2 : i32
    %shift_right_logical3A_64 = vector.broadcast %shift_right_logical3A_63 : i32 to vector<16xi32>
    %shift_right_logical3A_65 = arith.shrui %get3A_56, %shift_right_logical3A_64 : vector<16xi32>
    %add3A_66 = arith.addi %mul3A_62, %shift_right_logical3A_65 : vector<16xi32>
    %swap3A_67 = arith.constant 64 : index
    %swap3A_68 = tpu.vector_load %arg6[%swap3A_67] {strides = array<i32>} : memref<128xi32, #tpu.memory_space<vmem>>, vector<16xi32>,
    tpu.vector_store %arg6[%swap3A_67], %add3A_66 {strides = array<i32>} : memref<128xi32, #tpu.memory_space<vmem>>, vector<16xi32>,
    %get3A_69 = arith.constant 80 : index
    %get3A_70 = tpu.vector_load %arg5[%get3A_69] {strides = array<i32>} : memref<25600xi32, #tpu.memory_space<vmem>>, vector<16xi32>,
    %and3A_71 = arith.constant 3 : i32
    %and3A_72 = vector.broadcast %and3A_71 : i32 to vector<16xi32>
    %and3A_73 = arith.andi %get3A_70, %and3A_72 : vector<16xi32>
    %mul3A_74 = arith.constant 250000 : i32
    %mul3A_75 = vector.broadcast %mul3A_74 : i32 to vector<16xi32>
    %mul3A_76 = arith.muli %and3A_73, %mul3A_75 : vector<16xi32>
    %shift_right_logical3A_77 = arith.constant 2 : i32
    %shift_right_logical3A_78 = vector.broadcast %shift_right_logical3A_77 : i32 to vector<16xi32>
    %shift_right_logical3A_79 = arith.shrui %get3A_70, %shift_right_logical3A_78 : vector<16xi32>
    %add3A_80 = arith.addi %mul3A_76, %shift_right_logical3A_79 : vector<16xi32>
    %swap3A_81 = arith.constant 80 : index
    %swap3A_82 = tpu.vector_load %arg6[%swap3A_81] {strides = array<i32>} : memref<128xi32, #tpu.memory_space<vmem>>, vector<16xi32>,
    tpu.vector_store %arg6[%swap3A_81], %add3A_80 {strides = array<i32>} : memref<128xi32, #tpu.memory_space<vmem>>, vector<16xi32>,
    %get3A_83 = arith.constant 96 : index
    %get3A_84 = tpu.vector_load %arg5[%get3A_83] {strides = array<i32>} : memref<25600xi32, #tpu.memory_space<vmem>>, vector<16xi32>,
    %and3A_85 = arith.constant 3 : i32
    %and3A_86 = vector.broadcast %and3A_85 : i32 to vector<16xi32>
    %and3A_87 = arith.andi %get3A_84, %and3A_86 : vector<16xi32>
    %mul3A_88 = arith.constant 250000 : i32
    %mul3A_89 = vector.broadcast %mul3A_88 : i32 to vector<16xi32>
    %mul3A_90 = arith.muli %and3A_87, %mul3A_89 : vector<16xi32>
    %shift_right_logical3A_91 = arith.constant 2 : i32
    %shift_right_logical3A_92 = vector.broadcast %shift_right_logical3A_91 : i32 to vector<16xi32>
    %shift_right_logical3A_93 = arith.shrui %get3A_84, %shift_right_logical3A_92 : vector<16xi32>
    %add3A_94 = arith.addi %mul3A_90, %shift_right_logical3A_93 : vector<16xi32>
    %swap3A_95 = arith.constant 96 : index
    %swap3A_96 = tpu.vector_load %arg6[%swap3A_95] {strides = array<i32>} : memref<128xi32, #tpu.memory_space<vmem>>, vector<16xi32>,
    tpu.vector_store %arg6[%swap3A_95], %add3A_94 {strides = array<i32>} : memref<128xi32, #tpu.memory_space<vmem>>, vector<16xi32>,
    %get3A_97 = arith.constant 112 : index
    %get3A_98 = tpu.vector_load %arg5[%get3A_97] {strides = array<i32>} : memref<25600xi32, #tpu.memory_space<vmem>>, vector<16xi32>,
    %and3A_99 = arith.constant 3 : i32
    %and3A_100 = vector.broadcast %and3A_99 : i32 to vector<16xi32>
    %and3A_101 = arith.andi %get3A_98, %and3A_100 : vector<16xi32>
    %mul3A_102 = arith.constant 250000 : i32
    %mul3A_103 = vector.broadcast %mul3A_102 : i32 to vector<16xi32>
    %mul3A_104 = arith.muli %and3A_101, %mul3A_103 : vector<16xi32>
    %shift_right_logical3A_105 = arith.constant 2 : i32
    %shift_right_logical3A_106 = vector.broadcast %shift_right_logical3A_105 : i32 to vector<16xi32>
    %shift_right_logical3A_107 = arith.shrui %get3A_98, %shift_right_logical3A_106 : vector<16xi32>
    %add3A_108 = arith.addi %mul3A_104, %shift_right_logical3A_107 : vector<16xi32>
    %swap3A_109 = arith.constant 112 : index
    %swap3A_110 = tpu.vector_load %arg6[%swap3A_109] {strides = array<i32>} : memref<128xi32, #tpu.memory_space<vmem>>, vector<16xi32>,
    tpu.vector_store %arg6[%swap3A_109], %add3A_108 {strides = array<i32>} : memref<128xi32, #tpu.memory_space<vmem>>, vector<16xi32>,
    %dma_start3A = arith.constant 0 : i32
    %dma_start3A_111 = arith.constant 0 : i32
    %dma_start3A_112 = tpu.memref_slice %arg2[%dma_start3A, %dma_start3A_111] : memref<1000000x128xf32, #tpu.memory_space<hbm>> -> memref<1000000x128xf32, #tpu.memory_space<hbm>>
    tpu.enqueue_indirect_dma source(%dma_start3A_112 : memref<1000000x128xf32, #tpu.memory_space<hbm>>) target(%arg8 : memref<128x128xf32, #tpu.memory_space<vmem>>) offsets(%arg6 : memref<128xi32, #tpu.memory_space<vmem>>) semaphore(%arg12 : memref<!tpu.dma_semaphore, #tpu.memory_space<semaphore_mem>>)
    %scan3A = arith.constant 0 : i32
    %scan3A_113 = arith.constant 0 : i32
    %scan3A_114 = arith.constant 100 : i32
    %scan3A_115 = arith.addi %scan3A_113, %scan3A_114 : i32
    %scan3A_116 = arith.constant 1 : i32
    scf.for %scan3A_125 = %scan3A_113 to %scan3A_115 step %scan3A_116  : i32 {
      %mul3A_126 = arith.constant 2 : i32
      %mul3A_127 = arith.muli %mul3A_126, %scan3A_125 : i32
      %add3A_128 = arith.constant 1 : i32
      %add3A_129 = arith.addi %mul3A_127, %add3A_128 : i32
      %mul3A_130 = arith.constant 128 : i32
      %mul3A_131 = arith.muli %add3A_129, %mul3A_130 : i32
      %add3A_132 = arith.constant 0 : i32
      %add3A_133 = arith.addi %mul3A_131, %add3A_132 : i32
      %get3A_134 = arith.index_cast %add3A_133 : i32 to index
      %get3A_135 = tpu.vector_load %arg5[%get3A_134] {strides = array<i32>} : memref<25600xi32, #tpu.memory_space<vmem>>, vector<16xi32>,
      %and3A_136 = arith.constant 3 : i32
      %and3A_137 = vector.broadcast %and3A_136 : i32 to vector<16xi32>
      %and3A_138 = arith.andi %get3A_135, %and3A_137 : vector<16xi32>
      %mul3A_139 = arith.constant 250000 : i32
      %mul3A_140 = vector.broadcast %mul3A_139 : i32 to vector<16xi32>
      %mul3A_141 = arith.muli %and3A_138, %mul3A_140 : vector<16xi32>
      %shift_right_logical3A_142 = arith.constant 2 : i32
      %shift_right_logical3A_143 = vector.broadcast %shift_right_logical3A_142 : i32 to vector<16xi32>
      %shift_right_logical3A_144 = arith.shrui %get3A_135, %shift_right_logical3A_143 : vector<16xi32>
      %add3A_145 = arith.addi %mul3A_141, %shift_right_logical3A_144 : vector<16xi32>
      %swap3A_146 = arith.constant 0 : index
      %swap3A_147 = tpu.vector_load %arg7[%swap3A_146] {strides = array<i32>} : memref<128xi32, #tpu.memory_space<vmem>>, vector<16xi32>,
      tpu.vector_store %arg7[%swap3A_146], %add3A_145 {strides = array<i32>} : memref<128xi32, #tpu.memory_space<vmem>>, vector<16xi32>,
      %mul3A_148 = arith.constant 128 : i32
      %mul3A_149 = arith.muli %add3A_129, %mul3A_148 : i32
      %add3A_150 = arith.constant 16 : i32
      %add3A_151 = arith.addi %mul3A_149, %add3A_150 : i32
      %get3A_152 = arith.index_cast %add3A_151 : i32 to index
      %get3A_153 = tpu.vector_load %arg5[%get3A_152] {strides = array<i32>} : memref<25600xi32, #tpu.memory_space<vmem>>, vector<16xi32>,
      %and3A_154 = arith.constant 3 : i32
      %and3A_155 = vector.broadcast %and3A_154 : i32 to vector<16xi32>
      %and3A_156 = arith.andi %get3A_153, %and3A_155 : vector<16xi32>
      %mul3A_157 = arith.constant 250000 : i32
      %mul3A_158 = vector.broadcast %mul3A_157 : i32 to vector<16xi32>
      %mul3A_159 = arith.muli %and3A_156, %mul3A_158 : vector<16xi32>
      %shift_right_logical3A_160 = arith.constant 2 : i32
      %shift_right_logical3A_161 = vector.broadcast %shift_right_logical3A_160 : i32 to vector<16xi32>
      %shift_right_logical3A_162 = arith.shrui %get3A_153, %shift_right_logical3A_161 : vector<16xi32>
      %add3A_163 = arith.addi %mul3A_159, %shift_right_logical3A_162 : vector<16xi32>
      %swap3A_164 = arith.constant 16 : index
      %swap3A_165 = tpu.vector_load %arg7[%swap3A_164] {strides = array<i32>} : memref<128xi32, #tpu.memory_space<vmem>>, vector<16xi32>,
      tpu.vector_store %arg7[%swap3A_164], %add3A_163 {strides = array<i32>} : memref<128xi32, #tpu.memory_space<vmem>>, vector<16xi32>,
      %mul3A_166 = arith.constant 128 : i32
      %mul3A_167 = arith.muli %add3A_129, %mul3A_166 : i32
      %add3A_168 = arith.constant 32 : i32
      %add3A_169 = arith.addi %mul3A_167, %add3A_168 : i32
      %get3A_170 = arith.index_cast %add3A_169 : i32 to index
      %get3A_171 = tpu.vector_load %arg5[%get3A_170] {strides = array<i32>} : memref<25600xi32, #tpu.memory_space<vmem>>, vector<16xi32>,
      %and3A_172 = arith.constant 3 : i32
      %and3A_173 = vector.broadcast %and3A_172 : i32 to vector<16xi32>
      %and3A_174 = arith.andi %get3A_171, %and3A_173 : vector<16xi32>
      %mul3A_175 = arith.constant 250000 : i32
      %mul3A_176 = vector.broadcast %mul3A_175 : i32 to vector<16xi32>
      %mul3A_177 = arith.muli %and3A_174, %mul3A_176 : vector<16xi32>
      %shift_right_logical3A_178 = arith.constant 2 : i32
      %shift_right_logical3A_179 = vector.broadcast %shift_right_logical3A_178 : i32 to vector<16xi32>
      %shift_right_logical3A_180 = arith.shrui %get3A_171, %shift_right_logical3A_179 : vector<16xi32>
      %add3A_181 = arith.addi %mul3A_177, %shift_right_logical3A_180 : vector<16xi32>
      %swap3A_182 = arith.constant 32 : index
      %swap3A_183 = tpu.vector_load %arg7[%swap3A_182] {strides = array<i32>} : memref<128xi32, #tpu.memory_space<vmem>>, vector<16xi32>,
      tpu.vector_store %arg7[%swap3A_182], %add3A_181 {strides = array<i32>} : memref<128xi32, #tpu.memory_space<vmem>>, vector<16xi32>,
      %mul3A_184 = arith.constant 128 : i32
      %mul3A_185 = arith.muli %add3A_129, %mul3A_184 : i32
      %add3A_186 = arith.constant 48 : i32
      %add3A_187 = arith.addi %mul3A_185, %add3A_186 : i32
      %get3A_188 = arith.index_cast %add3A_187 : i32 to index
      %get3A_189 = tpu.vector_load %arg5[%get3A_188] {strides = array<i32>} : memref<25600xi32, #tpu.memory_space<vmem>>, vector<16xi32>,
      %and3A_190 = arith.constant 3 : i32
      %and3A_191 = vector.broadcast %and3A_190 : i32 to vector<16xi32>
      %and3A_192 = arith.andi %get3A_189, %and3A_191 : vector<16xi32>
      %mul3A_193 = arith.constant 250000 : i32
      %mul3A_194 = vector.broadcast %mul3A_193 : i32 to vector<16xi32>
      %mul3A_195 = arith.muli %and3A_192, %mul3A_194 : vector<16xi32>
      %shift_right_logical3A_196 = arith.constant 2 : i32
      %shift_right_logical3A_197 = vector.broadcast %shift_right_logical3A_196 : i32 to vector<16xi32>
      %shift_right_logical3A_198 = arith.shrui %get3A_189, %shift_right_logical3A_197 : vector<16xi32>
      %add3A_199 = arith.addi %mul3A_195, %shift_right_logical3A_198 : vector<16xi32>
      %swap3A_200 = arith.constant 48 : index
      %swap3A_201 = tpu.vector_load %arg7[%swap3A_200] {strides = array<i32>} : memref<128xi32, #tpu.memory_space<vmem>>, vector<16xi32>,
      tpu.vector_store %arg7[%swap3A_200], %add3A_199 {strides = array<i32>} : memref<128xi32, #tpu.memory_space<vmem>>, vector<16xi32>,
      %mul3A_202 = arith.constant 128 : i32
      %mul3A_203 = arith.muli %add3A_129, %mul3A_202 : i32
      %add3A_204 = arith.constant 64 : i32
      %add3A_205 = arith.addi %mul3A_203, %add3A_204 : i32
      %get3A_206 = arith.index_cast %add3A_205 : i32 to index
      %get3A_207 = tpu.vector_load %arg5[%get3A_206] {strides = array<i32>} : memref<25600xi32, #tpu.memory_space<vmem>>, vector<16xi32>,
      %and3A_208 = arith.constant 3 : i32
      %and3A_209 = vector.broadcast %and3A_208 : i32 to vector<16xi32>
      %and3A_210 = arith.andi %get3A_207, %and3A_209 : vector<16xi32>
      %mul3A_211 = arith.constant 250000 : i32
      %mul3A_212 = vector.broadcast %mul3A_211 : i32 to vector<16xi32>
      %mul3A_213 = arith.muli %and3A_210, %mul3A_212 : vector<16xi32>
      %shift_right_logical3A_214 = arith.constant 2 : i32
      %shift_right_logical3A_215 = vector.broadcast %shift_right_logical3A_214 : i32 to vector<16xi32>
      %shift_right_logical3A_216 = arith.shrui %get3A_207, %shift_right_logical3A_215 : vector<16xi32>
      %add3A_217 = arith.addi %mul3A_213, %shift_right_logical3A_216 : vector<16xi32>
      %swap3A_218 = arith.constant 64 : index
      %swap3A_219 = tpu.vector_load %arg7[%swap3A_218] {strides = array<i32>} : memref<128xi32, #tpu.memory_space<vmem>>, vector<16xi32>,
      tpu.vector_store %arg7[%swap3A_218], %add3A_217 {strides = array<i32>} : memref<128xi32, #tpu.memory_space<vmem>>, vector<16xi32>,
      %mul3A_220 = arith.constant 128 : i32
      %mul3A_221 = arith.muli %add3A_129, %mul3A_220 : i32
      %add3A_222 = arith.constant 80 : i32
      %add3A_223 = arith.addi %mul3A_221, %add3A_222 : i32
      %get3A_224 = arith.index_cast %add3A_223 : i32 to index
      %get3A_225 = tpu.vector_load %arg5[%get3A_224] {strides = array<i32>} : memref<25600xi32, #tpu.memory_space<vmem>>, vector<16xi32>,
      %and3A_226 = arith.constant 3 : i32
      %and3A_227 = vector.broadcast %and3A_226 : i32 to vector<16xi32>
      %and3A_228 = arith.andi %get3A_225, %and3A_227 : vector<16xi32>
      %mul3A_229 = arith.constant 250000 : i32
      %mul3A_230 = vector.broadcast %mul3A_229 : i32 to vector<16xi32>
      %mul3A_231 = arith.muli %and3A_228, %mul3A_230 : vector<16xi32>
      %shift_right_logical3A_232 = arith.constant 2 : i32
      %shift_right_logical3A_233 = vector.broadcast %shift_right_logical3A_232 : i32 to vector<16xi32>
      %shift_right_logical3A_234 = arith.shrui %get3A_225, %shift_right_logical3A_233 : vector<16xi32>
      %add3A_235 = arith.addi %mul3A_231, %shift_right_logical3A_234 : vector<16xi32>
      %swap3A_236 = arith.constant 80 : index
      %swap3A_237 = tpu.vector_load %arg7[%swap3A_236] {strides = array<i32>} : memref<128xi32, #tpu.memory_space<vmem>>, vector<16xi32>,
      tpu.vector_store %arg7[%swap3A_236], %add3A_235 {strides = array<i32>} : memref<128xi32, #tpu.memory_space<vmem>>, vector<16xi32>,
      %mul3A_238 = arith.constant 128 : i32
      %mul3A_239 = arith.muli %add3A_129, %mul3A_238 : i32
      %add3A_240 = arith.constant 96 : i32
      %add3A_241 = arith.addi %mul3A_239, %add3A_240 : i32
      %get3A_242 = arith.index_cast %add3A_241 : i32 to index
      %get3A_243 = tpu.vector_load %arg5[%get3A_242] {strides = array<i32>} : memref<25600xi32, #tpu.memory_space<vmem>>, vector<16xi32>,
      %and3A_244 = arith.constant 3 : i32
      %and3A_245 = vector.broadcast %and3A_244 : i32 to vector<16xi32>
      %and3A_246 = arith.andi %get3A_243, %and3A_245 : vector<16xi32>
      %mul3A_247 = arith.constant 250000 : i32
      %mul3A_248 = vector.broadcast %mul3A_247 : i32 to vector<16xi32>
      %mul3A_249 = arith.muli %and3A_246, %mul3A_248 : vector<16xi32>
      %shift_right_logical3A_250 = arith.constant 2 : i32
      %shift_right_logical3A_251 = vector.broadcast %shift_right_logical3A_250 : i32 to vector<16xi32>
      %shift_right_logical3A_252 = arith.shrui %get3A_243, %shift_right_logical3A_251 : vector<16xi32>
      %add3A_253 = arith.addi %mul3A_249, %shift_right_logical3A_252 : vector<16xi32>
      %swap3A_254 = arith.constant 96 : index
      %swap3A_255 = tpu.vector_load %arg7[%swap3A_254] {strides = array<i32>} : memref<128xi32, #tpu.memory_space<vmem>>, vector<16xi32>,
      tpu.vector_store %arg7[%swap3A_254], %add3A_253 {strides = array<i32>} : memref<128xi32, #tpu.memory_space<vmem>>, vector<16xi32>,
      %mul3A_256 = arith.constant 128 : i32
      %mul3A_257 = arith.muli %add3A_129, %mul3A_256 : i32
      %add3A_258 = arith.constant 112 : i32
      %add3A_259 = arith.addi %mul3A_257, %add3A_258 : i32
      %get3A_260 = arith.index_cast %add3A_259 : i32 to index
      %get3A_261 = tpu.vector_load %arg5[%get3A_260] {strides = array<i32>} : memref<25600xi32, #tpu.memory_space<vmem>>, vector<16xi32>,
      %and3A_262 = arith.constant 3 : i32
      %and3A_263 = vector.broadcast %and3A_262 : i32 to vector<16xi32>
      %and3A_264 = arith.andi %get3A_261, %and3A_263 : vector<16xi32>
      %mul3A_265 = arith.constant 250000 : i32
      %mul3A_266 = vector.broadcast %mul3A_265 : i32 to vector<16xi32>
      %mul3A_267 = arith.muli %and3A_264, %mul3A_266 : vector<16xi32>
      %shift_right_logical3A_268 = arith.constant 2 : i32
      %shift_right_logical3A_269 = vector.broadcast %shift_right_logical3A_268 : i32 to vector<16xi32>
      %shift_right_logical3A_270 = arith.shrui %get3A_261, %shift_right_logical3A_269 : vector<16xi32>
      %add3A_271 = arith.addi %mul3A_267, %shift_right_logical3A_270 : vector<16xi32>
      %swap3A_272 = arith.constant 112 : index
      %swap3A_273 = tpu.vector_load %arg7[%swap3A_272] {strides = array<i32>} : memref<128xi32, #tpu.memory_space<vmem>>, vector<16xi32>,
      tpu.vector_store %arg7[%swap3A_272], %add3A_271 {strides = array<i32>} : memref<128xi32, #tpu.memory_space<vmem>>, vector<16xi32>,
      %dma_start3A_274 = arith.constant 0 : i32
      %dma_start3A_275 = arith.constant 0 : i32
      %dma_start3A_276 = tpu.memref_slice %arg2[%dma_start3A_274, %dma_start3A_275] : memref<1000000x128xf32, #tpu.memory_space<hbm>> -> memref<1000000x128xf32, #tpu.memory_space<hbm>>
      tpu.enqueue_indirect_dma source(%dma_start3A_276 : memref<1000000x128xf32, #tpu.memory_space<hbm>>) target(%arg9 : memref<128x128xf32, #tpu.memory_space<vmem>>) offsets(%arg7 : memref<128xi32, #tpu.memory_space<vmem>>) semaphore(%arg13 : memref<!tpu.dma_semaphore, #tpu.memory_space<semaphore_mem>>)
      %dma_wait3A_277 = arith.constant 0 : i32
      %dma_wait3A_278 = arith.constant 0 : i32
      %dma_wait3A_279 = tpu.memref_slice %arg2[%dma_wait3A_277, %dma_wait3A_278] : memref<1000000x128xf32, #tpu.memory_space<hbm>> -> memref<1000000x128xf32, #tpu.memory_space<hbm>>
      tpu.wait_indirect_dma semaphore(%arg12 : memref<!tpu.dma_semaphore, #tpu.memory_space<semaphore_mem>>) src(%dma_wait3A_279 : memref<1000000x128xf32, #tpu.memory_space<hbm>>) dst(%arg8 : memref<128x128xf32, #tpu.memory_space<vmem>>)
      %ne3A = arith.constant 0 : i32
      %ne3A_280 = arith.cmpi ne, %scan3A_125, %ne3A : i32
      %convert_element_type3A = arith.extui %ne3A_280 : i1 to i32
      %cond3A = arith.constant 0 : i32
      %cond3A_281 = arith.cmpi ne, %convert_element_type3A, %cond3A : i32
      scf.if %cond3A_281 {
        %mul3A_3381 = arith.constant 32 : i32
        %mul3A_3382 = arith.muli %mul3A_2, %mul3A_3381 : i32
        %dma_wait3A_3383 = tpu.memref_slice %arg4[%mul3A_3382] : memref<26214400xf32, #tpu.memory_space<hbm>> -> memref<4096xf32, #tpu.memory_space<hbm>>
        %dma_wait3A_3384 = tpu.memref_slice %arg4[%mul3A_3382] : memref<26214400xf32, #tpu.memory_space<hbm>> -> memref<4096xf32, #tpu.memory_space<hbm>>
        tpu.wait_dma2 semaphore(%arg14 : memref<!tpu.dma_semaphore, #tpu.memory_space<semaphore_mem>>) src(%dma_wait3A_3384 : memref<4096xf32, #tpu.memory_space<hbm>>) dst(%arg10 : memref<4096xf32, #tpu.memory_space<vmem>>)
      } else {
      }
      %get3A_282 = arith.constant 0 : i32
      %get3A_283 = arith.index_cast %get3A_282 : i32 to index
      %get3A_284 = arith.constant 0 : index
      %get3A_285 = tpu.vector_load %arg8[%get3A_283, %get3A_284] {strides = array<i32>} : memref<128x128xf32, #tpu.memory_space<vmem>>, vector<16xf32>,
      %swap3A_286 = arith.constant 0 : index
      %swap3A_287 = tpu.vector_load %arg10[%swap3A_286] {strides = array<i32>} : memref<4096xf32, #tpu.memory_space<vmem>>, vector<16xf32>,
      tpu.vector_store %arg10[%swap3A_286], %get3A_285 {strides = array<i32>} : memref<4096xf32, #tpu.memory_space<vmem>>, vector<16xf32>,
      %get3A_288 = arith.constant 0 : i32
      %get3A_289 = arith.index_cast %get3A_288 : i32 to index
      %get3A_290 = arith.constant 16 : index
      %get3A_291 = tpu.vector_load %arg8[%get3A_289, %get3A_290] {strides = array<i32>} : memref<128x128xf32, #tpu.memory_space<vmem>>, vector<16xf32>,
      %swap3A_292 = arith.constant 16 : index
      %swap3A_293 = tpu.vector_load %arg10[%swap3A_292] {strides = array<i32>} : memref<4096xf32, #tpu.memory_space<vmem>>, vector<16xf32>,
      tpu.vector_store %arg10[%swap3A_292], %get3A_291 {strides = array<i32>} : memref<4096xf32, #tpu.memory_space<vmem>>, vector<16xf32>,
      %get3A_294 = arith.constant 1 : i32
      %get3A_295 = arith.index_cast %get3A_294 : i32 to index
      %get3A_296 = arith.constant 0 : index
      %get3A_297 = tpu.vector_load %arg8[%get3A_295, %get3A_296] {strides = array<i32>} : memref<128x128xf32, #tpu.memory_space<vmem>>, vector<16xf32>,
      %swap3A_298 = arith.constant 32 : index
      %swap3A_299 = tpu.vector_load %arg10[%swap3A_298] {strides = array<i32>} : memref<4096xf32, #tpu.memory_space<vmem>>, vector<16xf32>,
      tpu.vector_store %arg10[%swap3A_298], %get3A_297 {strides = array<i32>} : memref<4096xf32, #tpu.memory_space<vmem>>, vector<16xf32>,
      %get3A_300 = arith.constant 1 : i32
      %get3A_301 = arith.index_cast %get3A_300 : i32 to index
      %get3A_302 = arith.constant 16 : index
      %get3A_303 = tpu.vector_load %arg8[%get3A_301, %get3A_302] {strides = array<i32>} : memref<128x128xf32, #tpu.memory_space<vmem>>, vector<16xf32>,
      %swap3A_304 = arith.constant 48 : index
      %swap3A_305 = tpu.vector_load %arg10[%swap3A_304] {strides = array<i32>} : memref<4096xf32, #tpu.memory_space<vmem>>, vector<16xf32>,
      tpu.vector_store %arg10[%swap3A_304], %get3A_303 {strides = array<i32>} : memref<4096xf32, #tpu.memory_space<vmem>>, vector<16xf32>,
      %get3A_306 = arith.constant 2 : i32
      %get3A_307 = arith.index_cast %get3A_306 : i32 to index
      %get3A_308 = arith.constant 0 : index
      %get3A_309 = tpu.vector_load %arg8[%get3A_307, %get3A_308] {strides = array<i32>} : memref<128x128xf32, #tpu.memory_space<vmem>>, vector<16xf32>,
      %swap3A_310 = arith.constant 64 : index
      %swap3A_311 = tpu.vector_load %arg10[%swap3A_310] {strides = array<i32>} : memref<4096xf32, #tpu.memory_space<vmem>>, vector<16xf32>,
      tpu.vector_store %arg10[%swap3A_310], %get3A_309 {strides = array<i32>} : memref<4096xf32, #tpu.memory_space<vmem>>, vector<16xf32>,
      %get3A_312 = arith.constant 2 : i32
      %get3A_313 = arith.index_cast %get3A_312 : i32 to index
      %get3A_314 = arith.constant 16 : index
      %get3A_315 = tpu.vector_load %arg8[%get3A_313, %get3A_314] {strides = array<i32>} : memref<128x128xf32, #tpu.memory_space<vmem>>, vector<16xf32>,
      %swap3A_316 = arith.constant 80 : index
      %swap3A_317 = tpu.vector_load %arg10[%swap3A_316] {strides = array<i32>} : memref<4096xf32, #tpu.memory_space<vmem>>, vector<16xf32>,
      tpu.vector_store %arg10[%swap3A_316], %get3A_315 {strides = array<i32>} : memref<4096xf32, #tpu.memory_space<vmem>>, vector<16xf32>,
      %get3A_318 = arith.constant 3 : i32
      %get3A_319 = arith.index_cast %get3A_318 : i32 to index
      %get3A_320 = arith.constant 0 : index
      %get3A_321 = tpu.vector_load %arg8[%get3A_319, %get3A_320] {strides = array<i32>} : memref<128x128xf32, #tpu.memory_space<vmem>>, vector<16xf32>,
      %swap3A_322 = arith.constant 96 : index
      %swap3A_323 = tpu.vector_load %arg10[%swap3A_322] {strides = array<i32>} : memref<4096xf32, #tpu.memory_space<vmem>>, vector<16xf32>,
      tpu.vector_store %arg10[%swap3A_322], %get3A_321 {strides = array<i32>} : memref<4096xf32, #tpu.memory_space<vmem>>, vector<16xf32>,
      %get3A_324 = arith.constant 3 : i32
      %get3A_325 = arith.index_cast %get3A_324 : i32 to index
      %get3A_326 = arith.constant 16 : index
      %get3A_327 = tpu.vector_load %arg8[%get3A_325, %get3A_326] {strides = array<i32>} : memref<128x128xf32, #tpu.memory_space<vmem>>, vector<16xf32>,
      %swap3A_328 = arith.constant 112 : index
      %swap3A_329 = tpu.vector_load %arg10[%swap3A_328] {strides = array<i32>} : memref<4096xf32, #tpu.memory_space<vmem>>, vector<16xf32>,
      tpu.vector_store %arg10[%swap3A_328], %get3A_327 {strides = array<i32>} : memref<4096xf32, #tpu.memory_space<vmem>>, vector<16xf32>,
      %get3A_330 = arith.constant 4 : i32
      %get3A_331 = arith.index_cast %get3A_330 : i32 to index
      %get3A_332 = arith.constant 0 : index
      %get3A_333 = tpu.vector_load %arg8[%get3A_331, %get3A_332] {strides = array<i32>} : memref<128x128xf32, #tpu.memory_space<vmem>>, vector<16xf32>,
      %swap3A_334 = arith.constant 128 : index
      %swap3A_335 = tpu.vector_load %arg10[%swap3A_334] {strides = array<i32>} : memref<4096xf32, #tpu.memory_space<vmem>>, vector<16xf32>,
      tpu.vector_store %arg10[%swap3A_334], %get3A_333 {strides = array<i32>} : memref<4096xf32, #tpu.memory_space<vmem>>, vector<16xf32>,
      %get3A_336 = arith.constant 4 : i32
      %get3A_337 = arith.index_cast %get3A_336 : i32 to index
      %get3A_338 = arith.constant 16 : index
      %get3A_339 = tpu.vector_load %arg8[%get3A_337, %get3A_338] {strides = array<i32>} : memref<128x128xf32, #tpu.memory_space<vmem>>, vector<16xf32>,
      %swap3A_340 = arith.constant 144 : index
      %swap3A_341 = tpu.vector_load %arg10[%swap3A_340] {strides = array<i32>} : memref<4096xf32, #tpu.memory_space<vmem>>, vector<16xf32>,
      tpu.vector_store %arg10[%swap3A_340], %get3A_339 {strides = array<i32>} : memref<4096xf32, #tpu.memory_space<vmem>>, vector<16xf32>,
      %get3A_342 = arith.constant 5 : i32
      %get3A_343 = arith.index_cast %get3A_342 : i32 to index
      %get3A_344 = arith.constant 0 : index
      %get3A_345 = tpu.vector_load %arg8[%get3A_343, %get3A_344] {strides = array<i32>} : memref<128x128xf32, #tpu.memory_space<vmem>>, vector<16xf32>,
      %swap3A_346 = arith.constant 160 : index
      %swap3A_347 = tpu.vector_load %arg10[%swap3A_346] {strides = array<i32>} : memref<4096xf32, #tpu.memory_space<vmem>>, vector<16xf32>,
      tpu.vector_store %arg10[%swap3A_346], %get3A_345 {strides = array<i32>} : memref<4096xf32, #tpu.memory_space<vmem>>, vector<16xf32>,
      %get3A_348 = arith.constant 5 : i32
      %get3A_349 = arith.index_cast %get3A_348 : i32 to index
      %get3A_350 = arith.constant 16 : index
      %get3A_351 = tpu.vector_load %arg8[%get3A_349, %get3A_350] {strides = array<i32>} : memref<128x128xf32, #tpu.memory_space<vmem>>, vector<16xf32>,
      %swap3A_352 = arith.constant 176 : index
      %swap3A_353 = tpu.vector_load %arg10[%swap3A_352] {strides = array<i32>} : memref<4096xf32, #tpu.memory_space<vmem>>, vector<16xf32>,
      tpu.vector_store %arg10[%swap3A_352], %get3A_351 {strides = array<i32>} : memref<4096xf32, #tpu.memory_space<vmem>>, vector<16xf32>,
      %get3A_354 = arith.constant 6 : i32
      %get3A_355 = arith.index_cast %get3A_354 : i32 to index
      %get3A_356 = arith.constant 0 : index
      %get3A_357 = tpu.vector_load %arg8[%get3A_355, %get3A_356] {strides = array<i32>} : memref<128x128xf32, #tpu.memory_space<vmem>>, vector<16xf32>,
      %swap3A_358 = arith.constant 192 : index
      %swap3A_359 = tpu.vector_load %arg10[%swap3A_358] {strides = array<i32>} : memref<4096xf32, #tpu.memory_space<vmem>>, vector<16xf32>,
      tpu.vector_store %arg10[%swap3A_358], %get3A_357 {strides = array<i32>} : memref<4096xf32, #tpu.memory_space<vmem>>, vector<16xf32>,
      %get3A_360 = arith.constant 6 : i32
      %get3A_361 = arith.index_cast %get3A_360 : i32 to index
      %get3A_362 = arith.constant 16 : index
      %get3A_363 = tpu.vector_load %arg8[%get3A_361, %get3A_362] {strides = array<i32>} : memref<128x128xf32, #tpu.memory_space<vmem>>, vector<16xf32>,
      %swap3A_364 = arith.constant 208 : index
      %swap3A_365 = tpu.vector_load %arg10[%swap3A_364] {strides = array<i32>} : memref<4096xf32, #tpu.memory_space<vmem>>, vector<16xf32>,
      tpu.vector_store %arg10[%swap3A_364], %get3A_363 {strides = array<i32>} : memref<4096xf32, #tpu.memory_space<vmem>>, vector<16xf32>,
      %get3A_366 = arith.constant 7 : i32
      %get3A_367 = arith.index_cast %get3A_366 : i32 to index
      %get3A_368 = arith.constant 0 : index
      %get3A_369 = tpu.vector_load %arg8[%get3A_367, %get3A_368] {strides = array<i32>} : memref<128x128xf32, #tpu.memory_space<vmem>>, vector<16xf32>,
      %swap3A_370 = arith.constant 224 : index
      %swap3A_371 = tpu.vector_load %arg10[%swap3A_370] {strides = array<i32>} : memref<4096xf32, #tpu.memory_space<vmem>>, vector<16xf32>,
      tpu.vector_store %arg10[%swap3A_370], %get3A_369 {strides = array<i32>} : memref<4096xf32, #tpu.memory_space<vmem>>, vector<16xf32>,
      %get3A_372 = arith.constant 7 : i32
      %get3A_373 = arith.index_cast %get3A_372 : i32 to index
      %get3A_374 = arith.constant 16 : index
      %get3A_375 = tpu.vector_load %arg8[%get3A_373, %get3A_374] {strides = array<i32>} : memref<128x128xf32, #tpu.memory_space<vmem>>, vector<16xf32>,
      %swap3A_376 = arith.constant 240 : index
      %swap3A_377 = tpu.vector_load %arg10[%swap3A_376] {strides = array<i32>} : memref<4096xf32, #tpu.memory_space<vmem>>, vector<16xf32>,
      tpu.vector_store %arg10[%swap3A_376], %get3A_375 {strides = array<i32>} : memref<4096xf32, #tpu.memory_space<vmem>>, vector<16xf32>,
      %get3A_378 = arith.constant 8 : i32
      %get3A_379 = arith.index_cast %get3A_378 : i32 to index
      %get3A_380 = arith.constant 0 : index
      %get3A_381 = tpu.vector_load %arg8[%get3A_379, %get3A_380] {strides = array<i32>} : memref<128x128xf32, #tpu.memory_space<vmem>>, vector<16xf32>,
      %swap3A_382 = arith.constant 256 : index
      %swap3A_383 = tpu.vector_load %arg10[%swap3A_382] {strides = array<i32>} : memref<4096xf32, #tpu.memory_space<vmem>>, vector<16xf32>,
      tpu.vector_store %arg10[%swap3A_382], %get3A_381 {strides = array<i32>} : memref<4096xf32, #tpu.memory_space<vmem>>, vector<16xf32>,
      %get3A_384 = arith.constant 8 : i32
      %get3A_385 = arith.index_cast %get3A_384 : i32 to index
      %get3A_386 = arith.constant 16 : index
      %get3A_387 = tpu.vector_load %arg8[%get3A_385, %get3A_386] {strides = array<i32>} : memref<128x128xf32, #tpu.memory_space<vmem>>, vector<16xf32>,
      %swap3A_388 = arith.constant 272 : index
      %swap3A_389 = tpu.vector_load %arg10[%swap3A_388] {strides = array<i32>} : memref<4096xf32, #tpu.memory_space<vmem>>, vector<16xf32>,
      tpu.vector_store %arg10[%swap3A_388], %get3A_387 {strides = array<i32>} : memref<4096xf32, #tpu.memory_space<vmem>>, vector<16xf32>,
      %get3A_390 = arith.constant 9 : i32
      %get3A_391 = arith.index_cast %get3A_390 : i32 to index
      %get3A_392 = arith.constant 0 : index
      %get3A_393 = tpu.vector_load %arg8[%get3A_391, %get3A_392] {strides = array<i32>} : memref<128x128xf32, #tpu.memory_space<vmem>>, vector<16xf32>,
      %swap3A_394 = arith.constant 288 : index
      %swap3A_395 = tpu.vector_load %arg10[%swap3A_394] {strides = array<i32>} : memref<4096xf32, #tpu.memory_space<vmem>>, vector<16xf32>,
      tpu.vector_store %arg10[%swap3A_394], %get3A_393 {strides = array<i32>} : memref<4096xf32, #tpu.memory_space<vmem>>, vector<16xf32>,
      %get3A_396 = arith.constant 9 : i32
      %get3A_397 = arith.index_cast %get3A_396 : i32 to index
      %get3A_398 = arith.constant 16 : index
      %get3A_399 = tpu.vector_load %arg8[%get3A_397, %get3A_398] {strides = array<i32>} : memref<128x128xf32, #tpu.memory_space<vmem>>, vector<16xf32>,
      %swap3A_400 = arith.constant 304 : index
      %swap3A_401 = tpu.vector_load %arg10[%swap3A_400] {strides = array<i32>} : memref<4096xf32, #tpu.memory_space<vmem>>, vector<16xf32>,
      tpu.vector_store %arg10[%swap3A_400], %get3A_399 {strides = array<i32>} : memref<4096xf32, #tpu.memory_space<vmem>>, vector<16xf32>,
      %get3A_402 = arith.constant 10 : i32
      %get3A_403 = arith.index_cast %get3A_402 : i32 to index
      %get3A_404 = arith.constant 0 : index
      %get3A_405 = tpu.vector_load %arg8[%get3A_403, %get3A_404] {strides = array<i32>} : memref<128x128xf32, #tpu.memory_space<vmem>>, vector<16xf32>,
      %swap3A_406 = arith.constant 320 : index
      %swap3A_407 = tpu.vector_load %arg10[%swap3A_406] {strides = array<i32>} : memref<4096xf32, #tpu.memory_space<vmem>>, vector<16xf32>,
      tpu.vector_store %arg10[%swap3A_406], %get3A_405 {strides = array<i32>} : memref<4096xf32, #tpu.memory_space<vmem>>, vector<16xf32>,
      %get3A_408 = arith.constant 10 : i32
      %get3A_409 = arith.index_cast %get3A_408 : i32 to index
      %get3A_410 = arith.constant 16 : index
      %get3A_411 = tpu.vector_load %arg8[%get3A_409, %get3A_410] {strides = array<i32>} : memref<128x128xf32, #tpu.memory_space<vmem>>, vector<16xf32>,
      %swap3A_412 = arith.constant 336 : index
      %swap3A_413 = tpu.vector_load %arg10[%swap3A_412] {strides = array<i32>} : memref<4096xf32, #tpu.memory_space<vmem>>, vector<16xf32>,
      tpu.vector_store %arg10[%swap3A_412], %get3A_411 {strides = array<i32>} : memref<4096xf32, #tpu.memory_space<vmem>>, vector<16xf32>,
      %get3A_414 = arith.constant 11 : i32
      %get3A_415 = arith.index_cast %get3A_414 : i32 to index
      %get3A_416 = arith.constant 0 : index
      %get3A_417 = tpu.vector_load %arg8[%get3A_415, %get3A_416] {strides = array<i32>} : memref<128x128xf32, #tpu.memory_space<vmem>>, vector<16xf32>,
      %swap3A_418 = arith.constant 352 : index
      %swap3A_419 = tpu.vector_load %arg10[%swap3A_418] {strides = array<i32>} : memref<4096xf32, #tpu.memory_space<vmem>>, vector<16xf32>,
      tpu.vector_store %arg10[%swap3A_418], %get3A_417 {strides = array<i32>} : memref<4096xf32, #tpu.memory_space<vmem>>, vector<16xf32>,
      %get3A_420 = arith.constant 11 : i32
      %get3A_421 = arith.index_cast %get3A_420 : i32 to index
      %get3A_422 = arith.constant 16 : index
      %get3A_423 = tpu.vector_load %arg8[%get3A_421, %get3A_422] {strides = array<i32>} : memref<128x128xf32, #tpu.memory_space<vmem>>, vector<16xf32>,
      %swap3A_424 = arith.constant 368 : index
      %swap3A_425 = tpu.vector_load %arg10[%swap3A_424] {strides = array<i32>} : memref<4096xf32, #tpu.memory_space<vmem>>, vector<16xf32>,
      tpu.vector_store %arg10[%swap3A_424], %get3A_423 {strides = array<i32>} : memref<4096xf32, #tpu.memory_space<vmem>>, vector<16xf32>,
      %get3A_426 = arith.constant 12 : i32
      %get3A_427 = arith.index_cast %get3A_426 : i32 to index
      %get3A_428 = arith.constant 0 : index
      %get3A_429 = tpu.vector_load %arg8[%get3A_427, %get3A_428] {strides = array<i32>} : memref<128x128xf32, #tpu.memory_space<vmem>>, vector<16xf32>,
      %swap3A_430 = arith.constant 384 : index
      %swap3A_431 = tpu.vector_load %arg10[%swap3A_430] {strides = array<i32>} : memref<4096xf32, #tpu.memory_space<vmem>>, vector<16xf32>,
      tpu.vector_store %arg10[%swap3A_430], %get3A_429 {strides = array<i32>} : memref<4096xf32, #tpu.memory_space<vmem>>, vector<16xf32>,
      %get3A_432 = arith.constant 12 : i32
      %get3A_433 = arith.index_cast %get3A_432 : i32 to index
      %get3A_434 = arith.constant 16 : index
      %get3A_435 = tpu.vector_load %arg8[%get3A_433, %get3A_434] {strides = array<i32>} : memref<128x128xf32, #tpu.memory_space<vmem>>, vector<16xf32>,
      %swap3A_436 = arith.constant 400 : index
      %swap3A_437 = tpu.vector_load %arg10[%swap3A_436] {strides = array<i32>} : memref<4096xf32, #tpu.memory_space<vmem>>, vector<16xf32>,
      tpu.vector_store %arg10[%swap3A_436], %get3A_435 {strides = array<i32>} : memref<4096xf32, #tpu.memory_space<vmem>>, vector<16xf32>,
      %get3A_438 = arith.constant 13 : i32
      %get3A_439 = arith.index_cast %get3A_438 : i32 to index
      %get3A_440 = arith.constant 0 : index
      %get3A_441 = tpu.vector_load %arg8[%get3A_439, %get3A_440] {strides = array<i32>} : memref<128x128xf32, #tpu.memory_space<vmem>>, vector<16xf32>,
      %swap3A_442 = arith.constant 416 : index
      %swap3A_443 = tpu.vector_load %arg10[%swap3A_442] {strides = array<i32>} : memref<4096xf32, #tpu.memory_space<vmem>>, vector<16xf32>,
      tpu.vector_store %arg10[%swap3A_442], %get3A_441 {strides = array<i32>} : memref<4096xf32, #tpu.memory_space<vmem>>, vector<16xf32>,
      %get3A_444 = arith.constant 13 : i32
      %get3A_445 = arith.index_cast %get3A_444 : i32 to index
      %get3A_446 = arith.constant 16 : index
      %get3A_447 = tpu.vector_load %arg8[%get3A_445, %get3A_446] {strides = array<i32>} : memref<128x128xf32, #tpu.memory_space<vmem>>, vector<16xf32>,
      %swap3A_448 = arith.constant 432 : index
      %swap3A_449 = tpu.vector_load %arg10[%swap3A_448] {strides = array<i32>} : memref<4096xf32, #tpu.memory_space<vmem>>, vector<16xf32>,
      tpu.vector_store %arg10[%swap3A_448], %get3A_447 {strides = array<i32>} : memref<4096xf32, #tpu.memory_space<vmem>>, vector<16xf32>,
      %get3A_450 = arith.constant 14 : i32
      %get3A_451 = arith.index_cast %get3A_450 : i32 to index
      %get3A_452 = arith.constant 0 : index
      %get3A_453 = tpu.vector_load %arg8[%get3A_451, %get3A_452] {strides = array<i32>} : memref<128x128xf32, #tpu.memory_space<vmem>>, vector<16xf32>,
      %swap3A_454 = arith.constant 448 : index
      %swap3A_455 = tpu.vector_load %arg10[%swap3A_454] {strides = array<i32>} : memref<4096xf32, #tpu.memory_space<vmem>>, vector<16xf32>,
      tpu.vector_store %arg10[%swap3A_454], %get3A_453 {strides = array<i32>} : memref<4096xf32, #tpu.memory_space<vmem>>, vector<16xf32>,
      %get3A_456 = arith.constant 14 : i32
      %get3A_457 = arith.index_cast %get3A_456 : i32 to index
      %get3A_458 = arith.constant 16 : index
      %get3A_459 = tpu.vector_load %arg8[%get3A_457, %get3A_458] {strides = array<i32>} : memref<128x128xf32, #tpu.memory_space<vmem>>, vector<16xf32>,
      %swap3A_460 = arith.constant 464 : index
      %swap3A_461 = tpu.vector_load %arg10[%swap3A_460] {strides = array<i32>} : memref<4096xf32, #tpu.memory_space<vmem>>, vector<16xf32>,
      tpu.vector_store %arg10[%swap3A_460], %get3A_459 {strides = array<i32>} : memref<4096xf32, #tpu.memory_space<vmem>>, vector<16xf32>,
      %get3A_462 = arith.constant 15 : i32
      %get3A_463 = arith.index_cast %get3A_462 : i32 to index
      %get3A_464 = arith.constant 0 : index
      %get3A_465 = tpu.vector_load %arg8[%get3A_463, %get3A_464] {strides = array<i32>} : memref<128x128xf32, #tpu.memory_space<vmem>>, vector<16xf32>,
      %swap3A_466 = arith.constant 480 : index
      %swap3A_467 = tpu.vector_load %arg10[%swap3A_466] {strides = array<i32>} : memref<4096xf32, #tpu.memory_space<vmem>>, vector<16xf32>,
      tpu.vector_store %arg10[%swap3A_466], %get3A_465 {strides = array<i32>} : memref<4096xf32, #tpu.memory_space<vmem>>, vector<16xf32>,
      %get3A_468 = arith.constant 15 : i32
      %get3A_469 = arith.index_cast %get3A_468 : i32 to index
      %get3A_470 = arith.constant 16 : index
      %get3A_471 = tpu.vector_load %arg8[%get3A_469, %get3A_470] {strides = array<i32>} : memref<128x128xf32, #tpu.memory_space<vmem>>, vector<16xf32>,
      %swap3A_472 = arith.constant 496 : index
      %swap3A_473 = tpu.vector_load %arg10[%swap3A_472] {strides = array<i32>} : memref<4096xf32, #tpu.memory_space<vmem>>, vector<16xf32>,
      tpu.vector_store %arg10[%swap3A_472], %get3A_471 {strides = array<i32>} : memref<4096xf32, #tpu.memory_space<vmem>>, vector<16xf32>,
      %get3A_474 = arith.constant 16 : i32
      %get3A_475 = arith.index_cast %get3A_474 : i32 to index
      %get3A_476 = arith.constant 0 : index
      %get3A_477 = tpu.vector_load %arg8[%get3A_475, %get3A_476] {strides = array<i32>} : memref<128x128xf32, #tpu.memory_space<vmem>>, vector<16xf32>,
      %swap3A_478 = arith.constant 512 : index
      %swap3A_479 = tpu.vector_load %arg10[%swap3A_478] {strides = array<i32>} : memref<4096xf32, #tpu.memory_space<vmem>>, vector<16xf32>,
      tpu.vector_store %arg10[%swap3A_478], %get3A_477 {strides = array<i32>} : memref<4096xf32, #tpu.memory_space<vmem>>, vector<16xf32>,
      %get3A_480 = arith.constant 16 : i32
      %get3A_481 = arith.index_cast %get3A_480 : i32 to index
      %get3A_482 = arith.constant 16 : index
      %get3A_483 = tpu.vector_load %arg8[%get3A_481, %get3A_482] {strides = array<i32>} : memref<128x128xf32, #tpu.memory_space<vmem>>, vector<16xf32>,
      %swap3A_484 = arith.constant 528 : index
      %swap3A_485 = tpu.vector_load %arg10[%swap3A_484] {strides = array<i32>} : memref<4096xf32, #tpu.memory_space<vmem>>, vector<16xf32>,
      tpu.vector_store %arg10[%swap3A_484], %get3A_483 {strides = array<i32>} : memref<4096xf32, #tpu.memory_space<vmem>>, vector<16xf32>,
      %get3A_486 = arith.constant 17 : i32
      %get3A_487 = arith.index_cast %get3A_486 : i32 to index
      %get3A_488 = arith.constant 0 : index
      %get3A_489 = tpu.vector_load %arg8[%get3A_487, %get3A_488] {strides = array<i32>} : memref<128x128xf32, #tpu.memory_space<vmem>>, vector<16xf32>,
      %swap3A_490 = arith.constant 544 : index
      %swap3A_491 = tpu.vector_load %arg10[%swap3A_490] {strides = array<i32>} : memref<4096xf32, #tpu.memory_space<vmem>>, vector<16xf32>,
      tpu.vector_store %arg10[%swap3A_490], %get3A_489 {strides = array<i32>} : memref<4096xf32, #tpu.memory_space<vmem>>, vector<16xf32>,
      %get3A_492 = arith.constant 17 : i32
      %get3A_493 = arith.index_cast %get3A_492 : i32 to index
      %get3A_494 = arith.constant 16 : index
      %get3A_495 = tpu.vector_load %arg8[%get3A_493, %get3A_494] {strides = array<i32>} : memref<128x128xf32, #tpu.memory_space<vmem>>, vector<16xf32>,
      %swap3A_496 = arith.constant 560 : index
      %swap3A_497 = tpu.vector_load %arg10[%swap3A_496] {strides = array<i32>} : memref<4096xf32, #tpu.memory_space<vmem>>, vector<16xf32>,
      tpu.vector_store %arg10[%swap3A_496], %get3A_495 {strides = array<i32>} : memref<4096xf32, #tpu.memory_space<vmem>>, vector<16xf32>,
      %get3A_498 = arith.constant 18 : i32
      %get3A_499 = arith.index_cast %get3A_498 : i32 to index
      %get3A_500 = arith.constant 0 : index
      %get3A_501 = tpu.vector_load %arg8[%get3A_499, %get3A_500] {strides = array<i32>} : memref<128x128xf32, #tpu.memory_space<vmem>>, vector<16xf32>,
      %swap3A_502 = arith.constant 576 : index
      %swap3A_503 = tpu.vector_load %arg10[%swap3A_502] {strides = array<i32>} : memref<4096xf32, #tpu.memory_space<vmem>>, vector<16xf32>,
      tpu.vector_store %arg10[%swap3A_502], %get3A_501 {strides = array<i32>} : memref<4096xf32, #tpu.memory_space<vmem>>, vector<16xf32>,
      %get3A_504 = arith.constant 18 : i32
      %get3A_505 = arith.index_cast %get3A_504 : i32 to index
      %get3A_506 = arith.constant 16 : index
      %get3A_507 = tpu.vector_load %arg8[%get3A_505, %get3A_506] {strides = array<i32>} : memref<128x128xf32, #tpu.memory_space<vmem>>, vector<16xf32>,
      %swap3A_508 = arith.constant 592 : index
      %swap3A_509 = tpu.vector_load %arg10[%swap3A_508] {strides = array<i32>} : memref<4096xf32, #tpu.memory_space<vmem>>, vector<16xf32>,
      tpu.vector_store %arg10[%swap3A_508], %get3A_507 {strides = array<i32>} : memref<4096xf32, #tpu.memory_space<vmem>>, vector<16xf32>,
      %get3A_510 = arith.constant 19 : i32
      %get3A_511 = arith.index_cast %get3A_510 : i32 to index
      %get3A_512 = arith.constant 0 : index
      %get3A_513 = tpu.vector_load %arg8[%get3A_511, %get3A_512] {strides = array<i32>} : memref<128x128xf32, #tpu.memory_space<vmem>>, vector<16xf32>,
      %swap3A_514 = arith.constant 608 : index
      %swap3A_515 = tpu.vector_load %arg10[%swap3A_514] {strides = array<i32>} : memref<4096xf32, #tpu.memory_space<vmem>>, vector<16xf32>,
      tpu.vector_store %arg10[%swap3A_514], %get3A_513 {strides = array<i32>} : memref<4096xf32, #tpu.memory_space<vmem>>, vector<16xf32>,
      %get3A_516 = arith.constant 19 : i32
      %get3A_517 = arith.index_cast %get3A_516 : i32 to index
      %get3A_518 = arith.constant 16 : index
      %get3A_519 = tpu.vector_load %arg8[%get3A_517, %get3A_518] {strides = array<i32>} : memref<128x128xf32, #tpu.memory_space<vmem>>, vector<16xf32>,
      %swap3A_520 = arith.constant 624 : index
      %swap3A_521 = tpu.vector_load %arg10[%swap3A_520] {strides = array<i32>} : memref<4096xf32, #tpu.memory_space<vmem>>, vector<16xf32>,
      tpu.vector_store %arg10[%swap3A_520], %get3A_519 {strides = array<i32>} : memref<4096xf32, #tpu.memory_space<vmem>>, vector<16xf32>,
      %get3A_522 = arith.constant 20 : i32
      %get3A_523 = arith.index_cast %get3A_522 : i32 to index
      %get3A_524 = arith.constant 0 : index
      %get3A_525 = tpu.vector_load %arg8[%get3A_523, %get3A_524] {strides = array<i32>} : memref<128x128xf32, #tpu.memory_space<vmem>>, vector<16xf32>,
      %swap3A_526 = arith.constant 640 : index
      %swap3A_527 = tpu.vector_load %arg10[%swap3A_526] {strides = array<i32>} : memref<4096xf32, #tpu.memory_space<vmem>>, vector<16xf32>,
      tpu.vector_store %arg10[%swap3A_526], %get3A_525 {strides = array<i32>} : memref<4096xf32, #tpu.memory_space<vmem>>, vector<16xf32>,
      %get3A_528 = arith.constant 20 : i32
      %get3A_529 = arith.index_cast %get3A_528 : i32 to index
      %get3A_530 = arith.constant 16 : index
      %get3A_531 = tpu.vector_load %arg8[%get3A_529, %get3A_530] {strides = array<i32>} : memref<128x128xf32, #tpu.memory_space<vmem>>, vector<16xf32>,
      %swap3A_532 = arith.constant 656 : index
      %swap3A_533 = tpu.vector_load %arg10[%swap3A_532] {strides = array<i32>} : memref<4096xf32, #tpu.memory_space<vmem>>, vector<16xf32>,
      tpu.vector_store %arg10[%swap3A_532], %get3A_531 {strides = array<i32>} : memref<4096xf32, #tpu.memory_space<vmem>>, vector<16xf32>,
      %get3A_534 = arith.constant 21 : i32
      %get3A_535 = arith.index_cast %get3A_534 : i32 to index
      %get3A_536 = arith.constant 0 : index
      %get3A_537 = tpu.vector_load %arg8[%get3A_535, %get3A_536] {strides = array<i32>} : memref<128x128xf32, #tpu.memory_space<vmem>>, vector<16xf32>,
      %swap3A_538 = arith.constant 672 : index
      %swap3A_539 = tpu.vector_load %arg10[%swap3A_538] {strides = array<i32>} : memref<4096xf32, #tpu.memory_space<vmem>>, vector<16xf32>,
      tpu.vector_store %arg10[%swap3A_538], %get3A_537 {strides = array<i32>} : memref<4096xf32, #tpu.memory_space<vmem>>, vector<16xf32>,
      %get3A_540 = arith.constant 21 : i32
      %get3A_541 = arith.index_cast %get3A_540 : i32 to index
      %get3A_542 = arith.constant 16 : index
      %get3A_543 = tpu.vector_load %arg8[%get3A_541, %get3A_542] {strides = array<i32>} : memref<128x128xf32, #tpu.memory_space<vmem>>, vector<16xf32>,
      %swap3A_544 = arith.constant 688 : index
      %swap3A_545 = tpu.vector_load %arg10[%swap3A_544] {strides = array<i32>} : memref<4096xf32, #tpu.memory_space<vmem>>, vector<16xf32>,
      tpu.vector_store %arg10[%swap3A_544], %get3A_543 {strides = array<i32>} : memref<4096xf32, #tpu.memory_space<vmem>>, vector<16xf32>,
      %get3A_546 = arith.constant 22 : i32
      %get3A_547 = arith.index_cast %get3A_546 : i32 to index
      %get3A_548 = arith.constant 0 : index
      %get3A_549 = tpu.vector_load %arg8[%get3A_547, %get3A_548] {strides = array<i32>} : memref<128x128xf32, #tpu.memory_space<vmem>>, vector<16xf32>,
      %swap3A_550 = arith.constant 704 : index
      %swap3A_551 = tpu.vector_load %arg10[%swap3A_550] {strides = array<i32>} : memref<4096xf32, #tpu.memory_space<vmem>>, vector<16xf32>,
      tpu.vector_store %arg10[%swap3A_550], %get3A_549 {strides = array<i32>} : memref<4096xf32, #tpu.memory_space<vmem>>, vector<16xf32>,
      %get3A_552 = arith.constant 22 : i32
      %get3A_553 = arith.index_cast %get3A_552 : i32 to index
      %get3A_554 = arith.constant 16 : index
      %get3A_555 = tpu.vector_load %arg8[%get3A_553, %get3A_554] {strides = array<i32>} : memref<128x128xf32, #tpu.memory_space<vmem>>, vector<16xf32>,
      %swap3A_556 = arith.constant 720 : index
      %swap3A_557 = tpu.vector_load %arg10[%swap3A_556] {strides = array<i32>} : memref<4096xf32, #tpu.memory_space<vmem>>, vector<16xf32>,
      tpu.vector_store %arg10[%swap3A_556], %get3A_555 {strides = array<i32>} : memref<4096xf32, #tpu.memory_space<vmem>>, vector<16xf32>,
      %get3A_558 = arith.constant 23 : i32
      %get3A_559 = arith.index_cast %get3A_558 : i32 to index
      %get3A_560 = arith.constant 0 : index
      %get3A_561 = tpu.vector_load %arg8[%get3A_559, %get3A_560] {strides = array<i32>} : memref<128x128xf32, #tpu.memory_space<vmem>>, vector<16xf32>,
      %swap3A_562 = arith.constant 736 : index
      %swap3A_563 = tpu.vector_load %arg10[%swap3A_562] {strides = array<i32>} : memref<4096xf32, #tpu.memory_space<vmem>>, vector<16xf32>,
      tpu.vector_store %arg10[%swap3A_562], %get3A_561 {strides = array<i32>} : memref<4096xf32, #tpu.memory_space<vmem>>, vector<16xf32>,
      %get3A_564 = arith.constant 23 : i32
      %get3A_565 = arith.index_cast %get3A_564 : i32 to index
      %get3A_566 = arith.constant 16 : index
      %get3A_567 = tpu.vector_load %arg8[%get3A_565, %get3A_566] {strides = array<i32>} : memref<128x128xf32, #tpu.memory_space<vmem>>, vector<16xf32>,
      %swap3A_568 = arith.constant 752 : index
      %swap3A_569 = tpu.vector_load %arg10[%swap3A_568] {strides = array<i32>} : memref<4096xf32, #tpu.memory_space<vmem>>, vector<16xf32>,
      tpu.vector_store %arg10[%swap3A_568], %get3A_567 {strides = array<i32>} : memref<4096xf32, #tpu.memory_space<vmem>>, vector<16xf32>,
      %get3A_570 = arith.constant 24 : i32
      %get3A_571 = arith.index_cast %get3A_570 : i32 to index
      %get3A_572 = arith.constant 0 : index
      %get3A_573 = tpu.vector_load %arg8[%get3A_571, %get3A_572] {strides = array<i32>} : memref<128x128xf32, #tpu.memory_space<vmem>>, vector<16xf32>,
      %swap3A_574 = arith.constant 768 : index
      %swap3A_575 = tpu.vector_load %arg10[%swap3A_574] {strides = array<i32>} : memref<4096xf32, #tpu.memory_space<vmem>>, vector<16xf32>,
      tpu.vector_store %arg10[%swap3A_574], %get3A_573 {strides = array<i32>} : memref<4096xf32, #tpu.memory_space<vmem>>, vector<16xf32>,
      %get3A_576 = arith.constant 24 : i32
      %get3A_577 = arith.index_cast %get3A_576 : i32 to index
      %get3A_578 = arith.constant 16 : index
      %get3A_579 = tpu.vector_load %arg8[%get3A_577, %get3A_578] {strides = array<i32>} : memref<128x128xf32, #tpu.memory_space<vmem>>, vector<16xf32>,
      %swap3A_580 = arith.constant 784 : index
      %swap3A_581 = tpu.vector_load %arg10[%swap3A_580] {strides = array<i32>} : memref<4096xf32, #tpu.memory_space<vmem>>, vector<16xf32>,
      tpu.vector_store %arg10[%swap3A_580], %get3A_579 {strides = array<i32>} : memref<4096xf32, #tpu.memory_space<vmem>>, vector<16xf32>,
      %get3A_582 = arith.constant 25 : i32
      %get3A_583 = arith.index_cast %get3A_582 : i32 to index
      %get3A_584 = arith.constant 0 : index
      %get3A_585 = tpu.vector_load %arg8[%get3A_583, %get3A_584] {strides = array<i32>} : memref<128x128xf32, #tpu.memory_space<vmem>>, vector<16xf32>,
      %swap3A_586 = arith.constant 800 : index
      %swap3A_587 = tpu.vector_load %arg10[%swap3A_586] {strides = array<i32>} : memref<4096xf32, #tpu.memory_space<vmem>>, vector<16xf32>,
      tpu.vector_store %arg10[%swap3A_586], %get3A_585 {strides = array<i32>} : memref<4096xf32, #tpu.memory_space<vmem>>, vector<16xf32>,
      %get3A_588 = arith.constant 25 : i32
      %get3A_589 = arith.index_cast %get3A_588 : i32 to index
      %get3A_590 = arith.constant 16 : index
      %get3A_591 = tpu.vector_load %arg8[%get3A_589, %get3A_590] {strides = array<i32>} : memref<128x128xf32, #tpu.memory_space<vmem>>, vector<16xf32>,
      %swap3A_592 = arith.constant 816 : index
      %swap3A_593 = tpu.vector_load %arg10[%swap3A_592] {strides = array<i32>} : memref<4096xf32, #tpu.memory_space<vmem>>, vector<16xf32>,
      tpu.vector_store %arg10[%swap3A_592], %get3A_591 {strides = array<i32>} : memref<4096xf32, #tpu.memory_space<vmem>>, vector<16xf32>,
      %get3A_594 = arith.constant 26 : i32
      %get3A_595 = arith.index_cast %get3A_594 : i32 to index
      %get3A_596 = arith.constant 0 : index
      %get3A_597 = tpu.vector_load %arg8[%get3A_595, %get3A_596] {strides = array<i32>} : memref<128x128xf32, #tpu.memory_space<vmem>>, vector<16xf32>,
      %swap3A_598 = arith.constant 832 : index
      %swap3A_599 = tpu.vector_load %arg10[%swap3A_598] {strides = array<i32>} : memref<4096xf32, #tpu.memory_space<vmem>>, vector<16xf32>,
      tpu.vector_store %arg10[%swap3A_598], %get3A_597 {strides = array<i32>} : memref<4096xf32, #tpu.memory_space<vmem>>, vector<16xf32>,
      %get3A_600 = arith.constant 26 : i32
      %get3A_601 = arith.index_cast %get3A_600 : i32 to index
      %get3A_602 = arith.constant 16 : index
      %get3A_603 = tpu.vector_load %arg8[%get3A_601, %get3A_602] {strides = array<i32>} : memref<128x128xf32, #tpu.memory_space<vmem>>, vector<16xf32>,
      %swap3A_604 = arith.constant 848 : index
      %swap3A_605 = tpu.vector_load %arg10[%swap3A_604] {strides = array<i32>} : memref<4096xf32, #tpu.memory_space<vmem>>, vector<16xf32>,
      tpu.vector_store %arg10[%swap3A_604], %get3A_603 {strides = array<i32>} : memref<4096xf32, #tpu.memory_space<vmem>>, vector<16xf32>,
      %get3A_606 = arith.constant 27 : i32
      %get3A_607 = arith.index_cast %get3A_606 : i32 to index
      %get3A_608 = arith.constant 0 : index
      %get3A_609 = tpu.vector_load %arg8[%get3A_607, %get3A_608] {strides = array<i32>} : memref<128x128xf32, #tpu.memory_space<vmem>>, vector<16xf32>,
      %swap3A_610 = arith.constant 864 : index
      %swap3A_611 = tpu.vector_load %arg10[%swap3A_610] {strides = array<i32>} : memref<4096xf32, #tpu.memory_space<vmem>>, vector<16xf32>,
      tpu.vector_store %arg10[%swap3A_610], %get3A_609 {strides = array<i32>} : memref<4096xf32, #tpu.memory_space<vmem>>, vector<16xf32>,
      %get3A_612 = arith.constant 27 : i32
      %get3A_613 = arith.index_cast %get3A_612 : i32 to index
      %get3A_614 = arith.constant 16 : index
      %get3A_615 = tpu.vector_load %arg8[%get3A_613, %get3A_614] {strides = array<i32>} : memref<128x128xf32, #tpu.memory_space<vmem>>, vector<16xf32>,
      %swap3A_616 = arith.constant 880 : index
      %swap3A_617 = tpu.vector_load %arg10[%swap3A_616] {strides = array<i32>} : memref<4096xf32, #tpu.memory_space<vmem>>, vector<16xf32>,
      tpu.vector_store %arg10[%swap3A_616], %get3A_615 {strides = array<i32>} : memref<4096xf32, #tpu.memory_space<vmem>>, vector<16xf32>,
      %get3A_618 = arith.constant 28 : i32
      %get3A_619 = arith.index_cast %get3A_618 : i32 to index
      %get3A_620 = arith.constant 0 : index
      %get3A_621 = tpu.vector_load %arg8[%get3A_619, %get3A_620] {strides = array<i32>} : memref<128x128xf32, #tpu.memory_space<vmem>>, vector<16xf32>,
      %swap3A_622 = arith.constant 896 : index
      %swap3A_623 = tpu.vector_load %arg10[%swap3A_622] {strides = array<i32>} : memref<4096xf32, #tpu.memory_space<vmem>>, vector<16xf32>,
      tpu.vector_store %arg10[%swap3A_622], %get3A_621 {strides = array<i32>} : memref<4096xf32, #tpu.memory_space<vmem>>, vector<16xf32>,
      %get3A_624 = arith.constant 28 : i32
      %get3A_625 = arith.index_cast %get3A_624 : i32 to index
      %get3A_626 = arith.constant 16 : index
      %get3A_627 = tpu.vector_load %arg8[%get3A_625, %get3A_626] {strides = array<i32>} : memref<128x128xf32, #tpu.memory_space<vmem>>, vector<16xf32>,
      %swap3A_628 = arith.constant 912 : index
      %swap3A_629 = tpu.vector_load %arg10[%swap3A_628] {strides = array<i32>} : memref<4096xf32, #tpu.memory_space<vmem>>, vector<16xf32>,
      tpu.vector_store %arg10[%swap3A_628], %get3A_627 {strides = array<i32>} : memref<4096xf32, #tpu.memory_space<vmem>>, vector<16xf32>,
      %get3A_630 = arith.constant 29 : i32
      %get3A_631 = arith.index_cast %get3A_630 : i32 to index
      %get3A_632 = arith.constant 0 : index
      %get3A_633 = tpu.vector_load %arg8[%get3A_631, %get3A_632] {strides = array<i32>} : memref<128x128xf32, #tpu.memory_space<vmem>>, vector<16xf32>,
      %swap3A_634 = arith.constant 928 : index
      %swap3A_635 = tpu.vector_load %arg10[%swap3A_634] {strides = array<i32>} : memref<4096xf32, #tpu.memory_space<vmem>>, vector<16xf32>,
      tpu.vector_store %arg10[%swap3A_634], %get3A_633 {strides = array<i32>} : memref<4096xf32, #tpu.memory_space<vmem>>, vector<16xf32>,
      %get3A_636 = arith.constant 29 : i32
      %get3A_637 = arith.index_cast %get3A_636 : i32 to index
      %get3A_638 = arith.constant 16 : index
      %get3A_639 = tpu.vector_load %arg8[%get3A_637, %get3A_638] {strides = array<i32>} : memref<128x128xf32, #tpu.memory_space<vmem>>, vector<16xf32>,
      %swap3A_640 = arith.constant 944 : index
      %swap3A_641 = tpu.vector_load %arg10[%swap3A_640] {strides = array<i32>} : memref<4096xf32, #tpu.memory_space<vmem>>, vector<16xf32>,
      tpu.vector_store %arg10[%swap3A_640], %get3A_639 {strides = array<i32>} : memref<4096xf32, #tpu.memory_space<vmem>>, vector<16xf32>,
      %get3A_642 = arith.constant 30 : i32
      %get3A_643 = arith.index_cast %get3A_642 : i32 to index
      %get3A_644 = arith.constant 0 : index
      %get3A_645 = tpu.vector_load %arg8[%get3A_643, %get3A_644] {strides = array<i32>} : memref<128x128xf32, #tpu.memory_space<vmem>>, vector<16xf32>,
      %swap3A_646 = arith.constant 960 : index
      %swap3A_647 = tpu.vector_load %arg10[%swap3A_646] {strides = array<i32>} : memref<4096xf32, #tpu.memory_space<vmem>>, vector<16xf32>,
      tpu.vector_store %arg10[%swap3A_646], %get3A_645 {strides = array<i32>} : memref<4096xf32, #tpu.memory_space<vmem>>, vector<16xf32>,
      %get3A_648 = arith.constant 30 : i32
      %get3A_649 = arith.index_cast %get3A_648 : i32 to index
      %get3A_650 = arith.constant 16 : index
      %get3A_651 = tpu.vector_load %arg8[%get3A_649, %get3A_650] {strides = array<i32>} : memref<128x128xf32, #tpu.memory_space<vmem>>, vector<16xf32>,
      %swap3A_652 = arith.constant 976 : index
      %swap3A_653 = tpu.vector_load %arg10[%swap3A_652] {strides = array<i32>} : memref<4096xf32, #tpu.memory_space<vmem>>, vector<16xf32>,
      tpu.vector_store %arg10[%swap3A_652], %get3A_651 {strides = array<i32>} : memref<4096xf32, #tpu.memory_space<vmem>>, vector<16xf32>,
      %get3A_654 = arith.constant 31 : i32
      %get3A_655 = arith.index_cast %get3A_654 : i32 to index
      %get3A_656 = arith.constant 0 : index
      %get3A_657 = tpu.vector_load %arg8[%get3A_655, %get3A_656] {strides = array<i32>} : memref<128x128xf32, #tpu.memory_space<vmem>>, vector<16xf32>,
      %swap3A_658 = arith.constant 992 : index
      %swap3A_659 = tpu.vector_load %arg10[%swap3A_658] {strides = array<i32>} : memref<4096xf32, #tpu.memory_space<vmem>>, vector<16xf32>,
      tpu.vector_store %arg10[%swap3A_658], %get3A_657 {strides = array<i32>} : memref<4096xf32, #tpu.memory_space<vmem>>, vector<16xf32>,
      %get3A_660 = arith.constant 31 : i32
      %get3A_661 = arith.index_cast %get3A_660 : i32 to index
      %get3A_662 = arith.constant 16 : index
      %get3A_663 = tpu.vector_load %arg8[%get3A_661, %get3A_662] {strides = array<i32>} : memref<128x128xf32, #tpu.memory_space<vmem>>, vector<16xf32>,
      %swap3A_664 = arith.constant 1008 : index
      %swap3A_665 = tpu.vector_load %arg10[%swap3A_664] {strides = array<i32>} : memref<4096xf32, #tpu.memory_space<vmem>>, vector<16xf32>,
      tpu.vector_store %arg10[%swap3A_664], %get3A_663 {strides = array<i32>} : memref<4096xf32, #tpu.memory_space<vmem>>, vector<16xf32>,
      %get3A_666 = arith.constant 32 : i32
      %get3A_667 = arith.index_cast %get3A_666 : i32 to index
      %get3A_668 = arith.constant 0 : index
      %get3A_669 = tpu.vector_load %arg8[%get3A_667, %get3A_668] {strides = array<i32>} : memref<128x128xf32, #tpu.memory_space<vmem>>, vector<16xf32>,
      %swap3A_670 = arith.constant 1024 : index
      %swap3A_671 = tpu.vector_load %arg10[%swap3A_670] {strides = array<i32>} : memref<4096xf32, #tpu.memory_space<vmem>>, vector<16xf32>,
      tpu.vector_store %arg10[%swap3A_670], %get3A_669 {strides = array<i32>} : memref<4096xf32, #tpu.memory_space<vmem>>, vector<16xf32>,
      %get3A_672 = arith.constant 32 : i32
      %get3A_673 = arith.index_cast %get3A_672 : i32 to index
      %get3A_674 = arith.constant 16 : index
      %get3A_675 = tpu.vector_load %arg8[%get3A_673, %get3A_674] {strides = array<i32>} : memref<128x128xf32, #tpu.memory_space<vmem>>, vector<16xf32>,
      %swap3A_676 = arith.constant 1040 : index
      %swap3A_677 = tpu.vector_load %arg10[%swap3A_676] {strides = array<i32>} : memref<4096xf32, #tpu.memory_space<vmem>>, vector<16xf32>,
      tpu.vector_store %arg10[%swap3A_676], %get3A_675 {strides = array<i32>} : memref<4096xf32, #tpu.memory_space<vmem>>, vector<16xf32>,
      %get3A_678 = arith.constant 33 : i32
      %get3A_679 = arith.index_cast %get3A_678 : i32 to index
      %get3A_680 = arith.constant 0 : index
      %get3A_681 = tpu.vector_load %arg8[%get3A_679, %get3A_680] {strides = array<i32>} : memref<128x128xf32, #tpu.memory_space<vmem>>, vector<16xf32>,
      %swap3A_682 = arith.constant 1056 : index
      %swap3A_683 = tpu.vector_load %arg10[%swap3A_682] {strides = array<i32>} : memref<4096xf32, #tpu.memory_space<vmem>>, vector<16xf32>,
      tpu.vector_store %arg10[%swap3A_682], %get3A_681 {strides = array<i32>} : memref<4096xf32, #tpu.memory_space<vmem>>, vector<16xf32>,
      %get3A_684 = arith.constant 33 : i32
      %get3A_685 = arith.index_cast %get3A_684 : i32 to index
      %get3A_686 = arith.constant 16 : index
      %get3A_687 = tpu.vector_load %arg8[%get3A_685, %get3A_686] {strides = array<i32>} : memref<128x128xf32, #tpu.memory_space<vmem>>, vector<16xf32>,
      %swap3A_688 = arith.constant 1072 : index
      %swap3A_689 = tpu.vector_load %arg10[%swap3A_688] {strides = array<i32>} : memref<4096xf32, #tpu.memory_space<vmem>>, vector<16xf32>,
      tpu.vector_store %arg10[%swap3A_688], %get3A_687 {strides = array<i32>} : memref<4096xf32, #tpu.memory_space<vmem>>, vector<16xf32>,
      %get3A_690 = arith.constant 34 : i32
      %get3A_691 = arith.index_cast %get3A_690 : i32 to index
      %get3A_692 = arith.constant 0 : index
      %get3A_693 = tpu.vector_load %arg8[%get3A_691, %get3A_692] {strides = array<i32>} : memref<128x128xf32, #tpu.memory_space<vmem>>, vector<16xf32>,
      %swap3A_694 = arith.constant 1088 : index
      %swap3A_695 = tpu.vector_load %arg10[%swap3A_694] {strides = array<i32>} : memref<4096xf32, #tpu.memory_space<vmem>>, vector<16xf32>,
      tpu.vector_store %arg10[%swap3A_694], %get3A_693 {strides = array<i32>} : memref<4096xf32, #tpu.memory_space<vmem>>, vector<16xf32>,
      %get3A_696 = arith.constant 34 : i32
      %get3A_697 = arith.index_cast %get3A_696 : i32 to index
      %get3A_698 = arith.constant 16 : index
      %get3A_699 = tpu.vector_load %arg8[%get3A_697, %get3A_698] {strides = array<i32>} : memref<128x128xf32, #tpu.memory_space<vmem>>, vector<16xf32>,
      %swap3A_700 = arith.constant 1104 : index
      %swap3A_701 = tpu.vector_load %arg10[%swap3A_700] {strides = array<i32>} : memref<4096xf32, #tpu.memory_space<vmem>>, vector<16xf32>,
      tpu.vector_store %arg10[%swap3A_700], %get3A_699 {strides = array<i32>} : memref<4096xf32, #tpu.memory_space<vmem>>, vector<16xf32>,
      %get3A_702 = arith.constant 35 : i32
      %get3A_703 = arith.index_cast %get3A_702 : i32 to index
      %get3A_704 = arith.constant 0 : index
      %get3A_705 = tpu.vector_load %arg8[%get3A_703, %get3A_704] {strides = array<i32>} : memref<128x128xf32, #tpu.memory_space<vmem>>, vector<16xf32>,
      %swap3A_706 = arith.constant 1120 : index
      %swap3A_707 = tpu.vector_load %arg10[%swap3A_706] {strides = array<i32>} : memref<4096xf32, #tpu.memory_space<vmem>>, vector<16xf32>,
      tpu.vector_store %arg10[%swap3A_706], %get3A_705 {strides = array<i32>} : memref<4096xf32, #tpu.memory_space<vmem>>, vector<16xf32>,
      %get3A_708 = arith.constant 35 : i32
      %get3A_709 = arith.index_cast %get3A_708 : i32 to index
      %get3A_710 = arith.constant 16 : index
      %get3A_711 = tpu.vector_load %arg8[%get3A_709, %get3A_710] {strides = array<i32>} : memref<128x128xf32, #tpu.memory_space<vmem>>, vector<16xf32>,
      %swap3A_712 = arith.constant 1136 : index
      %swap3A_713 = tpu.vector_load %arg10[%swap3A_712] {strides = array<i32>} : memref<4096xf32, #tpu.memory_space<vmem>>, vector<16xf32>,
      tpu.vector_store %arg10[%swap3A_712], %get3A_711 {strides = array<i32>} : memref<4096xf32, #tpu.memory_space<vmem>>, vector<16xf32>,
      %get3A_714 = arith.constant 36 : i32
      %get3A_715 = arith.index_cast %get3A_714 : i32 to index
      %get3A_716 = arith.constant 0 : index
      %get3A_717 = tpu.vector_load %arg8[%get3A_715, %get3A_716] {strides = array<i32>} : memref<128x128xf32, #tpu.memory_space<vmem>>, vector<16xf32>,
      %swap3A_718 = arith.constant 1152 : index
      %swap3A_719 = tpu.vector_load %arg10[%swap3A_718] {strides = array<i32>} : memref<4096xf32, #tpu.memory_space<vmem>>, vector<16xf32>,
      tpu.vector_store %arg10[%swap3A_718], %get3A_717 {strides = array<i32>} : memref<4096xf32, #tpu.memory_space<vmem>>, vector<16xf32>,
      %get3A_720 = arith.constant 36 : i32
      %get3A_721 = arith.index_cast %get3A_720 : i32 to index
      %get3A_722 = arith.constant 16 : index
      %get3A_723 = tpu.vector_load %arg8[%get3A_721, %get3A_722] {strides = array<i32>} : memref<128x128xf32, #tpu.memory_space<vmem>>, vector<16xf32>,
      %swap3A_724 = arith.constant 1168 : index
      %swap3A_725 = tpu.vector_load %arg10[%swap3A_724] {strides = array<i32>} : memref<4096xf32, #tpu.memory_space<vmem>>, vector<16xf32>,
      tpu.vector_store %arg10[%swap3A_724], %get3A_723 {strides = array<i32>} : memref<4096xf32, #tpu.memory_space<vmem>>, vector<16xf32>,
      %get3A_726 = arith.constant 37 : i32
      %get3A_727 = arith.index_cast %get3A_726 : i32 to index
      %get3A_728 = arith.constant 0 : index
      %get3A_729 = tpu.vector_load %arg8[%get3A_727, %get3A_728] {strides = array<i32>} : memref<128x128xf32, #tpu.memory_space<vmem>>, vector<16xf32>,
      %swap3A_730 = arith.constant 1184 : index
      %swap3A_731 = tpu.vector_load %arg10[%swap3A_730] {strides = array<i32>} : memref<4096xf32, #tpu.memory_space<vmem>>, vector<16xf32>,
      tpu.vector_store %arg10[%swap3A_730], %get3A_729 {strides = array<i32>} : memref<4096xf32, #tpu.memory_space<vmem>>, vector<16xf32>,
      %get3A_732 = arith.constant 37 : i32
      %get3A_733 = arith.index_cast %get3A_732 : i32 to index
      %get3A_734 = arith.constant 16 : index
      %get3A_735 = tpu.vector_load %arg8[%get3A_733, %get3A_734] {strides = array<i32>} : memref<128x128xf32, #tpu.memory_space<vmem>>, vector<16xf32>,
      %swap3A_736 = arith.constant 1200 : index
      %swap3A_737 = tpu.vector_load %arg10[%swap3A_736] {strides = array<i32>} : memref<4096xf32, #tpu.memory_space<vmem>>, vector<16xf32>,
      tpu.vector_store %arg10[%swap3A_736], %get3A_735 {strides = array<i32>} : memref<4096xf32, #tpu.memory_space<vmem>>, vector<16xf32>,
      %get3A_738 = arith.constant 38 : i32
      %get3A_739 = arith.index_cast %get3A_738 : i32 to index
      %get3A_740 = arith.constant 0 : index
      %get3A_741 = tpu.vector_load %arg8[%get3A_739, %get3A_740] {strides = array<i32>} : memref<128x128xf32, #tpu.memory_space<vmem>>, vector<16xf32>,
      %swap3A_742 = arith.constant 1216 : index
      %swap3A_743 = tpu.vector_load %arg10[%swap3A_742] {strides = array<i32>} : memref<4096xf32, #tpu.memory_space<vmem>>, vector<16xf32>,
      tpu.vector_store %arg10[%swap3A_742], %get3A_741 {strides = array<i32>} : memref<4096xf32, #tpu.memory_space<vmem>>, vector<16xf32>,
      %get3A_744 = arith.constant 38 : i32
      %get3A_745 = arith.index_cast %get3A_744 : i32 to index
      %get3A_746 = arith.constant 16 : index
      %get3A_747 = tpu.vector_load %arg8[%get3A_745, %get3A_746] {strides = array<i32>} : memref<128x128xf32, #tpu.memory_space<vmem>>, vector<16xf32>,
      %swap3A_748 = arith.constant 1232 : index
      %swap3A_749 = tpu.vector_load %arg10[%swap3A_748] {strides = array<i32>} : memref<4096xf32, #tpu.memory_space<vmem>>, vector<16xf32>,
      tpu.vector_store %arg10[%swap3A_748], %get3A_747 {strides = array<i32>} : memref<4096xf32, #tpu.memory_space<vmem>>, vector<16xf32>,
      %get3A_750 = arith.constant 39 : i32
      %get3A_751 = arith.index_cast %get3A_750 : i32 to index
      %get3A_752 = arith.constant 0 : index
      %get3A_753 = tpu.vector_load %arg8[%get3A_751, %get3A_752] {strides = array<i32>} : memref<128x128xf32, #tpu.memory_space<vmem>>, vector<16xf32>,
      %swap3A_754 = arith.constant 1248 : index
      %swap3A_755 = tpu.vector_load %arg10[%swap3A_754] {strides = array<i32>} : memref<4096xf32, #tpu.memory_space<vmem>>, vector<16xf32>,
      tpu.vector_store %arg10[%swap3A_754], %get3A_753 {strides = array<i32>} : memref<4096xf32, #tpu.memory_space<vmem>>, vector<16xf32>,
      %get3A_756 = arith.constant 39 : i32
      %get3A_757 = arith.index_cast %get3A_756 : i32 to index
      %get3A_758 = arith.constant 16 : index
      %get3A_759 = tpu.vector_load %arg8[%get3A_757, %get3A_758] {strides = array<i32>} : memref<128x128xf32, #tpu.memory_space<vmem>>, vector<16xf32>,
      %swap3A_760 = arith.constant 1264 : index
      %swap3A_761 = tpu.vector_load %arg10[%swap3A_760] {strides = array<i32>} : memref<4096xf32, #tpu.memory_space<vmem>>, vector<16xf32>,
      tpu.vector_store %arg10[%swap3A_760], %get3A_759 {strides = array<i32>} : memref<4096xf32, #tpu.memory_space<vmem>>, vector<16xf32>,
      %get3A_762 = arith.constant 40 : i32
      %get3A_763 = arith.index_cast %get3A_762 : i32 to index
      %get3A_764 = arith.constant 0 : index
      %get3A_765 = tpu.vector_load %arg8[%get3A_763, %get3A_764] {strides = array<i32>} : memref<128x128xf32, #tpu.memory_space<vmem>>, vector<16xf32>,
      %swap3A_766 = arith.constant 1280 : index
      %swap3A_767 = tpu.vector_load %arg10[%swap3A_766] {strides = array<i32>} : memref<4096xf32, #tpu.memory_space<vmem>>, vector<16xf32>,
      tpu.vector_store %arg10[%swap3A_766], %get3A_765 {strides = array<i32>} : memref<4096xf32, #tpu.memory_space<vmem>>, vector<16xf32>,
      %get3A_768 = arith.constant 40 : i32
      %get3A_769 = arith.index_cast %get3A_768 : i32 to index
      %get3A_770 = arith.constant 16 : index
      %get3A_771 = tpu.vector_load %arg8[%get3A_769, %get3A_770] {strides = array<i32>} : memref<128x128xf32, #tpu.memory_space<vmem>>, vector<16xf32>,
      %swap3A_772 = arith.constant 1296 : index
      %swap3A_773 = tpu.vector_load %arg10[%swap3A_772] {strides = array<i32>} : memref<4096xf32, #tpu.memory_space<vmem>>, vector<16xf32>,
      tpu.vector_store %arg10[%swap3A_772], %get3A_771 {strides = array<i32>} : memref<4096xf32, #tpu.memory_space<vmem>>, vector<16xf32>,
      %get3A_774 = arith.constant 41 : i32
      %get3A_775 = arith.index_cast %get3A_774 : i32 to index
      %get3A_776 = arith.constant 0 : index
      %get3A_777 = tpu.vector_load %arg8[%get3A_775, %get3A_776] {strides = array<i32>} : memref<128x128xf32, #tpu.memory_space<vmem>>, vector<16xf32>,
      %swap3A_778 = arith.constant 1312 : index
      %swap3A_779 = tpu.vector_load %arg10[%swap3A_778] {strides = array<i32>} : memref<4096xf32, #tpu.memory_space<vmem>>, vector<16xf32>,
      tpu.vector_store %arg10[%swap3A_778], %get3A_777 {strides = array<i32>} : memref<4096xf32, #tpu.memory_space<vmem>>, vector<16xf32>,
      %get3A_780 = arith.constant 41 : i32
      %get3A_781 = arith.index_cast %get3A_780 : i32 to index
      %get3A_782 = arith.constant 16 : index
      %get3A_783 = tpu.vector_load %arg8[%get3A_781, %get3A_782] {strides = array<i32>} : memref<128x128xf32, #tpu.memory_space<vmem>>, vector<16xf32>,
      %swap3A_784 = arith.constant 1328 : index
      %swap3A_785 = tpu.vector_load %arg10[%swap3A_784] {strides = array<i32>} : memref<4096xf32, #tpu.memory_space<vmem>>, vector<16xf32>,
      tpu.vector_store %arg10[%swap3A_784], %get3A_783 {strides = array<i32>} : memref<4096xf32, #tpu.memory_space<vmem>>, vector<16xf32>,
      %get3A_786 = arith.constant 42 : i32
      %get3A_787 = arith.index_cast %get3A_786 : i32 to index
      %get3A_788 = arith.constant 0 : index
      %get3A_789 = tpu.vector_load %arg8[%get3A_787, %get3A_788] {strides = array<i32>} : memref<128x128xf32, #tpu.memory_space<vmem>>, vector<16xf32>,
      %swap3A_790 = arith.constant 1344 : index
      %swap3A_791 = tpu.vector_load %arg10[%swap3A_790] {strides = array<i32>} : memref<4096xf32, #tpu.memory_space<vmem>>, vector<16xf32>,
      tpu.vector_store %arg10[%swap3A_790], %get3A_789 {strides = array<i32>} : memref<4096xf32, #tpu.memory_space<vmem>>, vector<16xf32>,
      %get3A_792 = arith.constant 42 : i32
      %get3A_793 = arith.index_cast %get3A_792 : i32 to index
      %get3A_794 = arith.constant 16 : index
      %get3A_795 = tpu.vector_load %arg8[%get3A_793, %get3A_794] {strides = array<i32>} : memref<128x128xf32, #tpu.memory_space<vmem>>, vector<16xf32>,
      %swap3A_796 = arith.constant 1360 : index
      %swap3A_797 = tpu.vector_load %arg10[%swap3A_796] {strides = array<i32>} : memref<4096xf32, #tpu.memory_space<vmem>>, vector<16xf32>,
      tpu.vector_store %arg10[%swap3A_796], %get3A_795 {strides = array<i32>} : memref<4096xf32, #tpu.memory_space<vmem>>, vector<16xf32>,
      %get3A_798 = arith.constant 43 : i32
      %get3A_799 = arith.index_cast %get3A_798 : i32 to index
      %get3A_800 = arith.constant 0 : index
      %get3A_801 = tpu.vector_load %arg8[%get3A_799, %get3A_800] {strides = array<i32>} : memref<128x128xf32, #tpu.memory_space<vmem>>, vector<16xf32>,
      %swap3A_802 = arith.constant 1376 : index
      %swap3A_803 = tpu.vector_load %arg10[%swap3A_802] {strides = array<i32>} : memref<4096xf32, #tpu.memory_space<vmem>>, vector<16xf32>,
      tpu.vector_store %arg10[%swap3A_802], %get3A_801 {strides = array<i32>} : memref<4096xf32, #tpu.memory_space<vmem>>, vector<16xf32>,
      %get3A_804 = arith.constant 43 : i32
      %get3A_805 = arith.index_cast %get3A_804 : i32 to index
      %get3A_806 = arith.constant 16 : index
      %get3A_807 = tpu.vector_load %arg8[%get3A_805, %get3A_806] {strides = array<i32>} : memref<128x128xf32, #tpu.memory_space<vmem>>, vector<16xf32>,
      %swap3A_808 = arith.constant 1392 : index
      %swap3A_809 = tpu.vector_load %arg10[%swap3A_808] {strides = array<i32>} : memref<4096xf32, #tpu.memory_space<vmem>>, vector<16xf32>,
      tpu.vector_store %arg10[%swap3A_808], %get3A_807 {strides = array<i32>} : memref<4096xf32, #tpu.memory_space<vmem>>, vector<16xf32>,
      %get3A_810 = arith.constant 44 : i32
      %get3A_811 = arith.index_cast %get3A_810 : i32 to index
      %get3A_812 = arith.constant 0 : index
      %get3A_813 = tpu.vector_load %arg8[%get3A_811, %get3A_812] {strides = array<i32>} : memref<128x128xf32, #tpu.memory_space<vmem>>, vector<16xf32>,
      %swap3A_814 = arith.constant 1408 : index
      %swap3A_815 = tpu.vector_load %arg10[%swap3A_814] {strides = array<i32>} : memref<4096xf32, #tpu.memory_space<vmem>>, vector<16xf32>,
      tpu.vector_store %arg10[%swap3A_814], %get3A_813 {strides = array<i32>} : memref<4096xf32, #tpu.memory_space<vmem>>, vector<16xf32>,
      %get3A_816 = arith.constant 44 : i32
      %get3A_817 = arith.index_cast %get3A_816 : i32 to index
      %get3A_818 = arith.constant 16 : index
      %get3A_819 = tpu.vector_load %arg8[%get3A_817, %get3A_818] {strides = array<i32>} : memref<128x128xf32, #tpu.memory_space<vmem>>, vector<16xf32>,
      %swap3A_820 = arith.constant 1424 : index
      %swap3A_821 = tpu.vector_load %arg10[%swap3A_820] {strides = array<i32>} : memref<4096xf32, #tpu.memory_space<vmem>>, vector<16xf32>,
      tpu.vector_store %arg10[%swap3A_820], %get3A_819 {strides = array<i32>} : memref<4096xf32, #tpu.memory_space<vmem>>, vector<16xf32>,
      %get3A_822 = arith.constant 45 : i32
      %get3A_823 = arith.index_cast %get3A_822 : i32 to index
      %get3A_824 = arith.constant 0 : index
      %get3A_825 = tpu.vector_load %arg8[%get3A_823, %get3A_824] {strides = array<i32>} : memref<128x128xf32, #tpu.memory_space<vmem>>, vector<16xf32>,
      %swap3A_826 = arith.constant 1440 : index
      %swap3A_827 = tpu.vector_load %arg10[%swap3A_826] {strides = array<i32>} : memref<4096xf32, #tpu.memory_space<vmem>>, vector<16xf32>,
      tpu.vector_store %arg10[%swap3A_826], %get3A_825 {strides = array<i32>} : memref<4096xf32, #tpu.memory_space<vmem>>, vector<16xf32>,
      %get3A_828 = arith.constant 45 : i32
      %get3A_829 = arith.index_cast %get3A_828 : i32 to index
      %get3A_830 = arith.constant 16 : index
      %get3A_831 = tpu.vector_load %arg8[%get3A_829, %get3A_830] {strides = array<i32>} : memref<128x128xf32, #tpu.memory_space<vmem>>, vector<16xf32>,
      %swap3A_832 = arith.constant 1456 : index
      %swap3A_833 = tpu.vector_load %arg10[%swap3A_832] {strides = array<i32>} : memref<4096xf32, #tpu.memory_space<vmem>>, vector<16xf32>,
      tpu.vector_store %arg10[%swap3A_832], %get3A_831 {strides = array<i32>} : memref<4096xf32, #tpu.memory_space<vmem>>, vector<16xf32>,
      %get3A_834 = arith.constant 46 : i32
      %get3A_835 = arith.index_cast %get3A_834 : i32 to index
      %get3A_836 = arith.constant 0 : index
      %get3A_837 = tpu.vector_load %arg8[%get3A_835, %get3A_836] {strides = array<i32>} : memref<128x128xf32, #tpu.memory_space<vmem>>, vector<16xf32>,
      %swap3A_838 = arith.constant 1472 : index
      %swap3A_839 = tpu.vector_load %arg10[%swap3A_838] {strides = array<i32>} : memref<4096xf32, #tpu.memory_space<vmem>>, vector<16xf32>,
      tpu.vector_store %arg10[%swap3A_838], %get3A_837 {strides = array<i32>} : memref<4096xf32, #tpu.memory_space<vmem>>, vector<16xf32>,
      %get3A_840 = arith.constant 46 : i32
      %get3A_841 = arith.index_cast %get3A_840 : i32 to index
      %get3A_842 = arith.constant 16 : index
      %get3A_843 = tpu.vector_load %arg8[%get3A_841, %get3A_842] {strides = array<i32>} : memref<128x128xf32, #tpu.memory_space<vmem>>, vector<16xf32>,
      %swap3A_844 = arith.constant 1488 : index
      %swap3A_845 = tpu.vector_load %arg10[%swap3A_844] {strides = array<i32>} : memref<4096xf32, #tpu.memory_space<vmem>>, vector<16xf32>,
      tpu.vector_store %arg10[%swap3A_844], %get3A_843 {strides = array<i32>} : memref<4096xf32, #tpu.memory_space<vmem>>, vector<16xf32>,
      %get3A_846 = arith.constant 47 : i32
      %get3A_847 = arith.index_cast %get3A_846 : i32 to index
      %get3A_848 = arith.constant 0 : index
      %get3A_849 = tpu.vector_load %arg8[%get3A_847, %get3A_848] {strides = array<i32>} : memref<128x128xf32, #tpu.memory_space<vmem>>, vector<16xf32>,
      %swap3A_850 = arith.constant 1504 : index
      %swap3A_851 = tpu.vector_load %arg10[%swap3A_850] {strides = array<i32>} : memref<4096xf32, #tpu.memory_space<vmem>>, vector<16xf32>,
      tpu.vector_store %arg10[%swap3A_850], %get3A_849 {strides = array<i32>} : memref<4096xf32, #tpu.memory_space<vmem>>, vector<16xf32>,
      %get3A_852 = arith.constant 47 : i32
      %get3A_853 = arith.index_cast %get3A_852 : i32 to index
      %get3A_854 = arith.constant 16 : index
      %get3A_855 = tpu.vector_load %arg8[%get3A_853, %get3A_854] {strides = array<i32>} : memref<128x128xf32, #tpu.memory_space<vmem>>, vector<16xf32>,
      %swap3A_856 = arith.constant 1520 : index
      %swap3A_857 = tpu.vector_load %arg10[%swap3A_856] {strides = array<i32>} : memref<4096xf32, #tpu.memory_space<vmem>>, vector<16xf32>,
      tpu.vector_store %arg10[%swap3A_856], %get3A_855 {strides = array<i32>} : memref<4096xf32, #tpu.memory_space<vmem>>, vector<16xf32>,
      %get3A_858 = arith.constant 48 : i32
      %get3A_859 = arith.index_cast %get3A_858 : i32 to index
      %get3A_860 = arith.constant 0 : index
      %get3A_861 = tpu.vector_load %arg8[%get3A_859, %get3A_860] {strides = array<i32>} : memref<128x128xf32, #tpu.memory_space<vmem>>, vector<16xf32>,
      %swap3A_862 = arith.constant 1536 : index
      %swap3A_863 = tpu.vector_load %arg10[%swap3A_862] {strides = array<i32>} : memref<4096xf32, #tpu.memory_space<vmem>>, vector<16xf32>,
      tpu.vector_store %arg10[%swap3A_862], %get3A_861 {strides = array<i32>} : memref<4096xf32, #tpu.memory_space<vmem>>, vector<16xf32>,
      %get3A_864 = arith.constant 48 : i32
      %get3A_865 = arith.index_cast %get3A_864 : i32 to index
      %get3A_866 = arith.constant 16 : index
      %get3A_867 = tpu.vector_load %arg8[%get3A_865, %get3A_866] {strides = array<i32>} : memref<128x128xf32, #tpu.memory_space<vmem>>, vector<16xf32>,
      %swap3A_868 = arith.constant 1552 : index
      %swap3A_869 = tpu.vector_load %arg10[%swap3A_868] {strides = array<i32>} : memref<4096xf32, #tpu.memory_space<vmem>>, vector<16xf32>,
      tpu.vector_store %arg10[%swap3A_868], %get3A_867 {strides = array<i32>} : memref<4096xf32, #tpu.memory_space<vmem>>, vector<16xf32>,
      %get3A_870 = arith.constant 49 : i32
      %get3A_871 = arith.index_cast %get3A_870 : i32 to index
      %get3A_872 = arith.constant 0 : index
      %get3A_873 = tpu.vector_load %arg8[%get3A_871, %get3A_872] {strides = array<i32>} : memref<128x128xf32, #tpu.memory_space<vmem>>, vector<16xf32>,
      %swap3A_874 = arith.constant 1568 : index
      %swap3A_875 = tpu.vector_load %arg10[%swap3A_874] {strides = array<i32>} : memref<4096xf32, #tpu.memory_space<vmem>>, vector<16xf32>,
      tpu.vector_store %arg10[%swap3A_874], %get3A_873 {strides = array<i32>} : memref<4096xf32, #tpu.memory_space<vmem>>, vector<16xf32>,
      %get3A_876 = arith.constant 49 : i32
      %get3A_877 = arith.index_cast %get3A_876 : i32 to index
      %get3A_878 = arith.constant 16 : index
      %get3A_879 = tpu.vector_load %arg8[%get3A_877, %get3A_878] {strides = array<i32>} : memref<128x128xf32, #tpu.memory_space<vmem>>, vector<16xf32>,
      %swap3A_880 = arith.constant 1584 : index
      %swap3A_881 = tpu.vector_load %arg10[%swap3A_880] {strides = array<i32>} : memref<4096xf32, #tpu.memory_space<vmem>>, vector<16xf32>,
      tpu.vector_store %arg10[%swap3A_880], %get3A_879 {strides = array<i32>} : memref<4096xf32, #tpu.memory_space<vmem>>, vector<16xf32>,
      %get3A_882 = arith.constant 50 : i32
      %get3A_883 = arith.index_cast %get3A_882 : i32 to index
      %get3A_884 = arith.constant 0 : index
      %get3A_885 = tpu.vector_load %arg8[%get3A_883, %get3A_884] {strides = array<i32>} : memref<128x128xf32, #tpu.memory_space<vmem>>, vector<16xf32>,
      %swap3A_886 = arith.constant 1600 : index
      %swap3A_887 = tpu.vector_load %arg10[%swap3A_886] {strides = array<i32>} : memref<4096xf32, #tpu.memory_space<vmem>>, vector<16xf32>,
      tpu.vector_store %arg10[%swap3A_886], %get3A_885 {strides = array<i32>} : memref<4096xf32, #tpu.memory_space<vmem>>, vector<16xf32>,
      %get3A_888 = arith.constant 50 : i32
      %get3A_889 = arith.index_cast %get3A_888 : i32 to index
      %get3A_890 = arith.constant 16 : index
      %get3A_891 = tpu.vector_load %arg8[%get3A_889, %get3A_890] {strides = array<i32>} : memref<128x128xf32, #tpu.memory_space<vmem>>, vector<16xf32>,
      %swap3A_892 = arith.constant 1616 : index
      %swap3A_893 = tpu.vector_load %arg10[%swap3A_892] {strides = array<i32>} : memref<4096xf32, #tpu.memory_space<vmem>>, vector<16xf32>,
      tpu.vector_store %arg10[%swap3A_892], %get3A_891 {strides = array<i32>} : memref<4096xf32, #tpu.memory_space<vmem>>, vector<16xf32>,
      %get3A_894 = arith.constant 51 : i32
      %get3A_895 = arith.index_cast %get3A_894 : i32 to index
      %get3A_896 = arith.constant 0 : index
      %get3A_897 = tpu.vector_load %arg8[%get3A_895, %get3A_896] {strides = array<i32>} : memref<128x128xf32, #tpu.memory_space<vmem>>, vector<16xf32>,
      %swap3A_898 = arith.constant 1632 : index
      %swap3A_899 = tpu.vector_load %arg10[%swap3A_898] {strides = array<i32>} : memref<4096xf32, #tpu.memory_space<vmem>>, vector<16xf32>,
      tpu.vector_store %arg10[%swap3A_898], %get3A_897 {strides = array<i32>} : memref<4096xf32, #tpu.memory_space<vmem>>, vector<16xf32>,
      %get3A_900 = arith.constant 51 : i32
      %get3A_901 = arith.index_cast %get3A_900 : i32 to index
      %get3A_902 = arith.constant 16 : index
      %get3A_903 = tpu.vector_load %arg8[%get3A_901, %get3A_902] {strides = array<i32>} : memref<128x128xf32, #tpu.memory_space<vmem>>, vector<16xf32>,
      %swap3A_904 = arith.constant 1648 : index
      %swap3A_905 = tpu.vector_load %arg10[%swap3A_904] {strides = array<i32>} : memref<4096xf32, #tpu.memory_space<vmem>>, vector<16xf32>,
      tpu.vector_store %arg10[%swap3A_904], %get3A_903 {strides = array<i32>} : memref<4096xf32, #tpu.memory_space<vmem>>, vector<16xf32>,
      %get3A_906 = arith.constant 52 : i32
      %get3A_907 = arith.index_cast %get3A_906 : i32 to index
      %get3A_908 = arith.constant 0 : index
      %get3A_909 = tpu.vector_load %arg8[%get3A_907, %get3A_908] {strides = array<i32>} : memref<128x128xf32, #tpu.memory_space<vmem>>, vector<16xf32>,
      %swap3A_910 = arith.constant 1664 : index
      %swap3A_911 = tpu.vector_load %arg10[%swap3A_910] {strides = array<i32>} : memref<4096xf32, #tpu.memory_space<vmem>>, vector<16xf32>,
      tpu.vector_store %arg10[%swap3A_910], %get3A_909 {strides = array<i32>} : memref<4096xf32, #tpu.memory_space<vmem>>, vector<16xf32>,
      %get3A_912 = arith.constant 52 : i32
      %get3A_913 = arith.index_cast %get3A_912 : i32 to index
      %get3A_914 = arith.constant 16 : index
      %get3A_915 = tpu.vector_load %arg8[%get3A_913, %get3A_914] {strides = array<i32>} : memref<128x128xf32, #tpu.memory_space<vmem>>, vector<16xf32>,
      %swap3A_916 = arith.constant 1680 : index
      %swap3A_917 = tpu.vector_load %arg10[%swap3A_916] {strides = array<i32>} : memref<4096xf32, #tpu.memory_space<vmem>>, vector<16xf32>,
      tpu.vector_store %arg10[%swap3A_916], %get3A_915 {strides = array<i32>} : memref<4096xf32, #tpu.memory_space<vmem>>, vector<16xf32>,
      %get3A_918 = arith.constant 53 : i32
      %get3A_919 = arith.index_cast %get3A_918 : i32 to index
      %get3A_920 = arith.constant 0 : index
      %get3A_921 = tpu.vector_load %arg8[%get3A_919, %get3A_920] {strides = array<i32>} : memref<128x128xf32, #tpu.memory_space<vmem>>, vector<16xf32>,
      %swap3A_922 = arith.constant 1696 : index
      %swap3A_923 = tpu.vector_load %arg10[%swap3A_922] {strides = array<i32>} : memref<4096xf32, #tpu.memory_space<vmem>>, vector<16xf32>,
      tpu.vector_store %arg10[%swap3A_922], %get3A_921 {strides = array<i32>} : memref<4096xf32, #tpu.memory_space<vmem>>, vector<16xf32>,
      %get3A_924 = arith.constant 53 : i32
      %get3A_925 = arith.index_cast %get3A_924 : i32 to index
      %get3A_926 = arith.constant 16 : index
      %get3A_927 = tpu.vector_load %arg8[%get3A_925, %get3A_926] {strides = array<i32>} : memref<128x128xf32, #tpu.memory_space<vmem>>, vector<16xf32>,
      %swap3A_928 = arith.constant 1712 : index
      %swap3A_929 = tpu.vector_load %arg10[%swap3A_928] {strides = array<i32>} : memref<4096xf32, #tpu.memory_space<vmem>>, vector<16xf32>,
      tpu.vector_store %arg10[%swap3A_928], %get3A_927 {strides = array<i32>} : memref<4096xf32, #tpu.memory_space<vmem>>, vector<16xf32>,
      %get3A_930 = arith.constant 54 : i32
      %get3A_931 = arith.index_cast %get3A_930 : i32 to index
      %get3A_932 = arith.constant 0 : index
      %get3A_933 = tpu.vector_load %arg8[%get3A_931, %get3A_932] {strides = array<i32>} : memref<128x128xf32, #tpu.memory_space<vmem>>, vector<16xf32>,
      %swap3A_934 = arith.constant 1728 : index
      %swap3A_935 = tpu.vector_load %arg10[%swap3A_934] {strides = array<i32>} : memref<4096xf32, #tpu.memory_space<vmem>>, vector<16xf32>,
      tpu.vector_store %arg10[%swap3A_934], %get3A_933 {strides = array<i32>} : memref<4096xf32, #tpu.memory_space<vmem>>, vector<16xf32>,
      %get3A_936 = arith.constant 54 : i32
      %get3A_937 = arith.index_cast %get3A_936 : i32 to index
      %get3A_938 = arith.constant 16 : index
      %get3A_939 = tpu.vector_load %arg8[%get3A_937, %get3A_938] {strides = array<i32>} : memref<128x128xf32, #tpu.memory_space<vmem>>, vector<16xf32>,
      %swap3A_940 = arith.constant 1744 : index
      %swap3A_941 = tpu.vector_load %arg10[%swap3A_940] {strides = array<i32>} : memref<4096xf32, #tpu.memory_space<vmem>>, vector<16xf32>,
      tpu.vector_store %arg10[%swap3A_940], %get3A_939 {strides = array<i32>} : memref<4096xf32, #tpu.memory_space<vmem>>, vector<16xf32>,
      %get3A_942 = arith.constant 55 : i32
      %get3A_943 = arith.index_cast %get3A_942 : i32 to index
      %get3A_944 = arith.constant 0 : index
      %get3A_945 = tpu.vector_load %arg8[%get3A_943, %get3A_944] {strides = array<i32>} : memref<128x128xf32, #tpu.memory_space<vmem>>, vector<16xf32>,
      %swap3A_946 = arith.constant 1760 : index
      %swap3A_947 = tpu.vector_load %arg10[%swap3A_946] {strides = array<i32>} : memref<4096xf32, #tpu.memory_space<vmem>>, vector<16xf32>,
      tpu.vector_store %arg10[%swap3A_946], %get3A_945 {strides = array<i32>} : memref<4096xf32, #tpu.memory_space<vmem>>, vector<16xf32>,
      %get3A_948 = arith.constant 55 : i32
      %get3A_949 = arith.index_cast %get3A_948 : i32 to index
      %get3A_950 = arith.constant 16 : index
      %get3A_951 = tpu.vector_load %arg8[%get3A_949, %get3A_950] {strides = array<i32>} : memref<128x128xf32, #tpu.memory_space<vmem>>, vector<16xf32>,
      %swap3A_952 = arith.constant 1776 : index
      %swap3A_953 = tpu.vector_load %arg10[%swap3A_952] {strides = array<i32>} : memref<4096xf32, #tpu.memory_space<vmem>>, vector<16xf32>,
      tpu.vector_store %arg10[%swap3A_952], %get3A_951 {strides = array<i32>} : memref<4096xf32, #tpu.memory_space<vmem>>, vector<16xf32>,
      %get3A_954 = arith.constant 56 : i32
      %get3A_955 = arith.index_cast %get3A_954 : i32 to index
      %get3A_956 = arith.constant 0 : index
      %get3A_957 = tpu.vector_load %arg8[%get3A_955, %get3A_956] {strides = array<i32>} : memref<128x128xf32, #tpu.memory_space<vmem>>, vector<16xf32>,
      %swap3A_958 = arith.constant 1792 : index
      %swap3A_959 = tpu.vector_load %arg10[%swap3A_958] {strides = array<i32>} : memref<4096xf32, #tpu.memory_space<vmem>>, vector<16xf32>,
      tpu.vector_store %arg10[%swap3A_958], %get3A_957 {strides = array<i32>} : memref<4096xf32, #tpu.memory_space<vmem>>, vector<16xf32>,
      %get3A_960 = arith.constant 56 : i32
      %get3A_961 = arith.index_cast %get3A_960 : i32 to index
      %get3A_962 = arith.constant 16 : index
      %get3A_963 = tpu.vector_load %arg8[%get3A_961, %get3A_962] {strides = array<i32>} : memref<128x128xf32, #tpu.memory_space<vmem>>, vector<16xf32>,
      %swap3A_964 = arith.constant 1808 : index
      %swap3A_965 = tpu.vector_load %arg10[%swap3A_964] {strides = array<i32>} : memref<4096xf32, #tpu.memory_space<vmem>>, vector<16xf32>,
      tpu.vector_store %arg10[%swap3A_964], %get3A_963 {strides = array<i32>} : memref<4096xf32, #tpu.memory_space<vmem>>, vector<16xf32>,
      %get3A_966 = arith.constant 57 : i32
      %get3A_967 = arith.index_cast %get3A_966 : i32 to index
      %get3A_968 = arith.constant 0 : index
      %get3A_969 = tpu.vector_load %arg8[%get3A_967, %get3A_968] {strides = array<i32>} : memref<128x128xf32, #tpu.memory_space<vmem>>, vector<16xf32>,
      %swap3A_970 = arith.constant 1824 : index
      %swap3A_971 = tpu.vector_load %arg10[%swap3A_970] {strides = array<i32>} : memref<4096xf32, #tpu.memory_space<vmem>>, vector<16xf32>,
      tpu.vector_store %arg10[%swap3A_970], %get3A_969 {strides = array<i32>} : memref<4096xf32, #tpu.memory_space<vmem>>, vector<16xf32>,
      %get3A_972 = arith.constant 57 : i32
      %get3A_973 = arith.index_cast %get3A_972 : i32 to index
      %get3A_974 = arith.constant 16 : index
      %get3A_975 = tpu.vector_load %arg8[%get3A_973, %get3A_974] {strides = array<i32>} : memref<128x128xf32, #tpu.memory_space<vmem>>, vector<16xf32>,
      %swap3A_976 = arith.constant 1840 : index
      %swap3A_977 = tpu.vector_load %arg10[%swap3A_976] {strides = array<i32>} : memref<4096xf32, #tpu.memory_space<vmem>>, vector<16xf32>,
      tpu.vector_store %arg10[%swap3A_976], %get3A_975 {strides = array<i32>} : memref<4096xf32, #tpu.memory_space<vmem>>, vector<16xf32>,
      %get3A_978 = arith.constant 58 : i32
      %get3A_979 = arith.index_cast %get3A_978 : i32 to index
      %get3A_980 = arith.constant 0 : index
      %get3A_981 = tpu.vector_load %arg8[%get3A_979, %get3A_980] {strides = array<i32>} : memref<128x128xf32, #tpu.memory_space<vmem>>, vector<16xf32>,
      %swap3A_982 = arith.constant 1856 : index
      %swap3A_983 = tpu.vector_load %arg10[%swap3A_982] {strides = array<i32>} : memref<4096xf32, #tpu.memory_space<vmem>>, vector<16xf32>,
      tpu.vector_store %arg10[%swap3A_982], %get3A_981 {strides = array<i32>} : memref<4096xf32, #tpu.memory_space<vmem>>, vector<16xf32>,
      %get3A_984 = arith.constant 58 : i32
      %get3A_985 = arith.index_cast %get3A_984 : i32 to index
      %get3A_986 = arith.constant 16 : index
      %get3A_987 = tpu.vector_load %arg8[%get3A_985, %get3A_986] {strides = array<i32>} : memref<128x128xf32, #tpu.memory_space<vmem>>, vector<16xf32>,
      %swap3A_988 = arith.constant 1872 : index
      %swap3A_989 = tpu.vector_load %arg10[%swap3A_988] {strides = array<i32>} : memref<4096xf32, #tpu.memory_space<vmem>>, vector<16xf32>,
      tpu.vector_store %arg10[%swap3A_988], %get3A_987 {strides = array<i32>} : memref<4096xf32, #tpu.memory_space<vmem>>, vector<16xf32>,
      %get3A_990 = arith.constant 59 : i32
      %get3A_991 = arith.index_cast %get3A_990 : i32 to index
      %get3A_992 = arith.constant 0 : index
      %get3A_993 = tpu.vector_load %arg8[%get3A_991, %get3A_992] {strides = array<i32>} : memref<128x128xf32, #tpu.memory_space<vmem>>, vector<16xf32>,
      %swap3A_994 = arith.constant 1888 : index
      %swap3A_995 = tpu.vector_load %arg10[%swap3A_994] {strides = array<i32>} : memref<4096xf32, #tpu.memory_space<vmem>>, vector<16xf32>,
      tpu.vector_store %arg10[%swap3A_994], %get3A_993 {strides = array<i32>} : memref<4096xf32, #tpu.memory_space<vmem>>, vector<16xf32>,
      %get3A_996 = arith.constant 59 : i32
      %get3A_997 = arith.index_cast %get3A_996 : i32 to index
      %get3A_998 = arith.constant 16 : index
      %get3A_999 = tpu.vector_load %arg8[%get3A_997, %get3A_998] {strides = array<i32>} : memref<128x128xf32, #tpu.memory_space<vmem>>, vector<16xf32>,
      %swap3A_1000 = arith.constant 1904 : index
      %swap3A_1001 = tpu.vector_load %arg10[%swap3A_1000] {strides = array<i32>} : memref<4096xf32, #tpu.memory_space<vmem>>, vector<16xf32>,
      tpu.vector_store %arg10[%swap3A_1000], %get3A_999 {strides = array<i32>} : memref<4096xf32, #tpu.memory_space<vmem>>, vector<16xf32>,
      %get3A_1002 = arith.constant 60 : i32
      %get3A_1003 = arith.index_cast %get3A_1002 : i32 to index
      %get3A_1004 = arith.constant 0 : index
      %get3A_1005 = tpu.vector_load %arg8[%get3A_1003, %get3A_1004] {strides = array<i32>} : memref<128x128xf32, #tpu.memory_space<vmem>>, vector<16xf32>,
      %swap3A_1006 = arith.constant 1920 : index
      %swap3A_1007 = tpu.vector_load %arg10[%swap3A_1006] {strides = array<i32>} : memref<4096xf32, #tpu.memory_space<vmem>>, vector<16xf32>,
      tpu.vector_store %arg10[%swap3A_1006], %get3A_1005 {strides = array<i32>} : memref<4096xf32, #tpu.memory_space<vmem>>, vector<16xf32>,
      %get3A_1008 = arith.constant 60 : i32
      %get3A_1009 = arith.index_cast %get3A_1008 : i32 to index
      %get3A_1010 = arith.constant 16 : index
      %get3A_1011 = tpu.vector_load %arg8[%get3A_1009, %get3A_1010] {strides = array<i32>} : memref<128x128xf32, #tpu.memory_space<vmem>>, vector<16xf32>,
      %swap3A_1012 = arith.constant 1936 : index
      %swap3A_1013 = tpu.vector_load %arg10[%swap3A_1012] {strides = array<i32>} : memref<4096xf32, #tpu.memory_space<vmem>>, vector<16xf32>,
      tpu.vector_store %arg10[%swap3A_1012], %get3A_1011 {strides = array<i32>} : memref<4096xf32, #tpu.memory_space<vmem>>, vector<16xf32>,
      %get3A_1014 = arith.constant 61 : i32
      %get3A_1015 = arith.index_cast %get3A_1014 : i32 to index
      %get3A_1016 = arith.constant 0 : index
      %get3A_1017 = tpu.vector_load %arg8[%get3A_1015, %get3A_1016] {strides = array<i32>} : memref<128x128xf32, #tpu.memory_space<vmem>>, vector<16xf32>,
      %swap3A_1018 = arith.constant 1952 : index
      %swap3A_1019 = tpu.vector_load %arg10[%swap3A_1018] {strides = array<i32>} : memref<4096xf32, #tpu.memory_space<vmem>>, vector<16xf32>,
      tpu.vector_store %arg10[%swap3A_1018], %get3A_1017 {strides = array<i32>} : memref<4096xf32, #tpu.memory_space<vmem>>, vector<16xf32>,
      %get3A_1020 = arith.constant 61 : i32
      %get3A_1021 = arith.index_cast %get3A_1020 : i32 to index
      %get3A_1022 = arith.constant 16 : index
      %get3A_1023 = tpu.vector_load %arg8[%get3A_1021, %get3A_1022] {strides = array<i32>} : memref<128x128xf32, #tpu.memory_space<vmem>>, vector<16xf32>,
      %swap3A_1024 = arith.constant 1968 : index
      %swap3A_1025 = tpu.vector_load %arg10[%swap3A_1024] {strides = array<i32>} : memref<4096xf32, #tpu.memory_space<vmem>>, vector<16xf32>,
      tpu.vector_store %arg10[%swap3A_1024], %get3A_1023 {strides = array<i32>} : memref<4096xf32, #tpu.memory_space<vmem>>, vector<16xf32>,
      %get3A_1026 = arith.constant 62 : i32
      %get3A_1027 = arith.index_cast %get3A_1026 : i32 to index
      %get3A_1028 = arith.constant 0 : index
      %get3A_1029 = tpu.vector_load %arg8[%get3A_1027, %get3A_1028] {strides = array<i32>} : memref<128x128xf32, #tpu.memory_space<vmem>>, vector<16xf32>,
      %swap3A_1030 = arith.constant 1984 : index
      %swap3A_1031 = tpu.vector_load %arg10[%swap3A_1030] {strides = array<i32>} : memref<4096xf32, #tpu.memory_space<vmem>>, vector<16xf32>,
      tpu.vector_store %arg10[%swap3A_1030], %get3A_1029 {strides = array<i32>} : memref<4096xf32, #tpu.memory_space<vmem>>, vector<16xf32>,
      %get3A_1032 = arith.constant 62 : i32
      %get3A_1033 = arith.index_cast %get3A_1032 : i32 to index
      %get3A_1034 = arith.constant 16 : index
      %get3A_1035 = tpu.vector_load %arg8[%get3A_1033, %get3A_1034] {strides = array<i32>} : memref<128x128xf32, #tpu.memory_space<vmem>>, vector<16xf32>,
      %swap3A_1036 = arith.constant 2000 : index
      %swap3A_1037 = tpu.vector_load %arg10[%swap3A_1036] {strides = array<i32>} : memref<4096xf32, #tpu.memory_space<vmem>>, vector<16xf32>,
      tpu.vector_store %arg10[%swap3A_1036], %get3A_1035 {strides = array<i32>} : memref<4096xf32, #tpu.memory_space<vmem>>, vector<16xf32>,
      %get3A_1038 = arith.constant 63 : i32
      %get3A_1039 = arith.index_cast %get3A_1038 : i32 to index
      %get3A_1040 = arith.constant 0 : index
      %get3A_1041 = tpu.vector_load %arg8[%get3A_1039, %get3A_1040] {strides = array<i32>} : memref<128x128xf32, #tpu.memory_space<vmem>>, vector<16xf32>,
      %swap3A_1042 = arith.constant 2016 : index
      %swap3A_1043 = tpu.vector_load %arg10[%swap3A_1042] {strides = array<i32>} : memref<4096xf32, #tpu.memory_space<vmem>>, vector<16xf32>,
      tpu.vector_store %arg10[%swap3A_1042], %get3A_1041 {strides = array<i32>} : memref<4096xf32, #tpu.memory_space<vmem>>, vector<16xf32>,
      %get3A_1044 = arith.constant 63 : i32
      %get3A_1045 = arith.index_cast %get3A_1044 : i32 to index
      %get3A_1046 = arith.constant 16 : index
      %get3A_1047 = tpu.vector_load %arg8[%get3A_1045, %get3A_1046] {strides = array<i32>} : memref<128x128xf32, #tpu.memory_space<vmem>>, vector<16xf32>,
      %swap3A_1048 = arith.constant 2032 : index
      %swap3A_1049 = tpu.vector_load %arg10[%swap3A_1048] {strides = array<i32>} : memref<4096xf32, #tpu.memory_space<vmem>>, vector<16xf32>,
      tpu.vector_store %arg10[%swap3A_1048], %get3A_1047 {strides = array<i32>} : memref<4096xf32, #tpu.memory_space<vmem>>, vector<16xf32>,
      %get3A_1050 = arith.constant 64 : i32
      %get3A_1051 = arith.index_cast %get3A_1050 : i32 to index
      %get3A_1052 = arith.constant 0 : index
      %get3A_1053 = tpu.vector_load %arg8[%get3A_1051, %get3A_1052] {strides = array<i32>} : memref<128x128xf32, #tpu.memory_space<vmem>>, vector<16xf32>,
      %swap3A_1054 = arith.constant 2048 : index
      %swap3A_1055 = tpu.vector_load %arg10[%swap3A_1054] {strides = array<i32>} : memref<4096xf32, #tpu.memory_space<vmem>>, vector<16xf32>,
      tpu.vector_store %arg10[%swap3A_1054], %get3A_1053 {strides = array<i32>} : memref<4096xf32, #tpu.memory_space<vmem>>, vector<16xf32>,
      %get3A_1056 = arith.constant 64 : i32
      %get3A_1057 = arith.index_cast %get3A_1056 : i32 to index
      %get3A_1058 = arith.constant 16 : index
      %get3A_1059 = tpu.vector_load %arg8[%get3A_1057, %get3A_1058] {strides = array<i32>} : memref<128x128xf32, #tpu.memory_space<vmem>>, vector<16xf32>,
      %swap3A_1060 = arith.constant 2064 : index
      %swap3A_1061 = tpu.vector_load %arg10[%swap3A_1060] {strides = array<i32>} : memref<4096xf32, #tpu.memory_space<vmem>>, vector<16xf32>,
      tpu.vector_store %arg10[%swap3A_1060], %get3A_1059 {strides = array<i32>} : memref<4096xf32, #tpu.memory_space<vmem>>, vector<16xf32>,
      %get3A_1062 = arith.constant 65 : i32
      %get3A_1063 = arith.index_cast %get3A_1062 : i32 to index
      %get3A_1064 = arith.constant 0 : index
      %get3A_1065 = tpu.vector_load %arg8[%get3A_1063, %get3A_1064] {strides = array<i32>} : memref<128x128xf32, #tpu.memory_space<vmem>>, vector<16xf32>,
      %swap3A_1066 = arith.constant 2080 : index
      %swap3A_1067 = tpu.vector_load %arg10[%swap3A_1066] {strides = array<i32>} : memref<4096xf32, #tpu.memory_space<vmem>>, vector<16xf32>,
      tpu.vector_store %arg10[%swap3A_1066], %get3A_1065 {strides = array<i32>} : memref<4096xf32, #tpu.memory_space<vmem>>, vector<16xf32>,
      %get3A_1068 = arith.constant 65 : i32
      %get3A_1069 = arith.index_cast %get3A_1068 : i32 to index
      %get3A_1070 = arith.constant 16 : index
      %get3A_1071 = tpu.vector_load %arg8[%get3A_1069, %get3A_1070] {strides = array<i32>} : memref<128x128xf32, #tpu.memory_space<vmem>>, vector<16xf32>,
      %swap3A_1072 = arith.constant 2096 : index
      %swap3A_1073 = tpu.vector_load %arg10[%swap3A_1072] {strides = array<i32>} : memref<4096xf32, #tpu.memory_space<vmem>>, vector<16xf32>,
      tpu.vector_store %arg10[%swap3A_1072], %get3A_1071 {strides = array<i32>} : memref<4096xf32, #tpu.memory_space<vmem>>, vector<16xf32>,
      %get3A_1074 = arith.constant 66 : i32
      %get3A_1075 = arith.index_cast %get3A_1074 : i32 to index
      %get3A_1076 = arith.constant 0 : index
      %get3A_1077 = tpu.vector_load %arg8[%get3A_1075, %get3A_1076] {strides = array<i32>} : memref<128x128xf32, #tpu.memory_space<vmem>>, vector<16xf32>,
      %swap3A_1078 = arith.constant 2112 : index
      %swap3A_1079 = tpu.vector_load %arg10[%swap3A_1078] {strides = array<i32>} : memref<4096xf32, #tpu.memory_space<vmem>>, vector<16xf32>,
      tpu.vector_store %arg10[%swap3A_1078], %get3A_1077 {strides = array<i32>} : memref<4096xf32, #tpu.memory_space<vmem>>, vector<16xf32>,
      %get3A_1080 = arith.constant 66 : i32
      %get3A_1081 = arith.index_cast %get3A_1080 : i32 to index
      %get3A_1082 = arith.constant 16 : index
      %get3A_1083 = tpu.vector_load %arg8[%get3A_1081, %get3A_1082] {strides = array<i32>} : memref<128x128xf32, #tpu.memory_space<vmem>>, vector<16xf32>,
      %swap3A_1084 = arith.constant 2128 : index
      %swap3A_1085 = tpu.vector_load %arg10[%swap3A_1084] {strides = array<i32>} : memref<4096xf32, #tpu.memory_space<vmem>>, vector<16xf32>,
      tpu.vector_store %arg10[%swap3A_1084], %get3A_1083 {strides = array<i32>} : memref<4096xf32, #tpu.memory_space<vmem>>, vector<16xf32>,
      %get3A_1086 = arith.constant 67 : i32
      %get3A_1087 = arith.index_cast %get3A_1086 : i32 to index
      %get3A_1088 = arith.constant 0 : index
      %get3A_1089 = tpu.vector_load %arg8[%get3A_1087, %get3A_1088] {strides = array<i32>} : memref<128x128xf32, #tpu.memory_space<vmem>>, vector<16xf32>,
      %swap3A_1090 = arith.constant 2144 : index
      %swap3A_1091 = tpu.vector_load %arg10[%swap3A_1090] {strides = array<i32>} : memref<4096xf32, #tpu.memory_space<vmem>>, vector<16xf32>,
      tpu.vector_store %arg10[%swap3A_1090], %get3A_1089 {strides = array<i32>} : memref<4096xf32, #tpu.memory_space<vmem>>, vector<16xf32>,
      %get3A_1092 = arith.constant 67 : i32
      %get3A_1093 = arith.index_cast %get3A_1092 : i32 to index
      %get3A_1094 = arith.constant 16 : index
      %get3A_1095 = tpu.vector_load %arg8[%get3A_1093, %get3A_1094] {strides = array<i32>} : memref<128x128xf32, #tpu.memory_space<vmem>>, vector<16xf32>,
      %swap3A_1096 = arith.constant 2160 : index
      %swap3A_1097 = tpu.vector_load %arg10[%swap3A_1096] {strides = array<i32>} : memref<4096xf32, #tpu.memory_space<vmem>>, vector<16xf32>,
      tpu.vector_store %arg10[%swap3A_1096], %get3A_1095 {strides = array<i32>} : memref<4096xf32, #tpu.memory_space<vmem>>, vector<16xf32>,
      %get3A_1098 = arith.constant 68 : i32
      %get3A_1099 = arith.index_cast %get3A_1098 : i32 to index
      %get3A_1100 = arith.constant 0 : index
      %get3A_1101 = tpu.vector_load %arg8[%get3A_1099, %get3A_1100] {strides = array<i32>} : memref<128x128xf32, #tpu.memory_space<vmem>>, vector<16xf32>,
      %swap3A_1102 = arith.constant 2176 : index
      %swap3A_1103 = tpu.vector_load %arg10[%swap3A_1102] {strides = array<i32>} : memref<4096xf32, #tpu.memory_space<vmem>>, vector<16xf32>,
      tpu.vector_store %arg10[%swap3A_1102], %get3A_1101 {strides = array<i32>} : memref<4096xf32, #tpu.memory_space<vmem>>, vector<16xf32>,
      %get3A_1104 = arith.constant 68 : i32
      %get3A_1105 = arith.index_cast %get3A_1104 : i32 to index
      %get3A_1106 = arith.constant 16 : index
      %get3A_1107 = tpu.vector_load %arg8[%get3A_1105, %get3A_1106] {strides = array<i32>} : memref<128x128xf32, #tpu.memory_space<vmem>>, vector<16xf32>,
      %swap3A_1108 = arith.constant 2192 : index
      %swap3A_1109 = tpu.vector_load %arg10[%swap3A_1108] {strides = array<i32>} : memref<4096xf32, #tpu.memory_space<vmem>>, vector<16xf32>,
      tpu.vector_store %arg10[%swap3A_1108], %get3A_1107 {strides = array<i32>} : memref<4096xf32, #tpu.memory_space<vmem>>, vector<16xf32>,
      %get3A_1110 = arith.constant 69 : i32
      %get3A_1111 = arith.index_cast %get3A_1110 : i32 to index
      %get3A_1112 = arith.constant 0 : index
      %get3A_1113 = tpu.vector_load %arg8[%get3A_1111, %get3A_1112] {strides = array<i32>} : memref<128x128xf32, #tpu.memory_space<vmem>>, vector<16xf32>,
      %swap3A_1114 = arith.constant 2208 : index
      %swap3A_1115 = tpu.vector_load %arg10[%swap3A_1114] {strides = array<i32>} : memref<4096xf32, #tpu.memory_space<vmem>>, vector<16xf32>,
      tpu.vector_store %arg10[%swap3A_1114], %get3A_1113 {strides = array<i32>} : memref<4096xf32, #tpu.memory_space<vmem>>, vector<16xf32>,
      %get3A_1116 = arith.constant 69 : i32
      %get3A_1117 = arith.index_cast %get3A_1116 : i32 to index
      %get3A_1118 = arith.constant 16 : index
      %get3A_1119 = tpu.vector_load %arg8[%get3A_1117, %get3A_1118] {strides = array<i32>} : memref<128x128xf32, #tpu.memory_space<vmem>>, vector<16xf32>,
      %swap3A_1120 = arith.constant 2224 : index
      %swap3A_1121 = tpu.vector_load %arg10[%swap3A_1120] {strides = array<i32>} : memref<4096xf32, #tpu.memory_space<vmem>>, vector<16xf32>,
      tpu.vector_store %arg10[%swap3A_1120], %get3A_1119 {strides = array<i32>} : memref<4096xf32, #tpu.memory_space<vmem>>, vector<16xf32>,
      %get3A_1122 = arith.constant 70 : i32
      %get3A_1123 = arith.index_cast %get3A_1122 : i32 to index
      %get3A_1124 = arith.constant 0 : index
      %get3A_1125 = tpu.vector_load %arg8[%get3A_1123, %get3A_1124] {strides = array<i32>} : memref<128x128xf32, #tpu.memory_space<vmem>>, vector<16xf32>,
      %swap3A_1126 = arith.constant 2240 : index
      %swap3A_1127 = tpu.vector_load %arg10[%swap3A_1126] {strides = array<i32>} : memref<4096xf32, #tpu.memory_space<vmem>>, vector<16xf32>,
      tpu.vector_store %arg10[%swap3A_1126], %get3A_1125 {strides = array<i32>} : memref<4096xf32, #tpu.memory_space<vmem>>, vector<16xf32>,
      %get3A_1128 = arith.constant 70 : i32
      %get3A_1129 = arith.index_cast %get3A_1128 : i32 to index
      %get3A_1130 = arith.constant 16 : index
      %get3A_1131 = tpu.vector_load %arg8[%get3A_1129, %get3A_1130] {strides = array<i32>} : memref<128x128xf32, #tpu.memory_space<vmem>>, vector<16xf32>,
      %swap3A_1132 = arith.constant 2256 : index
      %swap3A_1133 = tpu.vector_load %arg10[%swap3A_1132] {strides = array<i32>} : memref<4096xf32, #tpu.memory_space<vmem>>, vector<16xf32>,
      tpu.vector_store %arg10[%swap3A_1132], %get3A_1131 {strides = array<i32>} : memref<4096xf32, #tpu.memory_space<vmem>>, vector<16xf32>,
      %get3A_1134 = arith.constant 71 : i32
      %get3A_1135 = arith.index_cast %get3A_1134 : i32 to index
      %get3A_1136 = arith.constant 0 : index
      %get3A_1137 = tpu.vector_load %arg8[%get3A_1135, %get3A_1136] {strides = array<i32>} : memref<128x128xf32, #tpu.memory_space<vmem>>, vector<16xf32>,
      %swap3A_1138 = arith.constant 2272 : index
      %swap3A_1139 = tpu.vector_load %arg10[%swap3A_1138] {strides = array<i32>} : memref<4096xf32, #tpu.memory_space<vmem>>, vector<16xf32>,
      tpu.vector_store %arg10[%swap3A_1138], %get3A_1137 {strides = array<i32>} : memref<4096xf32, #tpu.memory_space<vmem>>, vector<16xf32>,
      %get3A_1140 = arith.constant 71 : i32
      %get3A_1141 = arith.index_cast %get3A_1140 : i32 to index
      %get3A_1142 = arith.constant 16 : index
      %get3A_1143 = tpu.vector_load %arg8[%get3A_1141, %get3A_1142] {strides = array<i32>} : memref<128x128xf32, #tpu.memory_space<vmem>>, vector<16xf32>,
      %swap3A_1144 = arith.constant 2288 : index
      %swap3A_1145 = tpu.vector_load %arg10[%swap3A_1144] {strides = array<i32>} : memref<4096xf32, #tpu.memory_space<vmem>>, vector<16xf32>,
      tpu.vector_store %arg10[%swap3A_1144], %get3A_1143 {strides = array<i32>} : memref<4096xf32, #tpu.memory_space<vmem>>, vector<16xf32>,
      %get3A_1146 = arith.constant 72 : i32
      %get3A_1147 = arith.index_cast %get3A_1146 : i32 to index
      %get3A_1148 = arith.constant 0 : index
      %get3A_1149 = tpu.vector_load %arg8[%get3A_1147, %get3A_1148] {strides = array<i32>} : memref<128x128xf32, #tpu.memory_space<vmem>>, vector<16xf32>,
      %swap3A_1150 = arith.constant 2304 : index
      %swap3A_1151 = tpu.vector_load %arg10[%swap3A_1150] {strides = array<i32>} : memref<4096xf32, #tpu.memory_space<vmem>>, vector<16xf32>,
      tpu.vector_store %arg10[%swap3A_1150], %get3A_1149 {strides = array<i32>} : memref<4096xf32, #tpu.memory_space<vmem>>, vector<16xf32>,
      %get3A_1152 = arith.constant 72 : i32
      %get3A_1153 = arith.index_cast %get3A_1152 : i32 to index
      %get3A_1154 = arith.constant 16 : index
      %get3A_1155 = tpu.vector_load %arg8[%get3A_1153, %get3A_1154] {strides = array<i32>} : memref<128x128xf32, #tpu.memory_space<vmem>>, vector<16xf32>,
      %swap3A_1156 = arith.constant 2320 : index
      %swap3A_1157 = tpu.vector_load %arg10[%swap3A_1156] {strides = array<i32>} : memref<4096xf32, #tpu.memory_space<vmem>>, vector<16xf32>,
      tpu.vector_store %arg10[%swap3A_1156], %get3A_1155 {strides = array<i32>} : memref<4096xf32, #tpu.memory_space<vmem>>, vector<16xf32>,
      %get3A_1158 = arith.constant 73 : i32
      %get3A_1159 = arith.index_cast %get3A_1158 : i32 to index
      %get3A_1160 = arith.constant 0 : index
      %get3A_1161 = tpu.vector_load %arg8[%get3A_1159, %get3A_1160] {strides = array<i32>} : memref<128x128xf32, #tpu.memory_space<vmem>>, vector<16xf32>,
      %swap3A_1162 = arith.constant 2336 : index
      %swap3A_1163 = tpu.vector_load %arg10[%swap3A_1162] {strides = array<i32>} : memref<4096xf32, #tpu.memory_space<vmem>>, vector<16xf32>,
      tpu.vector_store %arg10[%swap3A_1162], %get3A_1161 {strides = array<i32>} : memref<4096xf32, #tpu.memory_space<vmem>>, vector<16xf32>,
      %get3A_1164 = arith.constant 73 : i32
      %get3A_1165 = arith.index_cast %get3A_1164 : i32 to index
      %get3A_1166 = arith.constant 16 : index
      %get3A_1167 = tpu.vector_load %arg8[%get3A_1165, %get3A_1166] {strides = array<i32>} : memref<128x128xf32, #tpu.memory_space<vmem>>, vector<16xf32>,
      %swap3A_1168 = arith.constant 2352 : index
      %swap3A_1169 = tpu.vector_load %arg10[%swap3A_1168] {strides = array<i32>} : memref<4096xf32, #tpu.memory_space<vmem>>, vector<16xf32>,
      tpu.vector_store %arg10[%swap3A_1168], %get3A_1167 {strides = array<i32>} : memref<4096xf32, #tpu.memory_space<vmem>>, vector<16xf32>,
      %get3A_1170 = arith.constant 74 : i32
      %get3A_1171 = arith.index_cast %get3A_1170 : i32 to index
      %get3A_1172 = arith.constant 0 : index
      %get3A_1173 = tpu.vector_load %arg8[%get3A_1171, %get3A_1172] {strides = array<i32>} : memref<128x128xf32, #tpu.memory_space<vmem>>, vector<16xf32>,
      %swap3A_1174 = arith.constant 2368 : index
      %swap3A_1175 = tpu.vector_load %arg10[%swap3A_1174] {strides = array<i32>} : memref<4096xf32, #tpu.memory_space<vmem>>, vector<16xf32>,
      tpu.vector_store %arg10[%swap3A_1174], %get3A_1173 {strides = array<i32>} : memref<4096xf32, #tpu.memory_space<vmem>>, vector<16xf32>,
      %get3A_1176 = arith.constant 74 : i32
      %get3A_1177 = arith.index_cast %get3A_1176 : i32 to index
      %get3A_1178 = arith.constant 16 : index
      %get3A_1179 = tpu.vector_load %arg8[%get3A_1177, %get3A_1178] {strides = array<i32>} : memref<128x128xf32, #tpu.memory_space<vmem>>, vector<16xf32>,
      %swap3A_1180 = arith.constant 2384 : index
      %swap3A_1181 = tpu.vector_load %arg10[%swap3A_1180] {strides = array<i32>} : memref<4096xf32, #tpu.memory_space<vmem>>, vector<16xf32>,
      tpu.vector_store %arg10[%swap3A_1180], %get3A_1179 {strides = array<i32>} : memref<4096xf32, #tpu.memory_space<vmem>>, vector<16xf32>,
      %get3A_1182 = arith.constant 75 : i32
      %get3A_1183 = arith.index_cast %get3A_1182 : i32 to index
      %get3A_1184 = arith.constant 0 : index
      %get3A_1185 = tpu.vector_load %arg8[%get3A_1183, %get3A_1184] {strides = array<i32>} : memref<128x128xf32, #tpu.memory_space<vmem>>, vector<16xf32>,
      %swap3A_1186 = arith.constant 2400 : index
      %swap3A_1187 = tpu.vector_load %arg10[%swap3A_1186] {strides = array<i32>} : memref<4096xf32, #tpu.memory_space<vmem>>, vector<16xf32>,
      tpu.vector_store %arg10[%swap3A_1186], %get3A_1185 {strides = array<i32>} : memref<4096xf32, #tpu.memory_space<vmem>>, vector<16xf32>,
      %get3A_1188 = arith.constant 75 : i32
      %get3A_1189 = arith.index_cast %get3A_1188 : i32 to index
      %get3A_1190 = arith.constant 16 : index
      %get3A_1191 = tpu.vector_load %arg8[%get3A_1189, %get3A_1190] {strides = array<i32>} : memref<128x128xf32, #tpu.memory_space<vmem>>, vector<16xf32>,
      %swap3A_1192 = arith.constant 2416 : index
      %swap3A_1193 = tpu.vector_load %arg10[%swap3A_1192] {strides = array<i32>} : memref<4096xf32, #tpu.memory_space<vmem>>, vector<16xf32>,
      tpu.vector_store %arg10[%swap3A_1192], %get3A_1191 {strides = array<i32>} : memref<4096xf32, #tpu.memory_space<vmem>>, vector<16xf32>,
      %get3A_1194 = arith.constant 76 : i32
      %get3A_1195 = arith.index_cast %get3A_1194 : i32 to index
      %get3A_1196 = arith.constant 0 : index
      %get3A_1197 = tpu.vector_load %arg8[%get3A_1195, %get3A_1196] {strides = array<i32>} : memref<128x128xf32, #tpu.memory_space<vmem>>, vector<16xf32>,
      %swap3A_1198 = arith.constant 2432 : index
      %swap3A_1199 = tpu.vector_load %arg10[%swap3A_1198] {strides = array<i32>} : memref<4096xf32, #tpu.memory_space<vmem>>, vector<16xf32>,
      tpu.vector_store %arg10[%swap3A_1198], %get3A_1197 {strides = array<i32>} : memref<4096xf32, #tpu.memory_space<vmem>>, vector<16xf32>,
      %get3A_1200 = arith.constant 76 : i32
      %get3A_1201 = arith.index_cast %get3A_1200 : i32 to index
      %get3A_1202 = arith.constant 16 : index
      %get3A_1203 = tpu.vector_load %arg8[%get3A_1201, %get3A_1202] {strides = array<i32>} : memref<128x128xf32, #tpu.memory_space<vmem>>, vector<16xf32>,
      %swap3A_1204 = arith.constant 2448 : index
      %swap3A_1205 = tpu.vector_load %arg10[%swap3A_1204] {strides = array<i32>} : memref<4096xf32, #tpu.memory_space<vmem>>, vector<16xf32>,
      tpu.vector_store %arg10[%swap3A_1204], %get3A_1203 {strides = array<i32>} : memref<4096xf32, #tpu.memory_space<vmem>>, vector<16xf32>,
      %get3A_1206 = arith.constant 77 : i32
      %get3A_1207 = arith.index_cast %get3A_1206 : i32 to index
      %get3A_1208 = arith.constant 0 : index
      %get3A_1209 = tpu.vector_load %arg8[%get3A_1207, %get3A_1208] {strides = array<i32>} : memref<128x128xf32, #tpu.memory_space<vmem>>, vector<16xf32>,
      %swap3A_1210 = arith.constant 2464 : index
      %swap3A_1211 = tpu.vector_load %arg10[%swap3A_1210] {strides = array<i32>} : memref<4096xf32, #tpu.memory_space<vmem>>, vector<16xf32>,
      tpu.vector_store %arg10[%swap3A_1210], %get3A_1209 {strides = array<i32>} : memref<4096xf32, #tpu.memory_space<vmem>>, vector<16xf32>,
      %get3A_1212 = arith.constant 77 : i32
      %get3A_1213 = arith.index_cast %get3A_1212 : i32 to index
      %get3A_1214 = arith.constant 16 : index
      %get3A_1215 = tpu.vector_load %arg8[%get3A_1213, %get3A_1214] {strides = array<i32>} : memref<128x128xf32, #tpu.memory_space<vmem>>, vector<16xf32>,
      %swap3A_1216 = arith.constant 2480 : index
      %swap3A_1217 = tpu.vector_load %arg10[%swap3A_1216] {strides = array<i32>} : memref<4096xf32, #tpu.memory_space<vmem>>, vector<16xf32>,
      tpu.vector_store %arg10[%swap3A_1216], %get3A_1215 {strides = array<i32>} : memref<4096xf32, #tpu.memory_space<vmem>>, vector<16xf32>,
      %get3A_1218 = arith.constant 78 : i32
      %get3A_1219 = arith.index_cast %get3A_1218 : i32 to index
      %get3A_1220 = arith.constant 0 : index
      %get3A_1221 = tpu.vector_load %arg8[%get3A_1219, %get3A_1220] {strides = array<i32>} : memref<128x128xf32, #tpu.memory_space<vmem>>, vector<16xf32>,
      %swap3A_1222 = arith.constant 2496 : index
      %swap3A_1223 = tpu.vector_load %arg10[%swap3A_1222] {strides = array<i32>} : memref<4096xf32, #tpu.memory_space<vmem>>, vector<16xf32>,
      tpu.vector_store %arg10[%swap3A_1222], %get3A_1221 {strides = array<i32>} : memref<4096xf32, #tpu.memory_space<vmem>>, vector<16xf32>,
      %get3A_1224 = arith.constant 78 : i32
      %get3A_1225 = arith.index_cast %get3A_1224 : i32 to index
      %get3A_1226 = arith.constant 16 : index
      %get3A_1227 = tpu.vector_load %arg8[%get3A_1225, %get3A_1226] {strides = array<i32>} : memref<128x128xf32, #tpu.memory_space<vmem>>, vector<16xf32>,
      %swap3A_1228 = arith.constant 2512 : index
      %swap3A_1229 = tpu.vector_load %arg10[%swap3A_1228] {strides = array<i32>} : memref<4096xf32, #tpu.memory_space<vmem>>, vector<16xf32>,
      tpu.vector_store %arg10[%swap3A_1228], %get3A_1227 {strides = array<i32>} : memref<4096xf32, #tpu.memory_space<vmem>>, vector<16xf32>,
      %get3A_1230 = arith.constant 79 : i32
      %get3A_1231 = arith.index_cast %get3A_1230 : i32 to index
      %get3A_1232 = arith.constant 0 : index
      %get3A_1233 = tpu.vector_load %arg8[%get3A_1231, %get3A_1232] {strides = array<i32>} : memref<128x128xf32, #tpu.memory_space<vmem>>, vector<16xf32>,
      %swap3A_1234 = arith.constant 2528 : index
      %swap3A_1235 = tpu.vector_load %arg10[%swap3A_1234] {strides = array<i32>} : memref<4096xf32, #tpu.memory_space<vmem>>, vector<16xf32>,
      tpu.vector_store %arg10[%swap3A_1234], %get3A_1233 {strides = array<i32>} : memref<4096xf32, #tpu.memory_space<vmem>>, vector<16xf32>,
      %get3A_1236 = arith.constant 79 : i32
      %get3A_1237 = arith.index_cast %get3A_1236 : i32 to index
      %get3A_1238 = arith.constant 16 : index
      %get3A_1239 = tpu.vector_load %arg8[%get3A_1237, %get3A_1238] {strides = array<i32>} : memref<128x128xf32, #tpu.memory_space<vmem>>, vector<16xf32>,
      %swap3A_1240 = arith.constant 2544 : index
      %swap3A_1241 = tpu.vector_load %arg10[%swap3A_1240] {strides = array<i32>} : memref<4096xf32, #tpu.memory_space<vmem>>, vector<16xf32>,
      tpu.vector_store %arg10[%swap3A_1240], %get3A_1239 {strides = array<i32>} : memref<4096xf32, #tpu.memory_space<vmem>>, vector<16xf32>,
      %get3A_1242 = arith.constant 80 : i32
      %get3A_1243 = arith.index_cast %get3A_1242 : i32 to index
      %get3A_1244 = arith.constant 0 : index
      %get3A_1245 = tpu.vector_load %arg8[%get3A_1243, %get3A_1244] {strides = array<i32>} : memref<128x128xf32, #tpu.memory_space<vmem>>, vector<16xf32>,
      %swap3A_1246 = arith.constant 2560 : index
      %swap3A_1247 = tpu.vector_load %arg10[%swap3A_1246] {strides = array<i32>} : memref<4096xf32, #tpu.memory_space<vmem>>, vector<16xf32>,
      tpu.vector_store %arg10[%swap3A_1246], %get3A_1245 {strides = array<i32>} : memref<4096xf32, #tpu.memory_space<vmem>>, vector<16xf32>,
      %get3A_1248 = arith.constant 80 : i32
      %get3A_1249 = arith.index_cast %get3A_1248 : i32 to index
      %get3A_1250 = arith.constant 16 : index
      %get3A_1251 = tpu.vector_load %arg8[%get3A_1249, %get3A_1250] {strides = array<i32>} : memref<128x128xf32, #tpu.memory_space<vmem>>, vector<16xf32>,
      %swap3A_1252 = arith.constant 2576 : index
      %swap3A_1253 = tpu.vector_load %arg10[%swap3A_1252] {strides = array<i32>} : memref<4096xf32, #tpu.memory_space<vmem>>, vector<16xf32>,
      tpu.vector_store %arg10[%swap3A_1252], %get3A_1251 {strides = array<i32>} : memref<4096xf32, #tpu.memory_space<vmem>>, vector<16xf32>,
      %get3A_1254 = arith.constant 81 : i32
      %get3A_1255 = arith.index_cast %get3A_1254 : i32 to index
      %get3A_1256 = arith.constant 0 : index
      %get3A_1257 = tpu.vector_load %arg8[%get3A_1255, %get3A_1256] {strides = array<i32>} : memref<128x128xf32, #tpu.memory_space<vmem>>, vector<16xf32>,
      %swap3A_1258 = arith.constant 2592 : index
      %swap3A_1259 = tpu.vector_load %arg10[%swap3A_1258] {strides = array<i32>} : memref<4096xf32, #tpu.memory_space<vmem>>, vector<16xf32>,
      tpu.vector_store %arg10[%swap3A_1258], %get3A_1257 {strides = array<i32>} : memref<4096xf32, #tpu.memory_space<vmem>>, vector<16xf32>,
      %get3A_1260 = arith.constant 81 : i32
      %get3A_1261 = arith.index_cast %get3A_1260 : i32 to index
      %get3A_1262 = arith.constant 16 : index
      %get3A_1263 = tpu.vector_load %arg8[%get3A_1261, %get3A_1262] {strides = array<i32>} : memref<128x128xf32, #tpu.memory_space<vmem>>, vector<16xf32>,
      %swap3A_1264 = arith.constant 2608 : index
      %swap3A_1265 = tpu.vector_load %arg10[%swap3A_1264] {strides = array<i32>} : memref<4096xf32, #tpu.memory_space<vmem>>, vector<16xf32>,
      tpu.vector_store %arg10[%swap3A_1264], %get3A_1263 {strides = array<i32>} : memref<4096xf32, #tpu.memory_space<vmem>>, vector<16xf32>,
      %get3A_1266 = arith.constant 82 : i32
      %get3A_1267 = arith.index_cast %get3A_1266 : i32 to index
      %get3A_1268 = arith.constant 0 : index
      %get3A_1269 = tpu.vector_load %arg8[%get3A_1267, %get3A_1268] {strides = array<i32>} : memref<128x128xf32, #tpu.memory_space<vmem>>, vector<16xf32>,
      %swap3A_1270 = arith.constant 2624 : index
      %swap3A_1271 = tpu.vector_load %arg10[%swap3A_1270] {strides = array<i32>} : memref<4096xf32, #tpu.memory_space<vmem>>, vector<16xf32>,
      tpu.vector_store %arg10[%swap3A_1270], %get3A_1269 {strides = array<i32>} : memref<4096xf32, #tpu.memory_space<vmem>>, vector<16xf32>,
      %get3A_1272 = arith.constant 82 : i32
      %get3A_1273 = arith.index_cast %get3A_1272 : i32 to index
      %get3A_1274 = arith.constant 16 : index
      %get3A_1275 = tpu.vector_load %arg8[%get3A_1273, %get3A_1274] {strides = array<i32>} : memref<128x128xf32, #tpu.memory_space<vmem>>, vector<16xf32>,
      %swap3A_1276 = arith.constant 2640 : index
      %swap3A_1277 = tpu.vector_load %arg10[%swap3A_1276] {strides = array<i32>} : memref<4096xf32, #tpu.memory_space<vmem>>, vector<16xf32>,
      tpu.vector_store %arg10[%swap3A_1276], %get3A_1275 {strides = array<i32>} : memref<4096xf32, #tpu.memory_space<vmem>>, vector<16xf32>,
      %get3A_1278 = arith.constant 83 : i32
      %get3A_1279 = arith.index_cast %get3A_1278 : i32 to index
      %get3A_1280 = arith.constant 0 : index
      %get3A_1281 = tpu.vector_load %arg8[%get3A_1279, %get3A_1280] {strides = array<i32>} : memref<128x128xf32, #tpu.memory_space<vmem>>, vector<16xf32>,
      %swap3A_1282 = arith.constant 2656 : index
      %swap3A_1283 = tpu.vector_load %arg10[%swap3A_1282] {strides = array<i32>} : memref<4096xf32, #tpu.memory_space<vmem>>, vector<16xf32>,
      tpu.vector_store %arg10[%swap3A_1282], %get3A_1281 {strides = array<i32>} : memref<4096xf32, #tpu.memory_space<vmem>>, vector<16xf32>,
      %get3A_1284 = arith.constant 83 : i32
      %get3A_1285 = arith.index_cast %get3A_1284 : i32 to index
      %get3A_1286 = arith.constant 16 : index
      %get3A_1287 = tpu.vector_load %arg8[%get3A_1285, %get3A_1286] {strides = array<i32>} : memref<128x128xf32, #tpu.memory_space<vmem>>, vector<16xf32>,
      %swap3A_1288 = arith.constant 2672 : index
      %swap3A_1289 = tpu.vector_load %arg10[%swap3A_1288] {strides = array<i32>} : memref<4096xf32, #tpu.memory_space<vmem>>, vector<16xf32>,
      tpu.vector_store %arg10[%swap3A_1288], %get3A_1287 {strides = array<i32>} : memref<4096xf32, #tpu.memory_space<vmem>>, vector<16xf32>,
      %get3A_1290 = arith.constant 84 : i32
      %get3A_1291 = arith.index_cast %get3A_1290 : i32 to index
      %get3A_1292 = arith.constant 0 : index
      %get3A_1293 = tpu.vector_load %arg8[%get3A_1291, %get3A_1292] {strides = array<i32>} : memref<128x128xf32, #tpu.memory_space<vmem>>, vector<16xf32>,
      %swap3A_1294 = arith.constant 2688 : index
      %swap3A_1295 = tpu.vector_load %arg10[%swap3A_1294] {strides = array<i32>} : memref<4096xf32, #tpu.memory_space<vmem>>, vector<16xf32>,
      tpu.vector_store %arg10[%swap3A_1294], %get3A_1293 {strides = array<i32>} : memref<4096xf32, #tpu.memory_space<vmem>>, vector<16xf32>,
      %get3A_1296 = arith.constant 84 : i32
      %get3A_1297 = arith.index_cast %get3A_1296 : i32 to index
      %get3A_1298 = arith.constant 16 : index
      %get3A_1299 = tpu.vector_load %arg8[%get3A_1297, %get3A_1298] {strides = array<i32>} : memref<128x128xf32, #tpu.memory_space<vmem>>, vector<16xf32>,
      %swap3A_1300 = arith.constant 2704 : index
      %swap3A_1301 = tpu.vector_load %arg10[%swap3A_1300] {strides = array<i32>} : memref<4096xf32, #tpu.memory_space<vmem>>, vector<16xf32>,
      tpu.vector_store %arg10[%swap3A_1300], %get3A_1299 {strides = array<i32>} : memref<4096xf32, #tpu.memory_space<vmem>>, vector<16xf32>,
      %get3A_1302 = arith.constant 85 : i32
      %get3A_1303 = arith.index_cast %get3A_1302 : i32 to index
      %get3A_1304 = arith.constant 0 : index
      %get3A_1305 = tpu.vector_load %arg8[%get3A_1303, %get3A_1304] {strides = array<i32>} : memref<128x128xf32, #tpu.memory_space<vmem>>, vector<16xf32>,
      %swap3A_1306 = arith.constant 2720 : index
      %swap3A_1307 = tpu.vector_load %arg10[%swap3A_1306] {strides = array<i32>} : memref<4096xf32, #tpu.memory_space<vmem>>, vector<16xf32>,
      tpu.vector_store %arg10[%swap3A_1306], %get3A_1305 {strides = array<i32>} : memref<4096xf32, #tpu.memory_space<vmem>>, vector<16xf32>,
      %get3A_1308 = arith.constant 85 : i32
      %get3A_1309 = arith.index_cast %get3A_1308 : i32 to index
      %get3A_1310 = arith.constant 16 : index
      %get3A_1311 = tpu.vector_load %arg8[%get3A_1309, %get3A_1310] {strides = array<i32>} : memref<128x128xf32, #tpu.memory_space<vmem>>, vector<16xf32>,
      %swap3A_1312 = arith.constant 2736 : index
      %swap3A_1313 = tpu.vector_load %arg10[%swap3A_1312] {strides = array<i32>} : memref<4096xf32, #tpu.memory_space<vmem>>, vector<16xf32>,
      tpu.vector_store %arg10[%swap3A_1312], %get3A_1311 {strides = array<i32>} : memref<4096xf32, #tpu.memory_space<vmem>>, vector<16xf32>,
      %get3A_1314 = arith.constant 86 : i32
      %get3A_1315 = arith.index_cast %get3A_1314 : i32 to index
      %get3A_1316 = arith.constant 0 : index
      %get3A_1317 = tpu.vector_load %arg8[%get3A_1315, %get3A_1316] {strides = array<i32>} : memref<128x128xf32, #tpu.memory_space<vmem>>, vector<16xf32>,
      %swap3A_1318 = arith.constant 2752 : index
      %swap3A_1319 = tpu.vector_load %arg10[%swap3A_1318] {strides = array<i32>} : memref<4096xf32, #tpu.memory_space<vmem>>, vector<16xf32>,
      tpu.vector_store %arg10[%swap3A_1318], %get3A_1317 {strides = array<i32>} : memref<4096xf32, #tpu.memory_space<vmem>>, vector<16xf32>,
      %get3A_1320 = arith.constant 86 : i32
      %get3A_1321 = arith.index_cast %get3A_1320 : i32 to index
      %get3A_1322 = arith.constant 16 : index
      %get3A_1323 = tpu.vector_load %arg8[%get3A_1321, %get3A_1322] {strides = array<i32>} : memref<128x128xf32, #tpu.memory_space<vmem>>, vector<16xf32>,
      %swap3A_1324 = arith.constant 2768 : index
      %swap3A_1325 = tpu.vector_load %arg10[%swap3A_1324] {strides = array<i32>} : memref<4096xf32, #tpu.memory_space<vmem>>, vector<16xf32>,
      tpu.vector_store %arg10[%swap3A_1324], %get3A_1323 {strides = array<i32>} : memref<4096xf32, #tpu.memory_space<vmem>>, vector<16xf32>,
      %get3A_1326 = arith.constant 87 : i32
      %get3A_1327 = arith.index_cast %get3A_1326 : i32 to index
      %get3A_1328 = arith.constant 0 : index
      %get3A_1329 = tpu.vector_load %arg8[%get3A_1327, %get3A_1328] {strides = array<i32>} : memref<128x128xf32, #tpu.memory_space<vmem>>, vector<16xf32>,
      %swap3A_1330 = arith.constant 2784 : index
      %swap3A_1331 = tpu.vector_load %arg10[%swap3A_1330] {strides = array<i32>} : memref<4096xf32, #tpu.memory_space<vmem>>, vector<16xf32>,
      tpu.vector_store %arg10[%swap3A_1330], %get3A_1329 {strides = array<i32>} : memref<4096xf32, #tpu.memory_space<vmem>>, vector<16xf32>,
      %get3A_1332 = arith.constant 87 : i32
      %get3A_1333 = arith.index_cast %get3A_1332 : i32 to index
      %get3A_1334 = arith.constant 16 : index
      %get3A_1335 = tpu.vector_load %arg8[%get3A_1333, %get3A_1334] {strides = array<i32>} : memref<128x128xf32, #tpu.memory_space<vmem>>, vector<16xf32>,
      %swap3A_1336 = arith.constant 2800 : index
      %swap3A_1337 = tpu.vector_load %arg10[%swap3A_1336] {strides = array<i32>} : memref<4096xf32, #tpu.memory_space<vmem>>, vector<16xf32>,
      tpu.vector_store %arg10[%swap3A_1336], %get3A_1335 {strides = array<i32>} : memref<4096xf32, #tpu.memory_space<vmem>>, vector<16xf32>,
      %get3A_1338 = arith.constant 88 : i32
      %get3A_1339 = arith.index_cast %get3A_1338 : i32 to index
      %get3A_1340 = arith.constant 0 : index
      %get3A_1341 = tpu.vector_load %arg8[%get3A_1339, %get3A_1340] {strides = array<i32>} : memref<128x128xf32, #tpu.memory_space<vmem>>, vector<16xf32>,
      %swap3A_1342 = arith.constant 2816 : index
      %swap3A_1343 = tpu.vector_load %arg10[%swap3A_1342] {strides = array<i32>} : memref<4096xf32, #tpu.memory_space<vmem>>, vector<16xf32>,
      tpu.vector_store %arg10[%swap3A_1342], %get3A_1341 {strides = array<i32>} : memref<4096xf32, #tpu.memory_space<vmem>>, vector<16xf32>,
      %get3A_1344 = arith.constant 88 : i32
      %get3A_1345 = arith.index_cast %get3A_1344 : i32 to index
      %get3A_1346 = arith.constant 16 : index
      %get3A_1347 = tpu.vector_load %arg8[%get3A_1345, %get3A_1346] {strides = array<i32>} : memref<128x128xf32, #tpu.memory_space<vmem>>, vector<16xf32>,
      %swap3A_1348 = arith.constant 2832 : index
      %swap3A_1349 = tpu.vector_load %arg10[%swap3A_1348] {strides = array<i32>} : memref<4096xf32, #tpu.memory_space<vmem>>, vector<16xf32>,
      tpu.vector_store %arg10[%swap3A_1348], %get3A_1347 {strides = array<i32>} : memref<4096xf32, #tpu.memory_space<vmem>>, vector<16xf32>,
      %get3A_1350 = arith.constant 89 : i32
      %get3A_1351 = arith.index_cast %get3A_1350 : i32 to index
      %get3A_1352 = arith.constant 0 : index
      %get3A_1353 = tpu.vector_load %arg8[%get3A_1351, %get3A_1352] {strides = array<i32>} : memref<128x128xf32, #tpu.memory_space<vmem>>, vector<16xf32>,
      %swap3A_1354 = arith.constant 2848 : index
      %swap3A_1355 = tpu.vector_load %arg10[%swap3A_1354] {strides = array<i32>} : memref<4096xf32, #tpu.memory_space<vmem>>, vector<16xf32>,
      tpu.vector_store %arg10[%swap3A_1354], %get3A_1353 {strides = array<i32>} : memref<4096xf32, #tpu.memory_space<vmem>>, vector<16xf32>,
      %get3A_1356 = arith.constant 89 : i32
      %get3A_1357 = arith.index_cast %get3A_1356 : i32 to index
      %get3A_1358 = arith.constant 16 : index
      %get3A_1359 = tpu.vector_load %arg8[%get3A_1357, %get3A_1358] {strides = array<i32>} : memref<128x128xf32, #tpu.memory_space<vmem>>, vector<16xf32>,
      %swap3A_1360 = arith.constant 2864 : index
      %swap3A_1361 = tpu.vector_load %arg10[%swap3A_1360] {strides = array<i32>} : memref<4096xf32, #tpu.memory_space<vmem>>, vector<16xf32>,
      tpu.vector_store %arg10[%swap3A_1360], %get3A_1359 {strides = array<i32>} : memref<4096xf32, #tpu.memory_space<vmem>>, vector<16xf32>,
      %get3A_1362 = arith.constant 90 : i32
      %get3A_1363 = arith.index_cast %get3A_1362 : i32 to index
      %get3A_1364 = arith.constant 0 : index
      %get3A_1365 = tpu.vector_load %arg8[%get3A_1363, %get3A_1364] {strides = array<i32>} : memref<128x128xf32, #tpu.memory_space<vmem>>, vector<16xf32>,
      %swap3A_1366 = arith.constant 2880 : index
      %swap3A_1367 = tpu.vector_load %arg10[%swap3A_1366] {strides = array<i32>} : memref<4096xf32, #tpu.memory_space<vmem>>, vector<16xf32>,
      tpu.vector_store %arg10[%swap3A_1366], %get3A_1365 {strides = array<i32>} : memref<4096xf32, #tpu.memory_space<vmem>>, vector<16xf32>,
      %get3A_1368 = arith.constant 90 : i32
      %get3A_1369 = arith.index_cast %get3A_1368 : i32 to index
      %get3A_1370 = arith.constant 16 : index
      %get3A_1371 = tpu.vector_load %arg8[%get3A_1369, %get3A_1370] {strides = array<i32>} : memref<128x128xf32, #tpu.memory_space<vmem>>, vector<16xf32>,
      %swap3A_1372 = arith.constant 2896 : index
      %swap3A_1373 = tpu.vector_load %arg10[%swap3A_1372] {strides = array<i32>} : memref<4096xf32, #tpu.memory_space<vmem>>, vector<16xf32>,
      tpu.vector_store %arg10[%swap3A_1372], %get3A_1371 {strides = array<i32>} : memref<4096xf32, #tpu.memory_space<vmem>>, vector<16xf32>,
      %get3A_1374 = arith.constant 91 : i32
      %get3A_1375 = arith.index_cast %get3A_1374 : i32 to index
      %get3A_1376 = arith.constant 0 : index
      %get3A_1377 = tpu.vector_load %arg8[%get3A_1375, %get3A_1376] {strides = array<i32>} : memref<128x128xf32, #tpu.memory_space<vmem>>, vector<16xf32>,
      %swap3A_1378 = arith.constant 2912 : index
      %swap3A_1379 = tpu.vector_load %arg10[%swap3A_1378] {strides = array<i32>} : memref<4096xf32, #tpu.memory_space<vmem>>, vector<16xf32>,
      tpu.vector_store %arg10[%swap3A_1378], %get3A_1377 {strides = array<i32>} : memref<4096xf32, #tpu.memory_space<vmem>>, vector<16xf32>,
      %get3A_1380 = arith.constant 91 : i32
      %get3A_1381 = arith.index_cast %get3A_1380 : i32 to index
      %get3A_1382 = arith.constant 16 : index
      %get3A_1383 = tpu.vector_load %arg8[%get3A_1381, %get3A_1382] {strides = array<i32>} : memref<128x128xf32, #tpu.memory_space<vmem>>, vector<16xf32>,
      %swap3A_1384 = arith.constant 2928 : index
      %swap3A_1385 = tpu.vector_load %arg10[%swap3A_1384] {strides = array<i32>} : memref<4096xf32, #tpu.memory_space<vmem>>, vector<16xf32>,
      tpu.vector_store %arg10[%swap3A_1384], %get3A_1383 {strides = array<i32>} : memref<4096xf32, #tpu.memory_space<vmem>>, vector<16xf32>,
      %get3A_1386 = arith.constant 92 : i32
      %get3A_1387 = arith.index_cast %get3A_1386 : i32 to index
      %get3A_1388 = arith.constant 0 : index
      %get3A_1389 = tpu.vector_load %arg8[%get3A_1387, %get3A_1388] {strides = array<i32>} : memref<128x128xf32, #tpu.memory_space<vmem>>, vector<16xf32>,
      %swap3A_1390 = arith.constant 2944 : index
      %swap3A_1391 = tpu.vector_load %arg10[%swap3A_1390] {strides = array<i32>} : memref<4096xf32, #tpu.memory_space<vmem>>, vector<16xf32>,
      tpu.vector_store %arg10[%swap3A_1390], %get3A_1389 {strides = array<i32>} : memref<4096xf32, #tpu.memory_space<vmem>>, vector<16xf32>,
      %get3A_1392 = arith.constant 92 : i32
      %get3A_1393 = arith.index_cast %get3A_1392 : i32 to index
      %get3A_1394 = arith.constant 16 : index
      %get3A_1395 = tpu.vector_load %arg8[%get3A_1393, %get3A_1394] {strides = array<i32>} : memref<128x128xf32, #tpu.memory_space<vmem>>, vector<16xf32>,
      %swap3A_1396 = arith.constant 2960 : index
      %swap3A_1397 = tpu.vector_load %arg10[%swap3A_1396] {strides = array<i32>} : memref<4096xf32, #tpu.memory_space<vmem>>, vector<16xf32>,
      tpu.vector_store %arg10[%swap3A_1396], %get3A_1395 {strides = array<i32>} : memref<4096xf32, #tpu.memory_space<vmem>>, vector<16xf32>,
      %get3A_1398 = arith.constant 93 : i32
      %get3A_1399 = arith.index_cast %get3A_1398 : i32 to index
      %get3A_1400 = arith.constant 0 : index
      %get3A_1401 = tpu.vector_load %arg8[%get3A_1399, %get3A_1400] {strides = array<i32>} : memref<128x128xf32, #tpu.memory_space<vmem>>, vector<16xf32>,
      %swap3A_1402 = arith.constant 2976 : index
      %swap3A_1403 = tpu.vector_load %arg10[%swap3A_1402] {strides = array<i32>} : memref<4096xf32, #tpu.memory_space<vmem>>, vector<16xf32>,
      tpu.vector_store %arg10[%swap3A_1402], %get3A_1401 {strides = array<i32>} : memref<4096xf32, #tpu.memory_space<vmem>>, vector<16xf32>,
      %get3A_1404 = arith.constant 93 : i32
      %get3A_1405 = arith.index_cast %get3A_1404 : i32 to index
      %get3A_1406 = arith.constant 16 : index
      %get3A_1407 = tpu.vector_load %arg8[%get3A_1405, %get3A_1406] {strides = array<i32>} : memref<128x128xf32, #tpu.memory_space<vmem>>, vector<16xf32>,
      %swap3A_1408 = arith.constant 2992 : index
      %swap3A_1409 = tpu.vector_load %arg10[%swap3A_1408] {strides = array<i32>} : memref<4096xf32, #tpu.memory_space<vmem>>, vector<16xf32>,
      tpu.vector_store %arg10[%swap3A_1408], %get3A_1407 {strides = array<i32>} : memref<4096xf32, #tpu.memory_space<vmem>>, vector<16xf32>,
      %get3A_1410 = arith.constant 94 : i32
      %get3A_1411 = arith.index_cast %get3A_1410 : i32 to index
      %get3A_1412 = arith.constant 0 : index
      %get3A_1413 = tpu.vector_load %arg8[%get3A_1411, %get3A_1412] {strides = array<i32>} : memref<128x128xf32, #tpu.memory_space<vmem>>, vector<16xf32>,
      %swap3A_1414 = arith.constant 3008 : index
      %swap3A_1415 = tpu.vector_load %arg10[%swap3A_1414] {strides = array<i32>} : memref<4096xf32, #tpu.memory_space<vmem>>, vector<16xf32>,
      tpu.vector_store %arg10[%swap3A_1414], %get3A_1413 {strides = array<i32>} : memref<4096xf32, #tpu.memory_space<vmem>>, vector<16xf32>,
      %get3A_1416 = arith.constant 94 : i32
      %get3A_1417 = arith.index_cast %get3A_1416 : i32 to index
      %get3A_1418 = arith.constant 16 : index
      %get3A_1419 = tpu.vector_load %arg8[%get3A_1417, %get3A_1418] {strides = array<i32>} : memref<128x128xf32, #tpu.memory_space<vmem>>, vector<16xf32>,
      %swap3A_1420 = arith.constant 3024 : index
      %swap3A_1421 = tpu.vector_load %arg10[%swap3A_1420] {strides = array<i32>} : memref<4096xf32, #tpu.memory_space<vmem>>, vector<16xf32>,
      tpu.vector_store %arg10[%swap3A_1420], %get3A_1419 {strides = array<i32>} : memref<4096xf32, #tpu.memory_space<vmem>>, vector<16xf32>,
      %get3A_1422 = arith.constant 95 : i32
      %get3A_1423 = arith.index_cast %get3A_1422 : i32 to index
      %get3A_1424 = arith.constant 0 : index
      %get3A_1425 = tpu.vector_load %arg8[%get3A_1423, %get3A_1424] {strides = array<i32>} : memref<128x128xf32, #tpu.memory_space<vmem>>, vector<16xf32>,
      %swap3A_1426 = arith.constant 3040 : index
      %swap3A_1427 = tpu.vector_load %arg10[%swap3A_1426] {strides = array<i32>} : memref<4096xf32, #tpu.memory_space<vmem>>, vector<16xf32>,
      tpu.vector_store %arg10[%swap3A_1426], %get3A_1425 {strides = array<i32>} : memref<4096xf32, #tpu.memory_space<vmem>>, vector<16xf32>,
      %get3A_1428 = arith.constant 95 : i32
      %get3A_1429 = arith.index_cast %get3A_1428 : i32 to index
      %get3A_1430 = arith.constant 16 : index
      %get3A_1431 = tpu.vector_load %arg8[%get3A_1429, %get3A_1430] {strides = array<i32>} : memref<128x128xf32, #tpu.memory_space<vmem>>, vector<16xf32>,
      %swap3A_1432 = arith.constant 3056 : index
      %swap3A_1433 = tpu.vector_load %arg10[%swap3A_1432] {strides = array<i32>} : memref<4096xf32, #tpu.memory_space<vmem>>, vector<16xf32>,
      tpu.vector_store %arg10[%swap3A_1432], %get3A_1431 {strides = array<i32>} : memref<4096xf32, #tpu.memory_space<vmem>>, vector<16xf32>,
      %get3A_1434 = arith.constant 96 : i32
      %get3A_1435 = arith.index_cast %get3A_1434 : i32 to index
      %get3A_1436 = arith.constant 0 : index
      %get3A_1437 = tpu.vector_load %arg8[%get3A_1435, %get3A_1436] {strides = array<i32>} : memref<128x128xf32, #tpu.memory_space<vmem>>, vector<16xf32>,
      %swap3A_1438 = arith.constant 3072 : index
      %swap3A_1439 = tpu.vector_load %arg10[%swap3A_1438] {strides = array<i32>} : memref<4096xf32, #tpu.memory_space<vmem>>, vector<16xf32>,
      tpu.vector_store %arg10[%swap3A_1438], %get3A_1437 {strides = array<i32>} : memref<4096xf32, #tpu.memory_space<vmem>>, vector<16xf32>,
      %get3A_1440 = arith.constant 96 : i32
      %get3A_1441 = arith.index_cast %get3A_1440 : i32 to index
      %get3A_1442 = arith.constant 16 : index
      %get3A_1443 = tpu.vector_load %arg8[%get3A_1441, %get3A_1442] {strides = array<i32>} : memref<128x128xf32, #tpu.memory_space<vmem>>, vector<16xf32>,
      %swap3A_1444 = arith.constant 3088 : index
      %swap3A_1445 = tpu.vector_load %arg10[%swap3A_1444] {strides = array<i32>} : memref<4096xf32, #tpu.memory_space<vmem>>, vector<16xf32>,
      tpu.vector_store %arg10[%swap3A_1444], %get3A_1443 {strides = array<i32>} : memref<4096xf32, #tpu.memory_space<vmem>>, vector<16xf32>,
      %get3A_1446 = arith.constant 97 : i32
      %get3A_1447 = arith.index_cast %get3A_1446 : i32 to index
      %get3A_1448 = arith.constant 0 : index
      %get3A_1449 = tpu.vector_load %arg8[%get3A_1447, %get3A_1448] {strides = array<i32>} : memref<128x128xf32, #tpu.memory_space<vmem>>, vector<16xf32>,
      %swap3A_1450 = arith.constant 3104 : index
      %swap3A_1451 = tpu.vector_load %arg10[%swap3A_1450] {strides = array<i32>} : memref<4096xf32, #tpu.memory_space<vmem>>, vector<16xf32>,
      tpu.vector_store %arg10[%swap3A_1450], %get3A_1449 {strides = array<i32>} : memref<4096xf32, #tpu.memory_space<vmem>>, vector<16xf32>,
      %get3A_1452 = arith.constant 97 : i32
      %get3A_1453 = arith.index_cast %get3A_1452 : i32 to index
      %get3A_1454 = arith.constant 16 : index
      %get3A_1455 = tpu.vector_load %arg8[%get3A_1453, %get3A_1454] {strides = array<i32>} : memref<128x128xf32, #tpu.memory_space<vmem>>, vector<16xf32>,
      %swap3A_1456 = arith.constant 3120 : index
      %swap3A_1457 = tpu.vector_load %arg10[%swap3A_1456] {strides = array<i32>} : memref<4096xf32, #tpu.memory_space<vmem>>, vector<16xf32>,
      tpu.vector_store %arg10[%swap3A_1456], %get3A_1455 {strides = array<i32>} : memref<4096xf32, #tpu.memory_space<vmem>>, vector<16xf32>,
      %get3A_1458 = arith.constant 98 : i32
      %get3A_1459 = arith.index_cast %get3A_1458 : i32 to index
      %get3A_1460 = arith.constant 0 : index
      %get3A_1461 = tpu.vector_load %arg8[%get3A_1459, %get3A_1460] {strides = array<i32>} : memref<128x128xf32, #tpu.memory_space<vmem>>, vector<16xf32>,
      %swap3A_1462 = arith.constant 3136 : index
      %swap3A_1463 = tpu.vector_load %arg10[%swap3A_1462] {strides = array<i32>} : memref<4096xf32, #tpu.memory_space<vmem>>, vector<16xf32>,
      tpu.vector_store %arg10[%swap3A_1462], %get3A_1461 {strides = array<i32>} : memref<4096xf32, #tpu.memory_space<vmem>>, vector<16xf32>,
      %get3A_1464 = arith.constant 98 : i32
      %get3A_1465 = arith.index_cast %get3A_1464 : i32 to index
      %get3A_1466 = arith.constant 16 : index
      %get3A_1467 = tpu.vector_load %arg8[%get3A_1465, %get3A_1466] {strides = array<i32>} : memref<128x128xf32, #tpu.memory_space<vmem>>, vector<16xf32>,
      %swap3A_1468 = arith.constant 3152 : index
      %swap3A_1469 = tpu.vector_load %arg10[%swap3A_1468] {strides = array<i32>} : memref<4096xf32, #tpu.memory_space<vmem>>, vector<16xf32>,
      tpu.vector_store %arg10[%swap3A_1468], %get3A_1467 {strides = array<i32>} : memref<4096xf32, #tpu.memory_space<vmem>>, vector<16xf32>,
      %get3A_1470 = arith.constant 99 : i32
      %get3A_1471 = arith.index_cast %get3A_1470 : i32 to index
      %get3A_1472 = arith.constant 0 : index
      %get3A_1473 = tpu.vector_load %arg8[%get3A_1471, %get3A_1472] {strides = array<i32>} : memref<128x128xf32, #tpu.memory_space<vmem>>, vector<16xf32>,
      %swap3A_1474 = arith.constant 3168 : index
      %swap3A_1475 = tpu.vector_load %arg10[%swap3A_1474] {strides = array<i32>} : memref<4096xf32, #tpu.memory_space<vmem>>, vector<16xf32>,
      tpu.vector_store %arg10[%swap3A_1474], %get3A_1473 {strides = array<i32>} : memref<4096xf32, #tpu.memory_space<vmem>>, vector<16xf32>,
      %get3A_1476 = arith.constant 99 : i32
      %get3A_1477 = arith.index_cast %get3A_1476 : i32 to index
      %get3A_1478 = arith.constant 16 : index
      %get3A_1479 = tpu.vector_load %arg8[%get3A_1477, %get3A_1478] {strides = array<i32>} : memref<128x128xf32, #tpu.memory_space<vmem>>, vector<16xf32>,
      %swap3A_1480 = arith.constant 3184 : index
      %swap3A_1481 = tpu.vector_load %arg10[%swap3A_1480] {strides = array<i32>} : memref<4096xf32, #tpu.memory_space<vmem>>, vector<16xf32>,
      tpu.vector_store %arg10[%swap3A_1480], %get3A_1479 {strides = array<i32>} : memref<4096xf32, #tpu.memory_space<vmem>>, vector<16xf32>,
      %get3A_1482 = arith.constant 100 : i32
      %get3A_1483 = arith.index_cast %get3A_1482 : i32 to index
      %get3A_1484 = arith.constant 0 : index
      %get3A_1485 = tpu.vector_load %arg8[%get3A_1483, %get3A_1484] {strides = array<i32>} : memref<128x128xf32, #tpu.memory_space<vmem>>, vector<16xf32>,
      %swap3A_1486 = arith.constant 3200 : index
      %swap3A_1487 = tpu.vector_load %arg10[%swap3A_1486] {strides = array<i32>} : memref<4096xf32, #tpu.memory_space<vmem>>, vector<16xf32>,
      tpu.vector_store %arg10[%swap3A_1486], %get3A_1485 {strides = array<i32>} : memref<4096xf32, #tpu.memory_space<vmem>>, vector<16xf32>,
      %get3A_1488 = arith.constant 100 : i32
      %get3A_1489 = arith.index_cast %get3A_1488 : i32 to index
      %get3A_1490 = arith.constant 16 : index
      %get3A_1491 = tpu.vector_load %arg8[%get3A_1489, %get3A_1490] {strides = array<i32>} : memref<128x128xf32, #tpu.memory_space<vmem>>, vector<16xf32>,
      %swap3A_1492 = arith.constant 3216 : index
      %swap3A_1493 = tpu.vector_load %arg10[%swap3A_1492] {strides = array<i32>} : memref<4096xf32, #tpu.memory_space<vmem>>, vector<16xf32>,
      tpu.vector_store %arg10[%swap3A_1492], %get3A_1491 {strides = array<i32>} : memref<4096xf32, #tpu.memory_space<vmem>>, vector<16xf32>,
      %get3A_1494 = arith.constant 101 : i32
      %get3A_1495 = arith.index_cast %get3A_1494 : i32 to index
      %get3A_1496 = arith.constant 0 : index
      %get3A_1497 = tpu.vector_load %arg8[%get3A_1495, %get3A_1496] {strides = array<i32>} : memref<128x128xf32, #tpu.memory_space<vmem>>, vector<16xf32>,
      %swap3A_1498 = arith.constant 3232 : index
      %swap3A_1499 = tpu.vector_load %arg10[%swap3A_1498] {strides = array<i32>} : memref<4096xf32, #tpu.memory_space<vmem>>, vector<16xf32>,
      tpu.vector_store %arg10[%swap3A_1498], %get3A_1497 {strides = array<i32>} : memref<4096xf32, #tpu.memory_space<vmem>>, vector<16xf32>,
      %get3A_1500 = arith.constant 101 : i32
      %get3A_1501 = arith.index_cast %get3A_1500 : i32 to index
      %get3A_1502 = arith.constant 16 : index
      %get3A_1503 = tpu.vector_load %arg8[%get3A_1501, %get3A_1502] {strides = array<i32>} : memref<128x128xf32, #tpu.memory_space<vmem>>, vector<16xf32>,
      %swap3A_1504 = arith.constant 3248 : index
      %swap3A_1505 = tpu.vector_load %arg10[%swap3A_1504] {strides = array<i32>} : memref<4096xf32, #tpu.memory_space<vmem>>, vector<16xf32>,
      tpu.vector_store %arg10[%swap3A_1504], %get3A_1503 {strides = array<i32>} : memref<4096xf32, #tpu.memory_space<vmem>>, vector<16xf32>,
      %get3A_1506 = arith.constant 102 : i32
      %get3A_1507 = arith.index_cast %get3A_1506 : i32 to index
      %get3A_1508 = arith.constant 0 : index
      %get3A_1509 = tpu.vector_load %arg8[%get3A_1507, %get3A_1508] {strides = array<i32>} : memref<128x128xf32, #tpu.memory_space<vmem>>, vector<16xf32>,
      %swap3A_1510 = arith.constant 3264 : index
      %swap3A_1511 = tpu.vector_load %arg10[%swap3A_1510] {strides = array<i32>} : memref<4096xf32, #tpu.memory_space<vmem>>, vector<16xf32>,
      tpu.vector_store %arg10[%swap3A_1510], %get3A_1509 {strides = array<i32>} : memref<4096xf32, #tpu.memory_space<vmem>>, vector<16xf32>,
      %get3A_1512 = arith.constant 102 : i32
      %get3A_1513 = arith.index_cast %get3A_1512 : i32 to index
      %get3A_1514 = arith.constant 16 : index
      %get3A_1515 = tpu.vector_load %arg8[%get3A_1513, %get3A_1514] {strides = array<i32>} : memref<128x128xf32, #tpu.memory_space<vmem>>, vector<16xf32>,
      %swap3A_1516 = arith.constant 3280 : index
      %swap3A_1517 = tpu.vector_load %arg10[%swap3A_1516] {strides = array<i32>} : memref<4096xf32, #tpu.memory_space<vmem>>, vector<16xf32>,
      tpu.vector_store %arg10[%swap3A_1516], %get3A_1515 {strides = array<i32>} : memref<4096xf32, #tpu.memory_space<vmem>>, vector<16xf32>,
      %get3A_1518 = arith.constant 103 : i32
      %get3A_1519 = arith.index_cast %get3A_1518 : i32 to index
      %get3A_1520 = arith.constant 0 : index
      %get3A_1521 = tpu.vector_load %arg8[%get3A_1519, %get3A_1520] {strides = array<i32>} : memref<128x128xf32, #tpu.memory_space<vmem>>, vector<16xf32>,
      %swap3A_1522 = arith.constant 3296 : index
      %swap3A_1523 = tpu.vector_load %arg10[%swap3A_1522] {strides = array<i32>} : memref<4096xf32, #tpu.memory_space<vmem>>, vector<16xf32>,
      tpu.vector_store %arg10[%swap3A_1522], %get3A_1521 {strides = array<i32>} : memref<4096xf32, #tpu.memory_space<vmem>>, vector<16xf32>,
      %get3A_1524 = arith.constant 103 : i32
      %get3A_1525 = arith.index_cast %get3A_1524 : i32 to index
      %get3A_1526 = arith.constant 16 : index
      %get3A_1527 = tpu.vector_load %arg8[%get3A_1525, %get3A_1526] {strides = array<i32>} : memref<128x128xf32, #tpu.memory_space<vmem>>, vector<16xf32>,
      %swap3A_1528 = arith.constant 3312 : index
      %swap3A_1529 = tpu.vector_load %arg10[%swap3A_1528] {strides = array<i32>} : memref<4096xf32, #tpu.memory_space<vmem>>, vector<16xf32>,
      tpu.vector_store %arg10[%swap3A_1528], %get3A_1527 {strides = array<i32>} : memref<4096xf32, #tpu.memory_space<vmem>>, vector<16xf32>,
      %get3A_1530 = arith.constant 104 : i32
      %get3A_1531 = arith.index_cast %get3A_1530 : i32 to index
      %get3A_1532 = arith.constant 0 : index
      %get3A_1533 = tpu.vector_load %arg8[%get3A_1531, %get3A_1532] {strides = array<i32>} : memref<128x128xf32, #tpu.memory_space<vmem>>, vector<16xf32>,
      %swap3A_1534 = arith.constant 3328 : index
      %swap3A_1535 = tpu.vector_load %arg10[%swap3A_1534] {strides = array<i32>} : memref<4096xf32, #tpu.memory_space<vmem>>, vector<16xf32>,
      tpu.vector_store %arg10[%swap3A_1534], %get3A_1533 {strides = array<i32>} : memref<4096xf32, #tpu.memory_space<vmem>>, vector<16xf32>,
      %get3A_1536 = arith.constant 104 : i32
      %get3A_1537 = arith.index_cast %get3A_1536 : i32 to index
      %get3A_1538 = arith.constant 16 : index
      %get3A_1539 = tpu.vector_load %arg8[%get3A_1537, %get3A_1538] {strides = array<i32>} : memref<128x128xf32, #tpu.memory_space<vmem>>, vector<16xf32>,
      %swap3A_1540 = arith.constant 3344 : index
      %swap3A_1541 = tpu.vector_load %arg10[%swap3A_1540] {strides = array<i32>} : memref<4096xf32, #tpu.memory_space<vmem>>, vector<16xf32>,
      tpu.vector_store %arg10[%swap3A_1540], %get3A_1539 {strides = array<i32>} : memref<4096xf32, #tpu.memory_space<vmem>>, vector<16xf32>,
      %get3A_1542 = arith.constant 105 : i32
      %get3A_1543 = arith.index_cast %get3A_1542 : i32 to index
      %get3A_1544 = arith.constant 0 : index
      %get3A_1545 = tpu.vector_load %arg8[%get3A_1543, %get3A_1544] {strides = array<i32>} : memref<128x128xf32, #tpu.memory_space<vmem>>, vector<16xf32>,
      %swap3A_1546 = arith.constant 3360 : index
      %swap3A_1547 = tpu.vector_load %arg10[%swap3A_1546] {strides = array<i32>} : memref<4096xf32, #tpu.memory_space<vmem>>, vector<16xf32>,
      tpu.vector_store %arg10[%swap3A_1546], %get3A_1545 {strides = array<i32>} : memref<4096xf32, #tpu.memory_space<vmem>>, vector<16xf32>,
      %get3A_1548 = arith.constant 105 : i32
      %get3A_1549 = arith.index_cast %get3A_1548 : i32 to index
      %get3A_1550 = arith.constant 16 : index
      %get3A_1551 = tpu.vector_load %arg8[%get3A_1549, %get3A_1550] {strides = array<i32>} : memref<128x128xf32, #tpu.memory_space<vmem>>, vector<16xf32>,
      %swap3A_1552 = arith.constant 3376 : index
      %swap3A_1553 = tpu.vector_load %arg10[%swap3A_1552] {strides = array<i32>} : memref<4096xf32, #tpu.memory_space<vmem>>, vector<16xf32>,
      tpu.vector_store %arg10[%swap3A_1552], %get3A_1551 {strides = array<i32>} : memref<4096xf32, #tpu.memory_space<vmem>>, vector<16xf32>,
      %get3A_1554 = arith.constant 106 : i32
      %get3A_1555 = arith.index_cast %get3A_1554 : i32 to index
      %get3A_1556 = arith.constant 0 : index
      %get3A_1557 = tpu.vector_load %arg8[%get3A_1555, %get3A_1556] {strides = array<i32>} : memref<128x128xf32, #tpu.memory_space<vmem>>, vector<16xf32>,
      %swap3A_1558 = arith.constant 3392 : index
      %swap3A_1559 = tpu.vector_load %arg10[%swap3A_1558] {strides = array<i32>} : memref<4096xf32, #tpu.memory_space<vmem>>, vector<16xf32>,
      tpu.vector_store %arg10[%swap3A_1558], %get3A_1557 {strides = array<i32>} : memref<4096xf32, #tpu.memory_space<vmem>>, vector<16xf32>,
      %get3A_1560 = arith.constant 106 : i32
      %get3A_1561 = arith.index_cast %get3A_1560 : i32 to index
      %get3A_1562 = arith.constant 16 : index
      %get3A_1563 = tpu.vector_load %arg8[%get3A_1561, %get3A_1562] {strides = array<i32>} : memref<128x128xf32, #tpu.memory_space<vmem>>, vector<16xf32>,
      %swap3A_1564 = arith.constant 3408 : index
      %swap3A_1565 = tpu.vector_load %arg10[%swap3A_1564] {strides = array<i32>} : memref<4096xf32, #tpu.memory_space<vmem>>, vector<16xf32>,
      tpu.vector_store %arg10[%swap3A_1564], %get3A_1563 {strides = array<i32>} : memref<4096xf32, #tpu.memory_space<vmem>>, vector<16xf32>,
      %get3A_1566 = arith.constant 107 : i32
      %get3A_1567 = arith.index_cast %get3A_1566 : i32 to index
      %get3A_1568 = arith.constant 0 : index
      %get3A_1569 = tpu.vector_load %arg8[%get3A_1567, %get3A_1568] {strides = array<i32>} : memref<128x128xf32, #tpu.memory_space<vmem>>, vector<16xf32>,
      %swap3A_1570 = arith.constant 3424 : index
      %swap3A_1571 = tpu.vector_load %arg10[%swap3A_1570] {strides = array<i32>} : memref<4096xf32, #tpu.memory_space<vmem>>, vector<16xf32>,
      tpu.vector_store %arg10[%swap3A_1570], %get3A_1569 {strides = array<i32>} : memref<4096xf32, #tpu.memory_space<vmem>>, vector<16xf32>,
      %get3A_1572 = arith.constant 107 : i32
      %get3A_1573 = arith.index_cast %get3A_1572 : i32 to index
      %get3A_1574 = arith.constant 16 : index
      %get3A_1575 = tpu.vector_load %arg8[%get3A_1573, %get3A_1574] {strides = array<i32>} : memref<128x128xf32, #tpu.memory_space<vmem>>, vector<16xf32>,
      %swap3A_1576 = arith.constant 3440 : index
      %swap3A_1577 = tpu.vector_load %arg10[%swap3A_1576] {strides = array<i32>} : memref<4096xf32, #tpu.memory_space<vmem>>, vector<16xf32>,
      tpu.vector_store %arg10[%swap3A_1576], %get3A_1575 {strides = array<i32>} : memref<4096xf32, #tpu.memory_space<vmem>>, vector<16xf32>,
      %get3A_1578 = arith.constant 108 : i32
      %get3A_1579 = arith.index_cast %get3A_1578 : i32 to index
      %get3A_1580 = arith.constant 0 : index
      %get3A_1581 = tpu.vector_load %arg8[%get3A_1579, %get3A_1580] {strides = array<i32>} : memref<128x128xf32, #tpu.memory_space<vmem>>, vector<16xf32>,
      %swap3A_1582 = arith.constant 3456 : index
      %swap3A_1583 = tpu.vector_load %arg10[%swap3A_1582] {strides = array<i32>} : memref<4096xf32, #tpu.memory_space<vmem>>, vector<16xf32>,
      tpu.vector_store %arg10[%swap3A_1582], %get3A_1581 {strides = array<i32>} : memref<4096xf32, #tpu.memory_space<vmem>>, vector<16xf32>,
      %get3A_1584 = arith.constant 108 : i32
      %get3A_1585 = arith.index_cast %get3A_1584 : i32 to index
      %get3A_1586 = arith.constant 16 : index
      %get3A_1587 = tpu.vector_load %arg8[%get3A_1585, %get3A_1586] {strides = array<i32>} : memref<128x128xf32, #tpu.memory_space<vmem>>, vector<16xf32>,
      %swap3A_1588 = arith.constant 3472 : index
      %swap3A_1589 = tpu.vector_load %arg10[%swap3A_1588] {strides = array<i32>} : memref<4096xf32, #tpu.memory_space<vmem>>, vector<16xf32>,
      tpu.vector_store %arg10[%swap3A_1588], %get3A_1587 {strides = array<i32>} : memref<4096xf32, #tpu.memory_space<vmem>>, vector<16xf32>,
      %get3A_1590 = arith.constant 109 : i32
      %get3A_1591 = arith.index_cast %get3A_1590 : i32 to index
      %get3A_1592 = arith.constant 0 : index
      %get3A_1593 = tpu.vector_load %arg8[%get3A_1591, %get3A_1592] {strides = array<i32>} : memref<128x128xf32, #tpu.memory_space<vmem>>, vector<16xf32>,
      %swap3A_1594 = arith.constant 3488 : index
      %swap3A_1595 = tpu.vector_load %arg10[%swap3A_1594] {strides = array<i32>} : memref<4096xf32, #tpu.memory_space<vmem>>, vector<16xf32>,
      tpu.vector_store %arg10[%swap3A_1594], %get3A_1593 {strides = array<i32>} : memref<4096xf32, #tpu.memory_space<vmem>>, vector<16xf32>,
      %get3A_1596 = arith.constant 109 : i32
      %get3A_1597 = arith.index_cast %get3A_1596 : i32 to index
      %get3A_1598 = arith.constant 16 : index
      %get3A_1599 = tpu.vector_load %arg8[%get3A_1597, %get3A_1598] {strides = array<i32>} : memref<128x128xf32, #tpu.memory_space<vmem>>, vector<16xf32>,
      %swap3A_1600 = arith.constant 3504 : index
      %swap3A_1601 = tpu.vector_load %arg10[%swap3A_1600] {strides = array<i32>} : memref<4096xf32, #tpu.memory_space<vmem>>, vector<16xf32>,
      tpu.vector_store %arg10[%swap3A_1600], %get3A_1599 {strides = array<i32>} : memref<4096xf32, #tpu.memory_space<vmem>>, vector<16xf32>,
      %get3A_1602 = arith.constant 110 : i32
      %get3A_1603 = arith.index_cast %get3A_1602 : i32 to index
      %get3A_1604 = arith.constant 0 : index
      %get3A_1605 = tpu.vector_load %arg8[%get3A_1603, %get3A_1604] {strides = array<i32>} : memref<128x128xf32, #tpu.memory_space<vmem>>, vector<16xf32>,
      %swap3A_1606 = arith.constant 3520 : index
      %swap3A_1607 = tpu.vector_load %arg10[%swap3A_1606] {strides = array<i32>} : memref<4096xf32, #tpu.memory_space<vmem>>, vector<16xf32>,
      tpu.vector_store %arg10[%swap3A_1606], %get3A_1605 {strides = array<i32>} : memref<4096xf32, #tpu.memory_space<vmem>>, vector<16xf32>,
      %get3A_1608 = arith.constant 110 : i32
      %get3A_1609 = arith.index_cast %get3A_1608 : i32 to index
      %get3A_1610 = arith.constant 16 : index
      %get3A_1611 = tpu.vector_load %arg8[%get3A_1609, %get3A_1610] {strides = array<i32>} : memref<128x128xf32, #tpu.memory_space<vmem>>, vector<16xf32>,
      %swap3A_1612 = arith.constant 3536 : index
      %swap3A_1613 = tpu.vector_load %arg10[%swap3A_1612] {strides = array<i32>} : memref<4096xf32, #tpu.memory_space<vmem>>, vector<16xf32>,
      tpu.vector_store %arg10[%swap3A_1612], %get3A_1611 {strides = array<i32>} : memref<4096xf32, #tpu.memory_space<vmem>>, vector<16xf32>,
      %get3A_1614 = arith.constant 111 : i32
      %get3A_1615 = arith.index_cast %get3A_1614 : i32 to index
      %get3A_1616 = arith.constant 0 : index
      %get3A_1617 = tpu.vector_load %arg8[%get3A_1615, %get3A_1616] {strides = array<i32>} : memref<128x128xf32, #tpu.memory_space<vmem>>, vector<16xf32>,
      %swap3A_1618 = arith.constant 3552 : index
      %swap3A_1619 = tpu.vector_load %arg10[%swap3A_1618] {strides = array<i32>} : memref<4096xf32, #tpu.memory_space<vmem>>, vector<16xf32>,
      tpu.vector_store %arg10[%swap3A_1618], %get3A_1617 {strides = array<i32>} : memref<4096xf32, #tpu.memory_space<vmem>>, vector<16xf32>,
      %get3A_1620 = arith.constant 111 : i32
      %get3A_1621 = arith.index_cast %get3A_1620 : i32 to index
      %get3A_1622 = arith.constant 16 : index
      %get3A_1623 = tpu.vector_load %arg8[%get3A_1621, %get3A_1622] {strides = array<i32>} : memref<128x128xf32, #tpu.memory_space<vmem>>, vector<16xf32>,
      %swap3A_1624 = arith.constant 3568 : index
      %swap3A_1625 = tpu.vector_load %arg10[%swap3A_1624] {strides = array<i32>} : memref<4096xf32, #tpu.memory_space<vmem>>, vector<16xf32>,
      tpu.vector_store %arg10[%swap3A_1624], %get3A_1623 {strides = array<i32>} : memref<4096xf32, #tpu.memory_space<vmem>>, vector<16xf32>,
      %get3A_1626 = arith.constant 112 : i32
      %get3A_1627 = arith.index_cast %get3A_1626 : i32 to index
      %get3A_1628 = arith.constant 0 : index
      %get3A_1629 = tpu.vector_load %arg8[%get3A_1627, %get3A_1628] {strides = array<i32>} : memref<128x128xf32, #tpu.memory_space<vmem>>, vector<16xf32>,
      %swap3A_1630 = arith.constant 3584 : index
      %swap3A_1631 = tpu.vector_load %arg10[%swap3A_1630] {strides = array<i32>} : memref<4096xf32, #tpu.memory_space<vmem>>, vector<16xf32>,
      tpu.vector_store %arg10[%swap3A_1630], %get3A_1629 {strides = array<i32>} : memref<4096xf32, #tpu.memory_space<vmem>>, vector<16xf32>,
      %get3A_1632 = arith.constant 112 : i32
      %get3A_1633 = arith.index_cast %get3A_1632 : i32 to index
      %get3A_1634 = arith.constant 16 : index
      %get3A_1635 = tpu.vector_load %arg8[%get3A_1633, %get3A_1634] {strides = array<i32>} : memref<128x128xf32, #tpu.memory_space<vmem>>, vector<16xf32>,
      %swap3A_1636 = arith.constant 3600 : index
      %swap3A_1637 = tpu.vector_load %arg10[%swap3A_1636] {strides = array<i32>} : memref<4096xf32, #tpu.memory_space<vmem>>, vector<16xf32>,
      tpu.vector_store %arg10[%swap3A_1636], %get3A_1635 {strides = array<i32>} : memref<4096xf32, #tpu.memory_space<vmem>>, vector<16xf32>,
      %get3A_1638 = arith.constant 113 : i32
      %get3A_1639 = arith.index_cast %get3A_1638 : i32 to index
      %get3A_1640 = arith.constant 0 : index
      %get3A_1641 = tpu.vector_load %arg8[%get3A_1639, %get3A_1640] {strides = array<i32>} : memref<128x128xf32, #tpu.memory_space<vmem>>, vector<16xf32>,
      %swap3A_1642 = arith.constant 3616 : index
      %swap3A_1643 = tpu.vector_load %arg10[%swap3A_1642] {strides = array<i32>} : memref<4096xf32, #tpu.memory_space<vmem>>, vector<16xf32>,
      tpu.vector_store %arg10[%swap3A_1642], %get3A_1641 {strides = array<i32>} : memref<4096xf32, #tpu.memory_space<vmem>>, vector<16xf32>,
      %get3A_1644 = arith.constant 113 : i32
      %get3A_1645 = arith.index_cast %get3A_1644 : i32 to index
      %get3A_1646 = arith.constant 16 : index
      %get3A_1647 = tpu.vector_load %arg8[%get3A_1645, %get3A_1646] {strides = array<i32>} : memref<128x128xf32, #tpu.memory_space<vmem>>, vector<16xf32>,
      %swap3A_1648 = arith.constant 3632 : index
      %swap3A_1649 = tpu.vector_load %arg10[%swap3A_1648] {strides = array<i32>} : memref<4096xf32, #tpu.memory_space<vmem>>, vector<16xf32>,
      tpu.vector_store %arg10[%swap3A_1648], %get3A_1647 {strides = array<i32>} : memref<4096xf32, #tpu.memory_space<vmem>>, vector<16xf32>,
      %get3A_1650 = arith.constant 114 : i32
      %get3A_1651 = arith.index_cast %get3A_1650 : i32 to index
      %get3A_1652 = arith.constant 0 : index
      %get3A_1653 = tpu.vector_load %arg8[%get3A_1651, %get3A_1652] {strides = array<i32>} : memref<128x128xf32, #tpu.memory_space<vmem>>, vector<16xf32>,
      %swap3A_1654 = arith.constant 3648 : index
      %swap3A_1655 = tpu.vector_load %arg10[%swap3A_1654] {strides = array<i32>} : memref<4096xf32, #tpu.memory_space<vmem>>, vector<16xf32>,
      tpu.vector_store %arg10[%swap3A_1654], %get3A_1653 {strides = array<i32>} : memref<4096xf32, #tpu.memory_space<vmem>>, vector<16xf32>,
      %get3A_1656 = arith.constant 114 : i32
      %get3A_1657 = arith.index_cast %get3A_1656 : i32 to index
      %get3A_1658 = arith.constant 16 : index
      %get3A_1659 = tpu.vector_load %arg8[%get3A_1657, %get3A_1658] {strides = array<i32>} : memref<128x128xf32, #tpu.memory_space<vmem>>, vector<16xf32>,
      %swap3A_1660 = arith.constant 3664 : index
      %swap3A_1661 = tpu.vector_load %arg10[%swap3A_1660] {strides = array<i32>} : memref<4096xf32, #tpu.memory_space<vmem>>, vector<16xf32>,
      tpu.vector_store %arg10[%swap3A_1660], %get3A_1659 {strides = array<i32>} : memref<4096xf32, #tpu.memory_space<vmem>>, vector<16xf32>,
      %get3A_1662 = arith.constant 115 : i32
      %get3A_1663 = arith.index_cast %get3A_1662 : i32 to index
      %get3A_1664 = arith.constant 0 : index
      %get3A_1665 = tpu.vector_load %arg8[%get3A_1663, %get3A_1664] {strides = array<i32>} : memref<128x128xf32, #tpu.memory_space<vmem>>, vector<16xf32>,
      %swap3A_1666 = arith.constant 3680 : index
      %swap3A_1667 = tpu.vector_load %arg10[%swap3A_1666] {strides = array<i32>} : memref<4096xf32, #tpu.memory_space<vmem>>, vector<16xf32>,
      tpu.vector_store %arg10[%swap3A_1666], %get3A_1665 {strides = array<i32>} : memref<4096xf32, #tpu.memory_space<vmem>>, vector<16xf32>,
      %get3A_1668 = arith.constant 115 : i32
      %get3A_1669 = arith.index_cast %get3A_1668 : i32 to index
      %get3A_1670 = arith.constant 16 : index
      %get3A_1671 = tpu.vector_load %arg8[%get3A_1669, %get3A_1670] {strides = array<i32>} : memref<128x128xf32, #tpu.memory_space<vmem>>, vector<16xf32>,
      %swap3A_1672 = arith.constant 3696 : index
      %swap3A_1673 = tpu.vector_load %arg10[%swap3A_1672] {strides = array<i32>} : memref<4096xf32, #tpu.memory_space<vmem>>, vector<16xf32>,
      tpu.vector_store %arg10[%swap3A_1672], %get3A_1671 {strides = array<i32>} : memref<4096xf32, #tpu.memory_space<vmem>>, vector<16xf32>,
      %get3A_1674 = arith.constant 116 : i32
      %get3A_1675 = arith.index_cast %get3A_1674 : i32 to index
      %get3A_1676 = arith.constant 0 : index
      %get3A_1677 = tpu.vector_load %arg8[%get3A_1675, %get3A_1676] {strides = array<i32>} : memref<128x128xf32, #tpu.memory_space<vmem>>, vector<16xf32>,
      %swap3A_1678 = arith.constant 3712 : index
      %swap3A_1679 = tpu.vector_load %arg10[%swap3A_1678] {strides = array<i32>} : memref<4096xf32, #tpu.memory_space<vmem>>, vector<16xf32>,
      tpu.vector_store %arg10[%swap3A_1678], %get3A_1677 {strides = array<i32>} : memref<4096xf32, #tpu.memory_space<vmem>>, vector<16xf32>,
      %get3A_1680 = arith.constant 116 : i32
      %get3A_1681 = arith.index_cast %get3A_1680 : i32 to index
      %get3A_1682 = arith.constant 16 : index
      %get3A_1683 = tpu.vector_load %arg8[%get3A_1681, %get3A_1682] {strides = array<i32>} : memref<128x128xf32, #tpu.memory_space<vmem>>, vector<16xf32>,
      %swap3A_1684 = arith.constant 3728 : index
      %swap3A_1685 = tpu.vector_load %arg10[%swap3A_1684] {strides = array<i32>} : memref<4096xf32, #tpu.memory_space<vmem>>, vector<16xf32>,
      tpu.vector_store %arg10[%swap3A_1684], %get3A_1683 {strides = array<i32>} : memref<4096xf32, #tpu.memory_space<vmem>>, vector<16xf32>,
      %get3A_1686 = arith.constant 117 : i32
      %get3A_1687 = arith.index_cast %get3A_1686 : i32 to index
      %get3A_1688 = arith.constant 0 : index
      %get3A_1689 = tpu.vector_load %arg8[%get3A_1687, %get3A_1688] {strides = array<i32>} : memref<128x128xf32, #tpu.memory_space<vmem>>, vector<16xf32>,
      %swap3A_1690 = arith.constant 3744 : index
      %swap3A_1691 = tpu.vector_load %arg10[%swap3A_1690] {strides = array<i32>} : memref<4096xf32, #tpu.memory_space<vmem>>, vector<16xf32>,
      tpu.vector_store %arg10[%swap3A_1690], %get3A_1689 {strides = array<i32>} : memref<4096xf32, #tpu.memory_space<vmem>>, vector<16xf32>,
      %get3A_1692 = arith.constant 117 : i32
      %get3A_1693 = arith.index_cast %get3A_1692 : i32 to index
      %get3A_1694 = arith.constant 16 : index
      %get3A_1695 = tpu.vector_load %arg8[%get3A_1693, %get3A_1694] {strides = array<i32>} : memref<128x128xf32, #tpu.memory_space<vmem>>, vector<16xf32>,
      %swap3A_1696 = arith.constant 3760 : index
      %swap3A_1697 = tpu.vector_load %arg10[%swap3A_1696] {strides = array<i32>} : memref<4096xf32, #tpu.memory_space<vmem>>, vector<16xf32>,
      tpu.vector_store %arg10[%swap3A_1696], %get3A_1695 {strides = array<i32>} : memref<4096xf32, #tpu.memory_space<vmem>>, vector<16xf32>,
      %get3A_1698 = arith.constant 118 : i32
      %get3A_1699 = arith.index_cast %get3A_1698 : i32 to index
      %get3A_1700 = arith.constant 0 : index
      %get3A_1701 = tpu.vector_load %arg8[%get3A_1699, %get3A_1700] {strides = array<i32>} : memref<128x128xf32, #tpu.memory_space<vmem>>, vector<16xf32>,
      %swap3A_1702 = arith.constant 3776 : index
      %swap3A_1703 = tpu.vector_load %arg10[%swap3A_1702] {strides = array<i32>} : memref<4096xf32, #tpu.memory_space<vmem>>, vector<16xf32>,
      tpu.vector_store %arg10[%swap3A_1702], %get3A_1701 {strides = array<i32>} : memref<4096xf32, #tpu.memory_space<vmem>>, vector<16xf32>,
      %get3A_1704 = arith.constant 118 : i32
      %get3A_1705 = arith.index_cast %get3A_1704 : i32 to index
      %get3A_1706 = arith.constant 16 : index
      %get3A_1707 = tpu.vector_load %arg8[%get3A_1705, %get3A_1706] {strides = array<i32>} : memref<128x128xf32, #tpu.memory_space<vmem>>, vector<16xf32>,
      %swap3A_1708 = arith.constant 3792 : index
      %swap3A_1709 = tpu.vector_load %arg10[%swap3A_1708] {strides = array<i32>} : memref<4096xf32, #tpu.memory_space<vmem>>, vector<16xf32>,
      tpu.vector_store %arg10[%swap3A_1708], %get3A_1707 {strides = array<i32>} : memref<4096xf32, #tpu.memory_space<vmem>>, vector<16xf32>,
      %get3A_1710 = arith.constant 119 : i32
      %get3A_1711 = arith.index_cast %get3A_1710 : i32 to index
      %get3A_1712 = arith.constant 0 : index
      %get3A_1713 = tpu.vector_load %arg8[%get3A_1711, %get3A_1712] {strides = array<i32>} : memref<128x128xf32, #tpu.memory_space<vmem>>, vector<16xf32>,
      %swap3A_1714 = arith.constant 3808 : index
      %swap3A_1715 = tpu.vector_load %arg10[%swap3A_1714] {strides = array<i32>} : memref<4096xf32, #tpu.memory_space<vmem>>, vector<16xf32>,
      tpu.vector_store %arg10[%swap3A_1714], %get3A_1713 {strides = array<i32>} : memref<4096xf32, #tpu.memory_space<vmem>>, vector<16xf32>,
      %get3A_1716 = arith.constant 119 : i32
      %get3A_1717 = arith.index_cast %get3A_1716 : i32 to index
      %get3A_1718 = arith.constant 16 : index
      %get3A_1719 = tpu.vector_load %arg8[%get3A_1717, %get3A_1718] {strides = array<i32>} : memref<128x128xf32, #tpu.memory_space<vmem>>, vector<16xf32>,
      %swap3A_1720 = arith.constant 3824 : index
      %swap3A_1721 = tpu.vector_load %arg10[%swap3A_1720] {strides = array<i32>} : memref<4096xf32, #tpu.memory_space<vmem>>, vector<16xf32>,
      tpu.vector_store %arg10[%swap3A_1720], %get3A_1719 {strides = array<i32>} : memref<4096xf32, #tpu.memory_space<vmem>>, vector<16xf32>,
      %get3A_1722 = arith.constant 120 : i32
      %get3A_1723 = arith.index_cast %get3A_1722 : i32 to index
      %get3A_1724 = arith.constant 0 : index
      %get3A_1725 = tpu.vector_load %arg8[%get3A_1723, %get3A_1724] {strides = array<i32>} : memref<128x128xf32, #tpu.memory_space<vmem>>, vector<16xf32>,
      %swap3A_1726 = arith.constant 3840 : index
      %swap3A_1727 = tpu.vector_load %arg10[%swap3A_1726] {strides = array<i32>} : memref<4096xf32, #tpu.memory_space<vmem>>, vector<16xf32>,
      tpu.vector_store %arg10[%swap3A_1726], %get3A_1725 {strides = array<i32>} : memref<4096xf32, #tpu.memory_space<vmem>>, vector<16xf32>,
      %get3A_1728 = arith.constant 120 : i32
      %get3A_1729 = arith.index_cast %get3A_1728 : i32 to index
      %get3A_1730 = arith.constant 16 : index
      %get3A_1731 = tpu.vector_load %arg8[%get3A_1729, %get3A_1730] {strides = array<i32>} : memref<128x128xf32, #tpu.memory_space<vmem>>, vector<16xf32>,
      %swap3A_1732 = arith.constant 3856 : index
      %swap3A_1733 = tpu.vector_load %arg10[%swap3A_1732] {strides = array<i32>} : memref<4096xf32, #tpu.memory_space<vmem>>, vector<16xf32>,
      tpu.vector_store %arg10[%swap3A_1732], %get3A_1731 {strides = array<i32>} : memref<4096xf32, #tpu.memory_space<vmem>>, vector<16xf32>,
      %get3A_1734 = arith.constant 121 : i32
      %get3A_1735 = arith.index_cast %get3A_1734 : i32 to index
      %get3A_1736 = arith.constant 0 : index
      %get3A_1737 = tpu.vector_load %arg8[%get3A_1735, %get3A_1736] {strides = array<i32>} : memref<128x128xf32, #tpu.memory_space<vmem>>, vector<16xf32>,
      %swap3A_1738 = arith.constant 3872 : index
      %swap3A_1739 = tpu.vector_load %arg10[%swap3A_1738] {strides = array<i32>} : memref<4096xf32, #tpu.memory_space<vmem>>, vector<16xf32>,
      tpu.vector_store %arg10[%swap3A_1738], %get3A_1737 {strides = array<i32>} : memref<4096xf32, #tpu.memory_space<vmem>>, vector<16xf32>,
      %get3A_1740 = arith.constant 121 : i32
      %get3A_1741 = arith.index_cast %get3A_1740 : i32 to index
      %get3A_1742 = arith.constant 16 : index
      %get3A_1743 = tpu.vector_load %arg8[%get3A_1741, %get3A_1742] {strides = array<i32>} : memref<128x128xf32, #tpu.memory_space<vmem>>, vector<16xf32>,
      %swap3A_1744 = arith.constant 3888 : index
      %swap3A_1745 = tpu.vector_load %arg10[%swap3A_1744] {strides = array<i32>} : memref<4096xf32, #tpu.memory_space<vmem>>, vector<16xf32>,
      tpu.vector_store %arg10[%swap3A_1744], %get3A_1743 {strides = array<i32>} : memref<4096xf32, #tpu.memory_space<vmem>>, vector<16xf32>,
      %get3A_1746 = arith.constant 122 : i32
      %get3A_1747 = arith.index_cast %get3A_1746 : i32 to index
      %get3A_1748 = arith.constant 0 : index
      %get3A_1749 = tpu.vector_load %arg8[%get3A_1747, %get3A_1748] {strides = array<i32>} : memref<128x128xf32, #tpu.memory_space<vmem>>, vector<16xf32>,
      %swap3A_1750 = arith.constant 3904 : index
      %swap3A_1751 = tpu.vector_load %arg10[%swap3A_1750] {strides = array<i32>} : memref<4096xf32, #tpu.memory_space<vmem>>, vector<16xf32>,
      tpu.vector_store %arg10[%swap3A_1750], %get3A_1749 {strides = array<i32>} : memref<4096xf32, #tpu.memory_space<vmem>>, vector<16xf32>,
      %get3A_1752 = arith.constant 122 : i32
      %get3A_1753 = arith.index_cast %get3A_1752 : i32 to index
      %get3A_1754 = arith.constant 16 : index
      %get3A_1755 = tpu.vector_load %arg8[%get3A_1753, %get3A_1754] {strides = array<i32>} : memref<128x128xf32, #tpu.memory_space<vmem>>, vector<16xf32>,
      %swap3A_1756 = arith.constant 3920 : index
      %swap3A_1757 = tpu.vector_load %arg10[%swap3A_1756] {strides = array<i32>} : memref<4096xf32, #tpu.memory_space<vmem>>, vector<16xf32>,
      tpu.vector_store %arg10[%swap3A_1756], %get3A_1755 {strides = array<i32>} : memref<4096xf32, #tpu.memory_space<vmem>>, vector<16xf32>,
      %get3A_1758 = arith.constant 123 : i32
      %get3A_1759 = arith.index_cast %get3A_1758 : i32 to index
      %get3A_1760 = arith.constant 0 : index
      %get3A_1761 = tpu.vector_load %arg8[%get3A_1759, %get3A_1760] {strides = array<i32>} : memref<128x128xf32, #tpu.memory_space<vmem>>, vector<16xf32>,
      %swap3A_1762 = arith.constant 3936 : index
      %swap3A_1763 = tpu.vector_load %arg10[%swap3A_1762] {strides = array<i32>} : memref<4096xf32, #tpu.memory_space<vmem>>, vector<16xf32>,
      tpu.vector_store %arg10[%swap3A_1762], %get3A_1761 {strides = array<i32>} : memref<4096xf32, #tpu.memory_space<vmem>>, vector<16xf32>,
      %get3A_1764 = arith.constant 123 : i32
      %get3A_1765 = arith.index_cast %get3A_1764 : i32 to index
      %get3A_1766 = arith.constant 16 : index
      %get3A_1767 = tpu.vector_load %arg8[%get3A_1765, %get3A_1766] {strides = array<i32>} : memref<128x128xf32, #tpu.memory_space<vmem>>, vector<16xf32>,
      %swap3A_1768 = arith.constant 3952 : index
      %swap3A_1769 = tpu.vector_load %arg10[%swap3A_1768] {strides = array<i32>} : memref<4096xf32, #tpu.memory_space<vmem>>, vector<16xf32>,
      tpu.vector_store %arg10[%swap3A_1768], %get3A_1767 {strides = array<i32>} : memref<4096xf32, #tpu.memory_space<vmem>>, vector<16xf32>,
      %get3A_1770 = arith.constant 124 : i32
      %get3A_1771 = arith.index_cast %get3A_1770 : i32 to index
      %get3A_1772 = arith.constant 0 : index
      %get3A_1773 = tpu.vector_load %arg8[%get3A_1771, %get3A_1772] {strides = array<i32>} : memref<128x128xf32, #tpu.memory_space<vmem>>, vector<16xf32>,
      %swap3A_1774 = arith.constant 3968 : index
      %swap3A_1775 = tpu.vector_load %arg10[%swap3A_1774] {strides = array<i32>} : memref<4096xf32, #tpu.memory_space<vmem>>, vector<16xf32>,
      tpu.vector_store %arg10[%swap3A_1774], %get3A_1773 {strides = array<i32>} : memref<4096xf32, #tpu.memory_space<vmem>>, vector<16xf32>,
      %get3A_1776 = arith.constant 124 : i32
      %get3A_1777 = arith.index_cast %get3A_1776 : i32 to index
      %get3A_1778 = arith.constant 16 : index
      %get3A_1779 = tpu.vector_load %arg8[%get3A_1777, %get3A_1778] {strides = array<i32>} : memref<128x128xf32, #tpu.memory_space<vmem>>, vector<16xf32>,
      %swap3A_1780 = arith.constant 3984 : index
      %swap3A_1781 = tpu.vector_load %arg10[%swap3A_1780] {strides = array<i32>} : memref<4096xf32, #tpu.memory_space<vmem>>, vector<16xf32>,
      tpu.vector_store %arg10[%swap3A_1780], %get3A_1779 {strides = array<i32>} : memref<4096xf32, #tpu.memory_space<vmem>>, vector<16xf32>,
      %get3A_1782 = arith.constant 125 : i32
      %get3A_1783 = arith.index_cast %get3A_1782 : i32 to index
      %get3A_1784 = arith.constant 0 : index
      %get3A_1785 = tpu.vector_load %arg8[%get3A_1783, %get3A_1784] {strides = array<i32>} : memref<128x128xf32, #tpu.memory_space<vmem>>, vector<16xf32>,
      %swap3A_1786 = arith.constant 4000 : index
      %swap3A_1787 = tpu.vector_load %arg10[%swap3A_1786] {strides = array<i32>} : memref<4096xf32, #tpu.memory_space<vmem>>, vector<16xf32>,
      tpu.vector_store %arg10[%swap3A_1786], %get3A_1785 {strides = array<i32>} : memref<4096xf32, #tpu.memory_space<vmem>>, vector<16xf32>,
      %get3A_1788 = arith.constant 125 : i32
      %get3A_1789 = arith.index_cast %get3A_1788 : i32 to index
      %get3A_1790 = arith.constant 16 : index
      %get3A_1791 = tpu.vector_load %arg8[%get3A_1789, %get3A_1790] {strides = array<i32>} : memref<128x128xf32, #tpu.memory_space<vmem>>, vector<16xf32>,
      %swap3A_1792 = arith.constant 4016 : index
      %swap3A_1793 = tpu.vector_load %arg10[%swap3A_1792] {strides = array<i32>} : memref<4096xf32, #tpu.memory_space<vmem>>, vector<16xf32>,
      tpu.vector_store %arg10[%swap3A_1792], %get3A_1791 {strides = array<i32>} : memref<4096xf32, #tpu.memory_space<vmem>>, vector<16xf32>,
      %get3A_1794 = arith.constant 126 : i32
      %get3A_1795 = arith.index_cast %get3A_1794 : i32 to index
      %get3A_1796 = arith.constant 0 : index
      %get3A_1797 = tpu.vector_load %arg8[%get3A_1795, %get3A_1796] {strides = array<i32>} : memref<128x128xf32, #tpu.memory_space<vmem>>, vector<16xf32>,
      %swap3A_1798 = arith.constant 4032 : index
      %swap3A_1799 = tpu.vector_load %arg10[%swap3A_1798] {strides = array<i32>} : memref<4096xf32, #tpu.memory_space<vmem>>, vector<16xf32>,
      tpu.vector_store %arg10[%swap3A_1798], %get3A_1797 {strides = array<i32>} : memref<4096xf32, #tpu.memory_space<vmem>>, vector<16xf32>,
      %get3A_1800 = arith.constant 126 : i32
      %get3A_1801 = arith.index_cast %get3A_1800 : i32 to index
      %get3A_1802 = arith.constant 16 : index
      %get3A_1803 = tpu.vector_load %arg8[%get3A_1801, %get3A_1802] {strides = array<i32>} : memref<128x128xf32, #tpu.memory_space<vmem>>, vector<16xf32>,
      %swap3A_1804 = arith.constant 4048 : index
      %swap3A_1805 = tpu.vector_load %arg10[%swap3A_1804] {strides = array<i32>} : memref<4096xf32, #tpu.memory_space<vmem>>, vector<16xf32>,
      tpu.vector_store %arg10[%swap3A_1804], %get3A_1803 {strides = array<i32>} : memref<4096xf32, #tpu.memory_space<vmem>>, vector<16xf32>,
      %get3A_1806 = arith.constant 127 : i32
      %get3A_1807 = arith.index_cast %get3A_1806 : i32 to index
      %get3A_1808 = arith.constant 0 : index
      %get3A_1809 = tpu.vector_load %arg8[%get3A_1807, %get3A_1808] {strides = array<i32>} : memref<128x128xf32, #tpu.memory_space<vmem>>, vector<16xf32>,
      %swap3A_1810 = arith.constant 4064 : index
      %swap3A_1811 = tpu.vector_load %arg10[%swap3A_1810] {strides = array<i32>} : memref<4096xf32, #tpu.memory_space<vmem>>, vector<16xf32>,
      tpu.vector_store %arg10[%swap3A_1810], %get3A_1809 {strides = array<i32>} : memref<4096xf32, #tpu.memory_space<vmem>>, vector<16xf32>,
      %get3A_1812 = arith.constant 127 : i32
      %get3A_1813 = arith.index_cast %get3A_1812 : i32 to index
      %get3A_1814 = arith.constant 16 : index
      %get3A_1815 = tpu.vector_load %arg8[%get3A_1813, %get3A_1814] {strides = array<i32>} : memref<128x128xf32, #tpu.memory_space<vmem>>, vector<16xf32>,
      %swap3A_1816 = arith.constant 4080 : index
      %swap3A_1817 = tpu.vector_load %arg10[%swap3A_1816] {strides = array<i32>} : memref<4096xf32, #tpu.memory_space<vmem>>, vector<16xf32>,
      tpu.vector_store %arg10[%swap3A_1816], %get3A_1815 {strides = array<i32>} : memref<4096xf32, #tpu.memory_space<vmem>>, vector<16xf32>,
      %mul3A_1818 = arith.constant 128 : i32
      %mul3A_1819 = arith.muli %mul3A_127, %mul3A_1818 : i32
      %add3A_1820 = arith.addi %mul3A_2, %mul3A_1819 : i32
      %mul3A_1821 = arith.constant 32 : i32
      %mul3A_1822 = arith.muli %add3A_1820, %mul3A_1821 : i32
      %dma_start3A_1823 = tpu.memref_slice %arg4[%mul3A_1822] : memref<26214400xf32, #tpu.memory_space<hbm>> -> memref<4096xf32, #tpu.memory_space<hbm>>
      %dma_start3A_1824 = tpu.memref_slice %arg4[%mul3A_1822] : memref<26214400xf32, #tpu.memory_space<hbm>> -> memref<4096xf32, #tpu.memory_space<hbm>>
      tpu.enqueue_dma source(%arg10 : memref<4096xf32, #tpu.memory_space<vmem>>) target(%dma_start3A_1824 : memref<4096xf32, #tpu.memory_space<hbm>>) target_semaphore(%arg14 : memref<!tpu.dma_semaphore, #tpu.memory_space<semaphore_mem>>)
      %ne3A_1825 = arith.constant 99 : i32
      %ne3A_1826 = arith.cmpi ne, %scan3A_125, %ne3A_1825 : i32
      %convert_element_type3A_1827 = arith.extui %ne3A_1826 : i1 to i32
      %cond3A_1828 = arith.constant 0 : i32
      %cond3A_1829 = arith.cmpi ne, %convert_element_type3A_1827, %cond3A_1828 : i32
      scf.if %cond3A_1829 {
        %add3A_3381 = arith.constant 2 : i32
        %add3A_3382 = arith.addi %mul3A_127, %add3A_3381 : i32
        %mul3A_3383 = arith.constant 128 : i32
        %mul3A_3384 = arith.muli %add3A_3382, %mul3A_3383 : i32
        %add3A_3385 = arith.constant 0 : i32
        %add3A_3386 = arith.addi %mul3A_3384, %add3A_3385 : i32
        %get3A_3387 = arith.index_cast %add3A_3386 : i32 to index
        %get3A_3388 = tpu.vector_load %arg5[%get3A_3387] {strides = array<i32>} : memref<25600xi32, #tpu.memory_space<vmem>>, vector<16xi32>,
        %and3A_3389 = arith.constant 3 : i32
        %and3A_3390 = vector.broadcast %and3A_3389 : i32 to vector<16xi32>
        %and3A_3391 = arith.andi %get3A_3388, %and3A_3390 : vector<16xi32>
        %mul3A_3392 = arith.constant 250000 : i32
        %mul3A_3393 = vector.broadcast %mul3A_3392 : i32 to vector<16xi32>
        %mul3A_3394 = arith.muli %and3A_3391, %mul3A_3393 : vector<16xi32>
        %shift_right_logical3A_3395 = arith.constant 2 : i32
        %shift_right_logical3A_3396 = vector.broadcast %shift_right_logical3A_3395 : i32 to vector<16xi32>
        %shift_right_logical3A_3397 = arith.shrui %get3A_3388, %shift_right_logical3A_3396 : vector<16xi32>
        %add3A_3398 = arith.addi %mul3A_3394, %shift_right_logical3A_3397 : vector<16xi32>
        %swap3A_3399 = arith.constant 0 : index
        %swap3A_3400 = tpu.vector_load %arg6[%swap3A_3399] {strides = array<i32>} : memref<128xi32, #tpu.memory_space<vmem>>, vector<16xi32>,
        tpu.vector_store %arg6[%swap3A_3399], %add3A_3398 {strides = array<i32>} : memref<128xi32, #tpu.memory_space<vmem>>, vector<16xi32>,
        %mul3A_3401 = arith.constant 128 : i32
        %mul3A_3402 = arith.muli %add3A_3382, %mul3A_3401 : i32
        %add3A_3403 = arith.constant 16 : i32
        %add3A_3404 = arith.addi %mul3A_3402, %add3A_3403 : i32
        %get3A_3405 = arith.index_cast %add3A_3404 : i32 to index
        %get3A_3406 = tpu.vector_load %arg5[%get3A_3405] {strides = array<i32>} : memref<25600xi32, #tpu.memory_space<vmem>>, vector<16xi32>,
        %and3A_3407 = arith.constant 3 : i32
        %and3A_3408 = vector.broadcast %and3A_3407 : i32 to vector<16xi32>
        %and3A_3409 = arith.andi %get3A_3406, %and3A_3408 : vector<16xi32>
        %mul3A_3410 = arith.constant 250000 : i32
        %mul3A_3411 = vector.broadcast %mul3A_3410 : i32 to vector<16xi32>
        %mul3A_3412 = arith.muli %and3A_3409, %mul3A_3411 : vector<16xi32>
        %shift_right_logical3A_3413 = arith.constant 2 : i32
        %shift_right_logical3A_3414 = vector.broadcast %shift_right_logical3A_3413 : i32 to vector<16xi32>
        %shift_right_logical3A_3415 = arith.shrui %get3A_3406, %shift_right_logical3A_3414 : vector<16xi32>
        %add3A_3416 = arith.addi %mul3A_3412, %shift_right_logical3A_3415 : vector<16xi32>
        %swap3A_3417 = arith.constant 16 : index
        %swap3A_3418 = tpu.vector_load %arg6[%swap3A_3417] {strides = array<i32>} : memref<128xi32, #tpu.memory_space<vmem>>, vector<16xi32>,
        tpu.vector_store %arg6[%swap3A_3417], %add3A_3416 {strides = array<i32>} : memref<128xi32, #tpu.memory_space<vmem>>, vector<16xi32>,
        %mul3A_3419 = arith.constant 128 : i32
        %mul3A_3420 = arith.muli %add3A_3382, %mul3A_3419 : i32
        %add3A_3421 = arith.constant 32 : i32
        %add3A_3422 = arith.addi %mul3A_3420, %add3A_3421 : i32
        %get3A_3423 = arith.index_cast %add3A_3422 : i32 to index
        %get3A_3424 = tpu.vector_load %arg5[%get3A_3423] {strides = array<i32>} : memref<25600xi32, #tpu.memory_space<vmem>>, vector<16xi32>,
        %and3A_3425 = arith.constant 3 : i32
        %and3A_3426 = vector.broadcast %and3A_3425 : i32 to vector<16xi32>
        %and3A_3427 = arith.andi %get3A_3424, %and3A_3426 : vector<16xi32>
        %mul3A_3428 = arith.constant 250000 : i32
        %mul3A_3429 = vector.broadcast %mul3A_3428 : i32 to vector<16xi32>
        %mul3A_3430 = arith.muli %and3A_3427, %mul3A_3429 : vector<16xi32>
        %shift_right_logical3A_3431 = arith.constant 2 : i32
        %shift_right_logical3A_3432 = vector.broadcast %shift_right_logical3A_3431 : i32 to vector<16xi32>
        %shift_right_logical3A_3433 = arith.shrui %get3A_3424, %shift_right_logical3A_3432 : vector<16xi32>
        %add3A_3434 = arith.addi %mul3A_3430, %shift_right_logical3A_3433 : vector<16xi32>
        %swap3A_3435 = arith.constant 32 : index
        %swap3A_3436 = tpu.vector_load %arg6[%swap3A_3435] {strides = array<i32>} : memref<128xi32, #tpu.memory_space<vmem>>, vector<16xi32>,
        tpu.vector_store %arg6[%swap3A_3435], %add3A_3434 {strides = array<i32>} : memref<128xi32, #tpu.memory_space<vmem>>, vector<16xi32>,
        %mul3A_3437 = arith.constant 128 : i32
        %mul3A_3438 = arith.muli %add3A_3382, %mul3A_3437 : i32
        %add3A_3439 = arith.constant 48 : i32
        %add3A_3440 = arith.addi %mul3A_3438, %add3A_3439 : i32
        %get3A_3441 = arith.index_cast %add3A_3440 : i32 to index
        %get3A_3442 = tpu.vector_load %arg5[%get3A_3441] {strides = array<i32>} : memref<25600xi32, #tpu.memory_space<vmem>>, vector<16xi32>,
        %and3A_3443 = arith.constant 3 : i32
        %and3A_3444 = vector.broadcast %and3A_3443 : i32 to vector<16xi32>
        %and3A_3445 = arith.andi %get3A_3442, %and3A_3444 : vector<16xi32>
        %mul3A_3446 = arith.constant 250000 : i32
        %mul3A_3447 = vector.broadcast %mul3A_3446 : i32 to vector<16xi32>
        %mul3A_3448 = arith.muli %and3A_3445, %mul3A_3447 : vector<16xi32>
        %shift_right_logical3A_3449 = arith.constant 2 : i32
        %shift_right_logical3A_3450 = vector.broadcast %shift_right_logical3A_3449 : i32 to vector<16xi32>
        %shift_right_logical3A_3451 = arith.shrui %get3A_3442, %shift_right_logical3A_3450 : vector<16xi32>
        %add3A_3452 = arith.addi %mul3A_3448, %shift_right_logical3A_3451 : vector<16xi32>
        %swap3A_3453 = arith.constant 48 : index
        %swap3A_3454 = tpu.vector_load %arg6[%swap3A_3453] {strides = array<i32>} : memref<128xi32, #tpu.memory_space<vmem>>, vector<16xi32>,
        tpu.vector_store %arg6[%swap3A_3453], %add3A_3452 {strides = array<i32>} : memref<128xi32, #tpu.memory_space<vmem>>, vector<16xi32>,
        %mul3A_3455 = arith.constant 128 : i32
        %mul3A_3456 = arith.muli %add3A_3382, %mul3A_3455 : i32
        %add3A_3457 = arith.constant 64 : i32
        %add3A_3458 = arith.addi %mul3A_3456, %add3A_3457 : i32
        %get3A_3459 = arith.index_cast %add3A_3458 : i32 to index
        %get3A_3460 = tpu.vector_load %arg5[%get3A_3459] {strides = array<i32>} : memref<25600xi32, #tpu.memory_space<vmem>>, vector<16xi32>,
        %and3A_3461 = arith.constant 3 : i32
        %and3A_3462 = vector.broadcast %and3A_3461 : i32 to vector<16xi32>
        %and3A_3463 = arith.andi %get3A_3460, %and3A_3462 : vector<16xi32>
        %mul3A_3464 = arith.constant 250000 : i32
        %mul3A_3465 = vector.broadcast %mul3A_3464 : i32 to vector<16xi32>
        %mul3A_3466 = arith.muli %and3A_3463, %mul3A_3465 : vector<16xi32>
        %shift_right_logical3A_3467 = arith.constant 2 : i32
        %shift_right_logical3A_3468 = vector.broadcast %shift_right_logical3A_3467 : i32 to vector<16xi32>
        %shift_right_logical3A_3469 = arith.shrui %get3A_3460, %shift_right_logical3A_3468 : vector<16xi32>
        %add3A_3470 = arith.addi %mul3A_3466, %shift_right_logical3A_3469 : vector<16xi32>
        %swap3A_3471 = arith.constant 64 : index
        %swap3A_3472 = tpu.vector_load %arg6[%swap3A_3471] {strides = array<i32>} : memref<128xi32, #tpu.memory_space<vmem>>, vector<16xi32>,
        tpu.vector_store %arg6[%swap3A_3471], %add3A_3470 {strides = array<i32>} : memref<128xi32, #tpu.memory_space<vmem>>, vector<16xi32>,
        %mul3A_3473 = arith.constant 128 : i32
        %mul3A_3474 = arith.muli %add3A_3382, %mul3A_3473 : i32
        %add3A_3475 = arith.constant 80 : i32
        %add3A_3476 = arith.addi %mul3A_3474, %add3A_3475 : i32
        %get3A_3477 = arith.index_cast %add3A_3476 : i32 to index
        %get3A_3478 = tpu.vector_load %arg5[%get3A_3477] {strides = array<i32>} : memref<25600xi32, #tpu.memory_space<vmem>>, vector<16xi32>,
        %and3A_3479 = arith.constant 3 : i32
        %and3A_3480 = vector.broadcast %and3A_3479 : i32 to vector<16xi32>
        %and3A_3481 = arith.andi %get3A_3478, %and3A_3480 : vector<16xi32>
        %mul3A_3482 = arith.constant 250000 : i32
        %mul3A_3483 = vector.broadcast %mul3A_3482 : i32 to vector<16xi32>
        %mul3A_3484 = arith.muli %and3A_3481, %mul3A_3483 : vector<16xi32>
        %shift_right_logical3A_3485 = arith.constant 2 : i32
        %shift_right_logical3A_3486 = vector.broadcast %shift_right_logical3A_3485 : i32 to vector<16xi32>
        %shift_right_logical3A_3487 = arith.shrui %get3A_3478, %shift_right_logical3A_3486 : vector<16xi32>
        %add3A_3488 = arith.addi %mul3A_3484, %shift_right_logical3A_3487 : vector<16xi32>
        %swap3A_3489 = arith.constant 80 : index
        %swap3A_3490 = tpu.vector_load %arg6[%swap3A_3489] {strides = array<i32>} : memref<128xi32, #tpu.memory_space<vmem>>, vector<16xi32>,
        tpu.vector_store %arg6[%swap3A_3489], %add3A_3488 {strides = array<i32>} : memref<128xi32, #tpu.memory_space<vmem>>, vector<16xi32>,
        %mul3A_3491 = arith.constant 128 : i32
        %mul3A_3492 = arith.muli %add3A_3382, %mul3A_3491 : i32
        %add3A_3493 = arith.constant 96 : i32
        %add3A_3494 = arith.addi %mul3A_3492, %add3A_3493 : i32
        %get3A_3495 = arith.index_cast %add3A_3494 : i32 to index
        %get3A_3496 = tpu.vector_load %arg5[%get3A_3495] {strides = array<i32>} : memref<25600xi32, #tpu.memory_space<vmem>>, vector<16xi32>,
        %and3A_3497 = arith.constant 3 : i32
        %and3A_3498 = vector.broadcast %and3A_3497 : i32 to vector<16xi32>
        %and3A_3499 = arith.andi %get3A_3496, %and3A_3498 : vector<16xi32>
        %mul3A_3500 = arith.constant 250000 : i32
        %mul3A_3501 = vector.broadcast %mul3A_3500 : i32 to vector<16xi32>
        %mul3A_3502 = arith.muli %and3A_3499, %mul3A_3501 : vector<16xi32>
        %shift_right_logical3A_3503 = arith.constant 2 : i32
        %shift_right_logical3A_3504 = vector.broadcast %shift_right_logical3A_3503 : i32 to vector<16xi32>
        %shift_right_logical3A_3505 = arith.shrui %get3A_3496, %shift_right_logical3A_3504 : vector<16xi32>
        %add3A_3506 = arith.addi %mul3A_3502, %shift_right_logical3A_3505 : vector<16xi32>
        %swap3A_3507 = arith.constant 96 : index
        %swap3A_3508 = tpu.vector_load %arg6[%swap3A_3507] {strides = array<i32>} : memref<128xi32, #tpu.memory_space<vmem>>, vector<16xi32>,
        tpu.vector_store %arg6[%swap3A_3507], %add3A_3506 {strides = array<i32>} : memref<128xi32, #tpu.memory_space<vmem>>, vector<16xi32>,
        %mul3A_3509 = arith.constant 128 : i32
        %mul3A_3510 = arith.muli %add3A_3382, %mul3A_3509 : i32
        %add3A_3511 = arith.constant 112 : i32
        %add3A_3512 = arith.addi %mul3A_3510, %add3A_3511 : i32
        %get3A_3513 = arith.index_cast %add3A_3512 : i32 to index
        %get3A_3514 = tpu.vector_load %arg5[%get3A_3513] {strides = array<i32>} : memref<25600xi32, #tpu.memory_space<vmem>>, vector<16xi32>,
        %and3A_3515 = arith.constant 3 : i32
        %and3A_3516 = vector.broadcast %and3A_3515 : i32 to vector<16xi32>
        %and3A_3517 = arith.andi %get3A_3514, %and3A_3516 : vector<16xi32>
        %mul3A_3518 = arith.constant 250000 : i32
        %mul3A_3519 = vector.broadcast %mul3A_3518 : i32 to vector<16xi32>
        %mul3A_3520 = arith.muli %and3A_3517, %mul3A_3519 : vector<16xi32>
        %shift_right_logical3A_3521 = arith.constant 2 : i32
        %shift_right_logical3A_3522 = vector.broadcast %shift_right_logical3A_3521 : i32 to vector<16xi32>
        %shift_right_logical3A_3523 = arith.shrui %get3A_3514, %shift_right_logical3A_3522 : vector<16xi32>
        %add3A_3524 = arith.addi %mul3A_3520, %shift_right_logical3A_3523 : vector<16xi32>
        %swap3A_3525 = arith.constant 112 : index
        %swap3A_3526 = tpu.vector_load %arg6[%swap3A_3525] {strides = array<i32>} : memref<128xi32, #tpu.memory_space<vmem>>, vector<16xi32>,
        tpu.vector_store %arg6[%swap3A_3525], %add3A_3524 {strides = array<i32>} : memref<128xi32, #tpu.memory_space<vmem>>, vector<16xi32>,
        %dma_start3A_3527 = arith.constant 0 : i32
        %dma_start3A_3528 = arith.constant 0 : i32
        %dma_start3A_3529 = tpu.memref_slice %arg2[%dma_start3A_3527, %dma_start3A_3528] : memref<1000000x128xf32, #tpu.memory_space<hbm>> -> memref<1000000x128xf32, #tpu.memory_space<hbm>>
        tpu.enqueue_indirect_dma source(%dma_start3A_3529 : memref<1000000x128xf32, #tpu.memory_space<hbm>>) target(%arg8 : memref<128x128xf32, #tpu.memory_space<vmem>>) offsets(%arg6 : memref<128xi32, #tpu.memory_space<vmem>>) semaphore(%arg12 : memref<!tpu.dma_semaphore, #tpu.memory_space<semaphore_mem>>)
      } else {
      }
      %dma_wait3A_1830 = arith.constant 0 : i32
      %dma_wait3A_1831 = arith.constant 0 : i32
      %dma_wait3A_1832 = tpu.memref_slice %arg2[%dma_wait3A_1830, %dma_wait3A_1831] : memref<1000000x128xf32, #tpu.memory_space<hbm>> -> memref<1000000x128xf32, #tpu.memory_space<hbm>>
      tpu.wait_indirect_dma semaphore(%arg13 : memref<!tpu.dma_semaphore, #tpu.memory_space<semaphore_mem>>) src(%dma_wait3A_1832 : memref<1000000x128xf32, #tpu.memory_space<hbm>>) dst(%arg9 : memref<128x128xf32, #tpu.memory_space<vmem>>)
      %ne3A_1833 = arith.constant 0 : i32
      %ne3A_1834 = arith.cmpi ne, %scan3A_125, %ne3A_1833 : i32
      %convert_element_type3A_1835 = arith.extui %ne3A_1834 : i1 to i32
      %cond3A_1836 = arith.constant 0 : i32
      %cond3A_1837 = arith.cmpi ne, %convert_element_type3A_1835, %cond3A_1836 : i32
      scf.if %cond3A_1837 {
        %mul3A_3381 = arith.constant 32 : i32
        %mul3A_3382 = arith.muli %mul3A_2, %mul3A_3381 : i32
        %dma_wait3A_3383 = tpu.memref_slice %arg4[%mul3A_3382] : memref<26214400xf32, #tpu.memory_space<hbm>> -> memref<4096xf32, #tpu.memory_space<hbm>>
        %dma_wait3A_3384 = tpu.memref_slice %arg4[%mul3A_3382] : memref<26214400xf32, #tpu.memory_space<hbm>> -> memref<4096xf32, #tpu.memory_space<hbm>>
        tpu.wait_dma2 semaphore(%arg15 : memref<!tpu.dma_semaphore, #tpu.memory_space<semaphore_mem>>) src(%dma_wait3A_3384 : memref<4096xf32, #tpu.memory_space<hbm>>) dst(%arg11 : memref<4096xf32, #tpu.memory_space<vmem>>)
      } else {
      }
      %get3A_1838 = arith.constant 0 : i32
      %get3A_1839 = arith.index_cast %get3A_1838 : i32 to index
      %get3A_1840 = arith.constant 0 : index
      %get3A_1841 = tpu.vector_load %arg9[%get3A_1839, %get3A_1840] {strides = array<i32>} : memref<128x128xf32, #tpu.memory_space<vmem>>, vector<16xf32>,
      %swap3A_1842 = arith.constant 0 : index
      %swap3A_1843 = tpu.vector_load %arg11[%swap3A_1842] {strides = array<i32>} : memref<4096xf32, #tpu.memory_space<vmem>>, vector<16xf32>,
      tpu.vector_store %arg11[%swap3A_1842], %get3A_1841 {strides = array<i32>} : memref<4096xf32, #tpu.memory_space<vmem>>, vector<16xf32>,
      %get3A_1844 = arith.constant 0 : i32
      %get3A_1845 = arith.index_cast %get3A_1844 : i32 to index
      %get3A_1846 = arith.constant 16 : index
      %get3A_1847 = tpu.vector_load %arg9[%get3A_1845, %get3A_1846] {strides = array<i32>} : memref<128x128xf32, #tpu.memory_space<vmem>>, vector<16xf32>,
      %swap3A_1848 = arith.constant 16 : index
      %swap3A_1849 = tpu.vector_load %arg11[%swap3A_1848] {strides = array<i32>} : memref<4096xf32, #tpu.memory_space<vmem>>, vector<16xf32>,
      tpu.vector_store %arg11[%swap3A_1848], %get3A_1847 {strides = array<i32>} : memref<4096xf32, #tpu.memory_space<vmem>>, vector<16xf32>,
      %get3A_1850 = arith.constant 1 : i32
      %get3A_1851 = arith.index_cast %get3A_1850 : i32 to index
      %get3A_1852 = arith.constant 0 : index
      %get3A_1853 = tpu.vector_load %arg9[%get3A_1851, %get3A_1852] {strides = array<i32>} : memref<128x128xf32, #tpu.memory_space<vmem>>, vector<16xf32>,
      %swap3A_1854 = arith.constant 32 : index
      %swap3A_1855 = tpu.vector_load %arg11[%swap3A_1854] {strides = array<i32>} : memref<4096xf32, #tpu.memory_space<vmem>>, vector<16xf32>,
      tpu.vector_store %arg11[%swap3A_1854], %get3A_1853 {strides = array<i32>} : memref<4096xf32, #tpu.memory_space<vmem>>, vector<16xf32>,
      %get3A_1856 = arith.constant 1 : i32
      %get3A_1857 = arith.index_cast %get3A_1856 : i32 to index
      %get3A_1858 = arith.constant 16 : index
      %get3A_1859 = tpu.vector_load %arg9[%get3A_1857, %get3A_1858] {strides = array<i32>} : memref<128x128xf32, #tpu.memory_space<vmem>>, vector<16xf32>,
      %swap3A_1860 = arith.constant 48 : index
      %swap3A_1861 = tpu.vector_load %arg11[%swap3A_1860] {strides = array<i32>} : memref<4096xf32, #tpu.memory_space<vmem>>, vector<16xf32>,
      tpu.vector_store %arg11[%swap3A_1860], %get3A_1859 {strides = array<i32>} : memref<4096xf32, #tpu.memory_space<vmem>>, vector<16xf32>,
      %get3A_1862 = arith.constant 2 : i32
      %get3A_1863 = arith.index_cast %get3A_1862 : i32 to index
      %get3A_1864 = arith.constant 0 : index
      %get3A_1865 = tpu.vector_load %arg9[%get3A_1863, %get3A_1864] {strides = array<i32>} : memref<128x128xf32, #tpu.memory_space<vmem>>, vector<16xf32>,
      %swap3A_1866 = arith.constant 64 : index
      %swap3A_1867 = tpu.vector_load %arg11[%swap3A_1866] {strides = array<i32>} : memref<4096xf32, #tpu.memory_space<vmem>>, vector<16xf32>,
      tpu.vector_store %arg11[%swap3A_1866], %get3A_1865 {strides = array<i32>} : memref<4096xf32, #tpu.memory_space<vmem>>, vector<16xf32>,
      %get3A_1868 = arith.constant 2 : i32
      %get3A_1869 = arith.index_cast %get3A_1868 : i32 to index
      %get3A_1870 = arith.constant 16 : index
      %get3A_1871 = tpu.vector_load %arg9[%get3A_1869, %get3A_1870] {strides = array<i32>} : memref<128x128xf32, #tpu.memory_space<vmem>>, vector<16xf32>,
      %swap3A_1872 = arith.constant 80 : index
      %swap3A_1873 = tpu.vector_load %arg11[%swap3A_1872] {strides = array<i32>} : memref<4096xf32, #tpu.memory_space<vmem>>, vector<16xf32>,
      tpu.vector_store %arg11[%swap3A_1872], %get3A_1871 {strides = array<i32>} : memref<4096xf32, #tpu.memory_space<vmem>>, vector<16xf32>,
      %get3A_1874 = arith.constant 3 : i32
      %get3A_1875 = arith.index_cast %get3A_1874 : i32 to index
      %get3A_1876 = arith.constant 0 : index
      %get3A_1877 = tpu.vector_load %arg9[%get3A_1875, %get3A_1876] {strides = array<i32>} : memref<128x128xf32, #tpu.memory_space<vmem>>, vector<16xf32>,
      %swap3A_1878 = arith.constant 96 : index
      %swap3A_1879 = tpu.vector_load %arg11[%swap3A_1878] {strides = array<i32>} : memref<4096xf32, #tpu.memory_space<vmem>>, vector<16xf32>,
      tpu.vector_store %arg11[%swap3A_1878], %get3A_1877 {strides = array<i32>} : memref<4096xf32, #tpu.memory_space<vmem>>, vector<16xf32>,
      %get3A_1880 = arith.constant 3 : i32
      %get3A_1881 = arith.index_cast %get3A_1880 : i32 to index
      %get3A_1882 = arith.constant 16 : index
      %get3A_1883 = tpu.vector_load %arg9[%get3A_1881, %get3A_1882] {strides = array<i32>} : memref<128x128xf32, #tpu.memory_space<vmem>>, vector<16xf32>,
      %swap3A_1884 = arith.constant 112 : index
      %swap3A_1885 = tpu.vector_load %arg11[%swap3A_1884] {strides = array<i32>} : memref<4096xf32, #tpu.memory_space<vmem>>, vector<16xf32>,
      tpu.vector_store %arg11[%swap3A_1884], %get3A_1883 {strides = array<i32>} : memref<4096xf32, #tpu.memory_space<vmem>>, vector<16xf32>,
      %get3A_1886 = arith.constant 4 : i32
      %get3A_1887 = arith.index_cast %get3A_1886 : i32 to index
      %get3A_1888 = arith.constant 0 : index
      %get3A_1889 = tpu.vector_load %arg9[%get3A_1887, %get3A_1888] {strides = array<i32>} : memref<128x128xf32, #tpu.memory_space<vmem>>, vector<16xf32>,
      %swap3A_1890 = arith.constant 128 : index
      %swap3A_1891 = tpu.vector_load %arg11[%swap3A_1890] {strides = array<i32>} : memref<4096xf32, #tpu.memory_space<vmem>>, vector<16xf32>,
      tpu.vector_store %arg11[%swap3A_1890], %get3A_1889 {strides = array<i32>} : memref<4096xf32, #tpu.memory_space<vmem>>, vector<16xf32>,
      %get3A_1892 = arith.constant 4 : i32
      %get3A_1893 = arith.index_cast %get3A_1892 : i32 to index
      %get3A_1894 = arith.constant 16 : index
      %get3A_1895 = tpu.vector_load %arg9[%get3A_1893, %get3A_1894] {strides = array<i32>} : memref<128x128xf32, #tpu.memory_space<vmem>>, vector<16xf32>,
      %swap3A_1896 = arith.constant 144 : index
      %swap3A_1897 = tpu.vector_load %arg11[%swap3A_1896] {strides = array<i32>} : memref<4096xf32, #tpu.memory_space<vmem>>, vector<16xf32>,
      tpu.vector_store %arg11[%swap3A_1896], %get3A_1895 {strides = array<i32>} : memref<4096xf32, #tpu.memory_space<vmem>>, vector<16xf32>,
      %get3A_1898 = arith.constant 5 : i32
      %get3A_1899 = arith.index_cast %get3A_1898 : i32 to index
      %get3A_1900 = arith.constant 0 : index
      %get3A_1901 = tpu.vector_load %arg9[%get3A_1899, %get3A_1900] {strides = array<i32>} : memref<128x128xf32, #tpu.memory_space<vmem>>, vector<16xf32>,
      %swap3A_1902 = arith.constant 160 : index
      %swap3A_1903 = tpu.vector_load %arg11[%swap3A_1902] {strides = array<i32>} : memref<4096xf32, #tpu.memory_space<vmem>>, vector<16xf32>,
      tpu.vector_store %arg11[%swap3A_1902], %get3A_1901 {strides = array<i32>} : memref<4096xf32, #tpu.memory_space<vmem>>, vector<16xf32>,
      %get3A_1904 = arith.constant 5 : i32
      %get3A_1905 = arith.index_cast %get3A_1904 : i32 to index
      %get3A_1906 = arith.constant 16 : index
      %get3A_1907 = tpu.vector_load %arg9[%get3A_1905, %get3A_1906] {strides = array<i32>} : memref<128x128xf32, #tpu.memory_space<vmem>>, vector<16xf32>,
      %swap3A_1908 = arith.constant 176 : index
      %swap3A_1909 = tpu.vector_load %arg11[%swap3A_1908] {strides = array<i32>} : memref<4096xf32, #tpu.memory_space<vmem>>, vector<16xf32>,
      tpu.vector_store %arg11[%swap3A_1908], %get3A_1907 {strides = array<i32>} : memref<4096xf32, #tpu.memory_space<vmem>>, vector<16xf32>,
      %get3A_1910 = arith.constant 6 : i32
      %get3A_1911 = arith.index_cast %get3A_1910 : i32 to index
      %get3A_1912 = arith.constant 0 : index
      %get3A_1913 = tpu.vector_load %arg9[%get3A_1911, %get3A_1912] {strides = array<i32>} : memref<128x128xf32, #tpu.memory_space<vmem>>, vector<16xf32>,
      %swap3A_1914 = arith.constant 192 : index
      %swap3A_1915 = tpu.vector_load %arg11[%swap3A_1914] {strides = array<i32>} : memref<4096xf32, #tpu.memory_space<vmem>>, vector<16xf32>,
      tpu.vector_store %arg11[%swap3A_1914], %get3A_1913 {strides = array<i32>} : memref<4096xf32, #tpu.memory_space<vmem>>, vector<16xf32>,
      %get3A_1916 = arith.constant 6 : i32
      %get3A_1917 = arith.index_cast %get3A_1916 : i32 to index
      %get3A_1918 = arith.constant 16 : index
      %get3A_1919 = tpu.vector_load %arg9[%get3A_1917, %get3A_1918] {strides = array<i32>} : memref<128x128xf32, #tpu.memory_space<vmem>>, vector<16xf32>,
      %swap3A_1920 = arith.constant 208 : index
      %swap3A_1921 = tpu.vector_load %arg11[%swap3A_1920] {strides = array<i32>} : memref<4096xf32, #tpu.memory_space<vmem>>, vector<16xf32>,
      tpu.vector_store %arg11[%swap3A_1920], %get3A_1919 {strides = array<i32>} : memref<4096xf32, #tpu.memory_space<vmem>>, vector<16xf32>,
      %get3A_1922 = arith.constant 7 : i32
      %get3A_1923 = arith.index_cast %get3A_1922 : i32 to index
      %get3A_1924 = arith.constant 0 : index
      %get3A_1925 = tpu.vector_load %arg9[%get3A_1923, %get3A_1924] {strides = array<i32>} : memref<128x128xf32, #tpu.memory_space<vmem>>, vector<16xf32>,
      %swap3A_1926 = arith.constant 224 : index
      %swap3A_1927 = tpu.vector_load %arg11[%swap3A_1926] {strides = array<i32>} : memref<4096xf32, #tpu.memory_space<vmem>>, vector<16xf32>,
      tpu.vector_store %arg11[%swap3A_1926], %get3A_1925 {strides = array<i32>} : memref<4096xf32, #tpu.memory_space<vmem>>, vector<16xf32>,
      %get3A_1928 = arith.constant 7 : i32
      %get3A_1929 = arith.index_cast %get3A_1928 : i32 to index
      %get3A_1930 = arith.constant 16 : index
      %get3A_1931 = tpu.vector_load %arg9[%get3A_1929, %get3A_1930] {strides = array<i32>} : memref<128x128xf32, #tpu.memory_space<vmem>>, vector<16xf32>,
      %swap3A_1932 = arith.constant 240 : index
      %swap3A_1933 = tpu.vector_load %arg11[%swap3A_1932] {strides = array<i32>} : memref<4096xf32, #tpu.memory_space<vmem>>, vector<16xf32>,
      tpu.vector_store %arg11[%swap3A_1932], %get3A_1931 {strides = array<i32>} : memref<4096xf32, #tpu.memory_space<vmem>>, vector<16xf32>,
      %get3A_1934 = arith.constant 8 : i32
      %get3A_1935 = arith.index_cast %get3A_1934 : i32 to index
      %get3A_1936 = arith.constant 0 : index
      %get3A_1937 = tpu.vector_load %arg9[%get3A_1935, %get3A_1936] {strides = array<i32>} : memref<128x128xf32, #tpu.memory_space<vmem>>, vector<16xf32>,
      %swap3A_1938 = arith.constant 256 : index
      %swap3A_1939 = tpu.vector_load %arg11[%swap3A_1938] {strides = array<i32>} : memref<4096xf32, #tpu.memory_space<vmem>>, vector<16xf32>,
      tpu.vector_store %arg11[%swap3A_1938], %get3A_1937 {strides = array<i32>} : memref<4096xf32, #tpu.memory_space<vmem>>, vector<16xf32>,
      %get3A_1940 = arith.constant 8 : i32
      %get3A_1941 = arith.index_cast %get3A_1940 : i32 to index
      %get3A_1942 = arith.constant 16 : index
      %get3A_1943 = tpu.vector_load %arg9[%get3A_1941, %get3A_1942] {strides = array<i32>} : memref<128x128xf32, #tpu.memory_space<vmem>>, vector<16xf32>,
      %swap3A_1944 = arith.constant 272 : index
      %swap3A_1945 = tpu.vector_load %arg11[%swap3A_1944] {strides = array<i32>} : memref<4096xf32, #tpu.memory_space<vmem>>, vector<16xf32>,
      tpu.vector_store %arg11[%swap3A_1944], %get3A_1943 {strides = array<i32>} : memref<4096xf32, #tpu.memory_space<vmem>>, vector<16xf32>,
      %get3A_1946 = arith.constant 9 : i32
      %get3A_1947 = arith.index_cast %get3A_1946 : i32 to index
      %get3A_1948 = arith.constant 0 : index
      %get3A_1949 = tpu.vector_load %arg9[%get3A_1947, %get3A_1948] {strides = array<i32>} : memref<128x128xf32, #tpu.memory_space<vmem>>, vector<16xf32>,
      %swap3A_1950 = arith.constant 288 : index
      %swap3A_1951 = tpu.vector_load %arg11[%swap3A_1950] {strides = array<i32>} : memref<4096xf32, #tpu.memory_space<vmem>>, vector<16xf32>,
      tpu.vector_store %arg11[%swap3A_1950], %get3A_1949 {strides = array<i32>} : memref<4096xf32, #tpu.memory_space<vmem>>, vector<16xf32>,
      %get3A_1952 = arith.constant 9 : i32
      %get3A_1953 = arith.index_cast %get3A_1952 : i32 to index
      %get3A_1954 = arith.constant 16 : index
      %get3A_1955 = tpu.vector_load %arg9[%get3A_1953, %get3A_1954] {strides = array<i32>} : memref<128x128xf32, #tpu.memory_space<vmem>>, vector<16xf32>,
      %swap3A_1956 = arith.constant 304 : index
      %swap3A_1957 = tpu.vector_load %arg11[%swap3A_1956] {strides = array<i32>} : memref<4096xf32, #tpu.memory_space<vmem>>, vector<16xf32>,
      tpu.vector_store %arg11[%swap3A_1956], %get3A_1955 {strides = array<i32>} : memref<4096xf32, #tpu.memory_space<vmem>>, vector<16xf32>,
      %get3A_1958 = arith.constant 10 : i32
      %get3A_1959 = arith.index_cast %get3A_1958 : i32 to index
      %get3A_1960 = arith.constant 0 : index
      %get3A_1961 = tpu.vector_load %arg9[%get3A_1959, %get3A_1960] {strides = array<i32>} : memref<128x128xf32, #tpu.memory_space<vmem>>, vector<16xf32>,
      %swap3A_1962 = arith.constant 320 : index
      %swap3A_1963 = tpu.vector_load %arg11[%swap3A_1962] {strides = array<i32>} : memref<4096xf32, #tpu.memory_space<vmem>>, vector<16xf32>,
      tpu.vector_store %arg11[%swap3A_1962], %get3A_1961 {strides = array<i32>} : memref<4096xf32, #tpu.memory_space<vmem>>, vector<16xf32>,
      %get3A_1964 = arith.constant 10 : i32
      %get3A_1965 = arith.index_cast %get3A_1964 : i32 to index
      %get3A_1966 = arith.constant 16 : index
      %get3A_1967 = tpu.vector_load %arg9[%get3A_1965, %get3A_1966] {strides = array<i32>} : memref<128x128xf32, #tpu.memory_space<vmem>>, vector<16xf32>,
      %swap3A_1968 = arith.constant 336 : index
      %swap3A_1969 = tpu.vector_load %arg11[%swap3A_1968] {strides = array<i32>} : memref<4096xf32, #tpu.memory_space<vmem>>, vector<16xf32>,
      tpu.vector_store %arg11[%swap3A_1968], %get3A_1967 {strides = array<i32>} : memref<4096xf32, #tpu.memory_space<vmem>>, vector<16xf32>,
      %get3A_1970 = arith.constant 11 : i32
      %get3A_1971 = arith.index_cast %get3A_1970 : i32 to index
      %get3A_1972 = arith.constant 0 : index
      %get3A_1973 = tpu.vector_load %arg9[%get3A_1971, %get3A_1972] {strides = array<i32>} : memref<128x128xf32, #tpu.memory_space<vmem>>, vector<16xf32>,
      %swap3A_1974 = arith.constant 352 : index
      %swap3A_1975 = tpu.vector_load %arg11[%swap3A_1974] {strides = array<i32>} : memref<4096xf32, #tpu.memory_space<vmem>>, vector<16xf32>,
      tpu.vector_store %arg11[%swap3A_1974], %get3A_1973 {strides = array<i32>} : memref<4096xf32, #tpu.memory_space<vmem>>, vector<16xf32>,
      %get3A_1976 = arith.constant 11 : i32
      %get3A_1977 = arith.index_cast %get3A_1976 : i32 to index
      %get3A_1978 = arith.constant 16 : index
      %get3A_1979 = tpu.vector_load %arg9[%get3A_1977, %get3A_1978] {strides = array<i32>} : memref<128x128xf32, #tpu.memory_space<vmem>>, vector<16xf32>,
      %swap3A_1980 = arith.constant 368 : index
      %swap3A_1981 = tpu.vector_load %arg11[%swap3A_1980] {strides = array<i32>} : memref<4096xf32, #tpu.memory_space<vmem>>, vector<16xf32>,
      tpu.vector_store %arg11[%swap3A_1980], %get3A_1979 {strides = array<i32>} : memref<4096xf32, #tpu.memory_space<vmem>>, vector<16xf32>,
      %get3A_1982 = arith.constant 12 : i32
      %get3A_1983 = arith.index_cast %get3A_1982 : i32 to index
      %get3A_1984 = arith.constant 0 : index
      %get3A_1985 = tpu.vector_load %arg9[%get3A_1983, %get3A_1984] {strides = array<i32>} : memref<128x128xf32, #tpu.memory_space<vmem>>, vector<16xf32>,
      %swap3A_1986 = arith.constant 384 : index
      %swap3A_1987 = tpu.vector_load %arg11[%swap3A_1986] {strides = array<i32>} : memref<4096xf32, #tpu.memory_space<vmem>>, vector<16xf32>,
      tpu.vector_store %arg11[%swap3A_1986], %get3A_1985 {strides = array<i32>} : memref<4096xf32, #tpu.memory_space<vmem>>, vector<16xf32>,
      %get3A_1988 = arith.constant 12 : i32
      %get3A_1989 = arith.index_cast %get3A_1988 : i32 to index
      %get3A_1990 = arith.constant 16 : index
      %get3A_1991 = tpu.vector_load %arg9[%get3A_1989, %get3A_1990] {strides = array<i32>} : memref<128x128xf32, #tpu.memory_space<vmem>>, vector<16xf32>,
      %swap3A_1992 = arith.constant 400 : index
      %swap3A_1993 = tpu.vector_load %arg11[%swap3A_1992] {strides = array<i32>} : memref<4096xf32, #tpu.memory_space<vmem>>, vector<16xf32>,
      tpu.vector_store %arg11[%swap3A_1992], %get3A_1991 {strides = array<i32>} : memref<4096xf32, #tpu.memory_space<vmem>>, vector<16xf32>,
      %get3A_1994 = arith.constant 13 : i32
      %get3A_1995 = arith.index_cast %get3A_1994 : i32 to index
      %get3A_1996 = arith.constant 0 : index
      %get3A_1997 = tpu.vector_load %arg9[%get3A_1995, %get3A_1996] {strides = array<i32>} : memref<128x128xf32, #tpu.memory_space<vmem>>, vector<16xf32>,
      %swap3A_1998 = arith.constant 416 : index
      %swap3A_1999 = tpu.vector_load %arg11[%swap3A_1998] {strides = array<i32>} : memref<4096xf32, #tpu.memory_space<vmem>>, vector<16xf32>,
      tpu.vector_store %arg11[%swap3A_1998], %get3A_1997 {strides = array<i32>} : memref<4096xf32, #tpu.memory_space<vmem>>, vector<16xf32>,
      %get3A_2000 = arith.constant 13 : i32
      %get3A_2001 = arith.index_cast %get3A_2000 : i32 to index
      %get3A_2002 = arith.constant 16 : index
      %get3A_2003 = tpu.vector_load %arg9[%get3A_2001, %get3A_2002] {strides = array<i32>} : memref<128x128xf32, #tpu.memory_space<vmem>>, vector<16xf32>,
      %swap3A_2004 = arith.constant 432 : index
      %swap3A_2005 = tpu.vector_load %arg11[%swap3A_2004] {strides = array<i32>} : memref<4096xf32, #tpu.memory_space<vmem>>, vector<16xf32>,
      tpu.vector_store %arg11[%swap3A_2004], %get3A_2003 {strides = array<i32>} : memref<4096xf32, #tpu.memory_space<vmem>>, vector<16xf32>,
      %get3A_2006 = arith.constant 14 : i32
      %get3A_2007 = arith.index_cast %get3A_2006 : i32 to index
      %get3A_2008 = arith.constant 0 : index
      %get3A_2009 = tpu.vector_load %arg9[%get3A_2007, %get3A_2008] {strides = array<i32>} : memref<128x128xf32, #tpu.memory_space<vmem>>, vector<16xf32>,
      %swap3A_2010 = arith.constant 448 : index
      %swap3A_2011 = tpu.vector_load %arg11[%swap3A_2010] {strides = array<i32>} : memref<4096xf32, #tpu.memory_space<vmem>>, vector<16xf32>,
      tpu.vector_store %arg11[%swap3A_2010], %get3A_2009 {strides = array<i32>} : memref<4096xf32, #tpu.memory_space<vmem>>, vector<16xf32>,
      %get3A_2012 = arith.constant 14 : i32
      %get3A_2013 = arith.index_cast %get3A_2012 : i32 to index
      %get3A_2014 = arith.constant 16 : index
      %get3A_2015 = tpu.vector_load %arg9[%get3A_2013, %get3A_2014] {strides = array<i32>} : memref<128x128xf32, #tpu.memory_space<vmem>>, vector<16xf32>,
      %swap3A_2016 = arith.constant 464 : index
      %swap3A_2017 = tpu.vector_load %arg11[%swap3A_2016] {strides = array<i32>} : memref<4096xf32, #tpu.memory_space<vmem>>, vector<16xf32>,
      tpu.vector_store %arg11[%swap3A_2016], %get3A_2015 {strides = array<i32>} : memref<4096xf32, #tpu.memory_space<vmem>>, vector<16xf32>,
      %get3A_2018 = arith.constant 15 : i32
      %get3A_2019 = arith.index_cast %get3A_2018 : i32 to index
      %get3A_2020 = arith.constant 0 : index
      %get3A_2021 = tpu.vector_load %arg9[%get3A_2019, %get3A_2020] {strides = array<i32>} : memref<128x128xf32, #tpu.memory_space<vmem>>, vector<16xf32>,
      %swap3A_2022 = arith.constant 480 : index
      %swap3A_2023 = tpu.vector_load %arg11[%swap3A_2022] {strides = array<i32>} : memref<4096xf32, #tpu.memory_space<vmem>>, vector<16xf32>,
      tpu.vector_store %arg11[%swap3A_2022], %get3A_2021 {strides = array<i32>} : memref<4096xf32, #tpu.memory_space<vmem>>, vector<16xf32>,
      %get3A_2024 = arith.constant 15 : i32
      %get3A_2025 = arith.index_cast %get3A_2024 : i32 to index
      %get3A_2026 = arith.constant 16 : index
      %get3A_2027 = tpu.vector_load %arg9[%get3A_2025, %get3A_2026] {strides = array<i32>} : memref<128x128xf32, #tpu.memory_space<vmem>>, vector<16xf32>,
      %swap3A_2028 = arith.constant 496 : index
      %swap3A_2029 = tpu.vector_load %arg11[%swap3A_2028] {strides = array<i32>} : memref<4096xf32, #tpu.memory_space<vmem>>, vector<16xf32>,
      tpu.vector_store %arg11[%swap3A_2028], %get3A_2027 {strides = array<i32>} : memref<4096xf32, #tpu.memory_space<vmem>>, vector<16xf32>,
      %get3A_2030 = arith.constant 16 : i32
      %get3A_2031 = arith.index_cast %get3A_2030 : i32 to index
      %get3A_2032 = arith.constant 0 : index
      %get3A_2033 = tpu.vector_load %arg9[%get3A_2031, %get3A_2032] {strides = array<i32>} : memref<128x128xf32, #tpu.memory_space<vmem>>, vector<16xf32>,
      %swap3A_2034 = arith.constant 512 : index
      %swap3A_2035 = tpu.vector_load %arg11[%swap3A_2034] {strides = array<i32>} : memref<4096xf32, #tpu.memory_space<vmem>>, vector<16xf32>,
      tpu.vector_store %arg11[%swap3A_2034], %get3A_2033 {strides = array<i32>} : memref<4096xf32, #tpu.memory_space<vmem>>, vector<16xf32>,
      %get3A_2036 = arith.constant 16 : i32
      %get3A_2037 = arith.index_cast %get3A_2036 : i32 to index
      %get3A_2038 = arith.constant 16 : index
      %get3A_2039 = tpu.vector_load %arg9[%get3A_2037, %get3A_2038] {strides = array<i32>} : memref<128x128xf32, #tpu.memory_space<vmem>>, vector<16xf32>,
      %swap3A_2040 = arith.constant 528 : index
      %swap3A_2041 = tpu.vector_load %arg11[%swap3A_2040] {strides = array<i32>} : memref<4096xf32, #tpu.memory_space<vmem>>, vector<16xf32>,
      tpu.vector_store %arg11[%swap3A_2040], %get3A_2039 {strides = array<i32>} : memref<4096xf32, #tpu.memory_space<vmem>>, vector<16xf32>,
      %get3A_2042 = arith.constant 17 : i32
      %get3A_2043 = arith.index_cast %get3A_2042 : i32 to index
      %get3A_2044 = arith.constant 0 : index
      %get3A_2045 = tpu.vector_load %arg9[%get3A_2043, %get3A_2044] {strides = array<i32>} : memref<128x128xf32, #tpu.memory_space<vmem>>, vector<16xf32>,
      %swap3A_2046 = arith.constant 544 : index
      %swap3A_2047 = tpu.vector_load %arg11[%swap3A_2046] {strides = array<i32>} : memref<4096xf32, #tpu.memory_space<vmem>>, vector<16xf32>,
      tpu.vector_store %arg11[%swap3A_2046], %get3A_2045 {strides = array<i32>} : memref<4096xf32, #tpu.memory_space<vmem>>, vector<16xf32>,
      %get3A_2048 = arith.constant 17 : i32
      %get3A_2049 = arith.index_cast %get3A_2048 : i32 to index
      %get3A_2050 = arith.constant 16 : index
      %get3A_2051 = tpu.vector_load %arg9[%get3A_2049, %get3A_2050] {strides = array<i32>} : memref<128x128xf32, #tpu.memory_space<vmem>>, vector<16xf32>,
      %swap3A_2052 = arith.constant 560 : index
      %swap3A_2053 = tpu.vector_load %arg11[%swap3A_2052] {strides = array<i32>} : memref<4096xf32, #tpu.memory_space<vmem>>, vector<16xf32>,
      tpu.vector_store %arg11[%swap3A_2052], %get3A_2051 {strides = array<i32>} : memref<4096xf32, #tpu.memory_space<vmem>>, vector<16xf32>,
      %get3A_2054 = arith.constant 18 : i32
      %get3A_2055 = arith.index_cast %get3A_2054 : i32 to index
      %get3A_2056 = arith.constant 0 : index
      %get3A_2057 = tpu.vector_load %arg9[%get3A_2055, %get3A_2056] {strides = array<i32>} : memref<128x128xf32, #tpu.memory_space<vmem>>, vector<16xf32>,
      %swap3A_2058 = arith.constant 576 : index
      %swap3A_2059 = tpu.vector_load %arg11[%swap3A_2058] {strides = array<i32>} : memref<4096xf32, #tpu.memory_space<vmem>>, vector<16xf32>,
      tpu.vector_store %arg11[%swap3A_2058], %get3A_2057 {strides = array<i32>} : memref<4096xf32, #tpu.memory_space<vmem>>, vector<16xf32>,
      %get3A_2060 = arith.constant 18 : i32
      %get3A_2061 = arith.index_cast %get3A_2060 : i32 to index
      %get3A_2062 = arith.constant 16 : index
      %get3A_2063 = tpu.vector_load %arg9[%get3A_2061, %get3A_2062] {strides = array<i32>} : memref<128x128xf32, #tpu.memory_space<vmem>>, vector<16xf32>,
      %swap3A_2064 = arith.constant 592 : index
      %swap3A_2065 = tpu.vector_load %arg11[%swap3A_2064] {strides = array<i32>} : memref<4096xf32, #tpu.memory_space<vmem>>, vector<16xf32>,
      tpu.vector_store %arg11[%swap3A_2064], %get3A_2063 {strides = array<i32>} : memref<4096xf32, #tpu.memory_space<vmem>>, vector<16xf32>,
      %get3A_2066 = arith.constant 19 : i32
      %get3A_2067 = arith.index_cast %get3A_2066 : i32 to index
      %get3A_2068 = arith.constant 0 : index
      %get3A_2069 = tpu.vector_load %arg9[%get3A_2067, %get3A_2068] {strides = array<i32>} : memref<128x128xf32, #tpu.memory_space<vmem>>, vector<16xf32>,
      %swap3A_2070 = arith.constant 608 : index
      %swap3A_2071 = tpu.vector_load %arg11[%swap3A_2070] {strides = array<i32>} : memref<4096xf32, #tpu.memory_space<vmem>>, vector<16xf32>,
      tpu.vector_store %arg11[%swap3A_2070], %get3A_2069 {strides = array<i32>} : memref<4096xf32, #tpu.memory_space<vmem>>, vector<16xf32>,
      %get3A_2072 = arith.constant 19 : i32
      %get3A_2073 = arith.index_cast %get3A_2072 : i32 to index
      %get3A_2074 = arith.constant 16 : index
      %get3A_2075 = tpu.vector_load %arg9[%get3A_2073, %get3A_2074] {strides = array<i32>} : memref<128x128xf32, #tpu.memory_space<vmem>>, vector<16xf32>,
      %swap3A_2076 = arith.constant 624 : index
      %swap3A_2077 = tpu.vector_load %arg11[%swap3A_2076] {strides = array<i32>} : memref<4096xf32, #tpu.memory_space<vmem>>, vector<16xf32>,
      tpu.vector_store %arg11[%swap3A_2076], %get3A_2075 {strides = array<i32>} : memref<4096xf32, #tpu.memory_space<vmem>>, vector<16xf32>,
      %get3A_2078 = arith.constant 20 : i32
      %get3A_2079 = arith.index_cast %get3A_2078 : i32 to index
      %get3A_2080 = arith.constant 0 : index
      %get3A_2081 = tpu.vector_load %arg9[%get3A_2079, %get3A_2080] {strides = array<i32>} : memref<128x128xf32, #tpu.memory_space<vmem>>, vector<16xf32>,
      %swap3A_2082 = arith.constant 640 : index
      %swap3A_2083 = tpu.vector_load %arg11[%swap3A_2082] {strides = array<i32>} : memref<4096xf32, #tpu.memory_space<vmem>>, vector<16xf32>,
      tpu.vector_store %arg11[%swap3A_2082], %get3A_2081 {strides = array<i32>} : memref<4096xf32, #tpu.memory_space<vmem>>, vector<16xf32>,
      %get3A_2084 = arith.constant 20 : i32
      %get3A_2085 = arith.index_cast %get3A_2084 : i32 to index
      %get3A_2086 = arith.constant 16 : index
      %get3A_2087 = tpu.vector_load %arg9[%get3A_2085, %get3A_2086] {strides = array<i32>} : memref<128x128xf32, #tpu.memory_space<vmem>>, vector<16xf32>,
      %swap3A_2088 = arith.constant 656 : index
      %swap3A_2089 = tpu.vector_load %arg11[%swap3A_2088] {strides = array<i32>} : memref<4096xf32, #tpu.memory_space<vmem>>, vector<16xf32>,
      tpu.vector_store %arg11[%swap3A_2088], %get3A_2087 {strides = array<i32>} : memref<4096xf32, #tpu.memory_space<vmem>>, vector<16xf32>,
      %get3A_2090 = arith.constant 21 : i32
      %get3A_2091 = arith.index_cast %get3A_2090 : i32 to index
      %get3A_2092 = arith.constant 0 : index
      %get3A_2093 = tpu.vector_load %arg9[%get3A_2091, %get3A_2092] {strides = array<i32>} : memref<128x128xf32, #tpu.memory_space<vmem>>, vector<16xf32>,
      %swap3A_2094 = arith.constant 672 : index
      %swap3A_2095 = tpu.vector_load %arg11[%swap3A_2094] {strides = array<i32>} : memref<4096xf32, #tpu.memory_space<vmem>>, vector<16xf32>,
      tpu.vector_store %arg11[%swap3A_2094], %get3A_2093 {strides = array<i32>} : memref<4096xf32, #tpu.memory_space<vmem>>, vector<16xf32>,
      %get3A_2096 = arith.constant 21 : i32
      %get3A_2097 = arith.index_cast %get3A_2096 : i32 to index
      %get3A_2098 = arith.constant 16 : index
      %get3A_2099 = tpu.vector_load %arg9[%get3A_2097, %get3A_2098] {strides = array<i32>} : memref<128x128xf32, #tpu.memory_space<vmem>>, vector<16xf32>,
      %swap3A_2100 = arith.constant 688 : index
      %swap3A_2101 = tpu.vector_load %arg11[%swap3A_2100] {strides = array<i32>} : memref<4096xf32, #tpu.memory_space<vmem>>, vector<16xf32>,
      tpu.vector_store %arg11[%swap3A_2100], %get3A_2099 {strides = array<i32>} : memref<4096xf32, #tpu.memory_space<vmem>>, vector<16xf32>,
      %get3A_2102 = arith.constant 22 : i32
      %get3A_2103 = arith.index_cast %get3A_2102 : i32 to index
      %get3A_2104 = arith.constant 0 : index
      %get3A_2105 = tpu.vector_load %arg9[%get3A_2103, %get3A_2104] {strides = array<i32>} : memref<128x128xf32, #tpu.memory_space<vmem>>, vector<16xf32>,
      %swap3A_2106 = arith.constant 704 : index
      %swap3A_2107 = tpu.vector_load %arg11[%swap3A_2106] {strides = array<i32>} : memref<4096xf32, #tpu.memory_space<vmem>>, vector<16xf32>,
      tpu.vector_store %arg11[%swap3A_2106], %get3A_2105 {strides = array<i32>} : memref<4096xf32, #tpu.memory_space<vmem>>, vector<16xf32>,
      %get3A_2108 = arith.constant 22 : i32
      %get3A_2109 = arith.index_cast %get3A_2108 : i32 to index
      %get3A_2110 = arith.constant 16 : index
      %get3A_2111 = tpu.vector_load %arg9[%get3A_2109, %get3A_2110] {strides = array<i32>} : memref<128x128xf32, #tpu.memory_space<vmem>>, vector<16xf32>,
      %swap3A_2112 = arith.constant 720 : index
      %swap3A_2113 = tpu.vector_load %arg11[%swap3A_2112] {strides = array<i32>} : memref<4096xf32, #tpu.memory_space<vmem>>, vector<16xf32>,
      tpu.vector_store %arg11[%swap3A_2112], %get3A_2111 {strides = array<i32>} : memref<4096xf32, #tpu.memory_space<vmem>>, vector<16xf32>,
      %get3A_2114 = arith.constant 23 : i32
      %get3A_2115 = arith.index_cast %get3A_2114 : i32 to index
      %get3A_2116 = arith.constant 0 : index
      %get3A_2117 = tpu.vector_load %arg9[%get3A_2115, %get3A_2116] {strides = array<i32>} : memref<128x128xf32, #tpu.memory_space<vmem>>, vector<16xf32>,
      %swap3A_2118 = arith.constant 736 : index
      %swap3A_2119 = tpu.vector_load %arg11[%swap3A_2118] {strides = array<i32>} : memref<4096xf32, #tpu.memory_space<vmem>>, vector<16xf32>,
      tpu.vector_store %arg11[%swap3A_2118], %get3A_2117 {strides = array<i32>} : memref<4096xf32, #tpu.memory_space<vmem>>, vector<16xf32>,
      %get3A_2120 = arith.constant 23 : i32
      %get3A_2121 = arith.index_cast %get3A_2120 : i32 to index
      %get3A_2122 = arith.constant 16 : index
      %get3A_2123 = tpu.vector_load %arg9[%get3A_2121, %get3A_2122] {strides = array<i32>} : memref<128x128xf32, #tpu.memory_space<vmem>>, vector<16xf32>,
      %swap3A_2124 = arith.constant 752 : index
      %swap3A_2125 = tpu.vector_load %arg11[%swap3A_2124] {strides = array<i32>} : memref<4096xf32, #tpu.memory_space<vmem>>, vector<16xf32>,
      tpu.vector_store %arg11[%swap3A_2124], %get3A_2123 {strides = array<i32>} : memref<4096xf32, #tpu.memory_space<vmem>>, vector<16xf32>,
      %get3A_2126 = arith.constant 24 : i32
      %get3A_2127 = arith.index_cast %get3A_2126 : i32 to index
      %get3A_2128 = arith.constant 0 : index
      %get3A_2129 = tpu.vector_load %arg9[%get3A_2127, %get3A_2128] {strides = array<i32>} : memref<128x128xf32, #tpu.memory_space<vmem>>, vector<16xf32>,
      %swap3A_2130 = arith.constant 768 : index
      %swap3A_2131 = tpu.vector_load %arg11[%swap3A_2130] {strides = array<i32>} : memref<4096xf32, #tpu.memory_space<vmem>>, vector<16xf32>,
      tpu.vector_store %arg11[%swap3A_2130], %get3A_2129 {strides = array<i32>} : memref<4096xf32, #tpu.memory_space<vmem>>, vector<16xf32>,
      %get3A_2132 = arith.constant 24 : i32
      %get3A_2133 = arith.index_cast %get3A_2132 : i32 to index
      %get3A_2134 = arith.constant 16 : index
      %get3A_2135 = tpu.vector_load %arg9[%get3A_2133, %get3A_2134] {strides = array<i32>} : memref<128x128xf32, #tpu.memory_space<vmem>>, vector<16xf32>,
      %swap3A_2136 = arith.constant 784 : index
      %swap3A_2137 = tpu.vector_load %arg11[%swap3A_2136] {strides = array<i32>} : memref<4096xf32, #tpu.memory_space<vmem>>, vector<16xf32>,
      tpu.vector_store %arg11[%swap3A_2136], %get3A_2135 {strides = array<i32>} : memref<4096xf32, #tpu.memory_space<vmem>>, vector<16xf32>,
      %get3A_2138 = arith.constant 25 : i32
      %get3A_2139 = arith.index_cast %get3A_2138 : i32 to index
      %get3A_2140 = arith.constant 0 : index
      %get3A_2141 = tpu.vector_load %arg9[%get3A_2139, %get3A_2140] {strides = array<i32>} : memref<128x128xf32, #tpu.memory_space<vmem>>, vector<16xf32>,
      %swap3A_2142 = arith.constant 800 : index
      %swap3A_2143 = tpu.vector_load %arg11[%swap3A_2142] {strides = array<i32>} : memref<4096xf32, #tpu.memory_space<vmem>>, vector<16xf32>,
      tpu.vector_store %arg11[%swap3A_2142], %get3A_2141 {strides = array<i32>} : memref<4096xf32, #tpu.memory_space<vmem>>, vector<16xf32>,
      %get3A_2144 = arith.constant 25 : i32
      %get3A_2145 = arith.index_cast %get3A_2144 : i32 to index
      %get3A_2146 = arith.constant 16 : index
      %get3A_2147 = tpu.vector_load %arg9[%get3A_2145, %get3A_2146] {strides = array<i32>} : memref<128x128xf32, #tpu.memory_space<vmem>>, vector<16xf32>,
      %swap3A_2148 = arith.constant 816 : index
      %swap3A_2149 = tpu.vector_load %arg11[%swap3A_2148] {strides = array<i32>} : memref<4096xf32, #tpu.memory_space<vmem>>, vector<16xf32>,
      tpu.vector_store %arg11[%swap3A_2148], %get3A_2147 {strides = array<i32>} : memref<4096xf32, #tpu.memory_space<vmem>>, vector<16xf32>,
      %get3A_2150 = arith.constant 26 : i32
      %get3A_2151 = arith.index_cast %get3A_2150 : i32 to index
      %get3A_2152 = arith.constant 0 : index
      %get3A_2153 = tpu.vector_load %arg9[%get3A_2151, %get3A_2152] {strides = array<i32>} : memref<128x128xf32, #tpu.memory_space<vmem>>, vector<16xf32>,
      %swap3A_2154 = arith.constant 832 : index
      %swap3A_2155 = tpu.vector_load %arg11[%swap3A_2154] {strides = array<i32>} : memref<4096xf32, #tpu.memory_space<vmem>>, vector<16xf32>,
      tpu.vector_store %arg11[%swap3A_2154], %get3A_2153 {strides = array<i32>} : memref<4096xf32, #tpu.memory_space<vmem>>, vector<16xf32>,
      %get3A_2156 = arith.constant 26 : i32
      %get3A_2157 = arith.index_cast %get3A_2156 : i32 to index
      %get3A_2158 = arith.constant 16 : index
      %get3A_2159 = tpu.vector_load %arg9[%get3A_2157, %get3A_2158] {strides = array<i32>} : memref<128x128xf32, #tpu.memory_space<vmem>>, vector<16xf32>,
      %swap3A_2160 = arith.constant 848 : index
      %swap3A_2161 = tpu.vector_load %arg11[%swap3A_2160] {strides = array<i32>} : memref<4096xf32, #tpu.memory_space<vmem>>, vector<16xf32>,
      tpu.vector_store %arg11[%swap3A_2160], %get3A_2159 {strides = array<i32>} : memref<4096xf32, #tpu.memory_space<vmem>>, vector<16xf32>,
      %get3A_2162 = arith.constant 27 : i32
      %get3A_2163 = arith.index_cast %get3A_2162 : i32 to index
      %get3A_2164 = arith.constant 0 : index
      %get3A_2165 = tpu.vector_load %arg9[%get3A_2163, %get3A_2164] {strides = array<i32>} : memref<128x128xf32, #tpu.memory_space<vmem>>, vector<16xf32>,
      %swap3A_2166 = arith.constant 864 : index
      %swap3A_2167 = tpu.vector_load %arg11[%swap3A_2166] {strides = array<i32>} : memref<4096xf32, #tpu.memory_space<vmem>>, vector<16xf32>,
      tpu.vector_store %arg11[%swap3A_2166], %get3A_2165 {strides = array<i32>} : memref<4096xf32, #tpu.memory_space<vmem>>, vector<16xf32>,
      %get3A_2168 = arith.constant 27 : i32
      %get3A_2169 = arith.index_cast %get3A_2168 : i32 to index
      %get3A_2170 = arith.constant 16 : index
      %get3A_2171 = tpu.vector_load %arg9[%get3A_2169, %get3A_2170] {strides = array<i32>} : memref<128x128xf32, #tpu.memory_space<vmem>>, vector<16xf32>,
      %swap3A_2172 = arith.constant 880 : index
      %swap3A_2173 = tpu.vector_load %arg11[%swap3A_2172] {strides = array<i32>} : memref<4096xf32, #tpu.memory_space<vmem>>, vector<16xf32>,
      tpu.vector_store %arg11[%swap3A_2172], %get3A_2171 {strides = array<i32>} : memref<4096xf32, #tpu.memory_space<vmem>>, vector<16xf32>,
      %get3A_2174 = arith.constant 28 : i32
      %get3A_2175 = arith.index_cast %get3A_2174 : i32 to index
      %get3A_2176 = arith.constant 0 : index
      %get3A_2177 = tpu.vector_load %arg9[%get3A_2175, %get3A_2176] {strides = array<i32>} : memref<128x128xf32, #tpu.memory_space<vmem>>, vector<16xf32>,
      %swap3A_2178 = arith.constant 896 : index
      %swap3A_2179 = tpu.vector_load %arg11[%swap3A_2178] {strides = array<i32>} : memref<4096xf32, #tpu.memory_space<vmem>>, vector<16xf32>,
      tpu.vector_store %arg11[%swap3A_2178], %get3A_2177 {strides = array<i32>} : memref<4096xf32, #tpu.memory_space<vmem>>, vector<16xf32>,
      %get3A_2180 = arith.constant 28 : i32
      %get3A_2181 = arith.index_cast %get3A_2180 : i32 to index
      %get3A_2182 = arith.constant 16 : index
      %get3A_2183 = tpu.vector_load %arg9[%get3A_2181, %get3A_2182] {strides = array<i32>} : memref<128x128xf32, #tpu.memory_space<vmem>>, vector<16xf32>,
      %swap3A_2184 = arith.constant 912 : index
      %swap3A_2185 = tpu.vector_load %arg11[%swap3A_2184] {strides = array<i32>} : memref<4096xf32, #tpu.memory_space<vmem>>, vector<16xf32>,
      tpu.vector_store %arg11[%swap3A_2184], %get3A_2183 {strides = array<i32>} : memref<4096xf32, #tpu.memory_space<vmem>>, vector<16xf32>,
      %get3A_2186 = arith.constant 29 : i32
      %get3A_2187 = arith.index_cast %get3A_2186 : i32 to index
      %get3A_2188 = arith.constant 0 : index
      %get3A_2189 = tpu.vector_load %arg9[%get3A_2187, %get3A_2188] {strides = array<i32>} : memref<128x128xf32, #tpu.memory_space<vmem>>, vector<16xf32>,
      %swap3A_2190 = arith.constant 928 : index
      %swap3A_2191 = tpu.vector_load %arg11[%swap3A_2190] {strides = array<i32>} : memref<4096xf32, #tpu.memory_space<vmem>>, vector<16xf32>,
      tpu.vector_store %arg11[%swap3A_2190], %get3A_2189 {strides = array<i32>} : memref<4096xf32, #tpu.memory_space<vmem>>, vector<16xf32>,
      %get3A_2192 = arith.constant 29 : i32
      %get3A_2193 = arith.index_cast %get3A_2192 : i32 to index
      %get3A_2194 = arith.constant 16 : index
      %get3A_2195 = tpu.vector_load %arg9[%get3A_2193, %get3A_2194] {strides = array<i32>} : memref<128x128xf32, #tpu.memory_space<vmem>>, vector<16xf32>,
      %swap3A_2196 = arith.constant 944 : index
      %swap3A_2197 = tpu.vector_load %arg11[%swap3A_2196] {strides = array<i32>} : memref<4096xf32, #tpu.memory_space<vmem>>, vector<16xf32>,
      tpu.vector_store %arg11[%swap3A_2196], %get3A_2195 {strides = array<i32>} : memref<4096xf32, #tpu.memory_space<vmem>>, vector<16xf32>,
      %get3A_2198 = arith.constant 30 : i32
      %get3A_2199 = arith.index_cast %get3A_2198 : i32 to index
      %get3A_2200 = arith.constant 0 : index
      %get3A_2201 = tpu.vector_load %arg9[%get3A_2199, %get3A_2200] {strides = array<i32>} : memref<128x128xf32, #tpu.memory_space<vmem>>, vector<16xf32>,
      %swap3A_2202 = arith.constant 960 : index
      %swap3A_2203 = tpu.vector_load %arg11[%swap3A_2202] {strides = array<i32>} : memref<4096xf32, #tpu.memory_space<vmem>>, vector<16xf32>,
      tpu.vector_store %arg11[%swap3A_2202], %get3A_2201 {strides = array<i32>} : memref<4096xf32, #tpu.memory_space<vmem>>, vector<16xf32>,
      %get3A_2204 = arith.constant 30 : i32
      %get3A_2205 = arith.index_cast %get3A_2204 : i32 to index
      %get3A_2206 = arith.constant 16 : index
      %get3A_2207 = tpu.vector_load %arg9[%get3A_2205, %get3A_2206] {strides = array<i32>} : memref<128x128xf32, #tpu.memory_space<vmem>>, vector<16xf32>,
      %swap3A_2208 = arith.constant 976 : index
      %swap3A_2209 = tpu.vector_load %arg11[%swap3A_2208] {strides = array<i32>} : memref<4096xf32, #tpu.memory_space<vmem>>, vector<16xf32>,
      tpu.vector_store %arg11[%swap3A_2208], %get3A_2207 {strides = array<i32>} : memref<4096xf32, #tpu.memory_space<vmem>>, vector<16xf32>,
      %get3A_2210 = arith.constant 31 : i32
      %get3A_2211 = arith.index_cast %get3A_2210 : i32 to index
      %get3A_2212 = arith.constant 0 : index
      %get3A_2213 = tpu.vector_load %arg9[%get3A_2211, %get3A_2212] {strides = array<i32>} : memref<128x128xf32, #tpu.memory_space<vmem>>, vector<16xf32>,
      %swap3A_2214 = arith.constant 992 : index
      %swap3A_2215 = tpu.vector_load %arg11[%swap3A_2214] {strides = array<i32>} : memref<4096xf32, #tpu.memory_space<vmem>>, vector<16xf32>,
      tpu.vector_store %arg11[%swap3A_2214], %get3A_2213 {strides = array<i32>} : memref<4096xf32, #tpu.memory_space<vmem>>, vector<16xf32>,
      %get3A_2216 = arith.constant 31 : i32
      %get3A_2217 = arith.index_cast %get3A_2216 : i32 to index
      %get3A_2218 = arith.constant 16 : index
      %get3A_2219 = tpu.vector_load %arg9[%get3A_2217, %get3A_2218] {strides = array<i32>} : memref<128x128xf32, #tpu.memory_space<vmem>>, vector<16xf32>,
      %swap3A_2220 = arith.constant 1008 : index
      %swap3A_2221 = tpu.vector_load %arg11[%swap3A_2220] {strides = array<i32>} : memref<4096xf32, #tpu.memory_space<vmem>>, vector<16xf32>,
      tpu.vector_store %arg11[%swap3A_2220], %get3A_2219 {strides = array<i32>} : memref<4096xf32, #tpu.memory_space<vmem>>, vector<16xf32>,
      %get3A_2222 = arith.constant 32 : i32
      %get3A_2223 = arith.index_cast %get3A_2222 : i32 to index
      %get3A_2224 = arith.constant 0 : index
      %get3A_2225 = tpu.vector_load %arg9[%get3A_2223, %get3A_2224] {strides = array<i32>} : memref<128x128xf32, #tpu.memory_space<vmem>>, vector<16xf32>,
      %swap3A_2226 = arith.constant 1024 : index
      %swap3A_2227 = tpu.vector_load %arg11[%swap3A_2226] {strides = array<i32>} : memref<4096xf32, #tpu.memory_space<vmem>>, vector<16xf32>,
      tpu.vector_store %arg11[%swap3A_2226], %get3A_2225 {strides = array<i32>} : memref<4096xf32, #tpu.memory_space<vmem>>, vector<16xf32>,
      %get3A_2228 = arith.constant 32 : i32
      %get3A_2229 = arith.index_cast %get3A_2228 : i32 to index
      %get3A_2230 = arith.constant 16 : index
      %get3A_2231 = tpu.vector_load %arg9[%get3A_2229, %get3A_2230] {strides = array<i32>} : memref<128x128xf32, #tpu.memory_space<vmem>>, vector<16xf32>,
      %swap3A_2232 = arith.constant 1040 : index
      %swap3A_2233 = tpu.vector_load %arg11[%swap3A_2232] {strides = array<i32>} : memref<4096xf32, #tpu.memory_space<vmem>>, vector<16xf32>,
      tpu.vector_store %arg11[%swap3A_2232], %get3A_2231 {strides = array<i32>} : memref<4096xf32, #tpu.memory_space<vmem>>, vector<16xf32>,
      %get3A_2234 = arith.constant 33 : i32
      %get3A_2235 = arith.index_cast %get3A_2234 : i32 to index
      %get3A_2236 = arith.constant 0 : index
      %get3A_2237 = tpu.vector_load %arg9[%get3A_2235, %get3A_2236] {strides = array<i32>} : memref<128x128xf32, #tpu.memory_space<vmem>>, vector<16xf32>,
      %swap3A_2238 = arith.constant 1056 : index
      %swap3A_2239 = tpu.vector_load %arg11[%swap3A_2238] {strides = array<i32>} : memref<4096xf32, #tpu.memory_space<vmem>>, vector<16xf32>,
      tpu.vector_store %arg11[%swap3A_2238], %get3A_2237 {strides = array<i32>} : memref<4096xf32, #tpu.memory_space<vmem>>, vector<16xf32>,
      %get3A_2240 = arith.constant 33 : i32
      %get3A_2241 = arith.index_cast %get3A_2240 : i32 to index
      %get3A_2242 = arith.constant 16 : index
      %get3A_2243 = tpu.vector_load %arg9[%get3A_2241, %get3A_2242] {strides = array<i32>} : memref<128x128xf32, #tpu.memory_space<vmem>>, vector<16xf32>,
      %swap3A_2244 = arith.constant 1072 : index
      %swap3A_2245 = tpu.vector_load %arg11[%swap3A_2244] {strides = array<i32>} : memref<4096xf32, #tpu.memory_space<vmem>>, vector<16xf32>,
      tpu.vector_store %arg11[%swap3A_2244], %get3A_2243 {strides = array<i32>} : memref<4096xf32, #tpu.memory_space<vmem>>, vector<16xf32>,
      %get3A_2246 = arith.constant 34 : i32
      %get3A_2247 = arith.index_cast %get3A_2246 : i32 to index
      %get3A_2248 = arith.constant 0 : index
      %get3A_2249 = tpu.vector_load %arg9[%get3A_2247, %get3A_2248] {strides = array<i32>} : memref<128x128xf32, #tpu.memory_space<vmem>>, vector<16xf32>,
      %swap3A_2250 = arith.constant 1088 : index
      %swap3A_2251 = tpu.vector_load %arg11[%swap3A_2250] {strides = array<i32>} : memref<4096xf32, #tpu.memory_space<vmem>>, vector<16xf32>,
      tpu.vector_store %arg11[%swap3A_2250], %get3A_2249 {strides = array<i32>} : memref<4096xf32, #tpu.memory_space<vmem>>, vector<16xf32>,
      %get3A_2252 = arith.constant 34 : i32
      %get3A_2253 = arith.index_cast %get3A_2252 : i32 to index
      %get3A_2254 = arith.constant 16 : index
      %get3A_2255 = tpu.vector_load %arg9[%get3A_2253, %get3A_2254] {strides = array<i32>} : memref<128x128xf32, #tpu.memory_space<vmem>>, vector<16xf32>,
      %swap3A_2256 = arith.constant 1104 : index
      %swap3A_2257 = tpu.vector_load %arg11[%swap3A_2256] {strides = array<i32>} : memref<4096xf32, #tpu.memory_space<vmem>>, vector<16xf32>,
      tpu.vector_store %arg11[%swap3A_2256], %get3A_2255 {strides = array<i32>} : memref<4096xf32, #tpu.memory_space<vmem>>, vector<16xf32>,
      %get3A_2258 = arith.constant 35 : i32
      %get3A_2259 = arith.index_cast %get3A_2258 : i32 to index
      %get3A_2260 = arith.constant 0 : index
      %get3A_2261 = tpu.vector_load %arg9[%get3A_2259, %get3A_2260] {strides = array<i32>} : memref<128x128xf32, #tpu.memory_space<vmem>>, vector<16xf32>,
      %swap3A_2262 = arith.constant 1120 : index
      %swap3A_2263 = tpu.vector_load %arg11[%swap3A_2262] {strides = array<i32>} : memref<4096xf32, #tpu.memory_space<vmem>>, vector<16xf32>,
      tpu.vector_store %arg11[%swap3A_2262], %get3A_2261 {strides = array<i32>} : memref<4096xf32, #tpu.memory_space<vmem>>, vector<16xf32>,
      %get3A_2264 = arith.constant 35 : i32
      %get3A_2265 = arith.index_cast %get3A_2264 : i32 to index
      %get3A_2266 = arith.constant 16 : index
      %get3A_2267 = tpu.vector_load %arg9[%get3A_2265, %get3A_2266] {strides = array<i32>} : memref<128x128xf32, #tpu.memory_space<vmem>>, vector<16xf32>,
      %swap3A_2268 = arith.constant 1136 : index
      %swap3A_2269 = tpu.vector_load %arg11[%swap3A_2268] {strides = array<i32>} : memref<4096xf32, #tpu.memory_space<vmem>>, vector<16xf32>,
      tpu.vector_store %arg11[%swap3A_2268], %get3A_2267 {strides = array<i32>} : memref<4096xf32, #tpu.memory_space<vmem>>, vector<16xf32>,
      %get3A_2270 = arith.constant 36 : i32
      %get3A_2271 = arith.index_cast %get3A_2270 : i32 to index
      %get3A_2272 = arith.constant 0 : index
      %get3A_2273 = tpu.vector_load %arg9[%get3A_2271, %get3A_2272] {strides = array<i32>} : memref<128x128xf32, #tpu.memory_space<vmem>>, vector<16xf32>,
      %swap3A_2274 = arith.constant 1152 : index
      %swap3A_2275 = tpu.vector_load %arg11[%swap3A_2274] {strides = array<i32>} : memref<4096xf32, #tpu.memory_space<vmem>>, vector<16xf32>,
      tpu.vector_store %arg11[%swap3A_2274], %get3A_2273 {strides = array<i32>} : memref<4096xf32, #tpu.memory_space<vmem>>, vector<16xf32>,
      %get3A_2276 = arith.constant 36 : i32
      %get3A_2277 = arith.index_cast %get3A_2276 : i32 to index
      %get3A_2278 = arith.constant 16 : index
      %get3A_2279 = tpu.vector_load %arg9[%get3A_2277, %get3A_2278] {strides = array<i32>} : memref<128x128xf32, #tpu.memory_space<vmem>>, vector<16xf32>,
      %swap3A_2280 = arith.constant 1168 : index
      %swap3A_2281 = tpu.vector_load %arg11[%swap3A_2280] {strides = array<i32>} : memref<4096xf32, #tpu.memory_space<vmem>>, vector<16xf32>,
      tpu.vector_store %arg11[%swap3A_2280], %get3A_2279 {strides = array<i32>} : memref<4096xf32, #tpu.memory_space<vmem>>, vector<16xf32>,
      %get3A_2282 = arith.constant 37 : i32
      %get3A_2283 = arith.index_cast %get3A_2282 : i32 to index
      %get3A_2284 = arith.constant 0 : index
      %get3A_2285 = tpu.vector_load %arg9[%get3A_2283, %get3A_2284] {strides = array<i32>} : memref<128x128xf32, #tpu.memory_space<vmem>>, vector<16xf32>,
      %swap3A_2286 = arith.constant 1184 : index
      %swap3A_2287 = tpu.vector_load %arg11[%swap3A_2286] {strides = array<i32>} : memref<4096xf32, #tpu.memory_space<vmem>>, vector<16xf32>,
      tpu.vector_store %arg11[%swap3A_2286], %get3A_2285 {strides = array<i32>} : memref<4096xf32, #tpu.memory_space<vmem>>, vector<16xf32>,
      %get3A_2288 = arith.constant 37 : i32
      %get3A_2289 = arith.index_cast %get3A_2288 : i32 to index
      %get3A_2290 = arith.constant 16 : index
      %get3A_2291 = tpu.vector_load %arg9[%get3A_2289, %get3A_2290] {strides = array<i32>} : memref<128x128xf32, #tpu.memory_space<vmem>>, vector<16xf32>,
      %swap3A_2292 = arith.constant 1200 : index
      %swap3A_2293 = tpu.vector_load %arg11[%swap3A_2292] {strides = array<i32>} : memref<4096xf32, #tpu.memory_space<vmem>>, vector<16xf32>,
      tpu.vector_store %arg11[%swap3A_2292], %get3A_2291 {strides = array<i32>} : memref<4096xf32, #tpu.memory_space<vmem>>, vector<16xf32>,
      %get3A_2294 = arith.constant 38 : i32
      %get3A_2295 = arith.index_cast %get3A_2294 : i32 to index
      %get3A_2296 = arith.constant 0 : index
      %get3A_2297 = tpu.vector_load %arg9[%get3A_2295, %get3A_2296] {strides = array<i32>} : memref<128x128xf32, #tpu.memory_space<vmem>>, vector<16xf32>,
      %swap3A_2298 = arith.constant 1216 : index
      %swap3A_2299 = tpu.vector_load %arg11[%swap3A_2298] {strides = array<i32>} : memref<4096xf32, #tpu.memory_space<vmem>>, vector<16xf32>,
      tpu.vector_store %arg11[%swap3A_2298], %get3A_2297 {strides = array<i32>} : memref<4096xf32, #tpu.memory_space<vmem>>, vector<16xf32>,
      %get3A_2300 = arith.constant 38 : i32
      %get3A_2301 = arith.index_cast %get3A_2300 : i32 to index
      %get3A_2302 = arith.constant 16 : index
      %get3A_2303 = tpu.vector_load %arg9[%get3A_2301, %get3A_2302] {strides = array<i32>} : memref<128x128xf32, #tpu.memory_space<vmem>>, vector<16xf32>,
      %swap3A_2304 = arith.constant 1232 : index
      %swap3A_2305 = tpu.vector_load %arg11[%swap3A_2304] {strides = array<i32>} : memref<4096xf32, #tpu.memory_space<vmem>>, vector<16xf32>,
      tpu.vector_store %arg11[%swap3A_2304], %get3A_2303 {strides = array<i32>} : memref<4096xf32, #tpu.memory_space<vmem>>, vector<16xf32>,
      %get3A_2306 = arith.constant 39 : i32
      %get3A_2307 = arith.index_cast %get3A_2306 : i32 to index
      %get3A_2308 = arith.constant 0 : index
      %get3A_2309 = tpu.vector_load %arg9[%get3A_2307, %get3A_2308] {strides = array<i32>} : memref<128x128xf32, #tpu.memory_space<vmem>>, vector<16xf32>,
      %swap3A_2310 = arith.constant 1248 : index
      %swap3A_2311 = tpu.vector_load %arg11[%swap3A_2310] {strides = array<i32>} : memref<4096xf32, #tpu.memory_space<vmem>>, vector<16xf32>,
      tpu.vector_store %arg11[%swap3A_2310], %get3A_2309 {strides = array<i32>} : memref<4096xf32, #tpu.memory_space<vmem>>, vector<16xf32>,
      %get3A_2312 = arith.constant 39 : i32
      %get3A_2313 = arith.index_cast %get3A_2312 : i32 to index
      %get3A_2314 = arith.constant 16 : index
      %get3A_2315 = tpu.vector_load %arg9[%get3A_2313, %get3A_2314] {strides = array<i32>} : memref<128x128xf32, #tpu.memory_space<vmem>>, vector<16xf32>,
      %swap3A_2316 = arith.constant 1264 : index
      %swap3A_2317 = tpu.vector_load %arg11[%swap3A_2316] {strides = array<i32>} : memref<4096xf32, #tpu.memory_space<vmem>>, vector<16xf32>,
      tpu.vector_store %arg11[%swap3A_2316], %get3A_2315 {strides = array<i32>} : memref<4096xf32, #tpu.memory_space<vmem>>, vector<16xf32>,
      %get3A_2318 = arith.constant 40 : i32
      %get3A_2319 = arith.index_cast %get3A_2318 : i32 to index
      %get3A_2320 = arith.constant 0 : index
      %get3A_2321 = tpu.vector_load %arg9[%get3A_2319, %get3A_2320] {strides = array<i32>} : memref<128x128xf32, #tpu.memory_space<vmem>>, vector<16xf32>,
      %swap3A_2322 = arith.constant 1280 : index
      %swap3A_2323 = tpu.vector_load %arg11[%swap3A_2322] {strides = array<i32>} : memref<4096xf32, #tpu.memory_space<vmem>>, vector<16xf32>,
      tpu.vector_store %arg11[%swap3A_2322], %get3A_2321 {strides = array<i32>} : memref<4096xf32, #tpu.memory_space<vmem>>, vector<16xf32>,
      %get3A_2324 = arith.constant 40 : i32
      %get3A_2325 = arith.index_cast %get3A_2324 : i32 to index
      %get3A_2326 = arith.constant 16 : index
      %get3A_2327 = tpu.vector_load %arg9[%get3A_2325, %get3A_2326] {strides = array<i32>} : memref<128x128xf32, #tpu.memory_space<vmem>>, vector<16xf32>,
      %swap3A_2328 = arith.constant 1296 : index
      %swap3A_2329 = tpu.vector_load %arg11[%swap3A_2328] {strides = array<i32>} : memref<4096xf32, #tpu.memory_space<vmem>>, vector<16xf32>,
      tpu.vector_store %arg11[%swap3A_2328], %get3A_2327 {strides = array<i32>} : memref<4096xf32, #tpu.memory_space<vmem>>, vector<16xf32>,
      %get3A_2330 = arith.constant 41 : i32
      %get3A_2331 = arith.index_cast %get3A_2330 : i32 to index
      %get3A_2332 = arith.constant 0 : index
      %get3A_2333 = tpu.vector_load %arg9[%get3A_2331, %get3A_2332] {strides = array<i32>} : memref<128x128xf32, #tpu.memory_space<vmem>>, vector<16xf32>,
      %swap3A_2334 = arith.constant 1312 : index
      %swap3A_2335 = tpu.vector_load %arg11[%swap3A_2334] {strides = array<i32>} : memref<4096xf32, #tpu.memory_space<vmem>>, vector<16xf32>,
      tpu.vector_store %arg11[%swap3A_2334], %get3A_2333 {strides = array<i32>} : memref<4096xf32, #tpu.memory_space<vmem>>, vector<16xf32>,
      %get3A_2336 = arith.constant 41 : i32
      %get3A_2337 = arith.index_cast %get3A_2336 : i32 to index
      %get3A_2338 = arith.constant 16 : index
      %get3A_2339 = tpu.vector_load %arg9[%get3A_2337, %get3A_2338] {strides = array<i32>} : memref<128x128xf32, #tpu.memory_space<vmem>>, vector<16xf32>,
      %swap3A_2340 = arith.constant 1328 : index
      %swap3A_2341 = tpu.vector_load %arg11[%swap3A_2340] {strides = array<i32>} : memref<4096xf32, #tpu.memory_space<vmem>>, vector<16xf32>,
      tpu.vector_store %arg11[%swap3A_2340], %get3A_2339 {strides = array<i32>} : memref<4096xf32, #tpu.memory_space<vmem>>, vector<16xf32>,
      %get3A_2342 = arith.constant 42 : i32
      %get3A_2343 = arith.index_cast %get3A_2342 : i32 to index
      %get3A_2344 = arith.constant 0 : index
      %get3A_2345 = tpu.vector_load %arg9[%get3A_2343, %get3A_2344] {strides = array<i32>} : memref<128x128xf32, #tpu.memory_space<vmem>>, vector<16xf32>,
      %swap3A_2346 = arith.constant 1344 : index
      %swap3A_2347 = tpu.vector_load %arg11[%swap3A_2346] {strides = array<i32>} : memref<4096xf32, #tpu.memory_space<vmem>>, vector<16xf32>,
      tpu.vector_store %arg11[%swap3A_2346], %get3A_2345 {strides = array<i32>} : memref<4096xf32, #tpu.memory_space<vmem>>, vector<16xf32>,
      %get3A_2348 = arith.constant 42 : i32
      %get3A_2349 = arith.index_cast %get3A_2348 : i32 to index
      %get3A_2350 = arith.constant 16 : index
      %get3A_2351 = tpu.vector_load %arg9[%get3A_2349, %get3A_2350] {strides = array<i32>} : memref<128x128xf32, #tpu.memory_space<vmem>>, vector<16xf32>,
      %swap3A_2352 = arith.constant 1360 : index
      %swap3A_2353 = tpu.vector_load %arg11[%swap3A_2352] {strides = array<i32>} : memref<4096xf32, #tpu.memory_space<vmem>>, vector<16xf32>,
      tpu.vector_store %arg11[%swap3A_2352], %get3A_2351 {strides = array<i32>} : memref<4096xf32, #tpu.memory_space<vmem>>, vector<16xf32>,
      %get3A_2354 = arith.constant 43 : i32
      %get3A_2355 = arith.index_cast %get3A_2354 : i32 to index
      %get3A_2356 = arith.constant 0 : index
      %get3A_2357 = tpu.vector_load %arg9[%get3A_2355, %get3A_2356] {strides = array<i32>} : memref<128x128xf32, #tpu.memory_space<vmem>>, vector<16xf32>,
      %swap3A_2358 = arith.constant 1376 : index
      %swap3A_2359 = tpu.vector_load %arg11[%swap3A_2358] {strides = array<i32>} : memref<4096xf32, #tpu.memory_space<vmem>>, vector<16xf32>,
      tpu.vector_store %arg11[%swap3A_2358], %get3A_2357 {strides = array<i32>} : memref<4096xf32, #tpu.memory_space<vmem>>, vector<16xf32>,
      %get3A_2360 = arith.constant 43 : i32
      %get3A_2361 = arith.index_cast %get3A_2360 : i32 to index
      %get3A_2362 = arith.constant 16 : index
      %get3A_2363 = tpu.vector_load %arg9[%get3A_2361, %get3A_2362] {strides = array<i32>} : memref<128x128xf32, #tpu.memory_space<vmem>>, vector<16xf32>,
      %swap3A_2364 = arith.constant 1392 : index
      %swap3A_2365 = tpu.vector_load %arg11[%swap3A_2364] {strides = array<i32>} : memref<4096xf32, #tpu.memory_space<vmem>>, vector<16xf32>,
      tpu.vector_store %arg11[%swap3A_2364], %get3A_2363 {strides = array<i32>} : memref<4096xf32, #tpu.memory_space<vmem>>, vector<16xf32>,
      %get3A_2366 = arith.constant 44 : i32
      %get3A_2367 = arith.index_cast %get3A_2366 : i32 to index
      %get3A_2368 = arith.constant 0 : index
      %get3A_2369 = tpu.vector_load %arg9[%get3A_2367, %get3A_2368] {strides = array<i32>} : memref<128x128xf32, #tpu.memory_space<vmem>>, vector<16xf32>,
      %swap3A_2370 = arith.constant 1408 : index
      %swap3A_2371 = tpu.vector_load %arg11[%swap3A_2370] {strides = array<i32>} : memref<4096xf32, #tpu.memory_space<vmem>>, vector<16xf32>,
      tpu.vector_store %arg11[%swap3A_2370], %get3A_2369 {strides = array<i32>} : memref<4096xf32, #tpu.memory_space<vmem>>, vector<16xf32>,
      %get3A_2372 = arith.constant 44 : i32
      %get3A_2373 = arith.index_cast %get3A_2372 : i32 to index
      %get3A_2374 = arith.constant 16 : index
      %get3A_2375 = tpu.vector_load %arg9[%get3A_2373, %get3A_2374] {strides = array<i32>} : memref<128x128xf32, #tpu.memory_space<vmem>>, vector<16xf32>,
      %swap3A_2376 = arith.constant 1424 : index
      %swap3A_2377 = tpu.vector_load %arg11[%swap3A_2376] {strides = array<i32>} : memref<4096xf32, #tpu.memory_space<vmem>>, vector<16xf32>,
      tpu.vector_store %arg11[%swap3A_2376], %get3A_2375 {strides = array<i32>} : memref<4096xf32, #tpu.memory_space<vmem>>, vector<16xf32>,
      %get3A_2378 = arith.constant 45 : i32
      %get3A_2379 = arith.index_cast %get3A_2378 : i32 to index
      %get3A_2380 = arith.constant 0 : index
      %get3A_2381 = tpu.vector_load %arg9[%get3A_2379, %get3A_2380] {strides = array<i32>} : memref<128x128xf32, #tpu.memory_space<vmem>>, vector<16xf32>,
      %swap3A_2382 = arith.constant 1440 : index
      %swap3A_2383 = tpu.vector_load %arg11[%swap3A_2382] {strides = array<i32>} : memref<4096xf32, #tpu.memory_space<vmem>>, vector<16xf32>,
      tpu.vector_store %arg11[%swap3A_2382], %get3A_2381 {strides = array<i32>} : memref<4096xf32, #tpu.memory_space<vmem>>, vector<16xf32>,
      %get3A_2384 = arith.constant 45 : i32
      %get3A_2385 = arith.index_cast %get3A_2384 : i32 to index
      %get3A_2386 = arith.constant 16 : index
      %get3A_2387 = tpu.vector_load %arg9[%get3A_2385, %get3A_2386] {strides = array<i32>} : memref<128x128xf32, #tpu.memory_space<vmem>>, vector<16xf32>,
      %swap3A_2388 = arith.constant 1456 : index
      %swap3A_2389 = tpu.vector_load %arg11[%swap3A_2388] {strides = array<i32>} : memref<4096xf32, #tpu.memory_space<vmem>>, vector<16xf32>,
      tpu.vector_store %arg11[%swap3A_2388], %get3A_2387 {strides = array<i32>} : memref<4096xf32, #tpu.memory_space<vmem>>, vector<16xf32>,
      %get3A_2390 = arith.constant 46 : i32
      %get3A_2391 = arith.index_cast %get3A_2390 : i32 to index
      %get3A_2392 = arith.constant 0 : index
      %get3A_2393 = tpu.vector_load %arg9[%get3A_2391, %get3A_2392] {strides = array<i32>} : memref<128x128xf32, #tpu.memory_space<vmem>>, vector<16xf32>,
      %swap3A_2394 = arith.constant 1472 : index
      %swap3A_2395 = tpu.vector_load %arg11[%swap3A_2394] {strides = array<i32>} : memref<4096xf32, #tpu.memory_space<vmem>>, vector<16xf32>,
      tpu.vector_store %arg11[%swap3A_2394], %get3A_2393 {strides = array<i32>} : memref<4096xf32, #tpu.memory_space<vmem>>, vector<16xf32>,
      %get3A_2396 = arith.constant 46 : i32
      %get3A_2397 = arith.index_cast %get3A_2396 : i32 to index
      %get3A_2398 = arith.constant 16 : index
      %get3A_2399 = tpu.vector_load %arg9[%get3A_2397, %get3A_2398] {strides = array<i32>} : memref<128x128xf32, #tpu.memory_space<vmem>>, vector<16xf32>,
      %swap3A_2400 = arith.constant 1488 : index
      %swap3A_2401 = tpu.vector_load %arg11[%swap3A_2400] {strides = array<i32>} : memref<4096xf32, #tpu.memory_space<vmem>>, vector<16xf32>,
      tpu.vector_store %arg11[%swap3A_2400], %get3A_2399 {strides = array<i32>} : memref<4096xf32, #tpu.memory_space<vmem>>, vector<16xf32>,
      %get3A_2402 = arith.constant 47 : i32
      %get3A_2403 = arith.index_cast %get3A_2402 : i32 to index
      %get3A_2404 = arith.constant 0 : index
      %get3A_2405 = tpu.vector_load %arg9[%get3A_2403, %get3A_2404] {strides = array<i32>} : memref<128x128xf32, #tpu.memory_space<vmem>>, vector<16xf32>,
      %swap3A_2406 = arith.constant 1504 : index
      %swap3A_2407 = tpu.vector_load %arg11[%swap3A_2406] {strides = array<i32>} : memref<4096xf32, #tpu.memory_space<vmem>>, vector<16xf32>,
      tpu.vector_store %arg11[%swap3A_2406], %get3A_2405 {strides = array<i32>} : memref<4096xf32, #tpu.memory_space<vmem>>, vector<16xf32>,
      %get3A_2408 = arith.constant 47 : i32
      %get3A_2409 = arith.index_cast %get3A_2408 : i32 to index
      %get3A_2410 = arith.constant 16 : index
      %get3A_2411 = tpu.vector_load %arg9[%get3A_2409, %get3A_2410] {strides = array<i32>} : memref<128x128xf32, #tpu.memory_space<vmem>>, vector<16xf32>,
      %swap3A_2412 = arith.constant 1520 : index
      %swap3A_2413 = tpu.vector_load %arg11[%swap3A_2412] {strides = array<i32>} : memref<4096xf32, #tpu.memory_space<vmem>>, vector<16xf32>,
      tpu.vector_store %arg11[%swap3A_2412], %get3A_2411 {strides = array<i32>} : memref<4096xf32, #tpu.memory_space<vmem>>, vector<16xf32>,
      %get3A_2414 = arith.constant 48 : i32
      %get3A_2415 = arith.index_cast %get3A_2414 : i32 to index
      %get3A_2416 = arith.constant 0 : index
      %get3A_2417 = tpu.vector_load %arg9[%get3A_2415, %get3A_2416] {strides = array<i32>} : memref<128x128xf32, #tpu.memory_space<vmem>>, vector<16xf32>,
      %swap3A_2418 = arith.constant 1536 : index
      %swap3A_2419 = tpu.vector_load %arg11[%swap3A_2418] {strides = array<i32>} : memref<4096xf32, #tpu.memory_space<vmem>>, vector<16xf32>,
      tpu.vector_store %arg11[%swap3A_2418], %get3A_2417 {strides = array<i32>} : memref<4096xf32, #tpu.memory_space<vmem>>, vector<16xf32>,
      %get3A_2420 = arith.constant 48 : i32
      %get3A_2421 = arith.index_cast %get3A_2420 : i32 to index
      %get3A_2422 = arith.constant 16 : index
      %get3A_2423 = tpu.vector_load %arg9[%get3A_2421, %get3A_2422] {strides = array<i32>} : memref<128x128xf32, #tpu.memory_space<vmem>>, vector<16xf32>,
      %swap3A_2424 = arith.constant 1552 : index
      %swap3A_2425 = tpu.vector_load %arg11[%swap3A_2424] {strides = array<i32>} : memref<4096xf32, #tpu.memory_space<vmem>>, vector<16xf32>,
      tpu.vector_store %arg11[%swap3A_2424], %get3A_2423 {strides = array<i32>} : memref<4096xf32, #tpu.memory_space<vmem>>, vector<16xf32>,
      %get3A_2426 = arith.constant 49 : i32
      %get3A_2427 = arith.index_cast %get3A_2426 : i32 to index
      %get3A_2428 = arith.constant 0 : index
      %get3A_2429 = tpu.vector_load %arg9[%get3A_2427, %get3A_2428] {strides = array<i32>} : memref<128x128xf32, #tpu.memory_space<vmem>>, vector<16xf32>,
      %swap3A_2430 = arith.constant 1568 : index
      %swap3A_2431 = tpu.vector_load %arg11[%swap3A_2430] {strides = array<i32>} : memref<4096xf32, #tpu.memory_space<vmem>>, vector<16xf32>,
      tpu.vector_store %arg11[%swap3A_2430], %get3A_2429 {strides = array<i32>} : memref<4096xf32, #tpu.memory_space<vmem>>, vector<16xf32>,
      %get3A_2432 = arith.constant 49 : i32
      %get3A_2433 = arith.index_cast %get3A_2432 : i32 to index
      %get3A_2434 = arith.constant 16 : index
      %get3A_2435 = tpu.vector_load %arg9[%get3A_2433, %get3A_2434] {strides = array<i32>} : memref<128x128xf32, #tpu.memory_space<vmem>>, vector<16xf32>,
      %swap3A_2436 = arith.constant 1584 : index
      %swap3A_2437 = tpu.vector_load %arg11[%swap3A_2436] {strides = array<i32>} : memref<4096xf32, #tpu.memory_space<vmem>>, vector<16xf32>,
      tpu.vector_store %arg11[%swap3A_2436], %get3A_2435 {strides = array<i32>} : memref<4096xf32, #tpu.memory_space<vmem>>, vector<16xf32>,
      %get3A_2438 = arith.constant 50 : i32
      %get3A_2439 = arith.index_cast %get3A_2438 : i32 to index
      %get3A_2440 = arith.constant 0 : index
      %get3A_2441 = tpu.vector_load %arg9[%get3A_2439, %get3A_2440] {strides = array<i32>} : memref<128x128xf32, #tpu.memory_space<vmem>>, vector<16xf32>,
      %swap3A_2442 = arith.constant 1600 : index
      %swap3A_2443 = tpu.vector_load %arg11[%swap3A_2442] {strides = array<i32>} : memref<4096xf32, #tpu.memory_space<vmem>>, vector<16xf32>,
      tpu.vector_store %arg11[%swap3A_2442], %get3A_2441 {strides = array<i32>} : memref<4096xf32, #tpu.memory_space<vmem>>, vector<16xf32>,
      %get3A_2444 = arith.constant 50 : i32
      %get3A_2445 = arith.index_cast %get3A_2444 : i32 to index
      %get3A_2446 = arith.constant 16 : index
      %get3A_2447 = tpu.vector_load %arg9[%get3A_2445, %get3A_2446] {strides = array<i32>} : memref<128x128xf32, #tpu.memory_space<vmem>>, vector<16xf32>,
      %swap3A_2448 = arith.constant 1616 : index
      %swap3A_2449 = tpu.vector_load %arg11[%swap3A_2448] {strides = array<i32>} : memref<4096xf32, #tpu.memory_space<vmem>>, vector<16xf32>,
      tpu.vector_store %arg11[%swap3A_2448], %get3A_2447 {strides = array<i32>} : memref<4096xf32, #tpu.memory_space<vmem>>, vector<16xf32>,
      %get3A_2450 = arith.constant 51 : i32
      %get3A_2451 = arith.index_cast %get3A_2450 : i32 to index
      %get3A_2452 = arith.constant 0 : index
      %get3A_2453 = tpu.vector_load %arg9[%get3A_2451, %get3A_2452] {strides = array<i32>} : memref<128x128xf32, #tpu.memory_space<vmem>>, vector<16xf32>,
      %swap3A_2454 = arith.constant 1632 : index
      %swap3A_2455 = tpu.vector_load %arg11[%swap3A_2454] {strides = array<i32>} : memref<4096xf32, #tpu.memory_space<vmem>>, vector<16xf32>,
      tpu.vector_store %arg11[%swap3A_2454], %get3A_2453 {strides = array<i32>} : memref<4096xf32, #tpu.memory_space<vmem>>, vector<16xf32>,
      %get3A_2456 = arith.constant 51 : i32
      %get3A_2457 = arith.index_cast %get3A_2456 : i32 to index
      %get3A_2458 = arith.constant 16 : index
      %get3A_2459 = tpu.vector_load %arg9[%get3A_2457, %get3A_2458] {strides = array<i32>} : memref<128x128xf32, #tpu.memory_space<vmem>>, vector<16xf32>,
      %swap3A_2460 = arith.constant 1648 : index
      %swap3A_2461 = tpu.vector_load %arg11[%swap3A_2460] {strides = array<i32>} : memref<4096xf32, #tpu.memory_space<vmem>>, vector<16xf32>,
      tpu.vector_store %arg11[%swap3A_2460], %get3A_2459 {strides = array<i32>} : memref<4096xf32, #tpu.memory_space<vmem>>, vector<16xf32>,
      %get3A_2462 = arith.constant 52 : i32
      %get3A_2463 = arith.index_cast %get3A_2462 : i32 to index
      %get3A_2464 = arith.constant 0 : index
      %get3A_2465 = tpu.vector_load %arg9[%get3A_2463, %get3A_2464] {strides = array<i32>} : memref<128x128xf32, #tpu.memory_space<vmem>>, vector<16xf32>,
      %swap3A_2466 = arith.constant 1664 : index
      %swap3A_2467 = tpu.vector_load %arg11[%swap3A_2466] {strides = array<i32>} : memref<4096xf32, #tpu.memory_space<vmem>>, vector<16xf32>,
      tpu.vector_store %arg11[%swap3A_2466], %get3A_2465 {strides = array<i32>} : memref<4096xf32, #tpu.memory_space<vmem>>, vector<16xf32>,
      %get3A_2468 = arith.constant 52 : i32
      %get3A_2469 = arith.index_cast %get3A_2468 : i32 to index
      %get3A_2470 = arith.constant 16 : index
      %get3A_2471 = tpu.vector_load %arg9[%get3A_2469, %get3A_2470] {strides = array<i32>} : memref<128x128xf32, #tpu.memory_space<vmem>>, vector<16xf32>,
      %swap3A_2472 = arith.constant 1680 : index
      %swap3A_2473 = tpu.vector_load %arg11[%swap3A_2472] {strides = array<i32>} : memref<4096xf32, #tpu.memory_space<vmem>>, vector<16xf32>,
      tpu.vector_store %arg11[%swap3A_2472], %get3A_2471 {strides = array<i32>} : memref<4096xf32, #tpu.memory_space<vmem>>, vector<16xf32>,
      %get3A_2474 = arith.constant 53 : i32
      %get3A_2475 = arith.index_cast %get3A_2474 : i32 to index
      %get3A_2476 = arith.constant 0 : index
      %get3A_2477 = tpu.vector_load %arg9[%get3A_2475, %get3A_2476] {strides = array<i32>} : memref<128x128xf32, #tpu.memory_space<vmem>>, vector<16xf32>,
      %swap3A_2478 = arith.constant 1696 : index
      %swap3A_2479 = tpu.vector_load %arg11[%swap3A_2478] {strides = array<i32>} : memref<4096xf32, #tpu.memory_space<vmem>>, vector<16xf32>,
      tpu.vector_store %arg11[%swap3A_2478], %get3A_2477 {strides = array<i32>} : memref<4096xf32, #tpu.memory_space<vmem>>, vector<16xf32>,
      %get3A_2480 = arith.constant 53 : i32
      %get3A_2481 = arith.index_cast %get3A_2480 : i32 to index
      %get3A_2482 = arith.constant 16 : index
      %get3A_2483 = tpu.vector_load %arg9[%get3A_2481, %get3A_2482] {strides = array<i32>} : memref<128x128xf32, #tpu.memory_space<vmem>>, vector<16xf32>,
      %swap3A_2484 = arith.constant 1712 : index
      %swap3A_2485 = tpu.vector_load %arg11[%swap3A_2484] {strides = array<i32>} : memref<4096xf32, #tpu.memory_space<vmem>>, vector<16xf32>,
      tpu.vector_store %arg11[%swap3A_2484], %get3A_2483 {strides = array<i32>} : memref<4096xf32, #tpu.memory_space<vmem>>, vector<16xf32>,
      %get3A_2486 = arith.constant 54 : i32
      %get3A_2487 = arith.index_cast %get3A_2486 : i32 to index
      %get3A_2488 = arith.constant 0 : index
      %get3A_2489 = tpu.vector_load %arg9[%get3A_2487, %get3A_2488] {strides = array<i32>} : memref<128x128xf32, #tpu.memory_space<vmem>>, vector<16xf32>,
      %swap3A_2490 = arith.constant 1728 : index
      %swap3A_2491 = tpu.vector_load %arg11[%swap3A_2490] {strides = array<i32>} : memref<4096xf32, #tpu.memory_space<vmem>>, vector<16xf32>,
      tpu.vector_store %arg11[%swap3A_2490], %get3A_2489 {strides = array<i32>} : memref<4096xf32, #tpu.memory_space<vmem>>, vector<16xf32>,
      %get3A_2492 = arith.constant 54 : i32
      %get3A_2493 = arith.index_cast %get3A_2492 : i32 to index
      %get3A_2494 = arith.constant 16 : index
      %get3A_2495 = tpu.vector_load %arg9[%get3A_2493, %get3A_2494] {strides = array<i32>} : memref<128x128xf32, #tpu.memory_space<vmem>>, vector<16xf32>,
      %swap3A_2496 = arith.constant 1744 : index
      %swap3A_2497 = tpu.vector_load %arg11[%swap3A_2496] {strides = array<i32>} : memref<4096xf32, #tpu.memory_space<vmem>>, vector<16xf32>,
      tpu.vector_store %arg11[%swap3A_2496], %get3A_2495 {strides = array<i32>} : memref<4096xf32, #tpu.memory_space<vmem>>, vector<16xf32>,
      %get3A_2498 = arith.constant 55 : i32
      %get3A_2499 = arith.index_cast %get3A_2498 : i32 to index
      %get3A_2500 = arith.constant 0 : index
      %get3A_2501 = tpu.vector_load %arg9[%get3A_2499, %get3A_2500] {strides = array<i32>} : memref<128x128xf32, #tpu.memory_space<vmem>>, vector<16xf32>,
      %swap3A_2502 = arith.constant 1760 : index
      %swap3A_2503 = tpu.vector_load %arg11[%swap3A_2502] {strides = array<i32>} : memref<4096xf32, #tpu.memory_space<vmem>>, vector<16xf32>,
      tpu.vector_store %arg11[%swap3A_2502], %get3A_2501 {strides = array<i32>} : memref<4096xf32, #tpu.memory_space<vmem>>, vector<16xf32>,
      %get3A_2504 = arith.constant 55 : i32
      %get3A_2505 = arith.index_cast %get3A_2504 : i32 to index
      %get3A_2506 = arith.constant 16 : index
      %get3A_2507 = tpu.vector_load %arg9[%get3A_2505, %get3A_2506] {strides = array<i32>} : memref<128x128xf32, #tpu.memory_space<vmem>>, vector<16xf32>,
      %swap3A_2508 = arith.constant 1776 : index
      %swap3A_2509 = tpu.vector_load %arg11[%swap3A_2508] {strides = array<i32>} : memref<4096xf32, #tpu.memory_space<vmem>>, vector<16xf32>,
      tpu.vector_store %arg11[%swap3A_2508], %get3A_2507 {strides = array<i32>} : memref<4096xf32, #tpu.memory_space<vmem>>, vector<16xf32>,
      %get3A_2510 = arith.constant 56 : i32
      %get3A_2511 = arith.index_cast %get3A_2510 : i32 to index
      %get3A_2512 = arith.constant 0 : index
      %get3A_2513 = tpu.vector_load %arg9[%get3A_2511, %get3A_2512] {strides = array<i32>} : memref<128x128xf32, #tpu.memory_space<vmem>>, vector<16xf32>,
      %swap3A_2514 = arith.constant 1792 : index
      %swap3A_2515 = tpu.vector_load %arg11[%swap3A_2514] {strides = array<i32>} : memref<4096xf32, #tpu.memory_space<vmem>>, vector<16xf32>,
      tpu.vector_store %arg11[%swap3A_2514], %get3A_2513 {strides = array<i32>} : memref<4096xf32, #tpu.memory_space<vmem>>, vector<16xf32>,
      %get3A_2516 = arith.constant 56 : i32
      %get3A_2517 = arith.index_cast %get3A_2516 : i32 to index
      %get3A_2518 = arith.constant 16 : index
      %get3A_2519 = tpu.vector_load %arg9[%get3A_2517, %get3A_2518] {strides = array<i32>} : memref<128x128xf32, #tpu.memory_space<vmem>>, vector<16xf32>,
      %swap3A_2520 = arith.constant 1808 : index
      %swap3A_2521 = tpu.vector_load %arg11[%swap3A_2520] {strides = array<i32>} : memref<4096xf32, #tpu.memory_space<vmem>>, vector<16xf32>,
      tpu.vector_store %arg11[%swap3A_2520], %get3A_2519 {strides = array<i32>} : memref<4096xf32, #tpu.memory_space<vmem>>, vector<16xf32>,
      %get3A_2522 = arith.constant 57 : i32
      %get3A_2523 = arith.index_cast %get3A_2522 : i32 to index
      %get3A_2524 = arith.constant 0 : index
      %get3A_2525 = tpu.vector_load %arg9[%get3A_2523, %get3A_2524] {strides = array<i32>} : memref<128x128xf32, #tpu.memory_space<vmem>>, vector<16xf32>,
      %swap3A_2526 = arith.constant 1824 : index
      %swap3A_2527 = tpu.vector_load %arg11[%swap3A_2526] {strides = array<i32>} : memref<4096xf32, #tpu.memory_space<vmem>>, vector<16xf32>,
      tpu.vector_store %arg11[%swap3A_2526], %get3A_2525 {strides = array<i32>} : memref<4096xf32, #tpu.memory_space<vmem>>, vector<16xf32>,
      %get3A_2528 = arith.constant 57 : i32
      %get3A_2529 = arith.index_cast %get3A_2528 : i32 to index
      %get3A_2530 = arith.constant 16 : index
      %get3A_2531 = tpu.vector_load %arg9[%get3A_2529, %get3A_2530] {strides = array<i32>} : memref<128x128xf32, #tpu.memory_space<vmem>>, vector<16xf32>,
      %swap3A_2532 = arith.constant 1840 : index
      %swap3A_2533 = tpu.vector_load %arg11[%swap3A_2532] {strides = array<i32>} : memref<4096xf32, #tpu.memory_space<vmem>>, vector<16xf32>,
      tpu.vector_store %arg11[%swap3A_2532], %get3A_2531 {strides = array<i32>} : memref<4096xf32, #tpu.memory_space<vmem>>, vector<16xf32>,
      %get3A_2534 = arith.constant 58 : i32
      %get3A_2535 = arith.index_cast %get3A_2534 : i32 to index
      %get3A_2536 = arith.constant 0 : index
      %get3A_2537 = tpu.vector_load %arg9[%get3A_2535, %get3A_2536] {strides = array<i32>} : memref<128x128xf32, #tpu.memory_space<vmem>>, vector<16xf32>,
      %swap3A_2538 = arith.constant 1856 : index
      %swap3A_2539 = tpu.vector_load %arg11[%swap3A_2538] {strides = array<i32>} : memref<4096xf32, #tpu.memory_space<vmem>>, vector<16xf32>,
      tpu.vector_store %arg11[%swap3A_2538], %get3A_2537 {strides = array<i32>} : memref<4096xf32, #tpu.memory_space<vmem>>, vector<16xf32>,
      %get3A_2540 = arith.constant 58 : i32
      %get3A_2541 = arith.index_cast %get3A_2540 : i32 to index
      %get3A_2542 = arith.constant 16 : index
      %get3A_2543 = tpu.vector_load %arg9[%get3A_2541, %get3A_2542] {strides = array<i32>} : memref<128x128xf32, #tpu.memory_space<vmem>>, vector<16xf32>,
      %swap3A_2544 = arith.constant 1872 : index
      %swap3A_2545 = tpu.vector_load %arg11[%swap3A_2544] {strides = array<i32>} : memref<4096xf32, #tpu.memory_space<vmem>>, vector<16xf32>,
      tpu.vector_store %arg11[%swap3A_2544], %get3A_2543 {strides = array<i32>} : memref<4096xf32, #tpu.memory_space<vmem>>, vector<16xf32>,
      %get3A_2546 = arith.constant 59 : i32
      %get3A_2547 = arith.index_cast %get3A_2546 : i32 to index
      %get3A_2548 = arith.constant 0 : index
      %get3A_2549 = tpu.vector_load %arg9[%get3A_2547, %get3A_2548] {strides = array<i32>} : memref<128x128xf32, #tpu.memory_space<vmem>>, vector<16xf32>,
      %swap3A_2550 = arith.constant 1888 : index
      %swap3A_2551 = tpu.vector_load %arg11[%swap3A_2550] {strides = array<i32>} : memref<4096xf32, #tpu.memory_space<vmem>>, vector<16xf32>,
      tpu.vector_store %arg11[%swap3A_2550], %get3A_2549 {strides = array<i32>} : memref<4096xf32, #tpu.memory_space<vmem>>, vector<16xf32>,
      %get3A_2552 = arith.constant 59 : i32
      %get3A_2553 = arith.index_cast %get3A_2552 : i32 to index
      %get3A_2554 = arith.constant 16 : index
      %get3A_2555 = tpu.vector_load %arg9[%get3A_2553, %get3A_2554] {strides = array<i32>} : memref<128x128xf32, #tpu.memory_space<vmem>>, vector<16xf32>,
      %swap3A_2556 = arith.constant 1904 : index
      %swap3A_2557 = tpu.vector_load %arg11[%swap3A_2556] {strides = array<i32>} : memref<4096xf32, #tpu.memory_space<vmem>>, vector<16xf32>,
      tpu.vector_store %arg11[%swap3A_2556], %get3A_2555 {strides = array<i32>} : memref<4096xf32, #tpu.memory_space<vmem>>, vector<16xf32>,
      %get3A_2558 = arith.constant 60 : i32
      %get3A_2559 = arith.index_cast %get3A_2558 : i32 to index
      %get3A_2560 = arith.constant 0 : index
      %get3A_2561 = tpu.vector_load %arg9[%get3A_2559, %get3A_2560] {strides = array<i32>} : memref<128x128xf32, #tpu.memory_space<vmem>>, vector<16xf32>,
      %swap3A_2562 = arith.constant 1920 : index
      %swap3A_2563 = tpu.vector_load %arg11[%swap3A_2562] {strides = array<i32>} : memref<4096xf32, #tpu.memory_space<vmem>>, vector<16xf32>,
      tpu.vector_store %arg11[%swap3A_2562], %get3A_2561 {strides = array<i32>} : memref<4096xf32, #tpu.memory_space<vmem>>, vector<16xf32>,
      %get3A_2564 = arith.constant 60 : i32
      %get3A_2565 = arith.index_cast %get3A_2564 : i32 to index
      %get3A_2566 = arith.constant 16 : index
      %get3A_2567 = tpu.vector_load %arg9[%get3A_2565, %get3A_2566] {strides = array<i32>} : memref<128x128xf32, #tpu.memory_space<vmem>>, vector<16xf32>,
      %swap3A_2568 = arith.constant 1936 : index
      %swap3A_2569 = tpu.vector_load %arg11[%swap3A_2568] {strides = array<i32>} : memref<4096xf32, #tpu.memory_space<vmem>>, vector<16xf32>,
      tpu.vector_store %arg11[%swap3A_2568], %get3A_2567 {strides = array<i32>} : memref<4096xf32, #tpu.memory_space<vmem>>, vector<16xf32>,
      %get3A_2570 = arith.constant 61 : i32
      %get3A_2571 = arith.index_cast %get3A_2570 : i32 to index
      %get3A_2572 = arith.constant 0 : index
      %get3A_2573 = tpu.vector_load %arg9[%get3A_2571, %get3A_2572] {strides = array<i32>} : memref<128x128xf32, #tpu.memory_space<vmem>>, vector<16xf32>,
      %swap3A_2574 = arith.constant 1952 : index
      %swap3A_2575 = tpu.vector_load %arg11[%swap3A_2574] {strides = array<i32>} : memref<4096xf32, #tpu.memory_space<vmem>>, vector<16xf32>,
      tpu.vector_store %arg11[%swap3A_2574], %get3A_2573 {strides = array<i32>} : memref<4096xf32, #tpu.memory_space<vmem>>, vector<16xf32>,
      %get3A_2576 = arith.constant 61 : i32
      %get3A_2577 = arith.index_cast %get3A_2576 : i32 to index
      %get3A_2578 = arith.constant 16 : index
      %get3A_2579 = tpu.vector_load %arg9[%get3A_2577, %get3A_2578] {strides = array<i32>} : memref<128x128xf32, #tpu.memory_space<vmem>>, vector<16xf32>,
      %swap3A_2580 = arith.constant 1968 : index
      %swap3A_2581 = tpu.vector_load %arg11[%swap3A_2580] {strides = array<i32>} : memref<4096xf32, #tpu.memory_space<vmem>>, vector<16xf32>,
      tpu.vector_store %arg11[%swap3A_2580], %get3A_2579 {strides = array<i32>} : memref<4096xf32, #tpu.memory_space<vmem>>, vector<16xf32>,
      %get3A_2582 = arith.constant 62 : i32
      %get3A_2583 = arith.index_cast %get3A_2582 : i32 to index
      %get3A_2584 = arith.constant 0 : index
      %get3A_2585 = tpu.vector_load %arg9[%get3A_2583, %get3A_2584] {strides = array<i32>} : memref<128x128xf32, #tpu.memory_space<vmem>>, vector<16xf32>,
      %swap3A_2586 = arith.constant 1984 : index
      %swap3A_2587 = tpu.vector_load %arg11[%swap3A_2586] {strides = array<i32>} : memref<4096xf32, #tpu.memory_space<vmem>>, vector<16xf32>,
      tpu.vector_store %arg11[%swap3A_2586], %get3A_2585 {strides = array<i32>} : memref<4096xf32, #tpu.memory_space<vmem>>, vector<16xf32>,
      %get3A_2588 = arith.constant 62 : i32
      %get3A_2589 = arith.index_cast %get3A_2588 : i32 to index
      %get3A_2590 = arith.constant 16 : index
      %get3A_2591 = tpu.vector_load %arg9[%get3A_2589, %get3A_2590] {strides = array<i32>} : memref<128x128xf32, #tpu.memory_space<vmem>>, vector<16xf32>,
      %swap3A_2592 = arith.constant 2000 : index
      %swap3A_2593 = tpu.vector_load %arg11[%swap3A_2592] {strides = array<i32>} : memref<4096xf32, #tpu.memory_space<vmem>>, vector<16xf32>,
      tpu.vector_store %arg11[%swap3A_2592], %get3A_2591 {strides = array<i32>} : memref<4096xf32, #tpu.memory_space<vmem>>, vector<16xf32>,
      %get3A_2594 = arith.constant 63 : i32
      %get3A_2595 = arith.index_cast %get3A_2594 : i32 to index
      %get3A_2596 = arith.constant 0 : index
      %get3A_2597 = tpu.vector_load %arg9[%get3A_2595, %get3A_2596] {strides = array<i32>} : memref<128x128xf32, #tpu.memory_space<vmem>>, vector<16xf32>,
      %swap3A_2598 = arith.constant 2016 : index
      %swap3A_2599 = tpu.vector_load %arg11[%swap3A_2598] {strides = array<i32>} : memref<4096xf32, #tpu.memory_space<vmem>>, vector<16xf32>,
      tpu.vector_store %arg11[%swap3A_2598], %get3A_2597 {strides = array<i32>} : memref<4096xf32, #tpu.memory_space<vmem>>, vector<16xf32>,
      %get3A_2600 = arith.constant 63 : i32
      %get3A_2601 = arith.index_cast %get3A_2600 : i32 to index
      %get3A_2602 = arith.constant 16 : index
      %get3A_2603 = tpu.vector_load %arg9[%get3A_2601, %get3A_2602] {strides = array<i32>} : memref<128x128xf32, #tpu.memory_space<vmem>>, vector<16xf32>,
      %swap3A_2604 = arith.constant 2032 : index
      %swap3A_2605 = tpu.vector_load %arg11[%swap3A_2604] {strides = array<i32>} : memref<4096xf32, #tpu.memory_space<vmem>>, vector<16xf32>,
      tpu.vector_store %arg11[%swap3A_2604], %get3A_2603 {strides = array<i32>} : memref<4096xf32, #tpu.memory_space<vmem>>, vector<16xf32>,
      %get3A_2606 = arith.constant 64 : i32
      %get3A_2607 = arith.index_cast %get3A_2606 : i32 to index
      %get3A_2608 = arith.constant 0 : index
      %get3A_2609 = tpu.vector_load %arg9[%get3A_2607, %get3A_2608] {strides = array<i32>} : memref<128x128xf32, #tpu.memory_space<vmem>>, vector<16xf32>,
      %swap3A_2610 = arith.constant 2048 : index
      %swap3A_2611 = tpu.vector_load %arg11[%swap3A_2610] {strides = array<i32>} : memref<4096xf32, #tpu.memory_space<vmem>>, vector<16xf32>,
      tpu.vector_store %arg11[%swap3A_2610], %get3A_2609 {strides = array<i32>} : memref<4096xf32, #tpu.memory_space<vmem>>, vector<16xf32>,
      %get3A_2612 = arith.constant 64 : i32
      %get3A_2613 = arith.index_cast %get3A_2612 : i32 to index
      %get3A_2614 = arith.constant 16 : index
      %get3A_2615 = tpu.vector_load %arg9[%get3A_2613, %get3A_2614] {strides = array<i32>} : memref<128x128xf32, #tpu.memory_space<vmem>>, vector<16xf32>,
      %swap3A_2616 = arith.constant 2064 : index
      %swap3A_2617 = tpu.vector_load %arg11[%swap3A_2616] {strides = array<i32>} : memref<4096xf32, #tpu.memory_space<vmem>>, vector<16xf32>,
      tpu.vector_store %arg11[%swap3A_2616], %get3A_2615 {strides = array<i32>} : memref<4096xf32, #tpu.memory_space<vmem>>, vector<16xf32>,
      %get3A_2618 = arith.constant 65 : i32
      %get3A_2619 = arith.index_cast %get3A_2618 : i32 to index
      %get3A_2620 = arith.constant 0 : index
      %get3A_2621 = tpu.vector_load %arg9[%get3A_2619, %get3A_2620] {strides = array<i32>} : memref<128x128xf32, #tpu.memory_space<vmem>>, vector<16xf32>,
      %swap3A_2622 = arith.constant 2080 : index
      %swap3A_2623 = tpu.vector_load %arg11[%swap3A_2622] {strides = array<i32>} : memref<4096xf32, #tpu.memory_space<vmem>>, vector<16xf32>,
      tpu.vector_store %arg11[%swap3A_2622], %get3A_2621 {strides = array<i32>} : memref<4096xf32, #tpu.memory_space<vmem>>, vector<16xf32>,
      %get3A_2624 = arith.constant 65 : i32
      %get3A_2625 = arith.index_cast %get3A_2624 : i32 to index
      %get3A_2626 = arith.constant 16 : index
      %get3A_2627 = tpu.vector_load %arg9[%get3A_2625, %get3A_2626] {strides = array<i32>} : memref<128x128xf32, #tpu.memory_space<vmem>>, vector<16xf32>,
      %swap3A_2628 = arith.constant 2096 : index
      %swap3A_2629 = tpu.vector_load %arg11[%swap3A_2628] {strides = array<i32>} : memref<4096xf32, #tpu.memory_space<vmem>>, vector<16xf32>,
      tpu.vector_store %arg11[%swap3A_2628], %get3A_2627 {strides = array<i32>} : memref<4096xf32, #tpu.memory_space<vmem>>, vector<16xf32>,
      %get3A_2630 = arith.constant 66 : i32
      %get3A_2631 = arith.index_cast %get3A_2630 : i32 to index
      %get3A_2632 = arith.constant 0 : index
      %get3A_2633 = tpu.vector_load %arg9[%get3A_2631, %get3A_2632] {strides = array<i32>} : memref<128x128xf32, #tpu.memory_space<vmem>>, vector<16xf32>,
      %swap3A_2634 = arith.constant 2112 : index
      %swap3A_2635 = tpu.vector_load %arg11[%swap3A_2634] {strides = array<i32>} : memref<4096xf32, #tpu.memory_space<vmem>>, vector<16xf32>,
      tpu.vector_store %arg11[%swap3A_2634], %get3A_2633 {strides = array<i32>} : memref<4096xf32, #tpu.memory_space<vmem>>, vector<16xf32>,
      %get3A_2636 = arith.constant 66 : i32
      %get3A_2637 = arith.index_cast %get3A_2636 : i32 to index
      %get3A_2638 = arith.constant 16 : index
      %get3A_2639 = tpu.vector_load %arg9[%get3A_2637, %get3A_2638] {strides = array<i32>} : memref<128x128xf32, #tpu.memory_space<vmem>>, vector<16xf32>,
      %swap3A_2640 = arith.constant 2128 : index
      %swap3A_2641 = tpu.vector_load %arg11[%swap3A_2640] {strides = array<i32>} : memref<4096xf32, #tpu.memory_space<vmem>>, vector<16xf32>,
      tpu.vector_store %arg11[%swap3A_2640], %get3A_2639 {strides = array<i32>} : memref<4096xf32, #tpu.memory_space<vmem>>, vector<16xf32>,
      %get3A_2642 = arith.constant 67 : i32
      %get3A_2643 = arith.index_cast %get3A_2642 : i32 to index
      %get3A_2644 = arith.constant 0 : index
      %get3A_2645 = tpu.vector_load %arg9[%get3A_2643, %get3A_2644] {strides = array<i32>} : memref<128x128xf32, #tpu.memory_space<vmem>>, vector<16xf32>,
      %swap3A_2646 = arith.constant 2144 : index
      %swap3A_2647 = tpu.vector_load %arg11[%swap3A_2646] {strides = array<i32>} : memref<4096xf32, #tpu.memory_space<vmem>>, vector<16xf32>,
      tpu.vector_store %arg11[%swap3A_2646], %get3A_2645 {strides = array<i32>} : memref<4096xf32, #tpu.memory_space<vmem>>, vector<16xf32>,
      %get3A_2648 = arith.constant 67 : i32
      %get3A_2649 = arith.index_cast %get3A_2648 : i32 to index
      %get3A_2650 = arith.constant 16 : index
      %get3A_2651 = tpu.vector_load %arg9[%get3A_2649, %get3A_2650] {strides = array<i32>} : memref<128x128xf32, #tpu.memory_space<vmem>>, vector<16xf32>,
      %swap3A_2652 = arith.constant 2160 : index
      %swap3A_2653 = tpu.vector_load %arg11[%swap3A_2652] {strides = array<i32>} : memref<4096xf32, #tpu.memory_space<vmem>>, vector<16xf32>,
      tpu.vector_store %arg11[%swap3A_2652], %get3A_2651 {strides = array<i32>} : memref<4096xf32, #tpu.memory_space<vmem>>, vector<16xf32>,
      %get3A_2654 = arith.constant 68 : i32
      %get3A_2655 = arith.index_cast %get3A_2654 : i32 to index
      %get3A_2656 = arith.constant 0 : index
      %get3A_2657 = tpu.vector_load %arg9[%get3A_2655, %get3A_2656] {strides = array<i32>} : memref<128x128xf32, #tpu.memory_space<vmem>>, vector<16xf32>,
      %swap3A_2658 = arith.constant 2176 : index
      %swap3A_2659 = tpu.vector_load %arg11[%swap3A_2658] {strides = array<i32>} : memref<4096xf32, #tpu.memory_space<vmem>>, vector<16xf32>,
      tpu.vector_store %arg11[%swap3A_2658], %get3A_2657 {strides = array<i32>} : memref<4096xf32, #tpu.memory_space<vmem>>, vector<16xf32>,
      %get3A_2660 = arith.constant 68 : i32
      %get3A_2661 = arith.index_cast %get3A_2660 : i32 to index
      %get3A_2662 = arith.constant 16 : index
      %get3A_2663 = tpu.vector_load %arg9[%get3A_2661, %get3A_2662] {strides = array<i32>} : memref<128x128xf32, #tpu.memory_space<vmem>>, vector<16xf32>,
      %swap3A_2664 = arith.constant 2192 : index
      %swap3A_2665 = tpu.vector_load %arg11[%swap3A_2664] {strides = array<i32>} : memref<4096xf32, #tpu.memory_space<vmem>>, vector<16xf32>,
      tpu.vector_store %arg11[%swap3A_2664], %get3A_2663 {strides = array<i32>} : memref<4096xf32, #tpu.memory_space<vmem>>, vector<16xf32>,
      %get3A_2666 = arith.constant 69 : i32
      %get3A_2667 = arith.index_cast %get3A_2666 : i32 to index
      %get3A_2668 = arith.constant 0 : index
      %get3A_2669 = tpu.vector_load %arg9[%get3A_2667, %get3A_2668] {strides = array<i32>} : memref<128x128xf32, #tpu.memory_space<vmem>>, vector<16xf32>,
      %swap3A_2670 = arith.constant 2208 : index
      %swap3A_2671 = tpu.vector_load %arg11[%swap3A_2670] {strides = array<i32>} : memref<4096xf32, #tpu.memory_space<vmem>>, vector<16xf32>,
      tpu.vector_store %arg11[%swap3A_2670], %get3A_2669 {strides = array<i32>} : memref<4096xf32, #tpu.memory_space<vmem>>, vector<16xf32>,
      %get3A_2672 = arith.constant 69 : i32
      %get3A_2673 = arith.index_cast %get3A_2672 : i32 to index
      %get3A_2674 = arith.constant 16 : index
      %get3A_2675 = tpu.vector_load %arg9[%get3A_2673, %get3A_2674] {strides = array<i32>} : memref<128x128xf32, #tpu.memory_space<vmem>>, vector<16xf32>,
      %swap3A_2676 = arith.constant 2224 : index
      %swap3A_2677 = tpu.vector_load %arg11[%swap3A_2676] {strides = array<i32>} : memref<4096xf32, #tpu.memory_space<vmem>>, vector<16xf32>,
      tpu.vector_store %arg11[%swap3A_2676], %get3A_2675 {strides = array<i32>} : memref<4096xf32, #tpu.memory_space<vmem>>, vector<16xf32>,
      %get3A_2678 = arith.constant 70 : i32
      %get3A_2679 = arith.index_cast %get3A_2678 : i32 to index
      %get3A_2680 = arith.constant 0 : index
      %get3A_2681 = tpu.vector_load %arg9[%get3A_2679, %get3A_2680] {strides = array<i32>} : memref<128x128xf32, #tpu.memory_space<vmem>>, vector<16xf32>,
      %swap3A_2682 = arith.constant 2240 : index
      %swap3A_2683 = tpu.vector_load %arg11[%swap3A_2682] {strides = array<i32>} : memref<4096xf32, #tpu.memory_space<vmem>>, vector<16xf32>,
      tpu.vector_store %arg11[%swap3A_2682], %get3A_2681 {strides = array<i32>} : memref<4096xf32, #tpu.memory_space<vmem>>, vector<16xf32>,
      %get3A_2684 = arith.constant 70 : i32
      %get3A_2685 = arith.index_cast %get3A_2684 : i32 to index
      %get3A_2686 = arith.constant 16 : index
      %get3A_2687 = tpu.vector_load %arg9[%get3A_2685, %get3A_2686] {strides = array<i32>} : memref<128x128xf32, #tpu.memory_space<vmem>>, vector<16xf32>,
      %swap3A_2688 = arith.constant 2256 : index
      %swap3A_2689 = tpu.vector_load %arg11[%swap3A_2688] {strides = array<i32>} : memref<4096xf32, #tpu.memory_space<vmem>>, vector<16xf32>,
      tpu.vector_store %arg11[%swap3A_2688], %get3A_2687 {strides = array<i32>} : memref<4096xf32, #tpu.memory_space<vmem>>, vector<16xf32>,
      %get3A_2690 = arith.constant 71 : i32
      %get3A_2691 = arith.index_cast %get3A_2690 : i32 to index
      %get3A_2692 = arith.constant 0 : index
      %get3A_2693 = tpu.vector_load %arg9[%get3A_2691, %get3A_2692] {strides = array<i32>} : memref<128x128xf32, #tpu.memory_space<vmem>>, vector<16xf32>,
      %swap3A_2694 = arith.constant 2272 : index
      %swap3A_2695 = tpu.vector_load %arg11[%swap3A_2694] {strides = array<i32>} : memref<4096xf32, #tpu.memory_space<vmem>>, vector<16xf32>,
      tpu.vector_store %arg11[%swap3A_2694], %get3A_2693 {strides = array<i32>} : memref<4096xf32, #tpu.memory_space<vmem>>, vector<16xf32>,
      %get3A_2696 = arith.constant 71 : i32
      %get3A_2697 = arith.index_cast %get3A_2696 : i32 to index
      %get3A_2698 = arith.constant 16 : index
      %get3A_2699 = tpu.vector_load %arg9[%get3A_2697, %get3A_2698] {strides = array<i32>} : memref<128x128xf32, #tpu.memory_space<vmem>>, vector<16xf32>,
      %swap3A_2700 = arith.constant 2288 : index
      %swap3A_2701 = tpu.vector_load %arg11[%swap3A_2700] {strides = array<i32>} : memref<4096xf32, #tpu.memory_space<vmem>>, vector<16xf32>,
      tpu.vector_store %arg11[%swap3A_2700], %get3A_2699 {strides = array<i32>} : memref<4096xf32, #tpu.memory_space<vmem>>, vector<16xf32>,
      %get3A_2702 = arith.constant 72 : i32
      %get3A_2703 = arith.index_cast %get3A_2702 : i32 to index
      %get3A_2704 = arith.constant 0 : index
      %get3A_2705 = tpu.vector_load %arg9[%get3A_2703, %get3A_2704] {strides = array<i32>} : memref<128x128xf32, #tpu.memory_space<vmem>>, vector<16xf32>,
      %swap3A_2706 = arith.constant 2304 : index
      %swap3A_2707 = tpu.vector_load %arg11[%swap3A_2706] {strides = array<i32>} : memref<4096xf32, #tpu.memory_space<vmem>>, vector<16xf32>,
      tpu.vector_store %arg11[%swap3A_2706], %get3A_2705 {strides = array<i32>} : memref<4096xf32, #tpu.memory_space<vmem>>, vector<16xf32>,
      %get3A_2708 = arith.constant 72 : i32
      %get3A_2709 = arith.index_cast %get3A_2708 : i32 to index
      %get3A_2710 = arith.constant 16 : index
      %get3A_2711 = tpu.vector_load %arg9[%get3A_2709, %get3A_2710] {strides = array<i32>} : memref<128x128xf32, #tpu.memory_space<vmem>>, vector<16xf32>,
      %swap3A_2712 = arith.constant 2320 : index
      %swap3A_2713 = tpu.vector_load %arg11[%swap3A_2712] {strides = array<i32>} : memref<4096xf32, #tpu.memory_space<vmem>>, vector<16xf32>,
      tpu.vector_store %arg11[%swap3A_2712], %get3A_2711 {strides = array<i32>} : memref<4096xf32, #tpu.memory_space<vmem>>, vector<16xf32>,
      %get3A_2714 = arith.constant 73 : i32
      %get3A_2715 = arith.index_cast %get3A_2714 : i32 to index
      %get3A_2716 = arith.constant 0 : index
      %get3A_2717 = tpu.vector_load %arg9[%get3A_2715, %get3A_2716] {strides = array<i32>} : memref<128x128xf32, #tpu.memory_space<vmem>>, vector<16xf32>,
      %swap3A_2718 = arith.constant 2336 : index
      %swap3A_2719 = tpu.vector_load %arg11[%swap3A_2718] {strides = array<i32>} : memref<4096xf32, #tpu.memory_space<vmem>>, vector<16xf32>,
      tpu.vector_store %arg11[%swap3A_2718], %get3A_2717 {strides = array<i32>} : memref<4096xf32, #tpu.memory_space<vmem>>, vector<16xf32>,
      %get3A_2720 = arith.constant 73 : i32
      %get3A_2721 = arith.index_cast %get3A_2720 : i32 to index
      %get3A_2722 = arith.constant 16 : index
      %get3A_2723 = tpu.vector_load %arg9[%get3A_2721, %get3A_2722] {strides = array<i32>} : memref<128x128xf32, #tpu.memory_space<vmem>>, vector<16xf32>,
      %swap3A_2724 = arith.constant 2352 : index
      %swap3A_2725 = tpu.vector_load %arg11[%swap3A_2724] {strides = array<i32>} : memref<4096xf32, #tpu.memory_space<vmem>>, vector<16xf32>,
      tpu.vector_store %arg11[%swap3A_2724], %get3A_2723 {strides = array<i32>} : memref<4096xf32, #tpu.memory_space<vmem>>, vector<16xf32>,
      %get3A_2726 = arith.constant 74 : i32
      %get3A_2727 = arith.index_cast %get3A_2726 : i32 to index
      %get3A_2728 = arith.constant 0 : index
      %get3A_2729 = tpu.vector_load %arg9[%get3A_2727, %get3A_2728] {strides = array<i32>} : memref<128x128xf32, #tpu.memory_space<vmem>>, vector<16xf32>,
      %swap3A_2730 = arith.constant 2368 : index
      %swap3A_2731 = tpu.vector_load %arg11[%swap3A_2730] {strides = array<i32>} : memref<4096xf32, #tpu.memory_space<vmem>>, vector<16xf32>,
      tpu.vector_store %arg11[%swap3A_2730], %get3A_2729 {strides = array<i32>} : memref<4096xf32, #tpu.memory_space<vmem>>, vector<16xf32>,
      %get3A_2732 = arith.constant 74 : i32
      %get3A_2733 = arith.index_cast %get3A_2732 : i32 to index
      %get3A_2734 = arith.constant 16 : index
      %get3A_2735 = tpu.vector_load %arg9[%get3A_2733, %get3A_2734] {strides = array<i32>} : memref<128x128xf32, #tpu.memory_space<vmem>>, vector<16xf32>,
      %swap3A_2736 = arith.constant 2384 : index
      %swap3A_2737 = tpu.vector_load %arg11[%swap3A_2736] {strides = array<i32>} : memref<4096xf32, #tpu.memory_space<vmem>>, vector<16xf32>,
      tpu.vector_store %arg11[%swap3A_2736], %get3A_2735 {strides = array<i32>} : memref<4096xf32, #tpu.memory_space<vmem>>, vector<16xf32>,
      %get3A_2738 = arith.constant 75 : i32
      %get3A_2739 = arith.index_cast %get3A_2738 : i32 to index
      %get3A_2740 = arith.constant 0 : index
      %get3A_2741 = tpu.vector_load %arg9[%get3A_2739, %get3A_2740] {strides = array<i32>} : memref<128x128xf32, #tpu.memory_space<vmem>>, vector<16xf32>,
      %swap3A_2742 = arith.constant 2400 : index
      %swap3A_2743 = tpu.vector_load %arg11[%swap3A_2742] {strides = array<i32>} : memref<4096xf32, #tpu.memory_space<vmem>>, vector<16xf32>,
      tpu.vector_store %arg11[%swap3A_2742], %get3A_2741 {strides = array<i32>} : memref<4096xf32, #tpu.memory_space<vmem>>, vector<16xf32>,
      %get3A_2744 = arith.constant 75 : i32
      %get3A_2745 = arith.index_cast %get3A_2744 : i32 to index
      %get3A_2746 = arith.constant 16 : index
      %get3A_2747 = tpu.vector_load %arg9[%get3A_2745, %get3A_2746] {strides = array<i32>} : memref<128x128xf32, #tpu.memory_space<vmem>>, vector<16xf32>,
      %swap3A_2748 = arith.constant 2416 : index
      %swap3A_2749 = tpu.vector_load %arg11[%swap3A_2748] {strides = array<i32>} : memref<4096xf32, #tpu.memory_space<vmem>>, vector<16xf32>,
      tpu.vector_store %arg11[%swap3A_2748], %get3A_2747 {strides = array<i32>} : memref<4096xf32, #tpu.memory_space<vmem>>, vector<16xf32>,
      %get3A_2750 = arith.constant 76 : i32
      %get3A_2751 = arith.index_cast %get3A_2750 : i32 to index
      %get3A_2752 = arith.constant 0 : index
      %get3A_2753 = tpu.vector_load %arg9[%get3A_2751, %get3A_2752] {strides = array<i32>} : memref<128x128xf32, #tpu.memory_space<vmem>>, vector<16xf32>,
      %swap3A_2754 = arith.constant 2432 : index
      %swap3A_2755 = tpu.vector_load %arg11[%swap3A_2754] {strides = array<i32>} : memref<4096xf32, #tpu.memory_space<vmem>>, vector<16xf32>,
      tpu.vector_store %arg11[%swap3A_2754], %get3A_2753 {strides = array<i32>} : memref<4096xf32, #tpu.memory_space<vmem>>, vector<16xf32>,
      %get3A_2756 = arith.constant 76 : i32
      %get3A_2757 = arith.index_cast %get3A_2756 : i32 to index
      %get3A_2758 = arith.constant 16 : index
      %get3A_2759 = tpu.vector_load %arg9[%get3A_2757, %get3A_2758] {strides = array<i32>} : memref<128x128xf32, #tpu.memory_space<vmem>>, vector<16xf32>,
      %swap3A_2760 = arith.constant 2448 : index
      %swap3A_2761 = tpu.vector_load %arg11[%swap3A_2760] {strides = array<i32>} : memref<4096xf32, #tpu.memory_space<vmem>>, vector<16xf32>,
      tpu.vector_store %arg11[%swap3A_2760], %get3A_2759 {strides = array<i32>} : memref<4096xf32, #tpu.memory_space<vmem>>, vector<16xf32>,
      %get3A_2762 = arith.constant 77 : i32
      %get3A_2763 = arith.index_cast %get3A_2762 : i32 to index
      %get3A_2764 = arith.constant 0 : index
      %get3A_2765 = tpu.vector_load %arg9[%get3A_2763, %get3A_2764] {strides = array<i32>} : memref<128x128xf32, #tpu.memory_space<vmem>>, vector<16xf32>,
      %swap3A_2766 = arith.constant 2464 : index
      %swap3A_2767 = tpu.vector_load %arg11[%swap3A_2766] {strides = array<i32>} : memref<4096xf32, #tpu.memory_space<vmem>>, vector<16xf32>,
      tpu.vector_store %arg11[%swap3A_2766], %get3A_2765 {strides = array<i32>} : memref<4096xf32, #tpu.memory_space<vmem>>, vector<16xf32>,
      %get3A_2768 = arith.constant 77 : i32
      %get3A_2769 = arith.index_cast %get3A_2768 : i32 to index
      %get3A_2770 = arith.constant 16 : index
      %get3A_2771 = tpu.vector_load %arg9[%get3A_2769, %get3A_2770] {strides = array<i32>} : memref<128x128xf32, #tpu.memory_space<vmem>>, vector<16xf32>,
      %swap3A_2772 = arith.constant 2480 : index
      %swap3A_2773 = tpu.vector_load %arg11[%swap3A_2772] {strides = array<i32>} : memref<4096xf32, #tpu.memory_space<vmem>>, vector<16xf32>,
      tpu.vector_store %arg11[%swap3A_2772], %get3A_2771 {strides = array<i32>} : memref<4096xf32, #tpu.memory_space<vmem>>, vector<16xf32>,
      %get3A_2774 = arith.constant 78 : i32
      %get3A_2775 = arith.index_cast %get3A_2774 : i32 to index
      %get3A_2776 = arith.constant 0 : index
      %get3A_2777 = tpu.vector_load %arg9[%get3A_2775, %get3A_2776] {strides = array<i32>} : memref<128x128xf32, #tpu.memory_space<vmem>>, vector<16xf32>,
      %swap3A_2778 = arith.constant 2496 : index
      %swap3A_2779 = tpu.vector_load %arg11[%swap3A_2778] {strides = array<i32>} : memref<4096xf32, #tpu.memory_space<vmem>>, vector<16xf32>,
      tpu.vector_store %arg11[%swap3A_2778], %get3A_2777 {strides = array<i32>} : memref<4096xf32, #tpu.memory_space<vmem>>, vector<16xf32>,
      %get3A_2780 = arith.constant 78 : i32
      %get3A_2781 = arith.index_cast %get3A_2780 : i32 to index
      %get3A_2782 = arith.constant 16 : index
      %get3A_2783 = tpu.vector_load %arg9[%get3A_2781, %get3A_2782] {strides = array<i32>} : memref<128x128xf32, #tpu.memory_space<vmem>>, vector<16xf32>,
      %swap3A_2784 = arith.constant 2512 : index
      %swap3A_2785 = tpu.vector_load %arg11[%swap3A_2784] {strides = array<i32>} : memref<4096xf32, #tpu.memory_space<vmem>>, vector<16xf32>,
      tpu.vector_store %arg11[%swap3A_2784], %get3A_2783 {strides = array<i32>} : memref<4096xf32, #tpu.memory_space<vmem>>, vector<16xf32>,
      %get3A_2786 = arith.constant 79 : i32
      %get3A_2787 = arith.index_cast %get3A_2786 : i32 to index
      %get3A_2788 = arith.constant 0 : index
      %get3A_2789 = tpu.vector_load %arg9[%get3A_2787, %get3A_2788] {strides = array<i32>} : memref<128x128xf32, #tpu.memory_space<vmem>>, vector<16xf32>,
      %swap3A_2790 = arith.constant 2528 : index
      %swap3A_2791 = tpu.vector_load %arg11[%swap3A_2790] {strides = array<i32>} : memref<4096xf32, #tpu.memory_space<vmem>>, vector<16xf32>,
      tpu.vector_store %arg11[%swap3A_2790], %get3A_2789 {strides = array<i32>} : memref<4096xf32, #tpu.memory_space<vmem>>, vector<16xf32>,
      %get3A_2792 = arith.constant 79 : i32
      %get3A_2793 = arith.index_cast %get3A_2792 : i32 to index
      %get3A_2794 = arith.constant 16 : index
      %get3A_2795 = tpu.vector_load %arg9[%get3A_2793, %get3A_2794] {strides = array<i32>} : memref<128x128xf32, #tpu.memory_space<vmem>>, vector<16xf32>,
      %swap3A_2796 = arith.constant 2544 : index
      %swap3A_2797 = tpu.vector_load %arg11[%swap3A_2796] {strides = array<i32>} : memref<4096xf32, #tpu.memory_space<vmem>>, vector<16xf32>,
      tpu.vector_store %arg11[%swap3A_2796], %get3A_2795 {strides = array<i32>} : memref<4096xf32, #tpu.memory_space<vmem>>, vector<16xf32>,
      %get3A_2798 = arith.constant 80 : i32
      %get3A_2799 = arith.index_cast %get3A_2798 : i32 to index
      %get3A_2800 = arith.constant 0 : index
      %get3A_2801 = tpu.vector_load %arg9[%get3A_2799, %get3A_2800] {strides = array<i32>} : memref<128x128xf32, #tpu.memory_space<vmem>>, vector<16xf32>,
      %swap3A_2802 = arith.constant 2560 : index
      %swap3A_2803 = tpu.vector_load %arg11[%swap3A_2802] {strides = array<i32>} : memref<4096xf32, #tpu.memory_space<vmem>>, vector<16xf32>,
      tpu.vector_store %arg11[%swap3A_2802], %get3A_2801 {strides = array<i32>} : memref<4096xf32, #tpu.memory_space<vmem>>, vector<16xf32>,
      %get3A_2804 = arith.constant 80 : i32
      %get3A_2805 = arith.index_cast %get3A_2804 : i32 to index
      %get3A_2806 = arith.constant 16 : index
      %get3A_2807 = tpu.vector_load %arg9[%get3A_2805, %get3A_2806] {strides = array<i32>} : memref<128x128xf32, #tpu.memory_space<vmem>>, vector<16xf32>,
      %swap3A_2808 = arith.constant 2576 : index
      %swap3A_2809 = tpu.vector_load %arg11[%swap3A_2808] {strides = array<i32>} : memref<4096xf32, #tpu.memory_space<vmem>>, vector<16xf32>,
      tpu.vector_store %arg11[%swap3A_2808], %get3A_2807 {strides = array<i32>} : memref<4096xf32, #tpu.memory_space<vmem>>, vector<16xf32>,
      %get3A_2810 = arith.constant 81 : i32
      %get3A_2811 = arith.index_cast %get3A_2810 : i32 to index
      %get3A_2812 = arith.constant 0 : index
      %get3A_2813 = tpu.vector_load %arg9[%get3A_2811, %get3A_2812] {strides = array<i32>} : memref<128x128xf32, #tpu.memory_space<vmem>>, vector<16xf32>,
      %swap3A_2814 = arith.constant 2592 : index
      %swap3A_2815 = tpu.vector_load %arg11[%swap3A_2814] {strides = array<i32>} : memref<4096xf32, #tpu.memory_space<vmem>>, vector<16xf32>,
      tpu.vector_store %arg11[%swap3A_2814], %get3A_2813 {strides = array<i32>} : memref<4096xf32, #tpu.memory_space<vmem>>, vector<16xf32>,
      %get3A_2816 = arith.constant 81 : i32
      %get3A_2817 = arith.index_cast %get3A_2816 : i32 to index
      %get3A_2818 = arith.constant 16 : index
      %get3A_2819 = tpu.vector_load %arg9[%get3A_2817, %get3A_2818] {strides = array<i32>} : memref<128x128xf32, #tpu.memory_space<vmem>>, vector<16xf32>,
      %swap3A_2820 = arith.constant 2608 : index
      %swap3A_2821 = tpu.vector_load %arg11[%swap3A_2820] {strides = array<i32>} : memref<4096xf32, #tpu.memory_space<vmem>>, vector<16xf32>,
      tpu.vector_store %arg11[%swap3A_2820], %get3A_2819 {strides = array<i32>} : memref<4096xf32, #tpu.memory_space<vmem>>, vector<16xf32>,
      %get3A_2822 = arith.constant 82 : i32
      %get3A_2823 = arith.index_cast %get3A_2822 : i32 to index
      %get3A_2824 = arith.constant 0 : index
      %get3A_2825 = tpu.vector_load %arg9[%get3A_2823, %get3A_2824] {strides = array<i32>} : memref<128x128xf32, #tpu.memory_space<vmem>>, vector<16xf32>,
      %swap3A_2826 = arith.constant 2624 : index
      %swap3A_2827 = tpu.vector_load %arg11[%swap3A_2826] {strides = array<i32>} : memref<4096xf32, #tpu.memory_space<vmem>>, vector<16xf32>,
      tpu.vector_store %arg11[%swap3A_2826], %get3A_2825 {strides = array<i32>} : memref<4096xf32, #tpu.memory_space<vmem>>, vector<16xf32>,
      %get3A_2828 = arith.constant 82 : i32
      %get3A_2829 = arith.index_cast %get3A_2828 : i32 to index
      %get3A_2830 = arith.constant 16 : index
      %get3A_2831 = tpu.vector_load %arg9[%get3A_2829, %get3A_2830] {strides = array<i32>} : memref<128x128xf32, #tpu.memory_space<vmem>>, vector<16xf32>,
      %swap3A_2832 = arith.constant 2640 : index
      %swap3A_2833 = tpu.vector_load %arg11[%swap3A_2832] {strides = array<i32>} : memref<4096xf32, #tpu.memory_space<vmem>>, vector<16xf32>,
      tpu.vector_store %arg11[%swap3A_2832], %get3A_2831 {strides = array<i32>} : memref<4096xf32, #tpu.memory_space<vmem>>, vector<16xf32>,
      %get3A_2834 = arith.constant 83 : i32
      %get3A_2835 = arith.index_cast %get3A_2834 : i32 to index
      %get3A_2836 = arith.constant 0 : index
      %get3A_2837 = tpu.vector_load %arg9[%get3A_2835, %get3A_2836] {strides = array<i32>} : memref<128x128xf32, #tpu.memory_space<vmem>>, vector<16xf32>,
      %swap3A_2838 = arith.constant 2656 : index
      %swap3A_2839 = tpu.vector_load %arg11[%swap3A_2838] {strides = array<i32>} : memref<4096xf32, #tpu.memory_space<vmem>>, vector<16xf32>,
      tpu.vector_store %arg11[%swap3A_2838], %get3A_2837 {strides = array<i32>} : memref<4096xf32, #tpu.memory_space<vmem>>, vector<16xf32>,
      %get3A_2840 = arith.constant 83 : i32
      %get3A_2841 = arith.index_cast %get3A_2840 : i32 to index
      %get3A_2842 = arith.constant 16 : index
      %get3A_2843 = tpu.vector_load %arg9[%get3A_2841, %get3A_2842] {strides = array<i32>} : memref<128x128xf32, #tpu.memory_space<vmem>>, vector<16xf32>,
      %swap3A_2844 = arith.constant 2672 : index
      %swap3A_2845 = tpu.vector_load %arg11[%swap3A_2844] {strides = array<i32>} : memref<4096xf32, #tpu.memory_space<vmem>>, vector<16xf32>,
      tpu.vector_store %arg11[%swap3A_2844], %get3A_2843 {strides = array<i32>} : memref<4096xf32, #tpu.memory_space<vmem>>, vector<16xf32>,
      %get3A_2846 = arith.constant 84 : i32
      %get3A_2847 = arith.index_cast %get3A_2846 : i32 to index
      %get3A_2848 = arith.constant 0 : index
      %get3A_2849 = tpu.vector_load %arg9[%get3A_2847, %get3A_2848] {strides = array<i32>} : memref<128x128xf32, #tpu.memory_space<vmem>>, vector<16xf32>,
      %swap3A_2850 = arith.constant 2688 : index
      %swap3A_2851 = tpu.vector_load %arg11[%swap3A_2850] {strides = array<i32>} : memref<4096xf32, #tpu.memory_space<vmem>>, vector<16xf32>,
      tpu.vector_store %arg11[%swap3A_2850], %get3A_2849 {strides = array<i32>} : memref<4096xf32, #tpu.memory_space<vmem>>, vector<16xf32>,
      %get3A_2852 = arith.constant 84 : i32
      %get3A_2853 = arith.index_cast %get3A_2852 : i32 to index
      %get3A_2854 = arith.constant 16 : index
      %get3A_2855 = tpu.vector_load %arg9[%get3A_2853, %get3A_2854] {strides = array<i32>} : memref<128x128xf32, #tpu.memory_space<vmem>>, vector<16xf32>,
      %swap3A_2856 = arith.constant 2704 : index
      %swap3A_2857 = tpu.vector_load %arg11[%swap3A_2856] {strides = array<i32>} : memref<4096xf32, #tpu.memory_space<vmem>>, vector<16xf32>,
      tpu.vector_store %arg11[%swap3A_2856], %get3A_2855 {strides = array<i32>} : memref<4096xf32, #tpu.memory_space<vmem>>, vector<16xf32>,
      %get3A_2858 = arith.constant 85 : i32
      %get3A_2859 = arith.index_cast %get3A_2858 : i32 to index
      %get3A_2860 = arith.constant 0 : index
      %get3A_2861 = tpu.vector_load %arg9[%get3A_2859, %get3A_2860] {strides = array<i32>} : memref<128x128xf32, #tpu.memory_space<vmem>>, vector<16xf32>,
      %swap3A_2862 = arith.constant 2720 : index
      %swap3A_2863 = tpu.vector_load %arg11[%swap3A_2862] {strides = array<i32>} : memref<4096xf32, #tpu.memory_space<vmem>>, vector<16xf32>,
      tpu.vector_store %arg11[%swap3A_2862], %get3A_2861 {strides = array<i32>} : memref<4096xf32, #tpu.memory_space<vmem>>, vector<16xf32>,
      %get3A_2864 = arith.constant 85 : i32
      %get3A_2865 = arith.index_cast %get3A_2864 : i32 to index
      %get3A_2866 = arith.constant 16 : index
      %get3A_2867 = tpu.vector_load %arg9[%get3A_2865, %get3A_2866] {strides = array<i32>} : memref<128x128xf32, #tpu.memory_space<vmem>>, vector<16xf32>,
      %swap3A_2868 = arith.constant 2736 : index
      %swap3A_2869 = tpu.vector_load %arg11[%swap3A_2868] {strides = array<i32>} : memref<4096xf32, #tpu.memory_space<vmem>>, vector<16xf32>,
      tpu.vector_store %arg11[%swap3A_2868], %get3A_2867 {strides = array<i32>} : memref<4096xf32, #tpu.memory_space<vmem>>, vector<16xf32>,
      %get3A_2870 = arith.constant 86 : i32
      %get3A_2871 = arith.index_cast %get3A_2870 : i32 to index
      %get3A_2872 = arith.constant 0 : index
      %get3A_2873 = tpu.vector_load %arg9[%get3A_2871, %get3A_2872] {strides = array<i32>} : memref<128x128xf32, #tpu.memory_space<vmem>>, vector<16xf32>,
      %swap3A_2874 = arith.constant 2752 : index
      %swap3A_2875 = tpu.vector_load %arg11[%swap3A_2874] {strides = array<i32>} : memref<4096xf32, #tpu.memory_space<vmem>>, vector<16xf32>,
      tpu.vector_store %arg11[%swap3A_2874], %get3A_2873 {strides = array<i32>} : memref<4096xf32, #tpu.memory_space<vmem>>, vector<16xf32>,
      %get3A_2876 = arith.constant 86 : i32
      %get3A_2877 = arith.index_cast %get3A_2876 : i32 to index
      %get3A_2878 = arith.constant 16 : index
      %get3A_2879 = tpu.vector_load %arg9[%get3A_2877, %get3A_2878] {strides = array<i32>} : memref<128x128xf32, #tpu.memory_space<vmem>>, vector<16xf32>,
      %swap3A_2880 = arith.constant 2768 : index
      %swap3A_2881 = tpu.vector_load %arg11[%swap3A_2880] {strides = array<i32>} : memref<4096xf32, #tpu.memory_space<vmem>>, vector<16xf32>,
      tpu.vector_store %arg11[%swap3A_2880], %get3A_2879 {strides = array<i32>} : memref<4096xf32, #tpu.memory_space<vmem>>, vector<16xf32>,
      %get3A_2882 = arith.constant 87 : i32
      %get3A_2883 = arith.index_cast %get3A_2882 : i32 to index
      %get3A_2884 = arith.constant 0 : index
      %get3A_2885 = tpu.vector_load %arg9[%get3A_2883, %get3A_2884] {strides = array<i32>} : memref<128x128xf32, #tpu.memory_space<vmem>>, vector<16xf32>,
      %swap3A_2886 = arith.constant 2784 : index
      %swap3A_2887 = tpu.vector_load %arg11[%swap3A_2886] {strides = array<i32>} : memref<4096xf32, #tpu.memory_space<vmem>>, vector<16xf32>,
      tpu.vector_store %arg11[%swap3A_2886], %get3A_2885 {strides = array<i32>} : memref<4096xf32, #tpu.memory_space<vmem>>, vector<16xf32>,
      %get3A_2888 = arith.constant 87 : i32
      %get3A_2889 = arith.index_cast %get3A_2888 : i32 to index
      %get3A_2890 = arith.constant 16 : index
      %get3A_2891 = tpu.vector_load %arg9[%get3A_2889, %get3A_2890] {strides = array<i32>} : memref<128x128xf32, #tpu.memory_space<vmem>>, vector<16xf32>,
      %swap3A_2892 = arith.constant 2800 : index
      %swap3A_2893 = tpu.vector_load %arg11[%swap3A_2892] {strides = array<i32>} : memref<4096xf32, #tpu.memory_space<vmem>>, vector<16xf32>,
      tpu.vector_store %arg11[%swap3A_2892], %get3A_2891 {strides = array<i32>} : memref<4096xf32, #tpu.memory_space<vmem>>, vector<16xf32>,
      %get3A_2894 = arith.constant 88 : i32
      %get3A_2895 = arith.index_cast %get3A_2894 : i32 to index
      %get3A_2896 = arith.constant 0 : index
      %get3A_2897 = tpu.vector_load %arg9[%get3A_2895, %get3A_2896] {strides = array<i32>} : memref<128x128xf32, #tpu.memory_space<vmem>>, vector<16xf32>,
      %swap3A_2898 = arith.constant 2816 : index
      %swap3A_2899 = tpu.vector_load %arg11[%swap3A_2898] {strides = array<i32>} : memref<4096xf32, #tpu.memory_space<vmem>>, vector<16xf32>,
      tpu.vector_store %arg11[%swap3A_2898], %get3A_2897 {strides = array<i32>} : memref<4096xf32, #tpu.memory_space<vmem>>, vector<16xf32>,
      %get3A_2900 = arith.constant 88 : i32
      %get3A_2901 = arith.index_cast %get3A_2900 : i32 to index
      %get3A_2902 = arith.constant 16 : index
      %get3A_2903 = tpu.vector_load %arg9[%get3A_2901, %get3A_2902] {strides = array<i32>} : memref<128x128xf32, #tpu.memory_space<vmem>>, vector<16xf32>,
      %swap3A_2904 = arith.constant 2832 : index
      %swap3A_2905 = tpu.vector_load %arg11[%swap3A_2904] {strides = array<i32>} : memref<4096xf32, #tpu.memory_space<vmem>>, vector<16xf32>,
      tpu.vector_store %arg11[%swap3A_2904], %get3A_2903 {strides = array<i32>} : memref<4096xf32, #tpu.memory_space<vmem>>, vector<16xf32>,
      %get3A_2906 = arith.constant 89 : i32
      %get3A_2907 = arith.index_cast %get3A_2906 : i32 to index
      %get3A_2908 = arith.constant 0 : index
      %get3A_2909 = tpu.vector_load %arg9[%get3A_2907, %get3A_2908] {strides = array<i32>} : memref<128x128xf32, #tpu.memory_space<vmem>>, vector<16xf32>,
      %swap3A_2910 = arith.constant 2848 : index
      %swap3A_2911 = tpu.vector_load %arg11[%swap3A_2910] {strides = array<i32>} : memref<4096xf32, #tpu.memory_space<vmem>>, vector<16xf32>,
      tpu.vector_store %arg11[%swap3A_2910], %get3A_2909 {strides = array<i32>} : memref<4096xf32, #tpu.memory_space<vmem>>, vector<16xf32>,
      %get3A_2912 = arith.constant 89 : i32
      %get3A_2913 = arith.index_cast %get3A_2912 : i32 to index
      %get3A_2914 = arith.constant 16 : index
      %get3A_2915 = tpu.vector_load %arg9[%get3A_2913, %get3A_2914] {strides = array<i32>} : memref<128x128xf32, #tpu.memory_space<vmem>>, vector<16xf32>,
      %swap3A_2916 = arith.constant 2864 : index
      %swap3A_2917 = tpu.vector_load %arg11[%swap3A_2916] {strides = array<i32>} : memref<4096xf32, #tpu.memory_space<vmem>>, vector<16xf32>,
      tpu.vector_store %arg11[%swap3A_2916], %get3A_2915 {strides = array<i32>} : memref<4096xf32, #tpu.memory_space<vmem>>, vector<16xf32>,
      %get3A_2918 = arith.constant 90 : i32
      %get3A_2919 = arith.index_cast %get3A_2918 : i32 to index
      %get3A_2920 = arith.constant 0 : index
      %get3A_2921 = tpu.vector_load %arg9[%get3A_2919, %get3A_2920] {strides = array<i32>} : memref<128x128xf32, #tpu.memory_space<vmem>>, vector<16xf32>,
      %swap3A_2922 = arith.constant 2880 : index
      %swap3A_2923 = tpu.vector_load %arg11[%swap3A_2922] {strides = array<i32>} : memref<4096xf32, #tpu.memory_space<vmem>>, vector<16xf32>,
      tpu.vector_store %arg11[%swap3A_2922], %get3A_2921 {strides = array<i32>} : memref<4096xf32, #tpu.memory_space<vmem>>, vector<16xf32>,
      %get3A_2924 = arith.constant 90 : i32
      %get3A_2925 = arith.index_cast %get3A_2924 : i32 to index
      %get3A_2926 = arith.constant 16 : index
      %get3A_2927 = tpu.vector_load %arg9[%get3A_2925, %get3A_2926] {strides = array<i32>} : memref<128x128xf32, #tpu.memory_space<vmem>>, vector<16xf32>,
      %swap3A_2928 = arith.constant 2896 : index
      %swap3A_2929 = tpu.vector_load %arg11[%swap3A_2928] {strides = array<i32>} : memref<4096xf32, #tpu.memory_space<vmem>>, vector<16xf32>,
      tpu.vector_store %arg11[%swap3A_2928], %get3A_2927 {strides = array<i32>} : memref<4096xf32, #tpu.memory_space<vmem>>, vector<16xf32>,
      %get3A_2930 = arith.constant 91 : i32
      %get3A_2931 = arith.index_cast %get3A_2930 : i32 to index
      %get3A_2932 = arith.constant 0 : index
      %get3A_2933 = tpu.vector_load %arg9[%get3A_2931, %get3A_2932] {strides = array<i32>} : memref<128x128xf32, #tpu.memory_space<vmem>>, vector<16xf32>,
      %swap3A_2934 = arith.constant 2912 : index
      %swap3A_2935 = tpu.vector_load %arg11[%swap3A_2934] {strides = array<i32>} : memref<4096xf32, #tpu.memory_space<vmem>>, vector<16xf32>,
      tpu.vector_store %arg11[%swap3A_2934], %get3A_2933 {strides = array<i32>} : memref<4096xf32, #tpu.memory_space<vmem>>, vector<16xf32>,
      %get3A_2936 = arith.constant 91 : i32
      %get3A_2937 = arith.index_cast %get3A_2936 : i32 to index
      %get3A_2938 = arith.constant 16 : index
      %get3A_2939 = tpu.vector_load %arg9[%get3A_2937, %get3A_2938] {strides = array<i32>} : memref<128x128xf32, #tpu.memory_space<vmem>>, vector<16xf32>,
      %swap3A_2940 = arith.constant 2928 : index
      %swap3A_2941 = tpu.vector_load %arg11[%swap3A_2940] {strides = array<i32>} : memref<4096xf32, #tpu.memory_space<vmem>>, vector<16xf32>,
      tpu.vector_store %arg11[%swap3A_2940], %get3A_2939 {strides = array<i32>} : memref<4096xf32, #tpu.memory_space<vmem>>, vector<16xf32>,
      %get3A_2942 = arith.constant 92 : i32
      %get3A_2943 = arith.index_cast %get3A_2942 : i32 to index
      %get3A_2944 = arith.constant 0 : index
      %get3A_2945 = tpu.vector_load %arg9[%get3A_2943, %get3A_2944] {strides = array<i32>} : memref<128x128xf32, #tpu.memory_space<vmem>>, vector<16xf32>,
      %swap3A_2946 = arith.constant 2944 : index
      %swap3A_2947 = tpu.vector_load %arg11[%swap3A_2946] {strides = array<i32>} : memref<4096xf32, #tpu.memory_space<vmem>>, vector<16xf32>,
      tpu.vector_store %arg11[%swap3A_2946], %get3A_2945 {strides = array<i32>} : memref<4096xf32, #tpu.memory_space<vmem>>, vector<16xf32>,
      %get3A_2948 = arith.constant 92 : i32
      %get3A_2949 = arith.index_cast %get3A_2948 : i32 to index
      %get3A_2950 = arith.constant 16 : index
      %get3A_2951 = tpu.vector_load %arg9[%get3A_2949, %get3A_2950] {strides = array<i32>} : memref<128x128xf32, #tpu.memory_space<vmem>>, vector<16xf32>,
      %swap3A_2952 = arith.constant 2960 : index
      %swap3A_2953 = tpu.vector_load %arg11[%swap3A_2952] {strides = array<i32>} : memref<4096xf32, #tpu.memory_space<vmem>>, vector<16xf32>,
      tpu.vector_store %arg11[%swap3A_2952], %get3A_2951 {strides = array<i32>} : memref<4096xf32, #tpu.memory_space<vmem>>, vector<16xf32>,
      %get3A_2954 = arith.constant 93 : i32
      %get3A_2955 = arith.index_cast %get3A_2954 : i32 to index
      %get3A_2956 = arith.constant 0 : index
      %get3A_2957 = tpu.vector_load %arg9[%get3A_2955, %get3A_2956] {strides = array<i32>} : memref<128x128xf32, #tpu.memory_space<vmem>>, vector<16xf32>,
      %swap3A_2958 = arith.constant 2976 : index
      %swap3A_2959 = tpu.vector_load %arg11[%swap3A_2958] {strides = array<i32>} : memref<4096xf32, #tpu.memory_space<vmem>>, vector<16xf32>,
      tpu.vector_store %arg11[%swap3A_2958], %get3A_2957 {strides = array<i32>} : memref<4096xf32, #tpu.memory_space<vmem>>, vector<16xf32>,
      %get3A_2960 = arith.constant 93 : i32
      %get3A_2961 = arith.index_cast %get3A_2960 : i32 to index
      %get3A_2962 = arith.constant 16 : index
      %get3A_2963 = tpu.vector_load %arg9[%get3A_2961, %get3A_2962] {strides = array<i32>} : memref<128x128xf32, #tpu.memory_space<vmem>>, vector<16xf32>,
      %swap3A_2964 = arith.constant 2992 : index
      %swap3A_2965 = tpu.vector_load %arg11[%swap3A_2964] {strides = array<i32>} : memref<4096xf32, #tpu.memory_space<vmem>>, vector<16xf32>,
      tpu.vector_store %arg11[%swap3A_2964], %get3A_2963 {strides = array<i32>} : memref<4096xf32, #tpu.memory_space<vmem>>, vector<16xf32>,
      %get3A_2966 = arith.constant 94 : i32
      %get3A_2967 = arith.index_cast %get3A_2966 : i32 to index
      %get3A_2968 = arith.constant 0 : index
      %get3A_2969 = tpu.vector_load %arg9[%get3A_2967, %get3A_2968] {strides = array<i32>} : memref<128x128xf32, #tpu.memory_space<vmem>>, vector<16xf32>,
      %swap3A_2970 = arith.constant 3008 : index
      %swap3A_2971 = tpu.vector_load %arg11[%swap3A_2970] {strides = array<i32>} : memref<4096xf32, #tpu.memory_space<vmem>>, vector<16xf32>,
      tpu.vector_store %arg11[%swap3A_2970], %get3A_2969 {strides = array<i32>} : memref<4096xf32, #tpu.memory_space<vmem>>, vector<16xf32>,
      %get3A_2972 = arith.constant 94 : i32
      %get3A_2973 = arith.index_cast %get3A_2972 : i32 to index
      %get3A_2974 = arith.constant 16 : index
      %get3A_2975 = tpu.vector_load %arg9[%get3A_2973, %get3A_2974] {strides = array<i32>} : memref<128x128xf32, #tpu.memory_space<vmem>>, vector<16xf32>,
      %swap3A_2976 = arith.constant 3024 : index
      %swap3A_2977 = tpu.vector_load %arg11[%swap3A_2976] {strides = array<i32>} : memref<4096xf32, #tpu.memory_space<vmem>>, vector<16xf32>,
      tpu.vector_store %arg11[%swap3A_2976], %get3A_2975 {strides = array<i32>} : memref<4096xf32, #tpu.memory_space<vmem>>, vector<16xf32>,
      %get3A_2978 = arith.constant 95 : i32
      %get3A_2979 = arith.index_cast %get3A_2978 : i32 to index
      %get3A_2980 = arith.constant 0 : index
      %get3A_2981 = tpu.vector_load %arg9[%get3A_2979, %get3A_2980] {strides = array<i32>} : memref<128x128xf32, #tpu.memory_space<vmem>>, vector<16xf32>,
      %swap3A_2982 = arith.constant 3040 : index
      %swap3A_2983 = tpu.vector_load %arg11[%swap3A_2982] {strides = array<i32>} : memref<4096xf32, #tpu.memory_space<vmem>>, vector<16xf32>,
      tpu.vector_store %arg11[%swap3A_2982], %get3A_2981 {strides = array<i32>} : memref<4096xf32, #tpu.memory_space<vmem>>, vector<16xf32>,
      %get3A_2984 = arith.constant 95 : i32
      %get3A_2985 = arith.index_cast %get3A_2984 : i32 to index
      %get3A_2986 = arith.constant 16 : index
      %get3A_2987 = tpu.vector_load %arg9[%get3A_2985, %get3A_2986] {strides = array<i32>} : memref<128x128xf32, #tpu.memory_space<vmem>>, vector<16xf32>,
      %swap3A_2988 = arith.constant 3056 : index
      %swap3A_2989 = tpu.vector_load %arg11[%swap3A_2988] {strides = array<i32>} : memref<4096xf32, #tpu.memory_space<vmem>>, vector<16xf32>,
      tpu.vector_store %arg11[%swap3A_2988], %get3A_2987 {strides = array<i32>} : memref<4096xf32, #tpu.memory_space<vmem>>, vector<16xf32>,
      %get3A_2990 = arith.constant 96 : i32
      %get3A_2991 = arith.index_cast %get3A_2990 : i32 to index
      %get3A_2992 = arith.constant 0 : index
      %get3A_2993 = tpu.vector_load %arg9[%get3A_2991, %get3A_2992] {strides = array<i32>} : memref<128x128xf32, #tpu.memory_space<vmem>>, vector<16xf32>,
      %swap3A_2994 = arith.constant 3072 : index
      %swap3A_2995 = tpu.vector_load %arg11[%swap3A_2994] {strides = array<i32>} : memref<4096xf32, #tpu.memory_space<vmem>>, vector<16xf32>,
      tpu.vector_store %arg11[%swap3A_2994], %get3A_2993 {strides = array<i32>} : memref<4096xf32, #tpu.memory_space<vmem>>, vector<16xf32>,
      %get3A_2996 = arith.constant 96 : i32
      %get3A_2997 = arith.index_cast %get3A_2996 : i32 to index
      %get3A_2998 = arith.constant 16 : index
      %get3A_2999 = tpu.vector_load %arg9[%get3A_2997, %get3A_2998] {strides = array<i32>} : memref<128x128xf32, #tpu.memory_space<vmem>>, vector<16xf32>,
      %swap3A_3000 = arith.constant 3088 : index
      %swap3A_3001 = tpu.vector_load %arg11[%swap3A_3000] {strides = array<i32>} : memref<4096xf32, #tpu.memory_space<vmem>>, vector<16xf32>,
      tpu.vector_store %arg11[%swap3A_3000], %get3A_2999 {strides = array<i32>} : memref<4096xf32, #tpu.memory_space<vmem>>, vector<16xf32>,
      %get3A_3002 = arith.constant 97 : i32
      %get3A_3003 = arith.index_cast %get3A_3002 : i32 to index
      %get3A_3004 = arith.constant 0 : index
      %get3A_3005 = tpu.vector_load %arg9[%get3A_3003, %get3A_3004] {strides = array<i32>} : memref<128x128xf32, #tpu.memory_space<vmem>>, vector<16xf32>,
      %swap3A_3006 = arith.constant 3104 : index
      %swap3A_3007 = tpu.vector_load %arg11[%swap3A_3006] {strides = array<i32>} : memref<4096xf32, #tpu.memory_space<vmem>>, vector<16xf32>,
      tpu.vector_store %arg11[%swap3A_3006], %get3A_3005 {strides = array<i32>} : memref<4096xf32, #tpu.memory_space<vmem>>, vector<16xf32>,
      %get3A_3008 = arith.constant 97 : i32
      %get3A_3009 = arith.index_cast %get3A_3008 : i32 to index
      %get3A_3010 = arith.constant 16 : index
      %get3A_3011 = tpu.vector_load %arg9[%get3A_3009, %get3A_3010] {strides = array<i32>} : memref<128x128xf32, #tpu.memory_space<vmem>>, vector<16xf32>,
      %swap3A_3012 = arith.constant 3120 : index
      %swap3A_3013 = tpu.vector_load %arg11[%swap3A_3012] {strides = array<i32>} : memref<4096xf32, #tpu.memory_space<vmem>>, vector<16xf32>,
      tpu.vector_store %arg11[%swap3A_3012], %get3A_3011 {strides = array<i32>} : memref<4096xf32, #tpu.memory_space<vmem>>, vector<16xf32>,
      %get3A_3014 = arith.constant 98 : i32
      %get3A_3015 = arith.index_cast %get3A_3014 : i32 to index
      %get3A_3016 = arith.constant 0 : index
      %get3A_3017 = tpu.vector_load %arg9[%get3A_3015, %get3A_3016] {strides = array<i32>} : memref<128x128xf32, #tpu.memory_space<vmem>>, vector<16xf32>,
      %swap3A_3018 = arith.constant 3136 : index
      %swap3A_3019 = tpu.vector_load %arg11[%swap3A_3018] {strides = array<i32>} : memref<4096xf32, #tpu.memory_space<vmem>>, vector<16xf32>,
      tpu.vector_store %arg11[%swap3A_3018], %get3A_3017 {strides = array<i32>} : memref<4096xf32, #tpu.memory_space<vmem>>, vector<16xf32>,
      %get3A_3020 = arith.constant 98 : i32
      %get3A_3021 = arith.index_cast %get3A_3020 : i32 to index
      %get3A_3022 = arith.constant 16 : index
      %get3A_3023 = tpu.vector_load %arg9[%get3A_3021, %get3A_3022] {strides = array<i32>} : memref<128x128xf32, #tpu.memory_space<vmem>>, vector<16xf32>,
      %swap3A_3024 = arith.constant 3152 : index
      %swap3A_3025 = tpu.vector_load %arg11[%swap3A_3024] {strides = array<i32>} : memref<4096xf32, #tpu.memory_space<vmem>>, vector<16xf32>,
      tpu.vector_store %arg11[%swap3A_3024], %get3A_3023 {strides = array<i32>} : memref<4096xf32, #tpu.memory_space<vmem>>, vector<16xf32>,
      %get3A_3026 = arith.constant 99 : i32
      %get3A_3027 = arith.index_cast %get3A_3026 : i32 to index
      %get3A_3028 = arith.constant 0 : index
      %get3A_3029 = tpu.vector_load %arg9[%get3A_3027, %get3A_3028] {strides = array<i32>} : memref<128x128xf32, #tpu.memory_space<vmem>>, vector<16xf32>,
      %swap3A_3030 = arith.constant 3168 : index
      %swap3A_3031 = tpu.vector_load %arg11[%swap3A_3030] {strides = array<i32>} : memref<4096xf32, #tpu.memory_space<vmem>>, vector<16xf32>,
      tpu.vector_store %arg11[%swap3A_3030], %get3A_3029 {strides = array<i32>} : memref<4096xf32, #tpu.memory_space<vmem>>, vector<16xf32>,
      %get3A_3032 = arith.constant 99 : i32
      %get3A_3033 = arith.index_cast %get3A_3032 : i32 to index
      %get3A_3034 = arith.constant 16 : index
      %get3A_3035 = tpu.vector_load %arg9[%get3A_3033, %get3A_3034] {strides = array<i32>} : memref<128x128xf32, #tpu.memory_space<vmem>>, vector<16xf32>,
      %swap3A_3036 = arith.constant 3184 : index
      %swap3A_3037 = tpu.vector_load %arg11[%swap3A_3036] {strides = array<i32>} : memref<4096xf32, #tpu.memory_space<vmem>>, vector<16xf32>,
      tpu.vector_store %arg11[%swap3A_3036], %get3A_3035 {strides = array<i32>} : memref<4096xf32, #tpu.memory_space<vmem>>, vector<16xf32>,
      %get3A_3038 = arith.constant 100 : i32
      %get3A_3039 = arith.index_cast %get3A_3038 : i32 to index
      %get3A_3040 = arith.constant 0 : index
      %get3A_3041 = tpu.vector_load %arg9[%get3A_3039, %get3A_3040] {strides = array<i32>} : memref<128x128xf32, #tpu.memory_space<vmem>>, vector<16xf32>,
      %swap3A_3042 = arith.constant 3200 : index
      %swap3A_3043 = tpu.vector_load %arg11[%swap3A_3042] {strides = array<i32>} : memref<4096xf32, #tpu.memory_space<vmem>>, vector<16xf32>,
      tpu.vector_store %arg11[%swap3A_3042], %get3A_3041 {strides = array<i32>} : memref<4096xf32, #tpu.memory_space<vmem>>, vector<16xf32>,
      %get3A_3044 = arith.constant 100 : i32
      %get3A_3045 = arith.index_cast %get3A_3044 : i32 to index
      %get3A_3046 = arith.constant 16 : index
      %get3A_3047 = tpu.vector_load %arg9[%get3A_3045, %get3A_3046] {strides = array<i32>} : memref<128x128xf32, #tpu.memory_space<vmem>>, vector<16xf32>,
      %swap3A_3048 = arith.constant 3216 : index
      %swap3A_3049 = tpu.vector_load %arg11[%swap3A_3048] {strides = array<i32>} : memref<4096xf32, #tpu.memory_space<vmem>>, vector<16xf32>,
      tpu.vector_store %arg11[%swap3A_3048], %get3A_3047 {strides = array<i32>} : memref<4096xf32, #tpu.memory_space<vmem>>, vector<16xf32>,
      %get3A_3050 = arith.constant 101 : i32
      %get3A_3051 = arith.index_cast %get3A_3050 : i32 to index
      %get3A_3052 = arith.constant 0 : index
      %get3A_3053 = tpu.vector_load %arg9[%get3A_3051, %get3A_3052] {strides = array<i32>} : memref<128x128xf32, #tpu.memory_space<vmem>>, vector<16xf32>,
      %swap3A_3054 = arith.constant 3232 : index
      %swap3A_3055 = tpu.vector_load %arg11[%swap3A_3054] {strides = array<i32>} : memref<4096xf32, #tpu.memory_space<vmem>>, vector<16xf32>,
      tpu.vector_store %arg11[%swap3A_3054], %get3A_3053 {strides = array<i32>} : memref<4096xf32, #tpu.memory_space<vmem>>, vector<16xf32>,
      %get3A_3056 = arith.constant 101 : i32
      %get3A_3057 = arith.index_cast %get3A_3056 : i32 to index
      %get3A_3058 = arith.constant 16 : index
      %get3A_3059 = tpu.vector_load %arg9[%get3A_3057, %get3A_3058] {strides = array<i32>} : memref<128x128xf32, #tpu.memory_space<vmem>>, vector<16xf32>,
      %swap3A_3060 = arith.constant 3248 : index
      %swap3A_3061 = tpu.vector_load %arg11[%swap3A_3060] {strides = array<i32>} : memref<4096xf32, #tpu.memory_space<vmem>>, vector<16xf32>,
      tpu.vector_store %arg11[%swap3A_3060], %get3A_3059 {strides = array<i32>} : memref<4096xf32, #tpu.memory_space<vmem>>, vector<16xf32>,
      %get3A_3062 = arith.constant 102 : i32
      %get3A_3063 = arith.index_cast %get3A_3062 : i32 to index
      %get3A_3064 = arith.constant 0 : index
      %get3A_3065 = tpu.vector_load %arg9[%get3A_3063, %get3A_3064] {strides = array<i32>} : memref<128x128xf32, #tpu.memory_space<vmem>>, vector<16xf32>,
      %swap3A_3066 = arith.constant 3264 : index
      %swap3A_3067 = tpu.vector_load %arg11[%swap3A_3066] {strides = array<i32>} : memref<4096xf32, #tpu.memory_space<vmem>>, vector<16xf32>,
      tpu.vector_store %arg11[%swap3A_3066], %get3A_3065 {strides = array<i32>} : memref<4096xf32, #tpu.memory_space<vmem>>, vector<16xf32>,
      %get3A_3068 = arith.constant 102 : i32
      %get3A_3069 = arith.index_cast %get3A_3068 : i32 to index
      %get3A_3070 = arith.constant 16 : index
      %get3A_3071 = tpu.vector_load %arg9[%get3A_3069, %get3A_3070] {strides = array<i32>} : memref<128x128xf32, #tpu.memory_space<vmem>>, vector<16xf32>,
      %swap3A_3072 = arith.constant 3280 : index
      %swap3A_3073 = tpu.vector_load %arg11[%swap3A_3072] {strides = array<i32>} : memref<4096xf32, #tpu.memory_space<vmem>>, vector<16xf32>,
      tpu.vector_store %arg11[%swap3A_3072], %get3A_3071 {strides = array<i32>} : memref<4096xf32, #tpu.memory_space<vmem>>, vector<16xf32>,
      %get3A_3074 = arith.constant 103 : i32
      %get3A_3075 = arith.index_cast %get3A_3074 : i32 to index
      %get3A_3076 = arith.constant 0 : index
      %get3A_3077 = tpu.vector_load %arg9[%get3A_3075, %get3A_3076] {strides = array<i32>} : memref<128x128xf32, #tpu.memory_space<vmem>>, vector<16xf32>,
      %swap3A_3078 = arith.constant 3296 : index
      %swap3A_3079 = tpu.vector_load %arg11[%swap3A_3078] {strides = array<i32>} : memref<4096xf32, #tpu.memory_space<vmem>>, vector<16xf32>,
      tpu.vector_store %arg11[%swap3A_3078], %get3A_3077 {strides = array<i32>} : memref<4096xf32, #tpu.memory_space<vmem>>, vector<16xf32>,
      %get3A_3080 = arith.constant 103 : i32
      %get3A_3081 = arith.index_cast %get3A_3080 : i32 to index
      %get3A_3082 = arith.constant 16 : index
      %get3A_3083 = tpu.vector_load %arg9[%get3A_3081, %get3A_3082] {strides = array<i32>} : memref<128x128xf32, #tpu.memory_space<vmem>>, vector<16xf32>,
      %swap3A_3084 = arith.constant 3312 : index
      %swap3A_3085 = tpu.vector_load %arg11[%swap3A_3084] {strides = array<i32>} : memref<4096xf32, #tpu.memory_space<vmem>>, vector<16xf32>,
      tpu.vector_store %arg11[%swap3A_3084], %get3A_3083 {strides = array<i32>} : memref<4096xf32, #tpu.memory_space<vmem>>, vector<16xf32>,
      %get3A_3086 = arith.constant 104 : i32
      %get3A_3087 = arith.index_cast %get3A_3086 : i32 to index
      %get3A_3088 = arith.constant 0 : index
      %get3A_3089 = tpu.vector_load %arg9[%get3A_3087, %get3A_3088] {strides = array<i32>} : memref<128x128xf32, #tpu.memory_space<vmem>>, vector<16xf32>,
      %swap3A_3090 = arith.constant 3328 : index
      %swap3A_3091 = tpu.vector_load %arg11[%swap3A_3090] {strides = array<i32>} : memref<4096xf32, #tpu.memory_space<vmem>>, vector<16xf32>,
      tpu.vector_store %arg11[%swap3A_3090], %get3A_3089 {strides = array<i32>} : memref<4096xf32, #tpu.memory_space<vmem>>, vector<16xf32>,
      %get3A_3092 = arith.constant 104 : i32
      %get3A_3093 = arith.index_cast %get3A_3092 : i32 to index
      %get3A_3094 = arith.constant 16 : index
      %get3A_3095 = tpu.vector_load %arg9[%get3A_3093, %get3A_3094] {strides = array<i32>} : memref<128x128xf32, #tpu.memory_space<vmem>>, vector<16xf32>,
      %swap3A_3096 = arith.constant 3344 : index
      %swap3A_3097 = tpu.vector_load %arg11[%swap3A_3096] {strides = array<i32>} : memref<4096xf32, #tpu.memory_space<vmem>>, vector<16xf32>,
      tpu.vector_store %arg11[%swap3A_3096], %get3A_3095 {strides = array<i32>} : memref<4096xf32, #tpu.memory_space<vmem>>, vector<16xf32>,
      %get3A_3098 = arith.constant 105 : i32
      %get3A_3099 = arith.index_cast %get3A_3098 : i32 to index
      %get3A_3100 = arith.constant 0 : index
      %get3A_3101 = tpu.vector_load %arg9[%get3A_3099, %get3A_3100] {strides = array<i32>} : memref<128x128xf32, #tpu.memory_space<vmem>>, vector<16xf32>,
      %swap3A_3102 = arith.constant 3360 : index
      %swap3A_3103 = tpu.vector_load %arg11[%swap3A_3102] {strides = array<i32>} : memref<4096xf32, #tpu.memory_space<vmem>>, vector<16xf32>,
      tpu.vector_store %arg11[%swap3A_3102], %get3A_3101 {strides = array<i32>} : memref<4096xf32, #tpu.memory_space<vmem>>, vector<16xf32>,
      %get3A_3104 = arith.constant 105 : i32
      %get3A_3105 = arith.index_cast %get3A_3104 : i32 to index
      %get3A_3106 = arith.constant 16 : index
      %get3A_3107 = tpu.vector_load %arg9[%get3A_3105, %get3A_3106] {strides = array<i32>} : memref<128x128xf32, #tpu.memory_space<vmem>>, vector<16xf32>,
      %swap3A_3108 = arith.constant 3376 : index
      %swap3A_3109 = tpu.vector_load %arg11[%swap3A_3108] {strides = array<i32>} : memref<4096xf32, #tpu.memory_space<vmem>>, vector<16xf32>,
      tpu.vector_store %arg11[%swap3A_3108], %get3A_3107 {strides = array<i32>} : memref<4096xf32, #tpu.memory_space<vmem>>, vector<16xf32>,
      %get3A_3110 = arith.constant 106 : i32
      %get3A_3111 = arith.index_cast %get3A_3110 : i32 to index
      %get3A_3112 = arith.constant 0 : index
      %get3A_3113 = tpu.vector_load %arg9[%get3A_3111, %get3A_3112] {strides = array<i32>} : memref<128x128xf32, #tpu.memory_space<vmem>>, vector<16xf32>,
      %swap3A_3114 = arith.constant 3392 : index
      %swap3A_3115 = tpu.vector_load %arg11[%swap3A_3114] {strides = array<i32>} : memref<4096xf32, #tpu.memory_space<vmem>>, vector<16xf32>,
      tpu.vector_store %arg11[%swap3A_3114], %get3A_3113 {strides = array<i32>} : memref<4096xf32, #tpu.memory_space<vmem>>, vector<16xf32>,
      %get3A_3116 = arith.constant 106 : i32
      %get3A_3117 = arith.index_cast %get3A_3116 : i32 to index
      %get3A_3118 = arith.constant 16 : index
      %get3A_3119 = tpu.vector_load %arg9[%get3A_3117, %get3A_3118] {strides = array<i32>} : memref<128x128xf32, #tpu.memory_space<vmem>>, vector<16xf32>,
      %swap3A_3120 = arith.constant 3408 : index
      %swap3A_3121 = tpu.vector_load %arg11[%swap3A_3120] {strides = array<i32>} : memref<4096xf32, #tpu.memory_space<vmem>>, vector<16xf32>,
      tpu.vector_store %arg11[%swap3A_3120], %get3A_3119 {strides = array<i32>} : memref<4096xf32, #tpu.memory_space<vmem>>, vector<16xf32>,
      %get3A_3122 = arith.constant 107 : i32
      %get3A_3123 = arith.index_cast %get3A_3122 : i32 to index
      %get3A_3124 = arith.constant 0 : index
      %get3A_3125 = tpu.vector_load %arg9[%get3A_3123, %get3A_3124] {strides = array<i32>} : memref<128x128xf32, #tpu.memory_space<vmem>>, vector<16xf32>,
      %swap3A_3126 = arith.constant 3424 : index
      %swap3A_3127 = tpu.vector_load %arg11[%swap3A_3126] {strides = array<i32>} : memref<4096xf32, #tpu.memory_space<vmem>>, vector<16xf32>,
      tpu.vector_store %arg11[%swap3A_3126], %get3A_3125 {strides = array<i32>} : memref<4096xf32, #tpu.memory_space<vmem>>, vector<16xf32>,
      %get3A_3128 = arith.constant 107 : i32
      %get3A_3129 = arith.index_cast %get3A_3128 : i32 to index
      %get3A_3130 = arith.constant 16 : index
      %get3A_3131 = tpu.vector_load %arg9[%get3A_3129, %get3A_3130] {strides = array<i32>} : memref<128x128xf32, #tpu.memory_space<vmem>>, vector<16xf32>,
      %swap3A_3132 = arith.constant 3440 : index
      %swap3A_3133 = tpu.vector_load %arg11[%swap3A_3132] {strides = array<i32>} : memref<4096xf32, #tpu.memory_space<vmem>>, vector<16xf32>,
      tpu.vector_store %arg11[%swap3A_3132], %get3A_3131 {strides = array<i32>} : memref<4096xf32, #tpu.memory_space<vmem>>, vector<16xf32>,
      %get3A_3134 = arith.constant 108 : i32
      %get3A_3135 = arith.index_cast %get3A_3134 : i32 to index
      %get3A_3136 = arith.constant 0 : index
      %get3A_3137 = tpu.vector_load %arg9[%get3A_3135, %get3A_3136] {strides = array<i32>} : memref<128x128xf32, #tpu.memory_space<vmem>>, vector<16xf32>,
      %swap3A_3138 = arith.constant 3456 : index
      %swap3A_3139 = tpu.vector_load %arg11[%swap3A_3138] {strides = array<i32>} : memref<4096xf32, #tpu.memory_space<vmem>>, vector<16xf32>,
      tpu.vector_store %arg11[%swap3A_3138], %get3A_3137 {strides = array<i32>} : memref<4096xf32, #tpu.memory_space<vmem>>, vector<16xf32>,
      %get3A_3140 = arith.constant 108 : i32
      %get3A_3141 = arith.index_cast %get3A_3140 : i32 to index
      %get3A_3142 = arith.constant 16 : index
      %get3A_3143 = tpu.vector_load %arg9[%get3A_3141, %get3A_3142] {strides = array<i32>} : memref<128x128xf32, #tpu.memory_space<vmem>>, vector<16xf32>,
      %swap3A_3144 = arith.constant 3472 : index
      %swap3A_3145 = tpu.vector_load %arg11[%swap3A_3144] {strides = array<i32>} : memref<4096xf32, #tpu.memory_space<vmem>>, vector<16xf32>,
      tpu.vector_store %arg11[%swap3A_3144], %get3A_3143 {strides = array<i32>} : memref<4096xf32, #tpu.memory_space<vmem>>, vector<16xf32>,
      %get3A_3146 = arith.constant 109 : i32
      %get3A_3147 = arith.index_cast %get3A_3146 : i32 to index
      %get3A_3148 = arith.constant 0 : index
      %get3A_3149 = tpu.vector_load %arg9[%get3A_3147, %get3A_3148] {strides = array<i32>} : memref<128x128xf32, #tpu.memory_space<vmem>>, vector<16xf32>,
      %swap3A_3150 = arith.constant 3488 : index
      %swap3A_3151 = tpu.vector_load %arg11[%swap3A_3150] {strides = array<i32>} : memref<4096xf32, #tpu.memory_space<vmem>>, vector<16xf32>,
      tpu.vector_store %arg11[%swap3A_3150], %get3A_3149 {strides = array<i32>} : memref<4096xf32, #tpu.memory_space<vmem>>, vector<16xf32>,
      %get3A_3152 = arith.constant 109 : i32
      %get3A_3153 = arith.index_cast %get3A_3152 : i32 to index
      %get3A_3154 = arith.constant 16 : index
      %get3A_3155 = tpu.vector_load %arg9[%get3A_3153, %get3A_3154] {strides = array<i32>} : memref<128x128xf32, #tpu.memory_space<vmem>>, vector<16xf32>,
      %swap3A_3156 = arith.constant 3504 : index
      %swap3A_3157 = tpu.vector_load %arg11[%swap3A_3156] {strides = array<i32>} : memref<4096xf32, #tpu.memory_space<vmem>>, vector<16xf32>,
      tpu.vector_store %arg11[%swap3A_3156], %get3A_3155 {strides = array<i32>} : memref<4096xf32, #tpu.memory_space<vmem>>, vector<16xf32>,
      %get3A_3158 = arith.constant 110 : i32
      %get3A_3159 = arith.index_cast %get3A_3158 : i32 to index
      %get3A_3160 = arith.constant 0 : index
      %get3A_3161 = tpu.vector_load %arg9[%get3A_3159, %get3A_3160] {strides = array<i32>} : memref<128x128xf32, #tpu.memory_space<vmem>>, vector<16xf32>,
      %swap3A_3162 = arith.constant 3520 : index
      %swap3A_3163 = tpu.vector_load %arg11[%swap3A_3162] {strides = array<i32>} : memref<4096xf32, #tpu.memory_space<vmem>>, vector<16xf32>,
      tpu.vector_store %arg11[%swap3A_3162], %get3A_3161 {strides = array<i32>} : memref<4096xf32, #tpu.memory_space<vmem>>, vector<16xf32>,
      %get3A_3164 = arith.constant 110 : i32
      %get3A_3165 = arith.index_cast %get3A_3164 : i32 to index
      %get3A_3166 = arith.constant 16 : index
      %get3A_3167 = tpu.vector_load %arg9[%get3A_3165, %get3A_3166] {strides = array<i32>} : memref<128x128xf32, #tpu.memory_space<vmem>>, vector<16xf32>,
      %swap3A_3168 = arith.constant 3536 : index
      %swap3A_3169 = tpu.vector_load %arg11[%swap3A_3168] {strides = array<i32>} : memref<4096xf32, #tpu.memory_space<vmem>>, vector<16xf32>,
      tpu.vector_store %arg11[%swap3A_3168], %get3A_3167 {strides = array<i32>} : memref<4096xf32, #tpu.memory_space<vmem>>, vector<16xf32>,
      %get3A_3170 = arith.constant 111 : i32
      %get3A_3171 = arith.index_cast %get3A_3170 : i32 to index
      %get3A_3172 = arith.constant 0 : index
      %get3A_3173 = tpu.vector_load %arg9[%get3A_3171, %get3A_3172] {strides = array<i32>} : memref<128x128xf32, #tpu.memory_space<vmem>>, vector<16xf32>,
      %swap3A_3174 = arith.constant 3552 : index
      %swap3A_3175 = tpu.vector_load %arg11[%swap3A_3174] {strides = array<i32>} : memref<4096xf32, #tpu.memory_space<vmem>>, vector<16xf32>,
      tpu.vector_store %arg11[%swap3A_3174], %get3A_3173 {strides = array<i32>} : memref<4096xf32, #tpu.memory_space<vmem>>, vector<16xf32>,
      %get3A_3176 = arith.constant 111 : i32
      %get3A_3177 = arith.index_cast %get3A_3176 : i32 to index
      %get3A_3178 = arith.constant 16 : index
      %get3A_3179 = tpu.vector_load %arg9[%get3A_3177, %get3A_3178] {strides = array<i32>} : memref<128x128xf32, #tpu.memory_space<vmem>>, vector<16xf32>,
      %swap3A_3180 = arith.constant 3568 : index
      %swap3A_3181 = tpu.vector_load %arg11[%swap3A_3180] {strides = array<i32>} : memref<4096xf32, #tpu.memory_space<vmem>>, vector<16xf32>,
      tpu.vector_store %arg11[%swap3A_3180], %get3A_3179 {strides = array<i32>} : memref<4096xf32, #tpu.memory_space<vmem>>, vector<16xf32>,
      %get3A_3182 = arith.constant 112 : i32
      %get3A_3183 = arith.index_cast %get3A_3182 : i32 to index
      %get3A_3184 = arith.constant 0 : index
      %get3A_3185 = tpu.vector_load %arg9[%get3A_3183, %get3A_3184] {strides = array<i32>} : memref<128x128xf32, #tpu.memory_space<vmem>>, vector<16xf32>,
      %swap3A_3186 = arith.constant 3584 : index
      %swap3A_3187 = tpu.vector_load %arg11[%swap3A_3186] {strides = array<i32>} : memref<4096xf32, #tpu.memory_space<vmem>>, vector<16xf32>,
      tpu.vector_store %arg11[%swap3A_3186], %get3A_3185 {strides = array<i32>} : memref<4096xf32, #tpu.memory_space<vmem>>, vector<16xf32>,
      %get3A_3188 = arith.constant 112 : i32
      %get3A_3189 = arith.index_cast %get3A_3188 : i32 to index
      %get3A_3190 = arith.constant 16 : index
      %get3A_3191 = tpu.vector_load %arg9[%get3A_3189, %get3A_3190] {strides = array<i32>} : memref<128x128xf32, #tpu.memory_space<vmem>>, vector<16xf32>,
      %swap3A_3192 = arith.constant 3600 : index
      %swap3A_3193 = tpu.vector_load %arg11[%swap3A_3192] {strides = array<i32>} : memref<4096xf32, #tpu.memory_space<vmem>>, vector<16xf32>,
      tpu.vector_store %arg11[%swap3A_3192], %get3A_3191 {strides = array<i32>} : memref<4096xf32, #tpu.memory_space<vmem>>, vector<16xf32>,
      %get3A_3194 = arith.constant 113 : i32
      %get3A_3195 = arith.index_cast %get3A_3194 : i32 to index
      %get3A_3196 = arith.constant 0 : index
      %get3A_3197 = tpu.vector_load %arg9[%get3A_3195, %get3A_3196] {strides = array<i32>} : memref<128x128xf32, #tpu.memory_space<vmem>>, vector<16xf32>,
      %swap3A_3198 = arith.constant 3616 : index
      %swap3A_3199 = tpu.vector_load %arg11[%swap3A_3198] {strides = array<i32>} : memref<4096xf32, #tpu.memory_space<vmem>>, vector<16xf32>,
      tpu.vector_store %arg11[%swap3A_3198], %get3A_3197 {strides = array<i32>} : memref<4096xf32, #tpu.memory_space<vmem>>, vector<16xf32>,
      %get3A_3200 = arith.constant 113 : i32
      %get3A_3201 = arith.index_cast %get3A_3200 : i32 to index
      %get3A_3202 = arith.constant 16 : index
      %get3A_3203 = tpu.vector_load %arg9[%get3A_3201, %get3A_3202] {strides = array<i32>} : memref<128x128xf32, #tpu.memory_space<vmem>>, vector<16xf32>,
      %swap3A_3204 = arith.constant 3632 : index
      %swap3A_3205 = tpu.vector_load %arg11[%swap3A_3204] {strides = array<i32>} : memref<4096xf32, #tpu.memory_space<vmem>>, vector<16xf32>,
      tpu.vector_store %arg11[%swap3A_3204], %get3A_3203 {strides = array<i32>} : memref<4096xf32, #tpu.memory_space<vmem>>, vector<16xf32>,
      %get3A_3206 = arith.constant 114 : i32
      %get3A_3207 = arith.index_cast %get3A_3206 : i32 to index
      %get3A_3208 = arith.constant 0 : index
      %get3A_3209 = tpu.vector_load %arg9[%get3A_3207, %get3A_3208] {strides = array<i32>} : memref<128x128xf32, #tpu.memory_space<vmem>>, vector<16xf32>,
      %swap3A_3210 = arith.constant 3648 : index
      %swap3A_3211 = tpu.vector_load %arg11[%swap3A_3210] {strides = array<i32>} : memref<4096xf32, #tpu.memory_space<vmem>>, vector<16xf32>,
      tpu.vector_store %arg11[%swap3A_3210], %get3A_3209 {strides = array<i32>} : memref<4096xf32, #tpu.memory_space<vmem>>, vector<16xf32>,
      %get3A_3212 = arith.constant 114 : i32
      %get3A_3213 = arith.index_cast %get3A_3212 : i32 to index
      %get3A_3214 = arith.constant 16 : index
      %get3A_3215 = tpu.vector_load %arg9[%get3A_3213, %get3A_3214] {strides = array<i32>} : memref<128x128xf32, #tpu.memory_space<vmem>>, vector<16xf32>,
      %swap3A_3216 = arith.constant 3664 : index
      %swap3A_3217 = tpu.vector_load %arg11[%swap3A_3216] {strides = array<i32>} : memref<4096xf32, #tpu.memory_space<vmem>>, vector<16xf32>,
      tpu.vector_store %arg11[%swap3A_3216], %get3A_3215 {strides = array<i32>} : memref<4096xf32, #tpu.memory_space<vmem>>, vector<16xf32>,
      %get3A_3218 = arith.constant 115 : i32
      %get3A_3219 = arith.index_cast %get3A_3218 : i32 to index
      %get3A_3220 = arith.constant 0 : index
      %get3A_3221 = tpu.vector_load %arg9[%get3A_3219, %get3A_3220] {strides = array<i32>} : memref<128x128xf32, #tpu.memory_space<vmem>>, vector<16xf32>,
      %swap3A_3222 = arith.constant 3680 : index
      %swap3A_3223 = tpu.vector_load %arg11[%swap3A_3222] {strides = array<i32>} : memref<4096xf32, #tpu.memory_space<vmem>>, vector<16xf32>,
      tpu.vector_store %arg11[%swap3A_3222], %get3A_3221 {strides = array<i32>} : memref<4096xf32, #tpu.memory_space<vmem>>, vector<16xf32>,
      %get3A_3224 = arith.constant 115 : i32
      %get3A_3225 = arith.index_cast %get3A_3224 : i32 to index
      %get3A_3226 = arith.constant 16 : index
      %get3A_3227 = tpu.vector_load %arg9[%get3A_3225, %get3A_3226] {strides = array<i32>} : memref<128x128xf32, #tpu.memory_space<vmem>>, vector<16xf32>,
      %swap3A_3228 = arith.constant 3696 : index
      %swap3A_3229 = tpu.vector_load %arg11[%swap3A_3228] {strides = array<i32>} : memref<4096xf32, #tpu.memory_space<vmem>>, vector<16xf32>,
      tpu.vector_store %arg11[%swap3A_3228], %get3A_3227 {strides = array<i32>} : memref<4096xf32, #tpu.memory_space<vmem>>, vector<16xf32>,
      %get3A_3230 = arith.constant 116 : i32
      %get3A_3231 = arith.index_cast %get3A_3230 : i32 to index
      %get3A_3232 = arith.constant 0 : index
      %get3A_3233 = tpu.vector_load %arg9[%get3A_3231, %get3A_3232] {strides = array<i32>} : memref<128x128xf32, #tpu.memory_space<vmem>>, vector<16xf32>,
      %swap3A_3234 = arith.constant 3712 : index
      %swap3A_3235 = tpu.vector_load %arg11[%swap3A_3234] {strides = array<i32>} : memref<4096xf32, #tpu.memory_space<vmem>>, vector<16xf32>,
      tpu.vector_store %arg11[%swap3A_3234], %get3A_3233 {strides = array<i32>} : memref<4096xf32, #tpu.memory_space<vmem>>, vector<16xf32>,
      %get3A_3236 = arith.constant 116 : i32
      %get3A_3237 = arith.index_cast %get3A_3236 : i32 to index
      %get3A_3238 = arith.constant 16 : index
      %get3A_3239 = tpu.vector_load %arg9[%get3A_3237, %get3A_3238] {strides = array<i32>} : memref<128x128xf32, #tpu.memory_space<vmem>>, vector<16xf32>,
      %swap3A_3240 = arith.constant 3728 : index
      %swap3A_3241 = tpu.vector_load %arg11[%swap3A_3240] {strides = array<i32>} : memref<4096xf32, #tpu.memory_space<vmem>>, vector<16xf32>,
      tpu.vector_store %arg11[%swap3A_3240], %get3A_3239 {strides = array<i32>} : memref<4096xf32, #tpu.memory_space<vmem>>, vector<16xf32>,
      %get3A_3242 = arith.constant 117 : i32
      %get3A_3243 = arith.index_cast %get3A_3242 : i32 to index
      %get3A_3244 = arith.constant 0 : index
      %get3A_3245 = tpu.vector_load %arg9[%get3A_3243, %get3A_3244] {strides = array<i32>} : memref<128x128xf32, #tpu.memory_space<vmem>>, vector<16xf32>,
      %swap3A_3246 = arith.constant 3744 : index
      %swap3A_3247 = tpu.vector_load %arg11[%swap3A_3246] {strides = array<i32>} : memref<4096xf32, #tpu.memory_space<vmem>>, vector<16xf32>,
      tpu.vector_store %arg11[%swap3A_3246], %get3A_3245 {strides = array<i32>} : memref<4096xf32, #tpu.memory_space<vmem>>, vector<16xf32>,
      %get3A_3248 = arith.constant 117 : i32
      %get3A_3249 = arith.index_cast %get3A_3248 : i32 to index
      %get3A_3250 = arith.constant 16 : index
      %get3A_3251 = tpu.vector_load %arg9[%get3A_3249, %get3A_3250] {strides = array<i32>} : memref<128x128xf32, #tpu.memory_space<vmem>>, vector<16xf32>,
      %swap3A_3252 = arith.constant 3760 : index
      %swap3A_3253 = tpu.vector_load %arg11[%swap3A_3252] {strides = array<i32>} : memref<4096xf32, #tpu.memory_space<vmem>>, vector<16xf32>,
      tpu.vector_store %arg11[%swap3A_3252], %get3A_3251 {strides = array<i32>} : memref<4096xf32, #tpu.memory_space<vmem>>, vector<16xf32>,
      %get3A_3254 = arith.constant 118 : i32
      %get3A_3255 = arith.index_cast %get3A_3254 : i32 to index
      %get3A_3256 = arith.constant 0 : index
      %get3A_3257 = tpu.vector_load %arg9[%get3A_3255, %get3A_3256] {strides = array<i32>} : memref<128x128xf32, #tpu.memory_space<vmem>>, vector<16xf32>,
      %swap3A_3258 = arith.constant 3776 : index
      %swap3A_3259 = tpu.vector_load %arg11[%swap3A_3258] {strides = array<i32>} : memref<4096xf32, #tpu.memory_space<vmem>>, vector<16xf32>,
      tpu.vector_store %arg11[%swap3A_3258], %get3A_3257 {strides = array<i32>} : memref<4096xf32, #tpu.memory_space<vmem>>, vector<16xf32>,
      %get3A_3260 = arith.constant 118 : i32
      %get3A_3261 = arith.index_cast %get3A_3260 : i32 to index
      %get3A_3262 = arith.constant 16 : index
      %get3A_3263 = tpu.vector_load %arg9[%get3A_3261, %get3A_3262] {strides = array<i32>} : memref<128x128xf32, #tpu.memory_space<vmem>>, vector<16xf32>,
      %swap3A_3264 = arith.constant 3792 : index
      %swap3A_3265 = tpu.vector_load %arg11[%swap3A_3264] {strides = array<i32>} : memref<4096xf32, #tpu.memory_space<vmem>>, vector<16xf32>,
      tpu.vector_store %arg11[%swap3A_3264], %get3A_3263 {strides = array<i32>} : memref<4096xf32, #tpu.memory_space<vmem>>, vector<16xf32>,
      %get3A_3266 = arith.constant 119 : i32
      %get3A_3267 = arith.index_cast %get3A_3266 : i32 to index
      %get3A_3268 = arith.constant 0 : index
      %get3A_3269 = tpu.vector_load %arg9[%get3A_3267, %get3A_3268] {strides = array<i32>} : memref<128x128xf32, #tpu.memory_space<vmem>>, vector<16xf32>,
      %swap3A_3270 = arith.constant 3808 : index
      %swap3A_3271 = tpu.vector_load %arg11[%swap3A_3270] {strides = array<i32>} : memref<4096xf32, #tpu.memory_space<vmem>>, vector<16xf32>,
      tpu.vector_store %arg11[%swap3A_3270], %get3A_3269 {strides = array<i32>} : memref<4096xf32, #tpu.memory_space<vmem>>, vector<16xf32>,
      %get3A_3272 = arith.constant 119 : i32
      %get3A_3273 = arith.index_cast %get3A_3272 : i32 to index
      %get3A_3274 = arith.constant 16 : index
      %get3A_3275 = tpu.vector_load %arg9[%get3A_3273, %get3A_3274] {strides = array<i32>} : memref<128x128xf32, #tpu.memory_space<vmem>>, vector<16xf32>,
      %swap3A_3276 = arith.constant 3824 : index
      %swap3A_3277 = tpu.vector_load %arg11[%swap3A_3276] {strides = array<i32>} : memref<4096xf32, #tpu.memory_space<vmem>>, vector<16xf32>,
      tpu.vector_store %arg11[%swap3A_3276], %get3A_3275 {strides = array<i32>} : memref<4096xf32, #tpu.memory_space<vmem>>, vector<16xf32>,
      %get3A_3278 = arith.constant 120 : i32
      %get3A_3279 = arith.index_cast %get3A_3278 : i32 to index
      %get3A_3280 = arith.constant 0 : index
      %get3A_3281 = tpu.vector_load %arg9[%get3A_3279, %get3A_3280] {strides = array<i32>} : memref<128x128xf32, #tpu.memory_space<vmem>>, vector<16xf32>,
      %swap3A_3282 = arith.constant 3840 : index
      %swap3A_3283 = tpu.vector_load %arg11[%swap3A_3282] {strides = array<i32>} : memref<4096xf32, #tpu.memory_space<vmem>>, vector<16xf32>,
      tpu.vector_store %arg11[%swap3A_3282], %get3A_3281 {strides = array<i32>} : memref<4096xf32, #tpu.memory_space<vmem>>, vector<16xf32>,
      %get3A_3284 = arith.constant 120 : i32
      %get3A_3285 = arith.index_cast %get3A_3284 : i32 to index
      %get3A_3286 = arith.constant 16 : index
      %get3A_3287 = tpu.vector_load %arg9[%get3A_3285, %get3A_3286] {strides = array<i32>} : memref<128x128xf32, #tpu.memory_space<vmem>>, vector<16xf32>,
      %swap3A_3288 = arith.constant 3856 : index
      %swap3A_3289 = tpu.vector_load %arg11[%swap3A_3288] {strides = array<i32>} : memref<4096xf32, #tpu.memory_space<vmem>>, vector<16xf32>,
      tpu.vector_store %arg11[%swap3A_3288], %get3A_3287 {strides = array<i32>} : memref<4096xf32, #tpu.memory_space<vmem>>, vector<16xf32>,
      %get3A_3290 = arith.constant 121 : i32
      %get3A_3291 = arith.index_cast %get3A_3290 : i32 to index
      %get3A_3292 = arith.constant 0 : index
      %get3A_3293 = tpu.vector_load %arg9[%get3A_3291, %get3A_3292] {strides = array<i32>} : memref<128x128xf32, #tpu.memory_space<vmem>>, vector<16xf32>,
      %swap3A_3294 = arith.constant 3872 : index
      %swap3A_3295 = tpu.vector_load %arg11[%swap3A_3294] {strides = array<i32>} : memref<4096xf32, #tpu.memory_space<vmem>>, vector<16xf32>,
      tpu.vector_store %arg11[%swap3A_3294], %get3A_3293 {strides = array<i32>} : memref<4096xf32, #tpu.memory_space<vmem>>, vector<16xf32>,
      %get3A_3296 = arith.constant 121 : i32
      %get3A_3297 = arith.index_cast %get3A_3296 : i32 to index
      %get3A_3298 = arith.constant 16 : index
      %get3A_3299 = tpu.vector_load %arg9[%get3A_3297, %get3A_3298] {strides = array<i32>} : memref<128x128xf32, #tpu.memory_space<vmem>>, vector<16xf32>,
      %swap3A_3300 = arith.constant 3888 : index
      %swap3A_3301 = tpu.vector_load %arg11[%swap3A_3300] {strides = array<i32>} : memref<4096xf32, #tpu.memory_space<vmem>>, vector<16xf32>,
      tpu.vector_store %arg11[%swap3A_3300], %get3A_3299 {strides = array<i32>} : memref<4096xf32, #tpu.memory_space<vmem>>, vector<16xf32>,
      %get3A_3302 = arith.constant 122 : i32
      %get3A_3303 = arith.index_cast %get3A_3302 : i32 to index
      %get3A_3304 = arith.constant 0 : index
      %get3A_3305 = tpu.vector_load %arg9[%get3A_3303, %get3A_3304] {strides = array<i32>} : memref<128x128xf32, #tpu.memory_space<vmem>>, vector<16xf32>,
      %swap3A_3306 = arith.constant 3904 : index
      %swap3A_3307 = tpu.vector_load %arg11[%swap3A_3306] {strides = array<i32>} : memref<4096xf32, #tpu.memory_space<vmem>>, vector<16xf32>,
      tpu.vector_store %arg11[%swap3A_3306], %get3A_3305 {strides = array<i32>} : memref<4096xf32, #tpu.memory_space<vmem>>, vector<16xf32>,
      %get3A_3308 = arith.constant 122 : i32
      %get3A_3309 = arith.index_cast %get3A_3308 : i32 to index
      %get3A_3310 = arith.constant 16 : index
      %get3A_3311 = tpu.vector_load %arg9[%get3A_3309, %get3A_3310] {strides = array<i32>} : memref<128x128xf32, #tpu.memory_space<vmem>>, vector<16xf32>,
      %swap3A_3312 = arith.constant 3920 : index
      %swap3A_3313 = tpu.vector_load %arg11[%swap3A_3312] {strides = array<i32>} : memref<4096xf32, #tpu.memory_space<vmem>>, vector<16xf32>,
      tpu.vector_store %arg11[%swap3A_3312], %get3A_3311 {strides = array<i32>} : memref<4096xf32, #tpu.memory_space<vmem>>, vector<16xf32>,
      %get3A_3314 = arith.constant 123 : i32
      %get3A_3315 = arith.index_cast %get3A_3314 : i32 to index
      %get3A_3316 = arith.constant 0 : index
      %get3A_3317 = tpu.vector_load %arg9[%get3A_3315, %get3A_3316] {strides = array<i32>} : memref<128x128xf32, #tpu.memory_space<vmem>>, vector<16xf32>,
      %swap3A_3318 = arith.constant 3936 : index
      %swap3A_3319 = tpu.vector_load %arg11[%swap3A_3318] {strides = array<i32>} : memref<4096xf32, #tpu.memory_space<vmem>>, vector<16xf32>,
      tpu.vector_store %arg11[%swap3A_3318], %get3A_3317 {strides = array<i32>} : memref<4096xf32, #tpu.memory_space<vmem>>, vector<16xf32>,
      %get3A_3320 = arith.constant 123 : i32
      %get3A_3321 = arith.index_cast %get3A_3320 : i32 to index
      %get3A_3322 = arith.constant 16 : index
      %get3A_3323 = tpu.vector_load %arg9[%get3A_3321, %get3A_3322] {strides = array<i32>} : memref<128x128xf32, #tpu.memory_space<vmem>>, vector<16xf32>,
      %swap3A_3324 = arith.constant 3952 : index
      %swap3A_3325 = tpu.vector_load %arg11[%swap3A_3324] {strides = array<i32>} : memref<4096xf32, #tpu.memory_space<vmem>>, vector<16xf32>,
      tpu.vector_store %arg11[%swap3A_3324], %get3A_3323 {strides = array<i32>} : memref<4096xf32, #tpu.memory_space<vmem>>, vector<16xf32>,
      %get3A_3326 = arith.constant 124 : i32
      %get3A_3327 = arith.index_cast %get3A_3326 : i32 to index
      %get3A_3328 = arith.constant 0 : index
      %get3A_3329 = tpu.vector_load %arg9[%get3A_3327, %get3A_3328] {strides = array<i32>} : memref<128x128xf32, #tpu.memory_space<vmem>>, vector<16xf32>,
      %swap3A_3330 = arith.constant 3968 : index
      %swap3A_3331 = tpu.vector_load %arg11[%swap3A_3330] {strides = array<i32>} : memref<4096xf32, #tpu.memory_space<vmem>>, vector<16xf32>,
      tpu.vector_store %arg11[%swap3A_3330], %get3A_3329 {strides = array<i32>} : memref<4096xf32, #tpu.memory_space<vmem>>, vector<16xf32>,
      %get3A_3332 = arith.constant 124 : i32
      %get3A_3333 = arith.index_cast %get3A_3332 : i32 to index
      %get3A_3334 = arith.constant 16 : index
      %get3A_3335 = tpu.vector_load %arg9[%get3A_3333, %get3A_3334] {strides = array<i32>} : memref<128x128xf32, #tpu.memory_space<vmem>>, vector<16xf32>,
      %swap3A_3336 = arith.constant 3984 : index
      %swap3A_3337 = tpu.vector_load %arg11[%swap3A_3336] {strides = array<i32>} : memref<4096xf32, #tpu.memory_space<vmem>>, vector<16xf32>,
      tpu.vector_store %arg11[%swap3A_3336], %get3A_3335 {strides = array<i32>} : memref<4096xf32, #tpu.memory_space<vmem>>, vector<16xf32>,
      %get3A_3338 = arith.constant 125 : i32
      %get3A_3339 = arith.index_cast %get3A_3338 : i32 to index
      %get3A_3340 = arith.constant 0 : index
      %get3A_3341 = tpu.vector_load %arg9[%get3A_3339, %get3A_3340] {strides = array<i32>} : memref<128x128xf32, #tpu.memory_space<vmem>>, vector<16xf32>,
      %swap3A_3342 = arith.constant 4000 : index
      %swap3A_3343 = tpu.vector_load %arg11[%swap3A_3342] {strides = array<i32>} : memref<4096xf32, #tpu.memory_space<vmem>>, vector<16xf32>,
      tpu.vector_store %arg11[%swap3A_3342], %get3A_3341 {strides = array<i32>} : memref<4096xf32, #tpu.memory_space<vmem>>, vector<16xf32>,
      %get3A_3344 = arith.constant 125 : i32
      %get3A_3345 = arith.index_cast %get3A_3344 : i32 to index
      %get3A_3346 = arith.constant 16 : index
      %get3A_3347 = tpu.vector_load %arg9[%get3A_3345, %get3A_3346] {strides = array<i32>} : memref<128x128xf32, #tpu.memory_space<vmem>>, vector<16xf32>,
      %swap3A_3348 = arith.constant 4016 : index
      %swap3A_3349 = tpu.vector_load %arg11[%swap3A_3348] {strides = array<i32>} : memref<4096xf32, #tpu.memory_space<vmem>>, vector<16xf32>,
      tpu.vector_store %arg11[%swap3A_3348], %get3A_3347 {strides = array<i32>} : memref<4096xf32, #tpu.memory_space<vmem>>, vector<16xf32>,
      %get3A_3350 = arith.constant 126 : i32
      %get3A_3351 = arith.index_cast %get3A_3350 : i32 to index
      %get3A_3352 = arith.constant 0 : index
      %get3A_3353 = tpu.vector_load %arg9[%get3A_3351, %get3A_3352] {strides = array<i32>} : memref<128x128xf32, #tpu.memory_space<vmem>>, vector<16xf32>,
      %swap3A_3354 = arith.constant 4032 : index
      %swap3A_3355 = tpu.vector_load %arg11[%swap3A_3354] {strides = array<i32>} : memref<4096xf32, #tpu.memory_space<vmem>>, vector<16xf32>,
      tpu.vector_store %arg11[%swap3A_3354], %get3A_3353 {strides = array<i32>} : memref<4096xf32, #tpu.memory_space<vmem>>, vector<16xf32>,
      %get3A_3356 = arith.constant 126 : i32
      %get3A_3357 = arith.index_cast %get3A_3356 : i32 to index
      %get3A_3358 = arith.constant 16 : index
      %get3A_3359 = tpu.vector_load %arg9[%get3A_3357, %get3A_3358] {strides = array<i32>} : memref<128x128xf32, #tpu.memory_space<vmem>>, vector<16xf32>,
      %swap3A_3360 = arith.constant 4048 : index
      %swap3A_3361 = tpu.vector_load %arg11[%swap3A_3360] {strides = array<i32>} : memref<4096xf32, #tpu.memory_space<vmem>>, vector<16xf32>,
      tpu.vector_store %arg11[%swap3A_3360], %get3A_3359 {strides = array<i32>} : memref<4096xf32, #tpu.memory_space<vmem>>, vector<16xf32>,
      %get3A_3362 = arith.constant 127 : i32
      %get3A_3363 = arith.index_cast %get3A_3362 : i32 to index
      %get3A_3364 = arith.constant 0 : index
      %get3A_3365 = tpu.vector_load %arg9[%get3A_3363, %get3A_3364] {strides = array<i32>} : memref<128x128xf32, #tpu.memory_space<vmem>>, vector<16xf32>,
      %swap3A_3366 = arith.constant 4064 : index
      %swap3A_3367 = tpu.vector_load %arg11[%swap3A_3366] {strides = array<i32>} : memref<4096xf32, #tpu.memory_space<vmem>>, vector<16xf32>,
      tpu.vector_store %arg11[%swap3A_3366], %get3A_3365 {strides = array<i32>} : memref<4096xf32, #tpu.memory_space<vmem>>, vector<16xf32>,
      %get3A_3368 = arith.constant 127 : i32
      %get3A_3369 = arith.index_cast %get3A_3368 : i32 to index
      %get3A_3370 = arith.constant 16 : index
      %get3A_3371 = tpu.vector_load %arg9[%get3A_3369, %get3A_3370] {strides = array<i32>} : memref<128x128xf32, #tpu.memory_space<vmem>>, vector<16xf32>,
      %swap3A_3372 = arith.constant 4080 : index
      %swap3A_3373 = tpu.vector_load %arg11[%swap3A_3372] {strides = array<i32>} : memref<4096xf32, #tpu.memory_space<vmem>>, vector<16xf32>,
      tpu.vector_store %arg11[%swap3A_3372], %get3A_3371 {strides = array<i32>} : memref<4096xf32, #tpu.memory_space<vmem>>, vector<16xf32>,
      %mul3A_3374 = arith.constant 128 : i32
      %mul3A_3375 = arith.muli %add3A_129, %mul3A_3374 : i32
      %add3A_3376 = arith.addi %mul3A_2, %mul3A_3375 : i32
      %mul3A_3377 = arith.constant 32 : i32
      %mul3A_3378 = arith.muli %add3A_3376, %mul3A_3377 : i32
      %dma_start3A_3379 = tpu.memref_slice %arg4[%mul3A_3378] : memref<26214400xf32, #tpu.memory_space<hbm>> -> memref<4096xf32, #tpu.memory_space<hbm>>
      %dma_start3A_3380 = tpu.memref_slice %arg4[%mul3A_3378] : memref<26214400xf32, #tpu.memory_space<hbm>> -> memref<4096xf32, #tpu.memory_space<hbm>>
      tpu.enqueue_dma source(%arg11 : memref<4096xf32, #tpu.memory_space<vmem>>) target(%dma_start3A_3380 : memref<4096xf32, #tpu.memory_space<hbm>>) target_semaphore(%arg15 : memref<!tpu.dma_semaphore, #tpu.memory_space<semaphore_mem>>)
    }
    %scan3A_117 = arith.constant 100 : i32
    %mul3A_118 = arith.constant 32 : i32
    %mul3A_119 = arith.muli %mul3A_2, %mul3A_118 : i32
    %dma_wait3A = tpu.memref_slice %arg4[%mul3A_119] : memref<26214400xf32, #tpu.memory_space<hbm>> -> memref<4096xf32, #tpu.memory_space<hbm>>
    %dma_wait3A_120 = tpu.memref_slice %arg4[%mul3A_119] : memref<26214400xf32, #tpu.memory_space<hbm>> -> memref<4096xf32, #tpu.memory_space<hbm>>
    tpu.wait_dma2 semaphore(%arg14 : memref<!tpu.dma_semaphore, #tpu.memory_space<semaphore_mem>>) src(%dma_wait3A_120 : memref<4096xf32, #tpu.memory_space<hbm>>) dst(%arg10 : memref<4096xf32, #tpu.memory_space<vmem>>)
    %mul3A_121 = arith.constant 32 : i32
    %mul3A_122 = arith.muli %mul3A_2, %mul3A_121 : i32
    %dma_wait3A_123 = tpu.memref_slice %arg4[%mul3A_122] : memref<26214400xf32, #tpu.memory_space<hbm>> -> memref<4096xf32, #tpu.memory_space<hbm>>
    %dma_wait3A_124 = tpu.memref_slice %arg4[%mul3A_122] : memref<26214400xf32, #tpu.memory_space<hbm>> -> memref<4096xf32, #tpu.memory_space<hbm>>
    tpu.wait_dma2 semaphore(%arg15 : memref<!tpu.dma_semaphore, #tpu.memory_space<semaphore_mem>>) src(%dma_wait3A_124 : memref<4096xf32, #tpu.memory_space<hbm>>) dst(%arg11 : memref<4096xf32, #tpu.memory_space<vmem>>)
    return
  }
}

module attributes {stable_mosaic.version = 14 : i64} {
  func.func @_transform_body(%arg0: i32, %arg1: i32, %arg2: memref<10000x128xf32, #tpu.memory_space<vmem>>, %arg3: memref<1x128x128xf32, #tpu.memory_space<vmem>>, %arg4: memref<1x128xf32, #tpu.memory_space<vmem>>, %arg5: memref<1x10000x128xf32, #tpu.memory_space<vmem>>) attributes {dimension_semantics = [#tpu.dimension_semantics<arbitrary>, #tpu.dimension_semantics<arbitrary>], iteration_bounds = array<i64: 25, 4>, scalar_prefetch = 0 : i64, scratch_operands = 0 : i64, tpu.core_type = #tpu.core_type<tc>, window_params = [{transform_indices = @transform_0, window_bounds = array<i64: 10000, 128>}, {transform_indices = @transform_1, window_bounds = array<i64: 1, 128, 128>}, {pipeline_mode = #tpu.pipeline_mode<synchronous>, transform_indices = @transform_2, window_bounds = array<i64: 1, 128>}, {transform_indices = @transform_3, window_bounds = array<i64: 1, 10000, 128>}]} {
    %get3A = arith.constant 0 : index
    %get3A_0 = arith.constant 0 : index
    %get3A_1 = vector.load %arg2[%get3A, %get3A_0] : memref<10000x128xf32, #tpu.memory_space<vmem>>, vector<10000x128xf32>
    %get3A_2 = arith.constant 0 : index
    %get3A_3 = arith.constant 0 : index
    %get3A_4 = arith.constant 0 : index
    %get3A_5 = vector.load %arg3[%get3A_2, %get3A_3, %get3A_4] : memref<1x128x128xf32, #tpu.memory_space<vmem>>, vector<1x128x128xf32>
    %get3A_6 = vector.shape_cast %get3A_5 : vector<1x128x128xf32> to vector<128x128xf32>
    %dot_general3A = arith.constant dense<0.000000e+00> : vector<10000x128xf32>
    %dot_general3A_7 = tpu.matmul %get3A_1, %get3A_6, %dot_general3A {dimension_numbers = #tpu.dot_dimension_numbers<[1], [0], [0], [1], [0, 0, 1, 1], [], []>, transpose_lhs_hint = false} : vector<10000x128xf32>, vector<128x128xf32>, vector<10000x128xf32> -> vector<10000x128xf32>
    %get3A_8 = arith.constant 0 : index
    %get3A_9 = arith.constant 0 : index
    %get3A_10 = vector.load %arg4[%get3A_8, %get3A_9] : memref<1x128xf32, #tpu.memory_space<vmem>>, vector<1x128xf32>
    %add3A = vector.broadcast %get3A_10 : vector<1x128xf32> to vector<10000x128xf32>
    %add3A_11 = arith.addf %dot_general3A_7, %add3A : vector<10000x128xf32>
    %swap3A = arith.constant 0 : index
    %swap3A_12 = arith.constant 0 : index
    %swap3A_13 = arith.constant 0 : index
    %swap3A_14 = vector.load %arg5[%swap3A, %swap3A_12, %swap3A_13] : memref<1x10000x128xf32, #tpu.memory_space<vmem>>, vector<1x10000x128xf32>
    %swap3A_15 = vector.shape_cast %swap3A_14 : vector<1x10000x128xf32> to vector<10000x128xf32>
    %swap3A_16 = vector.shape_cast %add3A_11 : vector<10000x128xf32> to vector<1x10000x128xf32>
    tpu.vector_store %arg5[%swap3A, %swap3A_12, %swap3A_13], %swap3A_16 {strides = array<i32>} : memref<1x10000x128xf32, #tpu.memory_space<vmem>>, vector<1x10000x128xf32>,
    return
  }
  func.func @transform_0(%arg0: i32, %arg1: i32) -> (i32, i32) {
    %c0_i32 = arith.constant 0 : i32
    %c0_i32_0 = arith.constant 0 : i32
    return %arg0, %c0_i32 : i32, i32
  }
  func.func @transform_1(%arg0: i32, %arg1: i32) -> (i32, i32, i32) {
    %c0_i32 = arith.constant 0 : i32
    %c0_i32_0 = arith.constant 0 : i32
    %c0_i32_1 = arith.constant 0 : i32
    return %arg1, %c0_i32, %c0_i32_0 : i32, i32, i32
  }
  func.func @transform_2(%arg0: i32, %arg1: i32) -> (i32, i32) {
    %c0_i32 = arith.constant 0 : i32
    %c0_i32_0 = arith.constant 0 : i32
    %c0_i32_1 = arith.constant 0 : i32
    return %c0_i32, %c0_i32_0 : i32, i32
  }
  func.func @transform_3(%arg0: i32, %arg1: i32) -> (i32, i32, i32) {
    %c0_i32 = arith.constant 0 : i32
    %c0_i32_0 = arith.constant 0 : i32
    return %arg1, %arg0, %c0_i32 : i32, i32, i32
  }
}

</mosaic_0001>

<sc_bundles>
// kernel: kernel.4.cloned.1.call-start
scs
__scs_entry_jumppad:
0x0: {  	(pc) =	sbr.rel $0x88, $3  }
0x1: {  	(tag) =	ssettag $0x0;
	lr =	simm.s32 $0x1  }
0x2: {  	[smem:$0x3F9D] =	sst lr;
	_ =	strace $0xD0000000  }
0x3: {  	_ = 	snop  }
0x4: {  	_ = 	snop  }
0x5: {  	_ = 	snop  }
0x6: {  	_ = 	snop  }
0x7: {  	_ = 	snop  }
__scs_overlays_trampoline_lowered:
0x8: {  	[smem:$0x3FAC] =	sst s0  }
0x9: {  	[smem:$0x3FAD] =	sst s1  }
0xa: {  	[smem:$0x3FAE] =	sst s2  }
0xb: {  	[smem:$0x3FAF] =	sst s3  }
0xc: {  	[smem:$0x3FB0] =	sst s4  }
0xd: {  	[smem:$0x3FB1] =	sst s5  }
0xe: {  	[smem:$0x3FB2] =	sst s6  }
0xf: {  	[smem:$0x3FB3] =	sst s7  }
0x10: {  	[smem:$0x3FB4] =	sst s8  }
0x11: {  	[smem:$0x3FB5] =	sst s9;
	s0 =	simm.s32 @!p0 $0x0  }
0x12: {  	s1 =	sld [smem:$0x3F9B];
	s0 =	simm.s32 @p0 $0x1  }
0x13: {  	[smem:$0x3FB6] =	sst s0;
	s0 =	simm.s32 @!p1 $0x0  }
0x14: {  	s2 =	sld [smem:$0x3F9A];
	s0 =	simm.s32 @p1 $0x1  }
0x15: {  	[smem:$0x3FB7] =	sst s0;
	s0 =	simm.s32 @!p2 $0x0  }
0x16: {  	s3 =	sld [smem:$0x3FDB];
	s0 =	simm.s32 @p2 $0x1  }
0x17: {  	s4 =	simm.s32 $0x1BF5;
	[smem:$0x3FB9] =	sst s0  }
0x18: {  	s0 =	sld [smem:$0x3F9C];
	_ =	swait.ge [sflag:s4], $0x0  }
0x19: {  	s7 =	sld [smem:$0x3F9D]  }
0x1a: {  	s8 =	sadd.s32 $0xFFFFE003, lr  }
0x1b: {  	s9 =	sadd.s32 $0xFFFFFEF7, lr;
	s5 =	simm.s32 $0xFFFFFFFF;
	p2 =	slt.u32 s8, $0xFFFFF086  }
0x1c: {  	p1 =	slt.u32 s9, $0xF7A;
	s5 =	simm.s32 @!p2 $0x0  }
0x1d: {  	s5 =	simm.s32 @p1 $0x1;
	p0 =	seq.s32 s7, s2  }
0x1e: {  	s7 =	smul.u32 @!p0 $0xF7A, s2;
	p2 =	seq.s32 @!p0 s5, $0x0  }
0x1f: {  	s9 =	smul.u32 $0xF7A, s1;
	s8 =	simm.s32 @!p0 $0x1BF5;
	p2 =	por !p2, p0  }
0x20: {  	[sflag:s8] =	ssyncset.s32 @!p0 $0xFFFFF086;
	s6 =	sadd.s32 @!p0 s3, s7;
	s7 =	simm.s32 @!p0 $0x108  }
0x21: {  	s3 =	sadd.s32 s3, s9;
	s6 =	sadd.s32 @!p0 $0x88, s6;
	s7 =	simm.s32 @p2 $0x1082  }
0x22: {  	[simem:s7], [sflag:s8] =	dma.local @!p0 [hbm:s6], $0xF7A  }
0x23: {  	s9 =	sor.u32 $0xD0000000, s2;
	s6 =	simm.s32 $0x108;
	_ =	swait.ge @!p0 [sflag:s8], $0x0  }
0x24: {  	s3 =	sadd.s32 $0x88, s3;
	s6 =	simm.s32 @!p1 $0x1082;
	[sflag:s4] =	ssyncset.s32 $0xFFFFF086  }
0x25: {  	[simem:s6], [sflag:s4] =	dma.local [hbm:s3], $0xF7A  }
0x26: {  	[smem:$0x3F9D] =	sst s1;
	(tag) =	ssettag s2;
	_ =	strace s9  }
0x27: {  	s1 =	sld [smem:$0x3FAD]  }
0x28: {  	s2 =	sld [smem:$0x3FAE]  }
0x29: {  	s4 =	sld [smem:$0x3FB0]  }
0x2a: {  	p0 =	seq.s32 s5, $0x0;
	s5 =	sld [smem:$0x3FB1]  }
0x2b: {  	s6 =	sld [smem:$0x3FB2]  }
0x2c: {  	s7 =	sld [smem:$0x3FB3]  }
0x2d: {  	s3 =	simm.s32 $0x108;
	s8 =	sld [smem:$0x3FB4]  }
0x2e: {  	s3 =	simm.s32 @!p0 $0x1082;
	s9 =	sld [smem:$0x3FB5]  }
0x2f: {  	lr =	sadd.s32 s0, s3;
	s0 =	sld [smem:$0x3FAC]  }
0x30: {  	s3 =	sld [smem:$0x3FAF]  }
0x31: {  	[smem:$0x3FB8] =	sst s10  }
0x32: {  	s10 =	sld [smem:$0x3FB6];
	_ =	sdelay $0x3  }
0x33: {  	p0 =	seq.s32 s10, $0x1;
	s10 =	sld [smem:$0x3FB8];
	_ =	sdelay $0x3  }
0x34: {  	[smem:$0x3FB8] =	sst s10  }
0x35: {  	s10 =	sld [smem:$0x3FB7];
	_ =	sdelay $0x3  }
0x36: {  	p1 =	seq.s32 s10, $0x1;
	s10 =	sld [smem:$0x3FB8];
	_ =	sdelay $0x3  }
0x37: {  	[smem:$0x3FB8] =	sst s10  }
0x38: {  	s10 =	sld [smem:$0x3FB9]  }
0x39: {  	_ = 	snop;
	(pc) =	sbr.ind lr, $3  }
0x3a: {  	_ = 	snop  }
0x3b: {  	_ = 	snop  }
0x3c: {  	p2 =	seq.s32 s10, $0x1;
	s10 =	sld [smem:$0x3FB8]  }
0x3d: {  	_ =	shalt  }
0x3e: {  	_ =	shalt  }
0x3f: {  	_ =	shalt  }
0x40: {  	_ =	shalt  }
0x41: {  	_ =	shalt  }
0x42: {  	_ =	shalt  }
0x43: {  	_ =	shalt  }
0x44: {  	_ =	shalt  }
0x45: {  	_ =	shalt  }
0x46: {  	_ =	shalt  }
0x47: {  	_ =	shalt  }
0x48: {  	_ =	shalt  }
0x49: {  	_ =	shalt  }
0x4a: {  	_ =	shalt  }
0x4b: {  	_ =	shalt  }
0x4c: {  	_ =	shalt  }
0x4d: {  	_ =	shalt  }
0x4e: {  	_ =	shalt  }
0x4f: {  	_ =	shalt  }
0x50: {  	_ =	shalt  }
0x51: {  	_ =	shalt  }
0x52: {  	_ =	shalt  }
0x53: {  	_ =	shalt  }
0x54: {  	_ =	shalt  }
0x55: {  	_ =	shalt  }
0x56: {  	_ =	shalt  }
0x57: {  	_ =	shalt  }
0x58: {  	_ =	shalt  }
0x59: {  	_ =	shalt  }
0x5a: {  	_ =	shalt  }
0x5b: {  	_ =	shalt  }
0x5c: {  	_ =	shalt  }
0x5d: {  	_ =	shalt  }
0x5e: {  	_ =	shalt  }
0x5f: {  	_ =	shalt  }
0x60: {  	_ =	shalt  }
0x61: {  	_ =	shalt  }
0x62: {  	_ =	shalt  }
0x63: {  	_ =	shalt  }
0x64: {  	_ =	shalt  }
0x65: {  	_ =	shalt  }
0x66: {  	_ =	shalt  }
0x67: {  	_ =	shalt  }
0x68: {  	_ =	shalt  }
0x69: {  	_ =	shalt  }
0x6a: {  	_ =	shalt  }
0x6b: {  	_ =	shalt  }
0x6c: {  	_ =	shalt  }
0x6d: {  	_ =	shalt  }
0x6e: {  	_ =	shalt  }
0x6f: {  	_ =	shalt  }
0x70: {  	_ =	shalt  }
0x71: {  	_ =	shalt  }
0x72: {  	_ =	shalt  }
0x73: {  	_ =	shalt  }
0x74: {  	_ =	shalt  }
0x75: {  	_ =	shalt  }
0x76: {  	_ =	shalt  }
0x77: {  	_ =	shalt  }
0x78: {  	_ =	shalt  }
0x79: {  	_ =	shalt  }
0x7a: {  	_ =	shalt  }
0x7b: {  	_ =	shalt  }
0x7c: {  	_ =	shalt  }
0x7d: {  	_ =	shalt  }
0x7e: {  	_ =	shalt  }
0x7f: {  	_ =	shalt  }
0x80: {  	_ =	shalt  }
0x81: {  	_ =	shalt  }
0x82: {  	_ =	shalt  }
0x83: {  	_ =	shalt  }
0x84: {  	_ =	shalt  }
0x85: {  	_ =	shalt  }
0x86: {  	_ =	shalt  }
0x87: {  	_ =	shalt  }
.Lfunc_end0:
.L_simem_size_0:
called_computation.1_lowered:
.L_overlay_start_0:
0x88: {  	s2 =	sld [smem:$0x3FD9]  }
0x89: {  	s3 =	sld [smem:$0x3FFE];
	_ =	sdelay $0x1  }
0x8a: {  	s1 =	srdreg.scid  }
0x8b: {  	s0 =	sand.u32 $0x1, s1  }
0x8c: {  	s17 =	sshll.u32 s0, $0xA;
	s2 =	sadd.s32 s3, s2  }
0x8d: {  	s2 =	sadd.s32 s2, s17  }
0x8e: {  	[smem:$0x3FC4] =	sst s2  }
0x8f: {  	_ = 	snop  }
0x90: {  	s2 =	sld [smem:$0x3FD0];
	(tm) =	ssettm $0x1  }
0x91: {  	s18 =	sld [smem:$0x3FFB];
	_ =	sdelay $0x3  }
0x92: {  	_ =	strace s18  }
0x93: {  	s3 =	sld [smem:$0x3FFC];
	_ =	sdelay $0x3  }
0x94: {  	_ =	strace s3  }
0x95: {  	s3 =	sld [smem:$0x3FFD];
	_ =	sdelay $0x3  }
0x96: {  	_ =	strace s3  }
0x97: {  	_ =	strace $0x8FFFFFFF  }
0x98: {  	s19 =	sld [smem:$0x3FDB];
	_ =	sdelay $0x1  }
0x99: {  	s4 =	simm.s32 $_scs_section_size  }
0x9a: {  	s5 =	simm.s32 $_size__tile_overlayer_lowered;
	s6 =	simm.s32 $_tile_overlayer_lowered  }
0x9b: {  	s22 =	simm.s32 $0x1BFF;
	s21 =	sshll.u32 s6, $0x1;
	s3 =	sadd.s32 s4, s19  }
0x9c: {  	s7 =	simm.s32 $0x0;
	s20 =	sshll.u32 s5, $0x1;
	s5 =	sadd.s32 s21, s3  }
0x9d: {  	[timem:s7], [sflag:s22] =	dma.local [hbm:s5], s20  }
0x9e: {  	_ =	swait.ge [sflag:s22], s20  }
0x9f: {  	s4 =	ssub.s32 $0x0, s20;
	[sflag:s22] =	ssyncset.done $0x0  }
0xa0: {  	[sflag:s22] =	ssyncadd.s32 s4;
	_ =	sdelay $0x1  }
0xa1: {  	s23 =	simm.s32 $0x1B8B  }
0xa2: {  	_ =	swait.ge [sflag:s23], $0x1  }
0xa3: {  	[sflag:s23] =	ssyncset.done $0x0  }
0xa4: {  	s25 =	simm.s32 $0x1B8E;
	s24 =	sld [smem:$0x3FFE];
	[sflag:s23] =	ssyncadd.s32 $0xFFFFFFFF  }
0xa5: {  	s26 =	simm.s32 $execute0_lowered;
	[smem:$0x3FD2] =	sst s25  }
0xa6: {  	s5 =	sshll.u32 s26, $0x1;
	_ =	strace $0x80000046;
	[dreg:$0x1] =	wrdreg $0xFFFFFFFF  }
0xa7: {  	s28 =	simm.s32 $_size_execute0_lowered;
	s3 =	sadd.s32 s3, s5;
	[dreg:$0x0] =	wrdreg $0x0  }
0xa8: {  	s5 =	sshll.u32 s28, $0x1;
	[dreg:$0x2] =	wrdreg s3  }
0xa9: {  	[dreg:$0x3] =	wrdreg s5  }
0xaa: {  	[dreg:$0x4] =	wrdreg $0xC0  }
0xab: {  	_ =	task [dreg:s7], $0x5FFFF  }
0xac: {  	[dreg:$0x1] =	wrdreg $0xFFFFFFFF  }
0xad: {  	[dreg:$0x0] =	wrdreg $0x60  }
0xae: {  	[dreg:$0x2] =	wrdreg s24  }
0xaf: {  	[dreg:$0x3] =	wrdreg s2  }
0xb0: {  	[dreg:$0x4] =	wrdreg $0x9  }
0xb1: {  	_ =	task.clear_ibuf [dreg:s7], $0x5FFFF;
	_ =	strace $0x90000046  }
0xb2: {  	s29 =	simm.s32 $0x9;
	_ =	strace $0x80000048  }
0xb3: {  	_ =	swait.ge [sflag:s29], $0x1  }
0xb4: {  	[sflag:s29] =	ssyncadd.s32 $0xFFFFFFFF  }
0xb5: {  	_ =	strace $0x90000048  }
0xb6: {  	_ =	sfence  }
0xb7: {  	s30 =	sld [smem:$0x0];
	_ =	sdelay $0x2  }
0xb8: {  	s31 =	sshll.u32 s1, $0xD;
	s1 =	sshrl.u32 s1, $0x2  }
0xb9: {  	s3 =	sand.u32 $0x4000, s31;
	s1 =	sadd.s32 s1, s30  }
0xba: {  	s0 =	sor.u32 s3, s0;
	s1 =	sshll.u32 s1, $0x11  }
0xbb: {  	s0 =	sor.u32 s1, s0  }
0xbc: {  	s0 =	sadd.s32 $0x8F2B, s0  }
0xbd: {  	[sflag:s0] =	ssyncadd.remote.s32 $0x1  }
0xbe: {  	_ =	sfence.sel $0xFFFF  }
0xbf: {  	[dreg:$0x0] =	wrdreg $0xFFFFFFFF;
	(pc) =	sbr.abs _section_cstart, $3  }
0xc0: {  	[dreg:$0x1] =	wrdreg $0xFFFFFFFF  }
0xc1: {  	_ =	task.clear_ibuf [dreg:s7], $0x2FFFF;
	_ =	strace $0x9FFFFFFF  }
0xc2: {  	(tm) =	ssettm $0x7FFFFFFF  }
0xc3: {  	_ =	shalt  }
tec
execute0_lowered:
.L_overlay_start_1:
0x0: {  	(tag) =	ssettag $0x1  }
0x1: {  	s1 =	srdreg.scid  }
0x2: {  	s0 =	stileid.u32;
	s4 =	rddreg [dreg:$0x0]  }
0x3: {  	s6 =	rddreg [dreg:$0x1];
	s2 =	simm.s32 $0x0;
	s13 =	simm.s32 $0xA500  }
0x4: {  	s14 =	simm.s32 $0x1;
	s15 =	simm.s32 $0xE500;
	s16 =	simm.s32 $0x2  }
0x5: {  	s17 =	simm.s32 $0x4;
	s18 =	simm.s32 $0xF500;
	s19 =	simm.s32 $0x3  }
0x6: {  	s20 =	simm.s32 $0x0;
	s5 =	sand.u32 $0x1, s1;
	s8 =	smul.u32 $0x190000, s0  }
0x7: {  	s28 =	sshll.u32 s0, $0x1;
	s1 =	rddreg [dreg:$0x2];
	s9 =	smul.u32 $0xC800, s0  }
0x8: {  	[smem:$0x7FF] =	sst s2;
	s3 =	sor.u32 s5, s28;
	s11 =	smul.u32 $0x6400, s5  }
0x9: {  	_ =	strace $0x80000047;
	s10 =	ssub.s32 $0x2, s5;
	s5 =	smul.u32 $0xC8000, s5  }
0xa: {  	s7 =	smul.u32 $0x6400, s3;
	s3 =	sadd.s32 $0x1318000, s4;
	s12 =	sshrl.u32 s10, $0x1  }
0xb: {  	s29 =	ssub.s32 s10, s12;
	s9 =	sadd.s32 s11, s9;
	s8 =	sadd.s32 s5, s8  }
.Ltmp0:
0xc: {  	s10 =	simm.s32 $0x6400;
	s11 =	simm.s32 $0x6500;
	(pc) =	sbr.rel .LBB2_1-.Ltmp0, $4  }
0xd: {  	s12 =	simm.s32 $0x6480;
	s7 =	sshrl.u32 s7, $0x3;
	s9 =	sshll.u32 s9, $0x2  }
0xe: {  	s5 =	smax.u32 s29, $0x1;
	s30 =	sshrl.u32 s8, $0x3;
	s8 =	simm.s32 $0x5  }
0xf: {  	s4 =	sadd.s32 s7, s4;
	s31 =	sadd.s32 s9, s6;
	s6 =	sadd.s32 s30, s6  }
0x10: {  	s9 =	simm.s32 $0x80;
	s4 =	sadd.s32 $0x5200, s4;
	s7 =	sadd.s32 $0x200, s31  }
.LBB2_7:
0x11: {  	s20 =	sadd.s32 $0x1, s20  }
0x12: {  	_ =	swait.ge [sflag:s19], $0x1000;
	p0 =	sne.s32 s20, s5  }
.Ltmp1:
0x13: {  	[sflag:s19] =	ssyncset.done $0x0;
	(pc) =	sbr.rel @!p0 .LBB2_8-.Ltmp1, $4  }
0x14: {  	[sflag:s19] =	ssyncadd.s32 $0xFFFFF000  }
0x15: {  	_ =	swait.ge [sflag:s17], $0x1000  }
0x16: {  	[sflag:s17] =	ssyncset.done $0x0  }
0x17: {  	[sflag:s17] =	ssyncadd.s32 $0xFFFFF000  }
.LBB2_1:
0x18: {  	[tilespmem:s2], [sflag:$0x5] =	stream.linear.gather [hbm4b:s4+s2], $0x6400, $0x38;
	[tilespmem:$0x10500] =	vst v63  }
0x19: {  	_ =	swait.ge [sflag:s8], $0x6400  }
0x1a: {  	[sflag:s8] =	ssyncset.done $0x0  }
0x1b: {  	[sflag:s8] =	ssyncadd.s32 $0xFFFF9C00  }
0x1c: {  	v0 =	vld [tilespmem:$0x0]  }
0x1d: {  	v1 =	vld [tilespmem:$0x10]  }
0x1e: {  	v2 =	vld [tilespmem:$0x20]  }
0x1f: {  	v3 =	vld [tilespmem:$0x30]  }
0x20: {  	v5 =	vld [tilespmem:$0x40]  }
0x21: {  	v7 =	vld [tilespmem:$0x50]  }
0x22: {  	v8 =	vld [tilespmem:$0x60]  }
0x23: {  	v4 =	vand.u32 $0x3, v0;
	v6 =	vand.u32 $0x3, v1;
	v0 =	vshrl.u32 v0, $0x2  }
0x24: {  	v9 =	vld [tilespmem:$0x70];
	v1 =	vshrl.u32 v1, $0x2;
	v45 =	vand.u32 $0x3, v2;
	v46 =	vand.u32 $0x3, v3  }
0x25: {  	v10 =	vand.u32 $0x3, v5;
	v48 =	vshrl.u32 v3, $0x2;
	v4 =	vmul.u32 $0x3D090, v4  }
0x26: {  	v51 =	vshrl.u32 v5, $0x2;
	v52 =	vand.u32 $0x3, v7;
	v6 =	vmul.u32 $0x3D090, v6  }
0x27: {  	v55 =	vand.u32 $0x3, v8;
	v49 =	vmul.u32 $0x3D090, v10;
	v0 =	vadd.s32 v0, v4  }
0x28: {  	v56 =	vshrl.u32 v7, $0x2;
	v54 =	vmul.u32 $0x3D090, v52;
	v1 =	vadd.s32 v1, v6;
	[tilespmem:$0x6400] =	vst v0  }
0x29: {  	v57 =	vand.u32 $0x3, v9;
	v3 =	vmul.u32 $0x3D090, v55;
	v53 =	vadd.s32 v51, v49;
	[tilespmem:$0x6410] =	vst v1  }
0x2a: {  	v59 =	vshrl.u32 v8, $0x2;
	v60 =	vmul.u32 $0x3D090, v57;
	v58 =	vadd.s32 v56, v54;
	[tilespmem:$0x6440] =	vst v53  }
0x2b: {  	v62 =	vshrl.u32 v9, $0x2;
	v4 =	vmul.u32 $0x3D090, v45;
	v61 =	vadd.s32 v59, v3;
	[tilespmem:$0x6450] =	vst v58  }
.Ltmp2:
0x2c: {  	v2 =	vshrl.u32 v2, $0x2;
	v6 =	vmul.u32 $0x3D090, v46;
	v63 =	vadd.s32 v62, v60;
	[tilespmem:$0x6460] =	vst v61;
	(pc) =	sbr.rel .LBB2_2-.Ltmp2, $4  }
0x2d: {  	[tilespmem:$0x6470] =	vst v63;
	v47 =	vadd.s32 v2, v4  }
0x2e: {  	v50 =	vadd.s32 v48, v6;
	[tilespmem:$0x6420] =	vst v47  }
0x2f: {  	s21 =	simm.s32 $0x0;
	[tilespmem:$0x6430] =	vst v50  }
0x30: {  	[tilespmem:s11], [sflag:$0x1] =	stream.indirect.gather [hbm4b:s3+s9], $0x80, s10, s9, $0xb8;
	[tilespmem:$0x10500] =	vst v63  }
.LBB2_3:
0x31: {  	_ =	swait.ge [sflag:s16], $0x4000  }
0x32: {  	[sflag:s16] =	ssyncset.done $0x0  }
0x33: {  	[sflag:s16] =	ssyncadd.s32 $0xFFFFC000  }
.LBB2_5:
0x34: {  	_ =	swait.ge [sflag:s17], $0x1000  }
0x35: {  	[sflag:s17] =	ssyncset.done $0x0  }
0x36: {  	[sflag:s17] =	ssyncadd.s32 $0xFFFFF000  }
.LBB2_6:
0x37: {  	v0 =	vld [tilespmem:$0xA500]  }
0x38: {  	v1 =	vld [tilespmem:$0xA510]  }
0x39: {  	v2 =	vld [tilespmem:$0xA580]  }
0x3a: {  	v3 =	vld [tilespmem:$0xA590]  }
0x3b: {  	v4 =	vld [tilespmem:$0xA600]  }
0x3c: {  	v38 =	vld [tilespmem:$0xA610];
	[tilespmem:$0xF500] =	vst v0  }
0x3d: {  	v39 =	vld [tilespmem:$0xA680];
	[tilespmem:$0xF510] =	vst v1  }
0x3e: {  	[tilespmem:$0xF520] =	vst v2  }
0x3f: {  	[tilespmem:$0xF530] =	vst v3  }
0x40: {  	[tilespmem:$0xF540] =	vst v4  }
0x41: {  	[tilespmem:$0xF550] =	vst v38  }
0x42: {  	[tilespmem:$0xF560] =	vst v39  }
0x43: {  	v40 =	vld [tilespmem:$0xA690]  }
0x44: {  	v1 =	vld [tilespmem:$0xA700]  }
0x45: {  	v41 =	vld [tilespmem:$0xA710]  }
0x46: {  	v42 =	vld [tilespmem:$0xA780]  }
0x47: {  	v43 =	vld [tilespmem:$0xA790]  }
0x48: {  	v44 =	vld [tilespmem:$0xA800];
	[tilespmem:$0xF570] =	vst v40  }
0x49: {  	v45 =	vld [tilespmem:$0xA810];
	[tilespmem:$0xF580] =	vst v1  }
0x4a: {  	v46 =	vld [tilespmem:$0xA880];
	[tilespmem:$0xF590] =	vst v41  }
0x4b: {  	v47 =	vld [tilespmem:$0xA890];
	[tilespmem:$0xF5A0] =	vst v42  }
0x4c: {  	v48 =	vld [tilespmem:$0xA900];
	[tilespmem:$0xF5B0] =	vst v43  }
0x4d: {  	v49 =	vld [tilespmem:$0xA910];
	[tilespmem:$0xF5C0] =	vst v44  }
0x4e: {  	v50 =	vld [tilespmem:$0xA980];
	[tilespmem:$0xF5D0] =	vst v45  }
0x4f: {  	v51 =	vld [tilespmem:$0xA990];
	[tilespmem:$0xF5E0] =	vst v46  }
0x50: {  	v52 =	vld [tilespmem:$0xAA00];
	[tilespmem:$0xF5F0] =	vst v47  }
0x51: {  	v53 =	vld [tilespmem:$0xAA10];
	[tilespmem:$0xF600] =	vst v48  }
0x52: {  	v54 =	vld [tilespmem:$0xAA80];
	[tilespmem:$0xF610] =	vst v49  }
0x53: {  	v55 =	vld [tilespmem:$0xAA90];
	[tilespmem:$0xF620] =	vst v50  }
0x54: {  	v56 =	vld [tilespmem:$0xAB00];
	[tilespmem:$0xF630] =	vst v51  }
0x55: {  	v57 =	vld [tilespmem:$0xAB10];
	[tilespmem:$0xF640] =	vst v52  }
0x56: {  	v58 =	vld [tilespmem:$0xAB80];
	[tilespmem:$0xF650] =	vst v53  }
0x57: {  	v59 =	vld [tilespmem:$0xAB90];
	[tilespmem:$0xF660] =	vst v54  }
0x58: {  	v60 =	vld [tilespmem:$0xAC00];
	[tilespmem:$0xF670] =	vst v55  }
0x59: {  	v61 =	vld [tilespmem:$0xAC10];
	[tilespmem:$0xF680] =	vst v56  }
0x5a: {  	v62 =	vld [tilespmem:$0xAC80];
	[tilespmem:$0xF690] =	vst v57  }
0x5b: {  	v63 =	vld [tilespmem:$0xAC90];
	[tilespmem:$0xF6A0] =	vst v58  }
0x5c: {  	v8 =	vld [tilespmem:$0xAD00];
	[tilespmem:$0xF6B0] =	vst v59  }
0x5d: {  	v9 =	vld [tilespmem:$0xAD10];
	[tilespmem:$0xF6C0] =	vst v60  }
0x5e: {  	v10 =	vld [tilespmem:$0xAD80];
	[tilespmem:$0xF6D0] =	vst v61  }
0x5f: {  	v11 =	vld [tilespmem:$0xAD90];
	[tilespmem:$0xF6E0] =	vst v62  }
0x60: {  	v12 =	vld [tilespmem:$0xAE00];
	[tilespmem:$0xF6F0] =	vst v63  }
0x61: {  	v13 =	vld [tilespmem:$0xAE10];
	[tilespmem:$0xF700] =	vst v8  }
0x62: {  	v14 =	vld [tilespmem:$0xAE80];
	[tilespmem:$0xF710] =	vst v9  }
0x63: {  	v15 =	vld [tilespmem:$0xAE90];
	[tilespmem:$0xF720] =	vst v10  }
0x64: {  	v16 =	vld [tilespmem:$0xAF00];
	[tilespmem:$0xF730] =	vst v11  }
0x65: {  	v17 =	vld [tilespmem:$0xAF10];
	[tilespmem:$0xF740] =	vst v12  }
0x66: {  	v18 =	vld [tilespmem:$0xAF80];
	[tilespmem:$0xF750] =	vst v13  }
0x67: {  	v19 =	vld [tilespmem:$0xAF90];
	[tilespmem:$0xF760] =	vst v14  }
0x68: {  	v20 =	vld [tilespmem:$0xB000];
	[tilespmem:$0xF770] =	vst v15  }
0x69: {  	v21 =	vld [tilespmem:$0xB010];
	[tilespmem:$0xF780] =	vst v16  }
0x6a: {  	v22 =	vld [tilespmem:$0xB080];
	[tilespmem:$0xF790] =	vst v17  }
0x6b: {  	v23 =	vld [tilespmem:$0xB090];
	[tilespmem:$0xF7A0] =	vst v18  }
0x6c: {  	v24 =	vld [tilespmem:$0xB100];
	[tilespmem:$0xF7B0] =	vst v19  }
0x6d: {  	v25 =	vld [tilespmem:$0xB110];
	[tilespmem:$0xF7C0] =	vst v20  }
0x6e: {  	v26 =	vld [tilespmem:$0xB180];
	[tilespmem:$0xF7D0] =	vst v21  }
0x6f: {  	v27 =	vld [tilespmem:$0xB190];
	[tilespmem:$0xF7E0] =	vst v22  }
0x70: {  	v28 =	vld [tilespmem:$0xB200];
	[tilespmem:$0xF7F0] =	vst v23  }
0x71: {  	v29 =	vld [tilespmem:$0xB210];
	[tilespmem:$0xF800] =	vst v24  }
0x72: {  	v30 =	vld [tilespmem:$0xB280];
	[tilespmem:$0xF810] =	vst v25  }
0x73: {  	v31 =	vld [tilespmem:$0xB290];
	[tilespmem:$0xF820] =	vst v26  }
0x74: {  	v32 =	vld [tilespmem:$0xB300];
	[tilespmem:$0xF830] =	vst v27  }
0x75: {  	v33 =	vld [tilespmem:$0xB310];
	[tilespmem:$0xF840] =	vst v28  }
0x76: {  	v34 =	vld [tilespmem:$0xB380];
	[tilespmem:$0xF850] =	vst v29  }
0x77: {  	v35 =	vld [tilespmem:$0xB390];
	[tilespmem:$0xF860] =	vst v30  }
0x78: {  	v36 =	vld [tilespmem:$0xB400];
	[tilespmem:$0xF870] =	vst v31  }
0x79: {  	v37 =	vld [tilespmem:$0xB410];
	[tilespmem:$0xF880] =	vst v32  }
0x7a: {  	v38 =	vld [tilespmem:$0xB480];
	[tilespmem:$0xF890] =	vst v33  }
0x7b: {  	v39 =	vld [tilespmem:$0xB490];
	[tilespmem:$0xF8A0] =	vst v34  }
0x7c: {  	[tilespmem:$0xF8B0] =	vst v35;
	v40 =	vld [tilespmem:$0xB500]  }
0x7d: {  	[tilespmem:$0xF8C0] =	vst v36;
	v41 =	vld [tilespmem:$0xB510]  }
0x7e: {  	[tilespmem:$0xF8D0] =	vst v37;
	v42 =	vld [tilespmem:$0xB580]  }
0x7f: {  	[tilespmem:$0xF8E0] =	vst v38;
	v43 =	vld [tilespmem:$0xB590]  }
0x80: {  	[tilespmem:$0xF8F0] =	vst v39;
	v44 =	vld [tilespmem:$0xB600]  }
0x81: {  	v45 =	vld [tilespmem:$0xB610];
	[tilespmem:$0xF900] =	vst v40  }
0x82: {  	v46 =	vld [tilespmem:$0xB680];
	[tilespmem:$0xF910] =	vst v41  }
0x83: {  	v47 =	vld [tilespmem:$0xB690];
	[tilespmem:$0xF920] =	vst v42  }
0x84: {  	v48 =	vld [tilespmem:$0xB700];
	[tilespmem:$0xF930] =	vst v43  }
0x85: {  	v49 =	vld [tilespmem:$0xB710];
	[tilespmem:$0xF940] =	vst v44  }
0x86: {  	v50 =	vld [tilespmem:$0xB780];
	[tilespmem:$0xF950] =	vst v45  }
0x87: {  	v51 =	vld [tilespmem:$0xB790];
	[tilespmem:$0xF960] =	vst v46  }
0x88: {  	v52 =	vld [tilespmem:$0xB800];
	[tilespmem:$0xF970] =	vst v47  }
0x89: {  	v53 =	vld [tilespmem:$0xB810];
	[tilespmem:$0xF980] =	vst v48  }
0x8a: {  	v54 =	vld [tilespmem:$0xB880];
	[tilespmem:$0xF990] =	vst v49  }
0x8b: {  	v55 =	vld [tilespmem:$0xB890];
	[tilespmem:$0xF9A0] =	vst v50  }
0x8c: {  	v56 =	vld [tilespmem:$0xB900];
	[tilespmem:$0xF9B0] =	vst v51  }
0x8d: {  	v57 =	vld [tilespmem:$0xB910];
	[tilespmem:$0xF9C0] =	vst v52  }
0x8e: {  	v58 =	vld [tilespmem:$0xB980];
	[tilespmem:$0xF9D0] =	vst v53  }
0x8f: {  	v59 =	vld [tilespmem:$0xB990];
	[tilespmem:$0xF9E0] =	vst v54  }
0x90: {  	v60 =	vld [tilespmem:$0xBA00];
	[tilespmem:$0xF9F0] =	vst v55  }
0x91: {  	v61 =	vld [tilespmem:$0xBA10];
	[tilespmem:$0xFA00] =	vst v56  }
0x92: {  	v62 =	vld [tilespmem:$0xBA80];
	[tilespmem:$0xFA10] =	vst v57  }
0x93: {  	v63 =	vld [tilespmem:$0xBA90];
	[tilespmem:$0xFA20] =	vst v58  }
0x94: {  	v8 =	vld [tilespmem:$0xBB00];
	[tilespmem:$0xFA30] =	vst v59  }
0x95: {  	v9 =	vld [tilespmem:$0xBB10];
	[tilespmem:$0xFA40] =	vst v60  }
0x96: {  	v10 =	vld [tilespmem:$0xBB80];
	[tilespmem:$0xFA50] =	vst v61  }
0x97: {  	v11 =	vld [tilespmem:$0xBB90];
	[tilespmem:$0xFA60] =	vst v62  }
0x98: {  	v12 =	vld [tilespmem:$0xBC00];
	[tilespmem:$0xFA70] =	vst v63  }
0x99: {  	v13 =	vld [tilespmem:$0xBC10];
	[tilespmem:$0xFA80] =	vst v8  }
0x9a: {  	v14 =	vld [tilespmem:$0xBC80];
	[tilespmem:$0xFA90] =	vst v9  }
0x9b: {  	v15 =	vld [tilespmem:$0xBC90];
	[tilespmem:$0xFAA0] =	vst v10  }
0x9c: {  	v16 =	vld [tilespmem:$0xBD00];
	[tilespmem:$0xFAB0] =	vst v11  }
0x9d: {  	v17 =	vld [tilespmem:$0xBD10];
	[tilespmem:$0xFAC0] =	vst v12  }
0x9e: {  	v18 =	vld [tilespmem:$0xBD80];
	[tilespmem:$0xFAD0] =	vst v13  }
0x9f: {  	v19 =	vld [tilespmem:$0xBD90];
	[tilespmem:$0xFAE0] =	vst v14  }
0xa0: {  	v20 =	vld [tilespmem:$0xBE00];
	[tilespmem:$0xFAF0] =	vst v15  }
0xa1: {  	v21 =	vld [tilespmem:$0xBE10];
	[tilespmem:$0xFB00] =	vst v16  }
0xa2: {  	v22 =	vld [tilespmem:$0xBE80];
	[tilespmem:$0xFB10] =	vst v17  }
0xa3: {  	v23 =	vld [tilespmem:$0xBE90];
	[tilespmem:$0xFB20] =	vst v18  }
0xa4: {  	v24 =	vld [tilespmem:$0xBF00];
	[tilespmem:$0xFB30] =	vst v19  }
0xa5: {  	v25 =	vld [tilespmem:$0xBF10];
	[tilespmem:$0xFB40] =	vst v20  }
0xa6: {  	v26 =	vld [tilespmem:$0xBF80];
	[tilespmem:$0xFB50] =	vst v21  }
0xa7: {  	v27 =	vld [tilespmem:$0xBF90];
	[tilespmem:$0xFB60] =	vst v22  }
0xa8: {  	v28 =	vld [tilespmem:$0xC000];
	[tilespmem:$0xFB70] =	vst v23  }
0xa9: {  	v29 =	vld [tilespmem:$0xC010];
	[tilespmem:$0xFB80] =	vst v24  }
0xaa: {  	v30 =	vld [tilespmem:$0xC080];
	[tilespmem:$0xFB90] =	vst v25  }
0xab: {  	v31 =	vld [tilespmem:$0xC090];
	[tilespmem:$0xFBA0] =	vst v26  }
0xac: {  	v32 =	vld [tilespmem:$0xC100];
	[tilespmem:$0xFBB0] =	vst v27  }
0xad: {  	v33 =	vld [tilespmem:$0xC110];
	[tilespmem:$0xFBC0] =	vst v28  }
0xae: {  	v34 =	vld [tilespmem:$0xC180];
	[tilespmem:$0xFBD0] =	vst v29  }
0xaf: {  	v35 =	vld [tilespmem:$0xC190];
	[tilespmem:$0xFBE0] =	vst v30  }
0xb0: {  	v36 =	vld [tilespmem:$0xC200];
	[tilespmem:$0xFBF0] =	vst v31  }
0xb1: {  	v37 =	vld [tilespmem:$0xC210];
	[tilespmem:$0xFC00] =	vst v32  }
0xb2: {  	v38 =	vld [tilespmem:$0xC280];
	[tilespmem:$0xFC10] =	vst v33  }
0xb3: {  	v39 =	vld [tilespmem:$0xC290];
	[tilespmem:$0xFC20] =	vst v34  }
0xb4: {  	[tilespmem:$0xFC30] =	vst v35;
	v40 =	vld [tilespmem:$0xC300]  }
0xb5: {  	[tilespmem:$0xFC40] =	vst v36;
	v41 =	vld [tilespmem:$0xC310]  }
0xb6: {  	[tilespmem:$0xFC50] =	vst v37;
	v42 =	vld [tilespmem:$0xC380]  }
0xb7: {  	[tilespmem:$0xFC60] =	vst v38;
	v43 =	vld [tilespmem:$0xC390]  }
0xb8: {  	[tilespmem:$0xFC70] =	vst v39;
	v44 =	vld [tilespmem:$0xC400]  }
0xb9: {  	v45 =	vld [tilespmem:$0xC410];
	[tilespmem:$0xFC80] =	vst v40  }
0xba: {  	v46 =	vld [tilespmem:$0xC480];
	[tilespmem:$0xFC90] =	vst v41  }
0xbb: {  	v47 =	vld [tilespmem:$0xC490];
	[tilespmem:$0xFCA0] =	vst v42  }
0xbc: {  	v48 =	vld [tilespmem:$0xC500];
	[tilespmem:$0xFCB0] =	vst v43  }
0xbd: {  	v49 =	vld [tilespmem:$0xC510];
	[tilespmem:$0xFCC0] =	vst v44  }
0xbe: {  	v50 =	vld [tilespmem:$0xC580];
	[tilespmem:$0xFCD0] =	vst v45  }
0xbf: {  	v51 =	vld [tilespmem:$0xC590];
	[tilespmem:$0xFCE0] =	vst v46  }
0xc0: {  	v52 =	vld [tilespmem:$0xC600];
	[tilespmem:$0xFCF0] =	vst v47  }
0xc1: {  	v53 =	vld [tilespmem:$0xC610];
	[tilespmem:$0xFD00] =	vst v48  }
0xc2: {  	v54 =	vld [tilespmem:$0xC680];
	[tilespmem:$0xFD10] =	vst v49  }
0xc3: {  	v55 =	vld [tilespmem:$0xC690];
	[tilespmem:$0xFD20] =	vst v50  }
0xc4: {  	v56 =	vld [tilespmem:$0xC700];
	[tilespmem:$0xFD30] =	vst v51  }
0xc5: {  	v57 =	vld [tilespmem:$0xC710];
	[tilespmem:$0xFD40] =	vst v52  }
0xc6: {  	v58 =	vld [tilespmem:$0xC780];
	[tilespmem:$0xFD50] =	vst v53  }
0xc7: {  	v59 =	vld [tilespmem:$0xC790];
	[tilespmem:$0xFD60] =	vst v54  }
0xc8: {  	v60 =	vld [tilespmem:$0xC800];
	[tilespmem:$0xFD70] =	vst v55  }
0xc9: {  	v61 =	vld [tilespmem:$0xC810];
	[tilespmem:$0xFD80] =	vst v56  }
0xca: {  	v62 =	vld [tilespmem:$0xC880];
	[tilespmem:$0xFD90] =	vst v57  }
0xcb: {  	v63 =	vld [tilespmem:$0xC890];
	[tilespmem:$0xFDA0] =	vst v58  }
0xcc: {  	v8 =	vld [tilespmem:$0xC900];
	[tilespmem:$0xFDB0] =	vst v59  }
0xcd: {  	v9 =	vld [tilespmem:$0xC910];
	[tilespmem:$0xFDC0] =	vst v60  }
0xce: {  	v10 =	vld [tilespmem:$0xC980];
	[tilespmem:$0xFDD0] =	vst v61  }
0xcf: {  	v11 =	vld [tilespmem:$0xC990];
	[tilespmem:$0xFDE0] =	vst v62  }
0xd0: {  	v12 =	vld [tilespmem:$0xCA00];
	[tilespmem:$0xFDF0] =	vst v63  }
0xd1: {  	v13 =	vld [tilespmem:$0xCA10];
	[tilespmem:$0xFE00] =	vst v8  }
0xd2: {  	v14 =	vld [tilespmem:$0xCA80];
	[tilespmem:$0xFE10] =	vst v9  }
0xd3: {  	v15 =	vld [tilespmem:$0xCA90];
	[tilespmem:$0xFE20] =	vst v10  }
0xd4: {  	v16 =	vld [tilespmem:$0xCB00];
	[tilespmem:$0xFE30] =	vst v11  }
0xd5: {  	v17 =	vld [tilespmem:$0xCB10];
	[tilespmem:$0xFE40] =	vst v12  }
0xd6: {  	v18 =	vld [tilespmem:$0xCB80];
	[tilespmem:$0xFE50] =	vst v13  }
0xd7: {  	v19 =	vld [tilespmem:$0xCB90];
	[tilespmem:$0xFE60] =	vst v14  }
0xd8: {  	v20 =	vld [tilespmem:$0xCC00];
	[tilespmem:$0xFE70] =	vst v15  }
0xd9: {  	v21 =	vld [tilespmem:$0xCC10];
	[tilespmem:$0xFE80] =	vst v16  }
0xda: {  	v22 =	vld [tilespmem:$0xCC80];
	[tilespmem:$0xFE90] =	vst v17  }
0xdb: {  	v23 =	vld [tilespmem:$0xCC90];
	[tilespmem:$0xFEA0] =	vst v18  }
0xdc: {  	v24 =	vld [tilespmem:$0xCD00];
	[tilespmem:$0xFEB0] =	vst v19  }
0xdd: {  	v25 =	vld [tilespmem:$0xCD10];
	[tilespmem:$0xFEC0] =	vst v20  }
0xde: {  	v26 =	vld [tilespmem:$0xCD80];
	[tilespmem:$0xFED0] =	vst v21  }
0xdf: {  	v27 =	vld [tilespmem:$0xCD90];
	[tilespmem:$0xFEE0] =	vst v22  }
0xe0: {  	v28 =	vld [tilespmem:$0xCE00];
	[tilespmem:$0xFEF0] =	vst v23  }
0xe1: {  	v29 =	vld [tilespmem:$0xCE10];
	[tilespmem:$0xFF00] =	vst v24  }
0xe2: {  	v30 =	vld [tilespmem:$0xCE80];
	[tilespmem:$0xFF10] =	vst v25  }
0xe3: {  	v31 =	vld [tilespmem:$0xCE90];
	[tilespmem:$0xFF20] =	vst v26  }
0xe4: {  	v32 =	vld [tilespmem:$0xCF00];
	[tilespmem:$0xFF30] =	vst v27  }
0xe5: {  	v33 =	vld [tilespmem:$0xCF10];
	[tilespmem:$0xFF40] =	vst v28  }
0xe6: {  	v34 =	vld [tilespmem:$0xCF80];
	[tilespmem:$0xFF50] =	vst v29  }
0xe7: {  	v35 =	vld [tilespmem:$0xCF90];
	[tilespmem:$0xFF60] =	vst v30  }
0xe8: {  	v36 =	vld [tilespmem:$0xD000];
	[tilespmem:$0xFF70] =	vst v31  }
0xe9: {  	v37 =	vld [tilespmem:$0xD010];
	[tilespmem:$0xFF80] =	vst v32  }
0xea: {  	v38 =	vld [tilespmem:$0xD080];
	[tilespmem:$0xFF90] =	vst v33  }
0xeb: {  	v39 =	vld [tilespmem:$0xD090];
	[tilespmem:$0xFFA0] =	vst v34  }
0xec: {  	[tilespmem:$0xFFB0] =	vst v35;
	v40 =	vld [tilespmem:$0xD100]  }
0xed: {  	[tilespmem:$0xFFC0] =	vst v36;
	v41 =	vld [tilespmem:$0xD110]  }
0xee: {  	[tilespmem:$0xFFD0] =	vst v37;
	v42 =	vld [tilespmem:$0xD180]  }
0xef: {  	[tilespmem:$0xFFE0] =	vst v38;
	v43 =	vld [tilespmem:$0xD190]  }
0xf0: {  	[tilespmem:$0xFFF0] =	vst v39;
	v44 =	vld [tilespmem:$0xD200]  }
0xf1: {  	v45 =	vld [tilespmem:$0xD210];
	[tilespmem:$0x10000] =	vst v40  }
0xf2: {  	v46 =	vld [tilespmem:$0xD280];
	[tilespmem:$0x10010] =	vst v41  }
0xf3: {  	v47 =	vld [tilespmem:$0xD290];
	[tilespmem:$0x10020] =	vst v42  }
0xf4: {  	v48 =	vld [tilespmem:$0xD300];
	[tilespmem:$0x10030] =	vst v43  }
0xf5: {  	v49 =	vld [tilespmem:$0xD310];
	[tilespmem:$0x10040] =	vst v44  }
0xf6: {  	v50 =	vld [tilespmem:$0xD380];
	[tilespmem:$0x10050] =	vst v45  }
0xf7: {  	v51 =	vld [tilespmem:$0xD390];
	[tilespmem:$0x10060] =	vst v46  }
0xf8: {  	v52 =	vld [tilespmem:$0xD400];
	[tilespmem:$0x10070] =	vst v47  }
0xf9: {  	v53 =	vld [tilespmem:$0xD410];
	[tilespmem:$0x10080] =	vst v48  }
0xfa: {  	v54 =	vld [tilespmem:$0xD480];
	[tilespmem:$0x10090] =	vst v49  }
0xfb: {  	v55 =	vld [tilespmem:$0xD490];
	[tilespmem:$0x100A0] =	vst v50  }
0xfc: {  	v56 =	vld [tilespmem:$0xD500];
	[tilespmem:$0x100B0] =	vst v51  }
0xfd: {  	v57 =	vld [tilespmem:$0xD510];
	[tilespmem:$0x100C0] =	vst v52  }
0xfe: {  	v58 =	vld [tilespmem:$0xD580];
	[tilespmem:$0x100D0] =	vst v53  }
0xff: {  	v59 =	vld [tilespmem:$0xD590];
	[tilespmem:$0x100E0] =	vst v54  }
0x100: {  	v60 =	vld [tilespmem:$0xD600];
	[tilespmem:$0x100F0] =	vst v55  }
0x101: {  	v61 =	vld [tilespmem:$0xD610];
	[tilespmem:$0x10100] =	vst v56  }
0x102: {  	v62 =	vld [tilespmem:$0xD680];
	[tilespmem:$0x10110] =	vst v57  }
0x103: {  	v63 =	vld [tilespmem:$0xD690];
	[tilespmem:$0x10120] =	vst v58  }
0x104: {  	v8 =	vld [tilespmem:$0xD700];
	[tilespmem:$0x10130] =	vst v59  }
0x105: {  	v9 =	vld [tilespmem:$0xD710];
	[tilespmem:$0x10140] =	vst v60  }
0x106: {  	v10 =	vld [tilespmem:$0xD780];
	[tilespmem:$0x10150] =	vst v61  }
0x107: {  	v11 =	vld [tilespmem:$0xD790];
	[tilespmem:$0x10160] =	vst v62  }
0x108: {  	v12 =	vld [tilespmem:$0xD800];
	[tilespmem:$0x10170] =	vst v63  }
0x109: {  	v13 =	vld [tilespmem:$0xD810];
	[tilespmem:$0x10180] =	vst v8  }
0x10a: {  	v14 =	vld [tilespmem:$0xD880];
	[tilespmem:$0x10190] =	vst v9  }
0x10b: {  	v15 =	vld [tilespmem:$0xD890];
	[tilespmem:$0x101A0] =	vst v10  }
0x10c: {  	v16 =	vld [tilespmem:$0xD900];
	[tilespmem:$0x101B0] =	vst v11  }
0x10d: {  	v17 =	vld [tilespmem:$0xD910];
	[tilespmem:$0x101C0] =	vst v12  }
0x10e: {  	v18 =	vld [tilespmem:$0xD980];
	[tilespmem:$0x101D0] =	vst v13  }
0x10f: {  	v19 =	vld [tilespmem:$0xD990];
	[tilespmem:$0x101E0] =	vst v14  }
0x110: {  	v20 =	vld [tilespmem:$0xDA00];
	[tilespmem:$0x101F0] =	vst v15  }
0x111: {  	v21 =	vld [tilespmem:$0xDA10];
	[tilespmem:$0x10200] =	vst v16  }
0x112: {  	v22 =	vld [tilespmem:$0xDA80];
	[tilespmem:$0x10210] =	vst v17  }
0x113: {  	v23 =	vld [tilespmem:$0xDA90];
	[tilespmem:$0x10220] =	vst v18  }
0x114: {  	v24 =	vld [tilespmem:$0xDB00];
	[tilespmem:$0x10230] =	vst v19  }
0x115: {  	v25 =	vld [tilespmem:$0xDB10];
	[tilespmem:$0x10240] =	vst v20  }
0x116: {  	v26 =	vld [tilespmem:$0xDB80];
	[tilespmem:$0x10250] =	vst v21  }
0x117: {  	v27 =	vld [tilespmem:$0xDB90];
	[tilespmem:$0x10260] =	vst v22  }
0x118: {  	v28 =	vld [tilespmem:$0xDC00];
	[tilespmem:$0x10270] =	vst v23  }
0x119: {  	v29 =	vld [tilespmem:$0xDC10];
	[tilespmem:$0x10280] =	vst v24  }
0x11a: {  	v30 =	vld [tilespmem:$0xDC80];
	[tilespmem:$0x10290] =	vst v25  }
0x11b: {  	v31 =	vld [tilespmem:$0xDC90];
	[tilespmem:$0x102A0] =	vst v26  }
0x11c: {  	v32 =	vld [tilespmem:$0xDD00];
	[tilespmem:$0x102B0] =	vst v27  }
0x11d: {  	v33 =	vld [tilespmem:$0xDD10];
	[tilespmem:$0x102C0] =	vst v28  }
0x11e: {  	v34 =	vld [tilespmem:$0xDD80];
	[tilespmem:$0x102D0] =	vst v29  }
0x11f: {  	v35 =	vld [tilespmem:$0xDD90];
	[tilespmem:$0x102E0] =	vst v30  }
0x120: {  	v36 =	vld [tilespmem:$0xDE00];
	[tilespmem:$0x102F0] =	vst v31  }
0x121: {  	v37 =	vld [tilespmem:$0xDE10];
	[tilespmem:$0x10300] =	vst v32  }
0x122: {  	v38 =	vld [tilespmem:$0xDE80];
	[tilespmem:$0x10310] =	vst v33  }
0x123: {  	v39 =	vld [tilespmem:$0xDE90];
	[tilespmem:$0x10320] =	vst v34  }
0x124: {  	[tilespmem:$0x10330] =	vst v35;
	v40 =	vld [tilespmem:$0xDF00]  }
0x125: {  	[tilespmem:$0x10340] =	vst v36;
	v41 =	vld [tilespmem:$0xDF10]  }
0x126: {  	[tilespmem:$0x10350] =	vst v37;
	v42 =	vld [tilespmem:$0xDF80]  }
0x127: {  	[tilespmem:$0x10360] =	vst v38;
	v43 =	vld [tilespmem:$0xDF90]  }
0x128: {  	[tilespmem:$0x10370] =	vst v39;
	v44 =	vld [tilespmem:$0xE000]  }
0x129: {  	v45 =	vld [tilespmem:$0xE010];
	[tilespmem:$0x10380] =	vst v40  }
0x12a: {  	v46 =	vld [tilespmem:$0xE080];
	[tilespmem:$0x10390] =	vst v41  }
0x12b: {  	v47 =	vld [tilespmem:$0xE090];
	[tilespmem:$0x103A0] =	vst v42  }
0x12c: {  	v48 =	vld [tilespmem:$0xE100];
	[tilespmem:$0x103B0] =	vst v43  }
0x12d: {  	v49 =	vld [tilespmem:$0xE110];
	[tilespmem:$0x103C0] =	vst v44  }
0x12e: {  	v50 =	vld [tilespmem:$0xE180];
	[tilespmem:$0x103D0] =	vst v45  }
0x12f: {  	v51 =	vld [tilespmem:$0xE190];
	[tilespmem:$0x103E0] =	vst v46  }
0x130: {  	v52 =	vld [tilespmem:$0xE200];
	[tilespmem:$0x103F0] =	vst v47  }
0x131: {  	v53 =	vld [tilespmem:$0xE210];
	[tilespmem:$0x10400] =	vst v48  }
0x132: {  	v54 =	vld [tilespmem:$0xE280];
	[tilespmem:$0x10410] =	vst v49  }
0x133: {  	v55 =	vld [tilespmem:$0xE290];
	[tilespmem:$0x10420] =	vst v50  }
0x134: {  	v56 =	vld [tilespmem:$0xE300];
	[tilespmem:$0x10430] =	vst v51  }
0x135: {  	v57 =	vld [tilespmem:$0xE310];
	[tilespmem:$0x10440] =	vst v52  }
0x136: {  	v58 =	vld [tilespmem:$0xE380];
	[tilespmem:$0x10450] =	vst v53  }
0x137: {  	v59 =	vld [tilespmem:$0xE390];
	[tilespmem:$0x10460] =	vst v54  }
0x138: {  	v60 =	vld [tilespmem:$0xE400];
	[tilespmem:$0x10470] =	vst v55  }
0x139: {  	v61 =	vld [tilespmem:$0xE410];
	[tilespmem:$0x10480] =	vst v56  }
0x13a: {  	v62 =	vld [tilespmem:$0xE480];
	[tilespmem:$0x10490] =	vst v57  }
0x13b: {  	s22 =	sadd.s32 s21, s7;
	s21 =	sadd.s32 $0x400, s21;
	v63 =	vld [tilespmem:$0xE490];
	[tilespmem:$0x104A0] =	vst v58  }
0x13c: {  	p0 =	sne.s32 s21, $0x19000;
	[tilespmem:$0x104B0] =	vst v59  }
.Ltmp3:
0x13d: {  	[tilespmem:$0x104C0] =	vst v60;
	(pc) =	sbr.rel @!p0 .LBB2_7-.Ltmp3, $4  }
0x13e: {  	[tilespmem:$0x104D0] =	vst v61  }
0x13f: {  	[tilespmem:$0x104E0] =	vst v62  }
0x140: {  	[tilespmem:$0x104F0] =	vst v63  }
0x141: {  	[hbm4b:s22+s2] =	stream.linear.scatter [tilespmem:s18], [sflag:$0x4], $0x1000, $0x38;
	[tilespmem:$0x10500] =	vst v63  }
.LBB2_2:
0x142: {  	s22 =	sshra.s32 s21, $0x2  }
0x143: {  	v0 =	vld [tilespmem:s22+$0x80];
	_ =	sdelay $0x4  }
0x144: {  	v1 =	vand.u32 $0x3, v0  }
0x145: {  	v1 =	vmul.u32 $0x3D090, v1  }
0x146: {  	v0 =	vshrl.u32 v0, $0x2  }
0x147: {  	v0 =	vadd.s32 v0, v1  }
0x148: {  	[tilespmem:$0x6480] =	vst v0  }
0x149: {  	v0 =	vld [tilespmem:s22+$0x90];
	_ =	sdelay $0x4  }
0x14a: {  	v29 =	vand.u32 $0x3, v0  }
0x14b: {  	v1 =	vmul.u32 $0x3D090, v29  }
0x14c: {  	v0 =	vshrl.u32 v0, $0x2  }
0x14d: {  	v0 =	vadd.s32 v0, v1  }
0x14e: {  	[tilespmem:$0x6490] =	vst v0  }
0x14f: {  	v0 =	vld [tilespmem:s22+$0xA0];
	_ =	sdelay $0x4  }
0x150: {  	v30 =	vand.u32 $0x3, v0  }
0x151: {  	v1 =	vmul.u32 $0x3D090, v30  }
0x152: {  	v0 =	vshrl.u32 v0, $0x2  }
0x153: {  	v0 =	vadd.s32 v0, v1  }
0x154: {  	[tilespmem:$0x64A0] =	vst v0  }
0x155: {  	v0 =	vld [tilespmem:s22+$0xB0];
	_ =	sdelay $0x4  }
0x156: {  	v31 =	vand.u32 $0x3, v0  }
0x157: {  	v1 =	vmul.u32 $0x3D090, v31  }
0x158: {  	v0 =	vshrl.u32 v0, $0x2  }
0x159: {  	v0 =	vadd.s32 v0, v1  }
0x15a: {  	[tilespmem:$0x64B0] =	vst v0  }
0x15b: {  	v0 =	vld [tilespmem:s22+$0xC0];
	_ =	sdelay $0x4  }
0x15c: {  	v32 =	vand.u32 $0x3, v0  }
0x15d: {  	v1 =	vmul.u32 $0x3D090, v32  }
0x15e: {  	v0 =	vshrl.u32 v0, $0x2  }
0x15f: {  	v0 =	vadd.s32 v0, v1  }
0x160: {  	[tilespmem:$0x64C0] =	vst v0  }
0x161: {  	v0 =	vld [tilespmem:s22+$0xD0];
	_ =	sdelay $0x4  }
0x162: {  	v33 =	vand.u32 $0x3, v0  }
0x163: {  	v1 =	vmul.u32 $0x3D090, v33  }
0x164: {  	v0 =	vshrl.u32 v0, $0x2  }
0x165: {  	v0 =	vadd.s32 v0, v1  }
0x166: {  	[tilespmem:$0x64D0] =	vst v0  }
0x167: {  	v0 =	vld [tilespmem:s22+$0xE0];
	_ =	sdelay $0x4  }
0x168: {  	v34 =	vand.u32 $0x3, v0  }
0x169: {  	v1 =	vmul.u32 $0x3D090, v34  }
0x16a: {  	v0 =	vshrl.u32 v0, $0x2  }
0x16b: {  	v0 =	vadd.s32 v0, v1  }
0x16c: {  	[tilespmem:$0x64E0] =	vst v0  }
0x16d: {  	v0 =	vld [tilespmem:s22+$0xF0];
	_ =	sdelay $0x4  }
0x16e: {  	v35 =	vand.u32 $0x3, v0  }
0x16f: {  	v1 =	vmul.u32 $0x3D090, v35  }
0x170: {  	v0 =	vshrl.u32 v0, $0x2  }
0x171: {  	v0 =	vadd.s32 v0, v1  }
0x172: {  	[tilespmem:$0x64F0] =	vst v0  }
0x173: {  	[tilespmem:s13], [sflag:$0x2] =	stream.indirect.gather [hbm4b:s3+s9], $0x80, s12, s9, $0xb8;
	[tilespmem:$0x10500] =	vst v63  }
0x174: {  	_ =	swait.ge [sflag:s14], $0x4000  }
0x175: {  	p0 =	seq.s32 s21, $0x0;
	[sflag:s14] =	ssyncset.done $0x0  }
0x176: {  	s23 =	simm.s32 @!p0 $0x3;
	[sflag:s14] =	ssyncadd.s32 $0xFFFFC000  }
0x177: {  	_ =	swait.ge @!p0 [sflag:s23], $0x1000  }
0x178: {  	[sflag:s23] =	ssyncset.done @!p0 $0x0  }
0x179: {  	[sflag:s23] =	ssyncadd.s32 @!p0 $0xFFFFF000  }
0x17a: {  	v36 =	vld [tilespmem:$0x6500]  }
0x17b: {  	v37 =	vld [tilespmem:$0x6510]  }
0x17c: {  	v2 =	vld [tilespmem:$0x6580]  }
0x17d: {  	v3 =	vld [tilespmem:$0x6590]  }
0x17e: {  	v4 =	vld [tilespmem:$0x6600]  }
0x17f: {  	v38 =	vld [tilespmem:$0x6610];
	[tilespmem:$0xE500] =	vst v36  }
0x180: {  	v39 =	vld [tilespmem:$0x6680];
	[tilespmem:$0xE510] =	vst v37  }
0x181: {  	[tilespmem:$0xE520] =	vst v2  }
0x182: {  	[tilespmem:$0xE530] =	vst v3  }
0x183: {  	[tilespmem:$0xE540] =	vst v4  }
0x184: {  	[tilespmem:$0xE550] =	vst v38  }
0x185: {  	[tilespmem:$0xE560] =	vst v39  }
0x186: {  	v40 =	vld [tilespmem:$0x6690]  }
0x187: {  	v1 =	vld [tilespmem:$0x6700]  }
0x188: {  	v41 =	vld [tilespmem:$0x6710]  }
0x189: {  	v42 =	vld [tilespmem:$0x6780]  }
0x18a: {  	v43 =	vld [tilespmem:$0x6790]  }
0x18b: {  	v44 =	vld [tilespmem:$0x6800];
	[tilespmem:$0xE570] =	vst v40  }
0x18c: {  	v45 =	vld [tilespmem:$0x6810];
	[tilespmem:$0xE580] =	vst v1  }
0x18d: {  	v46 =	vld [tilespmem:$0x6880];
	[tilespmem:$0xE590] =	vst v41  }
0x18e: {  	v47 =	vld [tilespmem:$0x6890];
	[tilespmem:$0xE5A0] =	vst v42  }
0x18f: {  	v48 =	vld [tilespmem:$0x6900];
	[tilespmem:$0xE5B0] =	vst v43  }
0x190: {  	v49 =	vld [tilespmem:$0x6910];
	[tilespmem:$0xE5C0] =	vst v44  }
0x191: {  	v50 =	vld [tilespmem:$0x6980];
	[tilespmem:$0xE5D0] =	vst v45  }
0x192: {  	v51 =	vld [tilespmem:$0x6990];
	[tilespmem:$0xE5E0] =	vst v46  }
0x193: {  	v52 =	vld [tilespmem:$0x6A00];
	[tilespmem:$0xE5F0] =	vst v47  }
0x194: {  	v53 =	vld [tilespmem:$0x6A10];
	[tilespmem:$0xE600] =	vst v48  }
0x195: {  	v54 =	vld [tilespmem:$0x6A80];
	[tilespmem:$0xE610] =	vst v49  }
0x196: {  	v55 =	vld [tilespmem:$0x6A90];
	[tilespmem:$0xE620] =	vst v50  }
0x197: {  	v56 =	vld [tilespmem:$0x6B00];
	[tilespmem:$0xE630] =	vst v51  }
0x198: {  	v57 =	vld [tilespmem:$0x6B10];
	[tilespmem:$0xE640] =	vst v52  }
0x199: {  	v58 =	vld [tilespmem:$0x6B80];
	[tilespmem:$0xE650] =	vst v53  }
0x19a: {  	v59 =	vld [tilespmem:$0x6B90];
	[tilespmem:$0xE660] =	vst v54  }
0x19b: {  	v60 =	vld [tilespmem:$0x6C00];
	[tilespmem:$0xE670] =	vst v55  }
0x19c: {  	v61 =	vld [tilespmem:$0x6C10];
	[tilespmem:$0xE680] =	vst v56  }
0x19d: {  	v62 =	vld [tilespmem:$0x6C80];
	[tilespmem:$0xE690] =	vst v57  }
0x19e: {  	v63 =	vld [tilespmem:$0x6C90];
	[tilespmem:$0xE6A0] =	vst v58  }
0x19f: {  	v8 =	vld [tilespmem:$0x6D00];
	[tilespmem:$0xE6B0] =	vst v59  }
0x1a0: {  	v9 =	vld [tilespmem:$0x6D10];
	[tilespmem:$0xE6C0] =	vst v60  }
0x1a1: {  	v10 =	vld [tilespmem:$0x6D80];
	[tilespmem:$0xE6D0] =	vst v61  }
0x1a2: {  	v11 =	vld [tilespmem:$0x6D90];
	[tilespmem:$0xE6E0] =	vst v62  }
0x1a3: {  	v12 =	vld [tilespmem:$0x6E00];
	[tilespmem:$0xE6F0] =	vst v63  }
0x1a4: {  	v13 =	vld [tilespmem:$0x6E10];
	[tilespmem:$0xE700] =	vst v8  }
0x1a5: {  	v14 =	vld [tilespmem:$0x6E80];
	[tilespmem:$0xE710] =	vst v9  }
0x1a6: {  	v15 =	vld [tilespmem:$0x6E90];
	[tilespmem:$0xE720] =	vst v10  }
0x1a7: {  	v16 =	vld [tilespmem:$0x6F00];
	[tilespmem:$0xE730] =	vst v11  }
0x1a8: {  	v17 =	vld [tilespmem:$0x6F10];
	[tilespmem:$0xE740] =	vst v12  }
0x1a9: {  	v18 =	vld [tilespmem:$0x6F80];
	[tilespmem:$0xE750] =	vst v13  }
0x1aa: {  	v19 =	vld [tilespmem:$0x6F90];
	[tilespmem:$0xE760] =	vst v14  }
0x1ab: {  	v20 =	vld [tilespmem:$0x7000];
	[tilespmem:$0xE770] =	vst v15  }
0x1ac: {  	v21 =	vld [tilespmem:$0x7010];
	[tilespmem:$0xE780] =	vst v16  }
0x1ad: {  	v22 =	vld [tilespmem:$0x7080];
	[tilespmem:$0xE790] =	vst v17  }
0x1ae: {  	v23 =	vld [tilespmem:$0x7090];
	[tilespmem:$0xE7A0] =	vst v18  }
0x1af: {  	v24 =	vld [tilespmem:$0x7100];
	[tilespmem:$0xE7B0] =	vst v19  }
0x1b0: {  	v25 =	vld [tilespmem:$0x7110];
	[tilespmem:$0xE7C0] =	vst v20  }
0x1b1: {  	v26 =	vld [tilespmem:$0x7180];
	[tilespmem:$0xE7D0] =	vst v21  }
0x1b2: {  	v27 =	vld [tilespmem:$0x7190];
	[tilespmem:$0xE7E0] =	vst v22  }
0x1b3: {  	v28 =	vld [tilespmem:$0x7200];
	[tilespmem:$0xE7F0] =	vst v23  }
0x1b4: {  	v29 =	vld [tilespmem:$0x7210];
	[tilespmem:$0xE800] =	vst v24  }
0x1b5: {  	v30 =	vld [tilespmem:$0x7280];
	[tilespmem:$0xE810] =	vst v25  }
0x1b6: {  	v31 =	vld [tilespmem:$0x7290];
	[tilespmem:$0xE820] =	vst v26  }
0x1b7: {  	v32 =	vld [tilespmem:$0x7300];
	[tilespmem:$0xE830] =	vst v27  }
0x1b8: {  	v33 =	vld [tilespmem:$0x7310];
	[tilespmem:$0xE840] =	vst v28  }
0x1b9: {  	v34 =	vld [tilespmem:$0x7380];
	[tilespmem:$0xE850] =	vst v29  }
0x1ba: {  	v35 =	vld [tilespmem:$0x7390];
	[tilespmem:$0xE860] =	vst v30  }
0x1bb: {  	v36 =	vld [tilespmem:$0x7400];
	[tilespmem:$0xE870] =	vst v31  }
0x1bc: {  	v37 =	vld [tilespmem:$0x7410];
	[tilespmem:$0xE880] =	vst v32  }
0x1bd: {  	v38 =	vld [tilespmem:$0x7480];
	[tilespmem:$0xE890] =	vst v33  }
0x1be: {  	v39 =	vld [tilespmem:$0x7490];
	[tilespmem:$0xE8A0] =	vst v34  }
0x1bf: {  	[tilespmem:$0xE8B0] =	vst v35;
	v40 =	vld [tilespmem:$0x7500]  }
0x1c0: {  	[tilespmem:$0xE8C0] =	vst v36;
	v41 =	vld [tilespmem:$0x7510]  }
0x1c1: {  	[tilespmem:$0xE8D0] =	vst v37;
	v42 =	vld [tilespmem:$0x7580]  }
0x1c2: {  	[tilespmem:$0xE8E0] =	vst v38;
	v43 =	vld [tilespmem:$0x7590]  }
0x1c3: {  	[tilespmem:$0xE8F0] =	vst v39;
	v44 =	vld [tilespmem:$0x7600]  }
0x1c4: {  	v45 =	vld [tilespmem:$0x7610];
	[tilespmem:$0xE900] =	vst v40  }
0x1c5: {  	v46 =	vld [tilespmem:$0x7680];
	[tilespmem:$0xE910] =	vst v41  }
0x1c6: {  	v47 =	vld [tilespmem:$0x7690];
	[tilespmem:$0xE920] =	vst v42  }
0x1c7: {  	v48 =	vld [tilespmem:$0x7700];
	[tilespmem:$0xE930] =	vst v43  }
0x1c8: {  	v49 =	vld [tilespmem:$0x7710];
	[tilespmem:$0xE940] =	vst v44  }
0x1c9: {  	v50 =	vld [tilespmem:$0x7780];
	[tilespmem:$0xE950] =	vst v45  }
0x1ca: {  	v51 =	vld [tilespmem:$0x7790];
	[tilespmem:$0xE960] =	vst v46  }
0x1cb: {  	v52 =	vld [tilespmem:$0x7800];
	[tilespmem:$0xE970] =	vst v47  }
0x1cc: {  	v53 =	vld [tilespmem:$0x7810];
	[tilespmem:$0xE980] =	vst v48  }
0x1cd: {  	v54 =	vld [tilespmem:$0x7880];
	[tilespmem:$0xE990] =	vst v49  }
0x1ce: {  	v55 =	vld [tilespmem:$0x7890];
	[tilespmem:$0xE9A0] =	vst v50  }
0x1cf: {  	v56 =	vld [tilespmem:$0x7900];
	[tilespmem:$0xE9B0] =	vst v51  }
0x1d0: {  	v57 =	vld [tilespmem:$0x7910];
	[tilespmem:$0xE9C0] =	vst v52  }
0x1d1: {  	v58 =	vld [tilespmem:$0x7980];
	[tilespmem:$0xE9D0] =	vst v53  }
0x1d2: {  	v59 =	vld [tilespmem:$0x7990];
	[tilespmem:$0xE9E0] =	vst v54  }
0x1d3: {  	v60 =	vld [tilespmem:$0x7A00];
	[tilespmem:$0xE9F0] =	vst v55  }
0x1d4: {  	v61 =	vld [tilespmem:$0x7A10];
	[tilespmem:$0xEA00] =	vst v56  }
0x1d5: {  	v62 =	vld [tilespmem:$0x7A80];
	[tilespmem:$0xEA10] =	vst v57  }
0x1d6: {  	v63 =	vld [tilespmem:$0x7A90];
	[tilespmem:$0xEA20] =	vst v58  }
0x1d7: {  	v8 =	vld [tilespmem:$0x7B00];
	[tilespmem:$0xEA30] =	vst v59  }
0x1d8: {  	v9 =	vld [tilespmem:$0x7B10];
	[tilespmem:$0xEA40] =	vst v60  }
0x1d9: {  	v10 =	vld [tilespmem:$0x7B80];
	[tilespmem:$0xEA50] =	vst v61  }
0x1da: {  	v11 =	vld [tilespmem:$0x7B90];
	[tilespmem:$0xEA60] =	vst v62  }
0x1db: {  	v12 =	vld [tilespmem:$0x7C00];
	[tilespmem:$0xEA70] =	vst v63  }
0x1dc: {  	v13 =	vld [tilespmem:$0x7C10];
	[tilespmem:$0xEA80] =	vst v8  }
0x1dd: {  	v14 =	vld [tilespmem:$0x7C80];
	[tilespmem:$0xEA90] =	vst v9  }
0x1de: {  	v15 =	vld [tilespmem:$0x7C90];
	[tilespmem:$0xEAA0] =	vst v10  }
0x1df: {  	v16 =	vld [tilespmem:$0x7D00];
	[tilespmem:$0xEAB0] =	vst v11  }
0x1e0: {  	v17 =	vld [tilespmem:$0x7D10];
	[tilespmem:$0xEAC0] =	vst v12  }
0x1e1: {  	v18 =	vld [tilespmem:$0x7D80];
	[tilespmem:$0xEAD0] =	vst v13  }
0x1e2: {  	v19 =	vld [tilespmem:$0x7D90];
	[tilespmem:$0xEAE0] =	vst v14  }
0x1e3: {  	v20 =	vld [tilespmem:$0x7E00];
	[tilespmem:$0xEAF0] =	vst v15  }
0x1e4: {  	v21 =	vld [tilespmem:$0x7E10];
	[tilespmem:$0xEB00] =	vst v16  }
0x1e5: {  	v22 =	vld [tilespmem:$0x7E80];
	[tilespmem:$0xEB10] =	vst v17  }
0x1e6: {  	v23 =	vld [tilespmem:$0x7E90];
	[tilespmem:$0xEB20] =	vst v18  }
0x1e7: {  	v24 =	vld [tilespmem:$0x7F00];
	[tilespmem:$0xEB30] =	vst v19  }
0x1e8: {  	v25 =	vld [tilespmem:$0x7F10];
	[tilespmem:$0xEB40] =	vst v20  }
0x1e9: {  	v26 =	vld [tilespmem:$0x7F80];
	[tilespmem:$0xEB50] =	vst v21  }
0x1ea: {  	v27 =	vld [tilespmem:$0x7F90];
	[tilespmem:$0xEB60] =	vst v22  }
0x1eb: {  	v28 =	vld [tilespmem:$0x8000];
	[tilespmem:$0xEB70] =	vst v23  }
0x1ec: {  	v29 =	vld [tilespmem:$0x8010];
	[tilespmem:$0xEB80] =	vst v24  }
0x1ed: {  	v30 =	vld [tilespmem:$0x8080];
	[tilespmem:$0xEB90] =	vst v25  }
0x1ee: {  	v31 =	vld [tilespmem:$0x8090];
	[tilespmem:$0xEBA0] =	vst v26  }
0x1ef: {  	v32 =	vld [tilespmem:$0x8100];
	[tilespmem:$0xEBB0] =	vst v27  }
0x1f0: {  	v33 =	vld [tilespmem:$0x8110];
	[tilespmem:$0xEBC0] =	vst v28  }
0x1f1: {  	v34 =	vld [tilespmem:$0x8180];
	[tilespmem:$0xEBD0] =	vst v29  }
0x1f2: {  	v35 =	vld [tilespmem:$0x8190];
	[tilespmem:$0xEBE0] =	vst v30  }
0x1f3: {  	v36 =	vld [tilespmem:$0x8200];
	[tilespmem:$0xEBF0] =	vst v31  }
0x1f4: {  	v37 =	vld [tilespmem:$0x8210];
	[tilespmem:$0xEC00] =	vst v32  }
0x1f5: {  	v38 =	vld [tilespmem:$0x8280];
	[tilespmem:$0xEC10] =	vst v33  }
0x1f6: {  	v39 =	vld [tilespmem:$0x8290];
	[tilespmem:$0xEC20] =	vst v34  }
0x1f7: {  	[tilespmem:$0xEC30] =	vst v35;
	v40 =	vld [tilespmem:$0x8300]  }
0x1f8: {  	[tilespmem:$0xEC40] =	vst v36;
	v41 =	vld [tilespmem:$0x8310]  }
0x1f9: {  	[tilespmem:$0xEC50] =	vst v37;
	v42 =	vld [tilespmem:$0x8380]  }
0x1fa: {  	[tilespmem:$0xEC60] =	vst v38;
	v43 =	vld [tilespmem:$0x8390]  }
0x1fb: {  	[tilespmem:$0xEC70] =	vst v39;
	v44 =	vld [tilespmem:$0x8400]  }
0x1fc: {  	v45 =	vld [tilespmem:$0x8410];
	[tilespmem:$0xEC80] =	vst v40  }
0x1fd: {  	v46 =	vld [tilespmem:$0x8480];
	[tilespmem:$0xEC90] =	vst v41  }
0x1fe: {  	v47 =	vld [tilespmem:$0x8490];
	[tilespmem:$0xECA0] =	vst v42  }
0x1ff: {  	v48 =	vld [tilespmem:$0x8500];
	[tilespmem:$0xECB0] =	vst v43  }
0x200: {  	v49 =	vld [tilespmem:$0x8510];
	[tilespmem:$0xECC0] =	vst v44  }
0x201: {  	v50 =	vld [tilespmem:$0x8580];
	[tilespmem:$0xECD0] =	vst v45  }
0x202: {  	v51 =	vld [tilespmem:$0x8590];
	[tilespmem:$0xECE0] =	vst v46  }
0x203: {  	v52 =	vld [tilespmem:$0x8600];
	[tilespmem:$0xECF0] =	vst v47  }
0x204: {  	v53 =	vld [tilespmem:$0x8610];
	[tilespmem:$0xED00] =	vst v48  }
0x205: {  	v54 =	vld [tilespmem:$0x8680];
	[tilespmem:$0xED10] =	vst v49  }
0x206: {  	v55 =	vld [tilespmem:$0x8690];
	[tilespmem:$0xED20] =	vst v50  }
0x207: {  	v56 =	vld [tilespmem:$0x8700];
	[tilespmem:$0xED30] =	vst v51  }
0x208: {  	v57 =	vld [tilespmem:$0x8710];
	[tilespmem:$0xED40] =	vst v52  }
0x209: {  	v58 =	vld [tilespmem:$0x8780];
	[tilespmem:$0xED50] =	vst v53  }
0x20a: {  	v59 =	vld [tilespmem:$0x8790];
	[tilespmem:$0xED60] =	vst v54  }
0x20b: {  	v60 =	vld [tilespmem:$0x8800];
	[tilespmem:$0xED70] =	vst v55  }
0x20c: {  	v61 =	vld [tilespmem:$0x8810];
	[tilespmem:$0xED80] =	vst v56  }
0x20d: {  	v62 =	vld [tilespmem:$0x8880];
	[tilespmem:$0xED90] =	vst v57  }
0x20e: {  	v63 =	vld [tilespmem:$0x8890];
	[tilespmem:$0xEDA0] =	vst v58  }
0x20f: {  	v8 =	vld [tilespmem:$0x8900];
	[tilespmem:$0xEDB0] =	vst v59  }
0x210: {  	v9 =	vld [tilespmem:$0x8910];
	[tilespmem:$0xEDC0] =	vst v60  }
0x211: {  	v10 =	vld [tilespmem:$0x8980];
	[tilespmem:$0xEDD0] =	vst v61  }
0x212: {  	v11 =	vld [tilespmem:$0x8990];
	[tilespmem:$0xEDE0] =	vst v62  }
0x213: {  	v12 =	vld [tilespmem:$0x8A00];
	[tilespmem:$0xEDF0] =	vst v63  }
0x214: {  	v13 =	vld [tilespmem:$0x8A10];
	[tilespmem:$0xEE00] =	vst v8  }
0x215: {  	v14 =	vld [tilespmem:$0x8A80];
	[tilespmem:$0xEE10] =	vst v9  }
0x216: {  	v15 =	vld [tilespmem:$0x8A90];
	[tilespmem:$0xEE20] =	vst v10  }
0x217: {  	v16 =	vld [tilespmem:$0x8B00];
	[tilespmem:$0xEE30] =	vst v11  }
0x218: {  	v17 =	vld [tilespmem:$0x8B10];
	[tilespmem:$0xEE40] =	vst v12  }
0x219: {  	v18 =	vld [tilespmem:$0x8B80];
	[tilespmem:$0xEE50] =	vst v13  }
0x21a: {  	v19 =	vld [tilespmem:$0x8B90];
	[tilespmem:$0xEE60] =	vst v14  }
0x21b: {  	v20 =	vld [tilespmem:$0x8C00];
	[tilespmem:$0xEE70] =	vst v15  }
0x21c: {  	v21 =	vld [tilespmem:$0x8C10];
	[tilespmem:$0xEE80] =	vst v16  }
0x21d: {  	v22 =	vld [tilespmem:$0x8C80];
	[tilespmem:$0xEE90] =	vst v17  }
0x21e: {  	v23 =	vld [tilespmem:$0x8C90];
	[tilespmem:$0xEEA0] =	vst v18  }
0x21f: {  	v24 =	vld [tilespmem:$0x8D00];
	[tilespmem:$0xEEB0] =	vst v19  }
0x220: {  	v25 =	vld [tilespmem:$0x8D10];
	[tilespmem:$0xEEC0] =	vst v20  }
0x221: {  	v26 =	vld [tilespmem:$0x8D80];
	[tilespmem:$0xEED0] =	vst v21  }
0x222: {  	v27 =	vld [tilespmem:$0x8D90];
	[tilespmem:$0xEEE0] =	vst v22  }
0x223: {  	v28 =	vld [tilespmem:$0x8E00];
	[tilespmem:$0xEEF0] =	vst v23  }
0x224: {  	v29 =	vld [tilespmem:$0x8E10];
	[tilespmem:$0xEF00] =	vst v24  }
0x225: {  	v30 =	vld [tilespmem:$0x8E80];
	[tilespmem:$0xEF10] =	vst v25  }
0x226: {  	v31 =	vld [tilespmem:$0x8E90];
	[tilespmem:$0xEF20] =	vst v26  }
0x227: {  	v32 =	vld [tilespmem:$0x8F00];
	[tilespmem:$0xEF30] =	vst v27  }
0x228: {  	v33 =	vld [tilespmem:$0x8F10];
	[tilespmem:$0xEF40] =	vst v28  }
0x229: {  	v34 =	vld [tilespmem:$0x8F80];
	[tilespmem:$0xEF50] =	vst v29  }
0x22a: {  	v35 =	vld [tilespmem:$0x8F90];
	[tilespmem:$0xEF60] =	vst v30  }
0x22b: {  	v36 =	vld [tilespmem:$0x9000];
	[tilespmem:$0xEF70] =	vst v31  }
0x22c: {  	v37 =	vld [tilespmem:$0x9010];
	[tilespmem:$0xEF80] =	vst v32  }
0x22d: {  	v38 =	vld [tilespmem:$0x9080];
	[tilespmem:$0xEF90] =	vst v33  }
0x22e: {  	v39 =	vld [tilespmem:$0x9090];
	[tilespmem:$0xEFA0] =	vst v34  }
0x22f: {  	[tilespmem:$0xEFB0] =	vst v35;
	v40 =	vld [tilespmem:$0x9100]  }
0x230: {  	[tilespmem:$0xEFC0] =	vst v36;
	v41 =	vld [tilespmem:$0x9110]  }
0x231: {  	[tilespmem:$0xEFD0] =	vst v37;
	v42 =	vld [tilespmem:$0x9180]  }
0x232: {  	[tilespmem:$0xEFE0] =	vst v38;
	v43 =	vld [tilespmem:$0x9190]  }
0x233: {  	[tilespmem:$0xEFF0] =	vst v39;
	v44 =	vld [tilespmem:$0x9200]  }
0x234: {  	v45 =	vld [tilespmem:$0x9210];
	[tilespmem:$0xF000] =	vst v40  }
0x235: {  	v46 =	vld [tilespmem:$0x9280];
	[tilespmem:$0xF010] =	vst v41  }
0x236: {  	v47 =	vld [tilespmem:$0x9290];
	[tilespmem:$0xF020] =	vst v42  }
0x237: {  	v48 =	vld [tilespmem:$0x9300];
	[tilespmem:$0xF030] =	vst v43  }
0x238: {  	v49 =	vld [tilespmem:$0x9310];
	[tilespmem:$0xF040] =	vst v44  }
0x239: {  	v50 =	vld [tilespmem:$0x9380];
	[tilespmem:$0xF050] =	vst v45  }
0x23a: {  	v51 =	vld [tilespmem:$0x9390];
	[tilespmem:$0xF060] =	vst v46  }
0x23b: {  	v52 =	vld [tilespmem:$0x9400];
	[tilespmem:$0xF070] =	vst v47  }
0x23c: {  	v53 =	vld [tilespmem:$0x9410];
	[tilespmem:$0xF080] =	vst v48  }
0x23d: {  	v54 =	vld [tilespmem:$0x9480];
	[tilespmem:$0xF090] =	vst v49  }
0x23e: {  	v55 =	vld [tilespmem:$0x9490];
	[tilespmem:$0xF0A0] =	vst v50  }
0x23f: {  	v56 =	vld [tilespmem:$0x9500];
	[tilespmem:$0xF0B0] =	vst v51  }
0x240: {  	v57 =	vld [tilespmem:$0x9510];
	[tilespmem:$0xF0C0] =	vst v52  }
0x241: {  	v58 =	vld [tilespmem:$0x9580];
	[tilespmem:$0xF0D0] =	vst v53  }
0x242: {  	v59 =	vld [tilespmem:$0x9590];
	[tilespmem:$0xF0E0] =	vst v54  }
0x243: {  	v60 =	vld [tilespmem:$0x9600];
	[tilespmem:$0xF0F0] =	vst v55  }
0x244: {  	v61 =	vld [tilespmem:$0x9610];
	[tilespmem:$0xF100] =	vst v56  }
0x245: {  	v62 =	vld [tilespmem:$0x9680];
	[tilespmem:$0xF110] =	vst v57  }
0x246: {  	v63 =	vld [tilespmem:$0x9690];
	[tilespmem:$0xF120] =	vst v58  }
0x247: {  	v8 =	vld [tilespmem:$0x9700];
	[tilespmem:$0xF130] =	vst v59  }
0x248: {  	v9 =	vld [tilespmem:$0x9710];
	[tilespmem:$0xF140] =	vst v60  }
0x249: {  	v10 =	vld [tilespmem:$0x9780];
	[tilespmem:$0xF150] =	vst v61  }
0x24a: {  	v11 =	vld [tilespmem:$0x9790];
	[tilespmem:$0xF160] =	vst v62  }
0x24b: {  	v12 =	vld [tilespmem:$0x9800];
	[tilespmem:$0xF170] =	vst v63  }
0x24c: {  	v13 =	vld [tilespmem:$0x9810];
	[tilespmem:$0xF180] =	vst v8  }
0x24d: {  	v14 =	vld [tilespmem:$0x9880];
	[tilespmem:$0xF190] =	vst v9  }
0x24e: {  	v15 =	vld [tilespmem:$0x9890];
	[tilespmem:$0xF1A0] =	vst v10  }
0x24f: {  	v16 =	vld [tilespmem:$0x9900];
	[tilespmem:$0xF1B0] =	vst v11  }
0x250: {  	v17 =	vld [tilespmem:$0x9910];
	[tilespmem:$0xF1C0] =	vst v12  }
0x251: {  	v18 =	vld [tilespmem:$0x9980];
	[tilespmem:$0xF1D0] =	vst v13  }
0x252: {  	v19 =	vld [tilespmem:$0x9990];
	[tilespmem:$0xF1E0] =	vst v14  }
0x253: {  	v20 =	vld [tilespmem:$0x9A00];
	[tilespmem:$0xF1F0] =	vst v15  }
0x254: {  	v21 =	vld [tilespmem:$0x9A10];
	[tilespmem:$0xF200] =	vst v16  }
0x255: {  	v22 =	vld [tilespmem:$0x9A80];
	[tilespmem:$0xF210] =	vst v17  }
0x256: {  	v23 =	vld [tilespmem:$0x9A90];
	[tilespmem:$0xF220] =	vst v18  }
0x257: {  	v24 =	vld [tilespmem:$0x9B00];
	[tilespmem:$0xF230] =	vst v19  }
0x258: {  	v25 =	vld [tilespmem:$0x9B10];
	[tilespmem:$0xF240] =	vst v20  }
0x259: {  	v26 =	vld [tilespmem:$0x9B80];
	[tilespmem:$0xF250] =	vst v21  }
0x25a: {  	v27 =	vld [tilespmem:$0x9B90];
	[tilespmem:$0xF260] =	vst v22  }
0x25b: {  	v28 =	vld [tilespmem:$0x9C00];
	[tilespmem:$0xF270] =	vst v23  }
0x25c: {  	v29 =	vld [tilespmem:$0x9C10];
	[tilespmem:$0xF280] =	vst v24  }
0x25d: {  	v30 =	vld [tilespmem:$0x9C80];
	[tilespmem:$0xF290] =	vst v25  }
0x25e: {  	v31 =	vld [tilespmem:$0x9C90];
	[tilespmem:$0xF2A0] =	vst v26  }
0x25f: {  	v32 =	vld [tilespmem:$0x9D00];
	[tilespmem:$0xF2B0] =	vst v27  }
0x260: {  	v33 =	vld [tilespmem:$0x9D10];
	[tilespmem:$0xF2C0] =	vst v28  }
0x261: {  	v34 =	vld [tilespmem:$0x9D80];
	[tilespmem:$0xF2D0] =	vst v29  }
0x262: {  	v35 =	vld [tilespmem:$0x9D90];
	[tilespmem:$0xF2E0] =	vst v30  }
0x263: {  	v36 =	vld [tilespmem:$0x9E00];
	[tilespmem:$0xF2F0] =	vst v31  }
0x264: {  	v37 =	vld [tilespmem:$0x9E10];
	[tilespmem:$0xF300] =	vst v32  }
0x265: {  	v38 =	vld [tilespmem:$0x9E80];
	[tilespmem:$0xF310] =	vst v33  }
0x266: {  	v39 =	vld [tilespmem:$0x9E90];
	[tilespmem:$0xF320] =	vst v34  }
0x267: {  	[tilespmem:$0xF330] =	vst v35;
	v40 =	vld [tilespmem:$0x9F00]  }
0x268: {  	[tilespmem:$0xF340] =	vst v36;
	v41 =	vld [tilespmem:$0x9F10]  }
0x269: {  	[tilespmem:$0xF350] =	vst v37;
	v42 =	vld [tilespmem:$0x9F80]  }
0x26a: {  	[tilespmem:$0xF360] =	vst v38;
	v43 =	vld [tilespmem:$0x9F90]  }
0x26b: {  	[tilespmem:$0xF370] =	vst v39;
	v44 =	vld [tilespmem:$0xA000]  }
0x26c: {  	v45 =	vld [tilespmem:$0xA010];
	[tilespmem:$0xF380] =	vst v40  }
0x26d: {  	v46 =	vld [tilespmem:$0xA080];
	[tilespmem:$0xF390] =	vst v41  }
0x26e: {  	v47 =	vld [tilespmem:$0xA090];
	[tilespmem:$0xF3A0] =	vst v42  }
0x26f: {  	v48 =	vld [tilespmem:$0xA100];
	[tilespmem:$0xF3B0] =	vst v43  }
0x270: {  	v49 =	vld [tilespmem:$0xA110];
	[tilespmem:$0xF3C0] =	vst v44  }
0x271: {  	v50 =	vld [tilespmem:$0xA180];
	[tilespmem:$0xF3D0] =	vst v45  }
0x272: {  	v51 =	vld [tilespmem:$0xA190];
	[tilespmem:$0xF3E0] =	vst v46  }
0x273: {  	v52 =	vld [tilespmem:$0xA200];
	[tilespmem:$0xF3F0] =	vst v47  }
0x274: {  	v53 =	vld [tilespmem:$0xA210];
	[tilespmem:$0xF400] =	vst v48  }
0x275: {  	v54 =	vld [tilespmem:$0xA280];
	[tilespmem:$0xF410] =	vst v49  }
0x276: {  	v55 =	vld [tilespmem:$0xA290];
	[tilespmem:$0xF420] =	vst v50  }
0x277: {  	v56 =	vld [tilespmem:$0xA300];
	[tilespmem:$0xF430] =	vst v51  }
0x278: {  	v57 =	vld [tilespmem:$0xA310];
	[tilespmem:$0xF440] =	vst v52  }
0x279: {  	v58 =	vld [tilespmem:$0xA380];
	[tilespmem:$0xF450] =	vst v53  }
0x27a: {  	v59 =	vld [tilespmem:$0xA390];
	[tilespmem:$0xF460] =	vst v54  }
0x27b: {  	v60 =	vld [tilespmem:$0xA400];
	[tilespmem:$0xF470] =	vst v55  }
0x27c: {  	v61 =	vld [tilespmem:$0xA410];
	[tilespmem:$0xF480] =	vst v56  }
0x27d: {  	v62 =	vld [tilespmem:$0xA480];
	[tilespmem:$0xF490] =	vst v57  }
0x27e: {  	v63 =	vld [tilespmem:$0xA490];
	[tilespmem:$0xF4A0] =	vst v58  }
0x27f: {  	p1 =	sne.s32 s21, $0x18C00;
	[tilespmem:$0xF4B0] =	vst v59  }
.Ltmp4:
0x280: {  	[tilespmem:$0xF4C0] =	vst v60;
	(pc) =	sbr.rel @!p1 .LBB2_3-.Ltmp4, $4  }
0x281: {  	[tilespmem:$0xF4D0] =	vst v61  }
0x282: {  	[tilespmem:$0xF4E0] =	vst v62  }
0x283: {  	s31 =	sadd.s32 s21, s6;
	[tilespmem:$0xF4F0] =	vst v63  }
0x284: {  	[hbm4b:s31+s2] =	stream.linear.scatter [tilespmem:s15], [sflag:$0x3], $0x1000, $0x38;
	[tilespmem:$0x10500] =	vst v63  }
0x285: {  	v0 =	vld [tilespmem:s22+$0x100];
	_ =	sdelay $0x4  }
0x286: {  	v1 =	vand.u32 $0x3, v0  }
0x287: {  	v1 =	vmul.u32 $0x3D090, v1  }
0x288: {  	v0 =	vshrl.u32 v0, $0x2  }
0x289: {  	v0 =	vadd.s32 v0, v1  }
0x28a: {  	[tilespmem:$0x6400] =	vst v0  }
0x28b: {  	v0 =	vld [tilespmem:s22+$0x110];
	_ =	sdelay $0x4  }
0x28c: {  	v57 =	vand.u32 $0x3, v0  }
0x28d: {  	v1 =	vmul.u32 $0x3D090, v57  }
0x28e: {  	v0 =	vshrl.u32 v0, $0x2  }
0x28f: {  	v0 =	vadd.s32 v0, v1  }
0x290: {  	[tilespmem:$0x6410] =	vst v0  }
0x291: {  	v0 =	vld [tilespmem:s22+$0x120];
	_ =	sdelay $0x4  }
0x292: {  	v58 =	vand.u32 $0x3, v0  }
0x293: {  	v1 =	vmul.u32 $0x3D090, v58  }
0x294: {  	v0 =	vshrl.u32 v0, $0x2  }
0x295: {  	v0 =	vadd.s32 v0, v1  }
0x296: {  	[tilespmem:$0x6420] =	vst v0  }
0x297: {  	v0 =	vld [tilespmem:s22+$0x130];
	_ =	sdelay $0x4  }
0x298: {  	v59 =	vand.u32 $0x3, v0  }
0x299: {  	v1 =	vmul.u32 $0x3D090, v59  }
0x29a: {  	v0 =	vshrl.u32 v0, $0x2  }
0x29b: {  	v0 =	vadd.s32 v0, v1  }
0x29c: {  	[tilespmem:$0x6430] =	vst v0  }
0x29d: {  	v0 =	vld [tilespmem:s22+$0x140];
	_ =	sdelay $0x4  }
0x29e: {  	v60 =	vand.u32 $0x3, v0  }
0x29f: {  	v1 =	vmul.u32 $0x3D090, v60  }
0x2a0: {  	v0 =	vshrl.u32 v0, $0x2  }
0x2a1: {  	v0 =	vadd.s32 v0, v1  }
0x2a2: {  	[tilespmem:$0x6440] =	vst v0  }
0x2a3: {  	v0 =	vld [tilespmem:s22+$0x150];
	_ =	sdelay $0x4  }
0x2a4: {  	v61 =	vand.u32 $0x3, v0  }
0x2a5: {  	v1 =	vmul.u32 $0x3D090, v61  }
0x2a6: {  	v0 =	vshrl.u32 v0, $0x2  }
0x2a7: {  	v0 =	vadd.s32 v0, v1  }
0x2a8: {  	[tilespmem:$0x6450] =	vst v0  }
0x2a9: {  	v0 =	vld [tilespmem:s22+$0x160];
	_ =	sdelay $0x4  }
0x2aa: {  	v62 =	vand.u32 $0x3, v0  }
0x2ab: {  	v1 =	vmul.u32 $0x3D090, v62  }
0x2ac: {  	v0 =	vshrl.u32 v0, $0x2  }
0x2ad: {  	v0 =	vadd.s32 v0, v1  }
0x2ae: {  	[tilespmem:$0x6460] =	vst v0  }
0x2af: {  	v0 =	vld [tilespmem:s22+$0x170];
	_ =	sdelay $0x4  }
0x2b0: {  	v63 =	vand.u32 $0x3, v0  }
0x2b1: {  	v1 =	vmul.u32 $0x3D090, v63  }
0x2b2: {  	v0 =	vshrl.u32 v0, $0x2  }
0x2b3: {  	v0 =	vadd.s32 v0, v1  }
0x2b4: {  	[tilespmem:$0x6470] =	vst v0  }
0x2b5: {  	[tilespmem:s11], [sflag:$0x1] =	stream.indirect.gather [hbm4b:s3+s9], $0x80, s10, s9, $0xb8;
	[tilespmem:$0x10500] =	vst v63  }
.Ltmp5:
0x2b6: {  	_ = 	snop;
	(pc) =	sbr.rel @!p0 .LBB2_5-.Ltmp5, $4  }
.Ltmp6:
0x2b7: {  	_ = 	snop;
	(pc) =	sbr.rel @p0 .LBB2_6-.Ltmp6, $4  }
0x2b8: {  	_ =	swait.ge [sflag:s16], $0x4000  }
0x2b9: {  	[sflag:s16] =	ssyncset.done $0x0  }
0x2ba: {  	[sflag:s16] =	ssyncadd.s32 $0xFFFFC000  }
0x2bb: {  	_ = 	snop  }
.LBB2_8:
0x2bc: {  	_ =	sfence.sel $0x180000  }
0x2bd: {  	[bflag:$0x0] =	sbarrier.arrive $0xFFFF  }
0x2be: {  	p0 =	sne.s32 s0, $0x0;
	_ =	strace $0x90000047  }
0x2bf: {  	s0 =	sadd.s32 @!p0 $0x100000, s1;
	[bflag:$0x2] =	sbarrier.arrive $0xFFFF  }
0x2c0: {  	[sflag:s0] =	ssyncadd.tile.s32 @!p0 $0x1;
	_ =	shalt  }
.Lfunc_end2:
_tile_overlayer_lowered:
.L_overlay_start_2:
0x2c1: {  	(tag) =	ssettag $0x2  }
0x2c2: {  	s0 =	rddreg [dreg:$0x0];
	s2 =	stileid.u32  }
0x2c3: {  	s1 =	rddreg [dreg:$0x1];
	p0 =	sne.s32 s2, $0x0  }
0x2c4: {  	s3 =	rddreg [dreg:$0x2];
	[bflag:$0x3] =	sbarrier.arrive $0xFFFF;
	s2 =	simm.s32 @!p0 $0x1C05  }
0x2c5: {  	[timem:s3], [sflag:s2] =	dma.local @!p0 [hbm:s0], s1  }
0x2c6: {  	s0 =	simm.s32 @!p0 $0x5  }
0x2c7: {  	_ =	swait.ge @!p0 [sflag:s0], s1  }
0x2c8: {  	s1 =	ssub.s32 @!p0 $0x0, s1;
	[sflag:s0] =	ssyncset.done @!p0 $0x0  }
0x2c9: {  	[sflag:s0] =	ssyncadd.s32 @!p0 s1  }
0x2ca: {  	[bflag:$0x3] =	sbarrier.arrive $0xFFFF  }
0x2cb: {  	_ =	shalt  }

// kernel: sparse-core-data-format-call.cloned.1.call-start
scs
called_computation_lowered:
.L_overlay_start_0:
0x0: {  	s2 =	sld [smem:$0x3FD9]  }
0x1: {  	s3 =	sld [smem:$0x3FFE];
	_ =	sdelay $0x1  }
0x2: {  	s1 =	srdreg.scid  }
0x3: {  	s0 =	sand.u32 $0x1, s1  }
0x4: {  	s18 =	sshll.u32 s0, $0xA;
	s2 =	sadd.s32 s3, s2  }
0x5: {  	s2 =	sadd.s32 s2, s18  }
0x6: {  	[smem:$0x3FC4] =	sst s2  }
0x7: {  	_ = 	snop  }
0x8: {  	s2 =	sld [smem:$0x3FD0];
	(tm) =	ssettm $0x1  }
0x9: {  	s19 =	sld [smem:$0x3FFB];
	_ =	sdelay $0x3  }
0xa: {  	_ =	strace s19  }
0xb: {  	s3 =	sld [smem:$0x3FFC];
	_ =	sdelay $0x3  }
0xc: {  	_ =	strace s3  }
0xd: {  	s3 =	sld [smem:$0x3FFD];
	_ =	sdelay $0x3  }
0xe: {  	_ =	strace s3  }
0xf: {  	_ =	strace $0x8FFFFFFF  }
0x10: {  	s20 =	sld [smem:$0x3FDB];
	_ =	sdelay $0x1  }
0x11: {  	s4 =	simm.s32 $_scs_section_size  }
0x12: {  	s5 =	simm.s32 $_size__tile_overlayer_lowered;
	s6 =	simm.s32 $_tile_overlayer_lowered  }
0x13: {  	s23 =	simm.s32 $0x1BFF;
	s22 =	sshll.u32 s6, $0x1;
	s3 =	sadd.s32 s4, s20  }
0x14: {  	s7 =	simm.s32 $0x0;
	s21 =	sshll.u32 s5, $0x1;
	s5 =	sadd.s32 s22, s3  }
0x15: {  	[timem:s7], [sflag:s23] =	dma.local [hbm:s5], s21  }
0x16: {  	_ =	swait.ge [sflag:s23], s21  }
0x17: {  	s4 =	ssub.s32 $0x0, s21;
	[sflag:s23] =	ssyncset.done $0x0  }
0x18: {  	[sflag:s23] =	ssyncadd.s32 s4;
	_ =	sdelay $0x1  }
0x19: {  	s24 =	simm.s32 $0x1B8B  }
0x1a: {  	_ =	swait.ge [sflag:s24], $0x1  }
0x1b: {  	[sflag:s24] =	ssyncset.done $0x0  }
0x1c: {  	s26 =	simm.s32 $0x1B8E;
	s25 =	sld [smem:$0x3FFE];
	[sflag:s24] =	ssyncadd.s32 $0xFFFFFFFF  }
0x1d: {  	s27 =	simm.s32 $execute0_lowered;
	[smem:$0x3FD2] =	sst s26  }
0x1e: {  	s5 =	sshll.u32 s27, $0x1;
	_ =	strace $0x80000049;
	[dreg:$0x1] =	wrdreg $0xFFFFFFFF  }
0x1f: {  	s28 =	simm.s32 $_size_execute0_lowered;
	s3 =	sadd.s32 s3, s5;
	[dreg:$0x0] =	wrdreg $0x0  }
0x20: {  	s5 =	sshll.u32 s28, $0x1;
	[dreg:$0x2] =	wrdreg s3  }
0x21: {  	[dreg:$0x3] =	wrdreg s5  }
0x22: {  	[dreg:$0x4] =	wrdreg $0xC0  }
0x23: {  	_ =	task [dreg:s7], $0x5FFFF  }
0x24: {  	[dreg:$0x1] =	wrdreg $0xFFFFFFFF  }
0x25: {  	[dreg:$0x0] =	wrdreg $0x60  }
0x26: {  	[dreg:$0x2] =	wrdreg s25  }
0x27: {  	[dreg:$0x3] =	wrdreg s2  }
0x28: {  	[dreg:$0x4] =	wrdreg $0x9  }
0x29: {  	_ =	task.clear_ibuf [dreg:s7], $0x5FFFF;
	_ =	strace $0x90000049  }
0x2a: {  	s29 =	simm.s32 $0x9;
	_ =	strace $0x8000004B  }
0x2b: {  	_ =	swait.ge [sflag:s29], $0x1  }
0x2c: {  	[sflag:s29] =	ssyncadd.s32 $0xFFFFFFFF  }
0x2d: {  	_ =	strace $0x9000004B  }
0x2e: {  	_ =	sfence  }
0x2f: {  	s30 =	sld [smem:$0x0];
	_ =	sdelay $0x2  }
0x30: {  	s31 =	sshll.u32 s1, $0xD;
	s1 =	sshrl.u32 s1, $0x2  }
0x31: {  	s3 =	sand.u32 $0x4000, s31;
	s1 =	sadd.s32 s1, s30  }
0x32: {  	s0 =	sor.u32 s3, s0;
	s1 =	sshll.u32 s1, $0x11  }
0x33: {  	s0 =	sor.u32 s1, s0  }
0x34: {  	s0 =	sadd.s32 $0x8F2B, s0  }
0x35: {  	[sflag:s0] =	ssyncadd.remote.s32 $0x1  }
0x36: {  	_ =	sfence.sel $0xFFFF  }
0x37: {  	[dreg:$0x0] =	wrdreg $0xFFFFFFFF;
	(pc) =	sbr.abs _section_cstart, $3  }
0x38: {  	[dreg:$0x1] =	wrdreg $0xFFFFFFFF  }
0x39: {  	_ =	task.clear_ibuf [dreg:s7], $0x2FFFF;
	_ =	strace $0x9FFFFFFF  }
0x3a: {  	(tm) =	ssettm $0x7FFFFFFF  }
0x3b: {  	_ =	shalt  }
tec
execute0_lowered:
.L_overlay_start_1:
0x0: {  	(tag) =	ssettag $0x1  }
0x1: {  	s0 =	srdreg.scid  }
0x2: {  	s1 =	sshll.u32 s0, $0x4  }
0x3: {  	s0 =	stileid.u32;
	s1 =	sand.u32 $0x10, s1  }
0x4: {  	s1 =	sor.u32 s0, s1  }
0x5: {  	s6 =	rddreg [dreg:$0x0];
	s4 =	simm.s32 $0x1;
	s2 =	sshll.u32 s1, $0x7  }
0x6: {  	s7 =	simm.s32 $0x2;
	s12 =	simm.s32 $0x0;
	s1 =	ssub.s32 $0x4000, s2  }
0x7: {  	s8 =	simm.s32 $0x20000;
	s13 =	simm.s32 $0x0;
	s3 =	sand.u32 $0xF80, s1  }
0x8: {  	s9 =	simm.s32 $0x0;
	s5 =	sshrl.u32 s1, $0xC;
	p0 =	sne.s32 s3, $0x0  }
.Ltmp0:
0x9: {  	s1 =	rddreg [dreg:$0x2];
	s4 =	simm.s32 @!p0 $0x0;
	(pc) =	sbr.rel .LBB1_1-.Ltmp0, $4  }
0xa: {  	s11 =	simm.s32 $0x0;
	s3 =	rddreg [dreg:$0x1];
	s5 =	sadd.s32 s4, s5  }
0xb: {  	_ =	strace $0x8000004A;
	s4 =	simm.s32 $0x1;
	s5 =	smul.u32 $0x32, s5  }
0xc: {  	s6 =	sadd.s32 $0x2200, s6;
	s10 =	smov.u32 s2;
	[sflag:s4] =	ssyncpa.u1 $0x0  }
0xd: {  	p0 =	por $0x0, $0x0;
	[sflag:s7] =	ssyncpa.u1 $0x0;
	s7 =	sor.u32 $0x1, s5  }
.LBB1_4:
0xe: {  	s16 =	sshll.u32 s13, $0x3;
	s17 =	sand.u32 $0x78, s13  }
0xf: {  	s30 =	sand.u32 $0xF800, s13;
	s12 =	sshll.u32 s12, $0x10;
	s16 =	sand.u32 $0x3C00, s16  }
0x10: {  	s31 =	sand.u32 $0x7, s13;
	s16 =	sor.u32 s17, s16;
	s17 =	sadd.s32 s3, s30  }
0x11: {  	s13 =	sshll.u32 s31, $0x12;
	s16 =	sshrl.u32 s16, $0x3;
	s12 =	sadd.s32 s12, s17  }
0x12: {  	[tilespmem:s15+$0x0 ss:$0x81] =	vst.msk $0xffff, v0;
	s13 =	sor.u32 $0x400, s13;
	s12 =	sadd.s32 s16, s12  }
0x13: {  	[hbm4b:s12+s13] =	stream.strided.scatter [tilespmem:s14], [sflag:$0x2], $0x1000, s8, s13, $0x20;
	[tilespmem:$0x4040] =	vst v63  }
.LBB1_5:
0x14: {  	s14 =	sadd.s32 $0x1, s9  }
0x15: {  	s12 =	sadd.s32 $0x1000, s10;
	s16 =	smov.u32 s10;
	p2 =	sgt.s32 s14, $0x31  }
0x16: {  	s16 =	smov.u32 @p2 s12  }
0x17: {  	s14 =	simm.s32 @p2 $0x0;
	p2 =	sgt.s32 s16, $0x3FFF  }
0x18: {  	s16 =	smov.u32 @p2 s2;
	p2 =	sne.s32 s11, s7  }
.Ltmp1:
0x19: {  	p1 =	slt.u32 s11, $0x2;
	(pc) =	sbr.rel @!p2 .LBB1_6-.Ltmp1, $4  }
0x1a: {  	s15 =	simm.s32 @!p1 $0x2  }
0x1b: {  	s13 =	smov.u32 s10;
	p0 =	por !p0, !p0;
	_ =	swait.ge @!p1 [sflag:s15], $0x1000  }
0x1c: {  	s12 =	smov.u32 s9;
	[sflag:s15] =	ssyncset.done @!p1 $0x0;
	s9 =	smov.u32 s14  }
0x1d: {  	s11 =	sadd.s32 $0x1, s11;
	[sflag:s15] =	ssyncadd.s32 @!p1 $0xFFFFF000;
	s10 =	smov.u32 s16  }
.LBB1_1:
0x1e: {  	p1 =	sge.u32 s11, s5  }
0x1f: {  	s14 =	sand.u32 @!p1 $0x1FFFFFF, s9  }
0x20: {  	s15 =	smulhi.u32 @!p1 $0x4924925, s14;
	_ =	sdelay $0x1  }
0x21: {  	s15 =	smul.u32 @!p1 $0x38, s15  }
0x22: {  	s16 =	sxor.u32 @!p1 $0xFFFFFFFF, s11;
	s17 =	smul.u32 @!p1 $0x380, s10  }
0x23: {  	s31 =	sadd.s32 $0xFFFFFFFF, s11;
	s16 =	sshll.u32 @!p1 s16, $0xC;
	s14 =	ssub.s32 @!p1 s14, s15  }
0x24: {  	s15 =	sand.u32 @!p1 $0x1000, s16;
	s16 =	sadd.s32 @!p1 s6, s17;
	s14 =	sshll.u32 @!p1 s14, $0x4  }
0x25: {  	s17 =	simm.s32 @!p1 $0x1C00;
	s14 =	sadd.s32 @!p1 s14, s16;
	s16 =	simm.s32 @!p1 $0x20  }
0x26: {  	[tilespmem:s15], [sflag:$0x1] =	stream.strided.gather @!p1 [hbm4b:s14+s16], $0x1000, s17, s16, $0x38;
	[tilespmem:$0x4040] =	vst v63  }
0x27: {  	p1 =	sge.u32 s31, s5  }
.Ltmp2:
0x28: {  	_ = 	snop;
	(pc) =	sbr.rel @p1 .LBB1_5-.Ltmp2, $1  }
0x29: {  	_ =	sdelay $0x3  }
0x2a: {  	s14 =	simm.s32 $0x1  }
0x2b: {  	_ =	swait.ge [sflag:s4], $0x1000;
	s14 =	simm.s32 @!p0 $0x0  }
0x2c: {  	[sflag:s4] =	ssyncset.done $0x0;
	s15 =	sshll.u32 s14, $0xC  }
0x2d: {  	[sflag:s4] =	ssyncadd.s32 $0xFFFFF000;
	s18 =	sor.u32 $0x10, s15  }
0x2e: {  	s14 =	smul.u32 $0x4080, s14;
	v1 =	vld [tilespmem:s18+$0x0]  }
0x2f: {  	s30 =	sand.u32 $0x1, s11;
	v0 =	vld [tilespmem:s18+$0xFFFFFFF0]  }
0x30: {  	s15 =	smul.u32 $0x4080, s30;
	s14 =	sshrl.u32 s14, $0x2  }
0x31: {  	s16 =	sor.u32 $0x2000, s14  }
0x32: {  	s31 =	sshrl.u32 s15, $0x2;
	s15 =	sadd.s32 $0x0, s16  }
0x33: {  	s17 =	simm.s32 $0x4;
	s18 =	sadd.s32 $0x20, s18;
	s14 =	sor.u32 $0x2000, s31;
	[tilespmem:s15+$0x810 ss:$0x81] =	vst.msk $0xffff, v1  }
.LBB1_3:
0x34: {  	v1 =	vld [tilespmem:s18+$0x0];
	p1 =	sne.s32 s17, $0x1FC;
	[tilespmem:s15+$0x0 ss:$0x81] =	vst.msk $0xffff, v0;
	s15 =	smov.u32 s17;
	s17 =	sadd.s32 $0x4, s17  }
.Ltmp3:
0x35: {  	v0 =	vld [tilespmem:s18+$0xFFFFFFF0];
	(pc) =	sbr.rel @p1 .LBB1_3-.Ltmp3, $4  }
0x36: {  	_ = 	snop  }
0x37: {  	s15 =	sshra.s32 s15, $0x2  }
0x38: {  	s15 =	sadd.s32 s15, s16  }
0x39: {  	s18 =	sadd.s32 $0x20, s18;
	[tilespmem:s15+$0x810 ss:$0x81] =	vst.msk $0xffff, v1  }
.Ltmp4:
0x3a: {  	_ = 	snop;
	(pc) =	sbr.rel .LBB1_4-.Ltmp4, $1  }
0x3b: {  	_ =	sdelay $0x3  }
.LBB1_6:
0x3c: {  	_ =	sfence.sel $0x180000  }
0x3d: {  	s2 =	simm.s32 $0x1;
	[bflag:$0x0] =	sbarrier.arrive $0xFFFF  }
0x3e: {  	s31 =	simm.s32 $0x2;
	[sflag:s2] =	ssyncpa.u1 $0x1  }
0x3f: {  	[sflag:s31] =	ssyncpa.u1 $0x1  }
0x40: {  	p0 =	sne.s32 s0, $0x0;
	_ =	strace $0x9000004A  }
0x41: {  	s0 =	sadd.s32 @!p0 $0x100000, s1;
	[bflag:$0x2] =	sbarrier.arrive $0xFFFF  }
0x42: {  	[sflag:s0] =	ssyncadd.tile.s32 @!p0 $0x1;
	_ =	shalt  }
.Lfunc_end1:
_tile_overlayer_lowered:
.L_overlay_start_2:
0x43: {  	(tag) =	ssettag $0x2  }
0x44: {  	s0 =	rddreg [dreg:$0x0];
	s2 =	stileid.u32  }
0x45: {  	s1 =	rddreg [dreg:$0x1];
	p0 =	sne.s32 s2, $0x0  }
0x46: {  	s3 =	rddreg [dreg:$0x2];
	[bflag:$0x3] =	sbarrier.arrive $0xFFFF;
	s2 =	simm.s32 @!p0 $0x1C01  }
0x47: {  	[timem:s3], [sflag:s2] =	dma.local @!p0 [hbm:s0], s1  }
0x48: {  	s0 =	simm.s32 @!p0 $0x1  }
0x49: {  	_ =	swait.ge @!p0 [sflag:s0], s1  }
0x4a: {  	s1 =	ssub.s32 @!p0 $0x0, s1;
	[sflag:s0] =	ssyncset.done @!p0 $0x0  }
0x4b: {  	[sflag:s0] =	ssyncadd.s32 @!p0 s1  }
0x4c: {  	[bflag:$0x3] =	sbarrier.arrive $0xFFFF  }
0x4d: {  	_ =	shalt  }

</sc_bundles>
